<compile_context>
chip_gen: v7x
topology: tpu7x:2x2x1
jax: 0.10.2.dev20260603
libtpu: 0.0.44.dev20260713+nightly
codegen_flags: <defaults>
</compile_context>

<pallas_src>
import functools

import jax
import jax.numpy as jnp
from jax import lax
from jax.experimental import pallas as pl
from jax.experimental.pallas import tpu as pltpu
from jax.experimental.pallas import tpu_sc as plsc

_B = 64
_N = 32768
_NVEC = _N // 16
_NB = 256
_HIST = _NB * 16

_SIGN_INT = -2147483648


def _lane():
    return lax.iota(jnp.int32, 16)


@functools.cache
def _get_sc_select():
    sc_mesh = plsc.VectorSubcoreMesh(core_axis_name="c", subcore_axis_name="s")
    return pl.kernel(
        _sc_select_body,
        out_type=jax.ShapeDtypeStruct((_B, _N), jnp.float32),
        mesh=sc_mesh,
        compiler_params=pltpu.CompilerParams(needs_layout_passes=False),
        scratch_types=[
            pltpu.VMEM((_N,), jnp.float32),
            pltpu.VMEM((_N,), jnp.float32),
            pltpu.VMEM((_N,), jnp.float32),
            pltpu.VMEM((_HIST,), jnp.int32),
            pltpu.VMEM((_HIST,), jnp.int32),
            pltpu.VMEM((16,), jnp.int32),
        ],
    )


def _sc_select_body(inp_hbm, kidx_hbm, out_hbm, row_v, dst_v, sur_v, hist_v,
                    cum_v, kidx_v):
    wid = lax.axis_index("s") * 2 + lax.axis_index("c")
    lane = _lane()
    ones = jnp.ones((16,), jnp.int32)
    zeros = jnp.zeros((16,), jnp.int32)

    pltpu.sync_copy(kidx_hbm.at[pl.ds(wid * 16, 16)], kidx_v)

    def _clear():
        @plsc.parallel_loop(0, _NB, unroll=8)
        def _(j):
            hist_v[pl.ds(j * 16, 16)] = zeros

    def _probe(pos):
        return jnp.sum(cum_v[pl.ds(pos * 16, 16)])

    def _search(k):
        pos = jnp.int32(0)
        for s in (128, 64, 32, 16, 8, 4, 2, 1):
            c = _probe(pos + (s - 1))
            pos = jnp.where(c <= k, pos + s, pos)
        base = jnp.where(pos > 0, _probe(jnp.maximum(pos - 1, 0)), 0)
        return pos, base

    def _pick(k):
        @plsc.parallel_loop(0, _NB, unroll=8, carry=zeros)
        def acc(j, a):
            a = a + hist_v[pl.ds(j * 16, 16)]
            cum_v[pl.ds(j * 16, 16)] = a
            return a
        del acc
        return _search(k)

    def _pick0(k):
        @plsc.parallel_loop(0, 128, unroll=8, carry=zeros)
        def accn(j, a):
            a = a + hist_v[pl.ds((255 - j) * 16, 16)]
            cum_v[pl.ds(j * 16, 16)] = a
            return a

        @plsc.parallel_loop(0, 128, unroll=8, carry=accn)
        def accp(j, a):
            a = a + hist_v[pl.ds(j * 16, 16)]
            cum_v[pl.ds((128 + j) * 16, 16)] = a
            return a
        del accp
        return _search(k)

    def _scalar(v):
        return jnp.sum(jnp.where(lane == 0, v, 0))

    for r in range(2):
        row = wid * 2 + r
        pltpu.sync_copy(inp_hbm.at[row], row_v)
        k = jnp.sum(jnp.where(lane == r, kidx_v[...], 0))

        _clear()

        @plsc.parallel_loop(0, _NVEC, unroll=8)
        def p0(i):
            u = plsc.bitcast(row_v[pl.ds(i * 16, 16)], jnp.int32)
            d = lax.shift_right_logical(u, 24)
            plsc.addupdate_scatter(hist_v, [d * 16 + lane], ones)

        b0, base0 = _pick0(k)
        k1 = k - base0
        rb0 = jnp.where(b0 < 128, 255 - b0, b0 - 128)
        xm = jnp.where(rb0 >= 128, jnp.int32(-1), jnp.int32(_SIGN_INT))

        _clear()

        @plsc.parallel_loop(0, _NVEC // 4, unroll=2,
                            carry=jnp.full((16,), -1, jnp.int32))
        def p1(i, wv):
            for t in range(4):
                off = (i * 4 + t) * 16
                u = plsc.bitcast(row_v[pl.ds(off, 16)], jnp.int32)
                m = lax.shift_right_logical(u, 24) == rb0
                uk = u ^ xm
                ranks = plsc.cumsum(m.astype(jnp.int32))
                plsc.store_scatter(dst_v, [wv + ranks],
                                   plsc.bitcast(uk, jnp.float32), mask=m)
                d = lax.shift_right_logical(uk, 16) & 0xFF
                plsc.addupdate_scatter(hist_v, [d * 16 + lane], ones, mask=m)
                wv = wv + plsc.all_reduce_population_count(m)
            return wv
        n1 = _scalar(p1) + 1
        n1v = lax.div(n1 + 15, jnp.int32(16))
        b1, base1 = _pick(k1)
        k2 = k1 - base1

        _clear()

        @plsc.parallel_loop(0, n1v, unroll=2,
                            carry=jnp.full((16,), -1, jnp.int32))
        def p2(i, wv):
            off = i * 16
            ukf = dst_v[pl.ds(off, 16)]
            uk = plsc.bitcast(ukf, jnp.int32)
            m = ((off + lane) < n1) & (
                (lax.shift_right_logical(uk, 16) & 0xFF) == b1)
            ranks = plsc.cumsum(m.astype(jnp.int32))
            plsc.store_scatter(sur_v, [wv + ranks], ukf, mask=m)
            d = lax.shift_right_logical(uk, 8) & 0xFF
            plsc.addupdate_scatter(hist_v, [d * 16 + lane], ones, mask=m)
            return wv + plsc.all_reduce_population_count(m)
        n2 = _scalar(p2) + 1
        b2, base2 = _pick(k2)
        k3 = k2 - base2

        _clear()

        @plsc.parallel_loop(0, lax.div(n2 + 15, jnp.int32(16)), unroll=2)
        def p3(i):
            off = i * 16
            uk = plsc.bitcast(sur_v[pl.ds(off, 16)], jnp.int32)
            m = ((off + lane) < n2) & (
                (lax.shift_right_logical(uk, 8) & 0xFF) == b2)
            plsc.addupdate_scatter(hist_v, [(uk & 0xFF) * 16 + lane], ones,
                                   mask=m)
        b3, _unused = _pick(k3)

        uu = (b0 << 24) | (b1 << 16) | (b2 << 8) | b3
        uv = jnp.full((16,), uu, jnp.int32)
        kb = jnp.where(uv < 0, uv ^ jnp.int32(_SIGN_INT), ~uv)
        tvec = plsc.bitcast(kb, jnp.float32)

        @plsc.parallel_loop(0, _NVEC, unroll=8)
        def pm(i):
            x = row_v[pl.ds(i * 16, 16)]
            row_v[pl.ds(i * 16, 16)] = jnp.where(x < tvec, jnp.float32(0.0),
                                                 x)

        pltpu.sync_copy(row_v, out_hbm.at[row])


def kernel(inputs, probs, training):
    n = inputs.shape[-1]
    kidx = jnp.maximum(
        jnp.ceil(jnp.float32(n) * probs).astype(jnp.int32) - 1, 0)
    kidx = jnp.where(training != 0, kidx, 0)
    kidx_tiles = jnp.zeros((32, 16), jnp.int32).at[:, :2].set(
        kidx.reshape(32, 2)).reshape(512)

    return _get_sc_select()(inputs, kidx_tiles)

# --- scband reference (transcript-rebuilt; emitter-appended) ---
"""Pipeline reference for scband-masking-7284264534692 (READ-ONLY COPY).

The authoritative reference and input builder live on the scoring server;
editing this copy changes nothing except your own understanding.
"""

import jax, jax.numpy as jnp
import numpy as np


def setup_inputs(seed: int = 0) -> dict:
    key = jax.random.key(seed)
    k1, k2 = jax.random.split(key)
    inputs = jax.random.normal(k1, (64, 32768), dtype=jnp.float32)
    # per-row cumulative probabilities (the layer draws these with tf.random.uniform;
    # we materialize them deterministically as an explicit input)
    probs = jax.random.uniform(k2, (64,), minval=0.0, maxval=1.0, dtype=jnp.float32)
    training = 1
    return {"inputs": inputs, "probs": probs, "training": training}


def reference(inputs, probs, training):
    # Masking(MaskingType.SMALL_VALUE_MASKING) -> _small_value_masking
    b = inputs.shape[0]
    n = int(np.prod(inputs.shape[1:]))  # tf.size(inputs[0])
    # _inverse_empirical_cdf
    index = jnp.maximum(jnp.ceil(jnp.float32(n) * probs).astype(jnp.int32) - 1, 0)
    reshaped = inputs.reshape(b, -1)
    sorted_inputs = jnp.sort(reshaped, axis=1)
    threshold = sorted_inputs[jnp.arange(b), index]
    # reshape threshold to broadcast over all non-batch dims
    threshold = threshold.reshape((-1,) + (1,) * (inputs.ndim - 1))
    mask = 1.0 - (inputs < threshold).astype(inputs.dtype)
    masked = inputs * mask
    return jnp.where(training != 0, masked, inputs)

if __name__ == "__main__":
    import jax
    _d = setup_inputs()
    print(jax.jit(kernel)(*tuple(_d.values())))

</pallas_src>

<mosaic_0001>
#map = affine_map<(d0, d1) -> (0, 0)>
#map1 = affine_map<(d0, d1) -> (0)>
module attributes {stable_mosaic.version = 14 : i64} {
  func.func @_sc_select_body(%arg0: i32, %arg1: i32, %arg2: memref<64x32768xf32, #tpu.memory_space<hbm>>, %arg3: memref<512xi32, #tpu.memory_space<hbm>>, %arg4: memref<64x32768xf32, #tpu.memory_space<hbm>>, %arg5: memref<32768xf32, #tpu.memory_space<vmem>>, %arg6: memref<32768xf32, #tpu.memory_space<vmem>>, %arg7: memref<32768xf32, #tpu.memory_space<vmem>>, %arg8: memref<4096xi32, #tpu.memory_space<vmem>>, %arg9: memref<4096xi32, #tpu.memory_space<vmem>>, %arg10: memref<16xi32, #tpu.memory_space<vmem>>) attributes {dimension_semantics = [#tpu.dimension_semantics<core_parallel>, #tpu.dimension_semantics<subcore_parallel>], iteration_bounds = array<i64: 2, 16>, scalar_prefetch = 0 : i64, scratch_operands = 6 : i64, tpu.core_type = #tpu.core_type<sc_vector_subcore>, window_params = [{transform_indices = #map}, {transform_indices = #map1}, {transform_indices = #map}]} {
    %mul3A = arith.constant 2 : i32
    %mul3A_0 = arith.muli %arg1, %mul3A : i32
    %add3A = arith.addi %mul3A_0, %arg0 : i32
    %iota3A = tpu.iota {dimensions = array<i32: 0>} : vector<16xi32>
    %broadcast_in_dim3A = arith.constant 1 : i32
    %broadcast_in_dim3A_1 = vector.broadcast %broadcast_in_dim3A : i32 to vector<16xi32>
    %broadcast_in_dim3A_2 = arith.constant 0 : i32
    %broadcast_in_dim3A_3 = vector.broadcast %broadcast_in_dim3A_2 : i32 to vector<16xi32>
    %mul3A_4 = arith.constant 16 : i32
    %mul3A_5 = arith.muli %add3A, %mul3A_4 : i32
    "tpu.region"() ({
      %run_scoped3A = tpu.sem_alloc : memref<!tpu.dma_semaphore, #tpu.memory_space<semaphore_mem>>
      %dma_start3A = tpu.memref_slice %arg3[%mul3A_5] : memref<512xi32, #tpu.memory_space<hbm>> -> memref<16xi32, #tpu.memory_space<hbm>>
      %dma_start3A_1304 = tpu.memref_slice %arg3[%mul3A_5] : memref<512xi32, #tpu.memory_space<hbm>> -> memref<16xi32, #tpu.memory_space<hbm>>
      tpu.enqueue_dma source(%dma_start3A_1304 : memref<16xi32, #tpu.memory_space<hbm>>) target(%arg10 : memref<16xi32, #tpu.memory_space<vmem>>) target_semaphore(%run_scoped3A : memref<!tpu.dma_semaphore, #tpu.memory_space<semaphore_mem>>)
      %dma_wait3A = tpu.memref_slice %arg3[%mul3A_5] : memref<512xi32, #tpu.memory_space<hbm>> -> memref<16xi32, #tpu.memory_space<hbm>>
      %dma_wait3A_1305 = tpu.memref_slice %arg3[%mul3A_5] : memref<512xi32, #tpu.memory_space<hbm>> -> memref<16xi32, #tpu.memory_space<hbm>>
      tpu.wait_dma2 semaphore(%run_scoped3A : memref<!tpu.dma_semaphore, #tpu.memory_space<semaphore_mem>>) src(%dma_wait3A_1305 : memref<16xi32, #tpu.memory_space<hbm>>) dst(%arg10 : memref<16xi32, #tpu.memory_space<vmem>>)
      tpu.yield
    }) : () -> ()
    %mul3A_6 = arith.constant 2 : i32
    %mul3A_7 = arith.muli %add3A, %mul3A_6 : i32
    %add3A_8 = arith.constant 0 : i32
    %add3A_9 = arith.addi %mul3A_7, %add3A_8 : i32
    "tpu.region"() ({
      %run_scoped3A = tpu.sem_alloc : memref<!tpu.dma_semaphore, #tpu.memory_space<semaphore_mem>>
      %dma_start3A = arith.constant 0 : i32
      %dma_start3A_1304 = tpu.memref_slice %arg2[%add3A_9, %dma_start3A] : memref<64x32768xf32, #tpu.memory_space<hbm>> -> memref<1x32768xf32, #tpu.memory_space<hbm>>
      %dma_start3A_1305 = tpu.memref_squeeze %dma_start3A_1304 : memref<1x32768xf32, #tpu.memory_space<hbm>> -> memref<32768xf32, #tpu.memory_space<hbm>>
      %dma_start3A_1306 = arith.constant 0 : i32
      %dma_start3A_1307 = tpu.memref_slice %arg2[%add3A_9, %dma_start3A_1306] : memref<64x32768xf32, #tpu.memory_space<hbm>> -> memref<1x32768xf32, #tpu.memory_space<hbm>>
      %dma_start3A_1308 = tpu.memref_squeeze %dma_start3A_1307 : memref<1x32768xf32, #tpu.memory_space<hbm>> -> memref<32768xf32, #tpu.memory_space<hbm>>
      tpu.enqueue_dma source(%dma_start3A_1308 : memref<32768xf32, #tpu.memory_space<hbm>>) target(%arg5 : memref<32768xf32, #tpu.memory_space<vmem>>) target_semaphore(%run_scoped3A : memref<!tpu.dma_semaphore, #tpu.memory_space<semaphore_mem>>)
      %dma_wait3A = arith.constant 0 : i32
      %dma_wait3A_1309 = tpu.memref_slice %arg2[%add3A_9, %dma_wait3A] : memref<64x32768xf32, #tpu.memory_space<hbm>> -> memref<1x32768xf32, #tpu.memory_space<hbm>>
      %dma_wait3A_1310 = tpu.memref_squeeze %dma_wait3A_1309 : memref<1x32768xf32, #tpu.memory_space<hbm>> -> memref<32768xf32, #tpu.memory_space<hbm>>
      %dma_wait3A_1311 = arith.constant 0 : i32
      %dma_wait3A_1312 = tpu.memref_slice %arg2[%add3A_9, %dma_wait3A_1311] : memref<64x32768xf32, #tpu.memory_space<hbm>> -> memref<1x32768xf32, #tpu.memory_space<hbm>>
      %dma_wait3A_1313 = tpu.memref_squeeze %dma_wait3A_1312 : memref<1x32768xf32, #tpu.memory_space<hbm>> -> memref<32768xf32, #tpu.memory_space<hbm>>
      tpu.wait_dma2 semaphore(%run_scoped3A : memref<!tpu.dma_semaphore, #tpu.memory_space<semaphore_mem>>) src(%dma_wait3A_1313 : memref<32768xf32, #tpu.memory_space<hbm>>) dst(%arg5 : memref<32768xf32, #tpu.memory_space<vmem>>)
      tpu.yield
    }) : () -> ()
    %eq3A = arith.constant 0 : i32
    %eq3A_10 = vector.broadcast %eq3A : i32 to vector<16xi32>
    %eq3A_11 = arith.cmpi eq, %iota3A, %eq3A_10 : vector<16xi32>
    %get3A = arith.constant 0 : index
    %get3A_12 = tpu.vector_load %arg10[%get3A] {strides = array<i32>} : memref<16xi32, #tpu.memory_space<vmem>>, vector<16xi32>,
    %jit3A = arith.constant 0 : i32
    %broadcast_in_dim3A_13 = vector.broadcast %jit3A : i32 to vector<16xi32>
    %select_n3A = arith.select %eq3A_11, %get3A_12, %broadcast_in_dim3A_13 : vector<16xi1>, vector<16xi32>
    %reduce_sum3A = arith.constant true
    %reduce_sum3A_14 = vector.broadcast %reduce_sum3A : i1 to vector<16xi1>
    %reduce_sum3A_15 = tpu.scan <sum>, %select_n3A masked %reduce_sum3A_14 : vector<16xi32>, vector<16xi1> -> vector<16xi32>
    %reduce_sum3A_16 = vector.extract %reduce_sum3A_15[15] : i32 from vector<16xi32>
    %parallel_loop3A = arith.constant 0 : i32
    %parallel_loop3A_17 = arith.constant 256 : i32
    %parallel_loop3A_18 = arith.constant 1 : i32
    scf.for %parallel_loop3A_1304 = %parallel_loop3A to %parallel_loop3A_17 step %parallel_loop3A_18  : i32 {
      %parallel_loop3A_1305 = arith.constant 16 : i32
      %parallel_loop3A_1306 = arith.muli %parallel_loop3A_1304, %parallel_loop3A_1305 : i32
      %parallel_loop3A_1307 = arith.index_cast %parallel_loop3A_1306 : i32 to index
      %parallel_loop3A_1308 = tpu.vector_load %arg8[%parallel_loop3A_1307] {strides = array<i32>} : memref<4096xi32, #tpu.memory_space<vmem>>, vector<16xi32>,
      tpu.vector_store %arg8[%parallel_loop3A_1307], %broadcast_in_dim3A_3 {strides = array<i32>} : memref<4096xi32, #tpu.memory_space<vmem>>, vector<16xi32>,
    } {sc.loop_unroll_factor = 8 : i64, sc.parallel_access}
    %parallel_loop3A_19 = arith.constant 0 : i32
    %parallel_loop3A_20 = arith.constant 2048 : i32
    %parallel_loop3A_21 = arith.constant 1 : i32
    scf.for %parallel_loop3A_1304 = %parallel_loop3A_19 to %parallel_loop3A_20 step %parallel_loop3A_21  : i32 {
      %parallel_loop3A_1305 = arith.constant 16 : i32
      %parallel_loop3A_1306 = arith.muli %parallel_loop3A_1304, %parallel_loop3A_1305 : i32
      %parallel_loop3A_1307 = arith.index_cast %parallel_loop3A_1306 : i32 to index
      %parallel_loop3A_1308 = tpu.vector_load %arg5[%parallel_loop3A_1307] {strides = array<i32>} : memref<32768xf32, #tpu.memory_space<vmem>>, vector<16xf32>,
      %parallel_loop3A_1309 = vector.bitcast %parallel_loop3A_1308 : vector<16xf32> to vector<16xi32>
      %parallel_loop3A_1310 = arith.constant 24 : i32
      %parallel_loop3A_1311 = vector.broadcast %parallel_loop3A_1310 : i32 to vector<16xi32>
      %parallel_loop3A_1312 = arith.shrui %parallel_loop3A_1309, %parallel_loop3A_1311 : vector<16xi32>
      %parallel_loop3A_1313 = arith.constant 16 : i32
      %parallel_loop3A_1314 = vector.broadcast %parallel_loop3A_1313 : i32 to vector<16xi32>
      %parallel_loop3A_1315 = arith.muli %parallel_loop3A_1312, %parallel_loop3A_1314 : vector<16xi32>
      %parallel_loop3A_1316 = arith.addi %parallel_loop3A_1315, %iota3A : vector<16xi32>
      tpu.vector_store_idx %arg8[%parallel_loop3A_1316], %broadcast_in_dim3A_1 {add = true} : memref<4096xi32, #tpu.memory_space<vmem>>[vector<16xi32>], vector<16xi32>,
    } {sc.loop_unroll_factor = 8 : i64, sc.parallel_access}
    %parallel_loop3A_22 = arith.constant 0 : i32
    %parallel_loop3A_23 = arith.constant 128 : i32
    %parallel_loop3A_24 = arith.constant 1 : i32
    %parallel_loop3A_25 = scf.for %parallel_loop3A_1304 = %parallel_loop3A_22 to %parallel_loop3A_23 step %parallel_loop3A_24 iter_args(%parallel_loop3A_1305 = %broadcast_in_dim3A_3) -> (vector<16xi32>)  : i32 {
      %parallel_loop3A_1306 = arith.constant 255 : i32
      %parallel_loop3A_1307 = arith.subi %parallel_loop3A_1306, %parallel_loop3A_1304 : i32
      %parallel_loop3A_1308 = arith.constant 16 : i32
      %parallel_loop3A_1309 = arith.muli %parallel_loop3A_1307, %parallel_loop3A_1308 : i32
      %parallel_loop3A_1310 = arith.index_cast %parallel_loop3A_1309 : i32 to index
      %parallel_loop3A_1311 = tpu.vector_load %arg8[%parallel_loop3A_1310] {strides = array<i32>} : memref<4096xi32, #tpu.memory_space<vmem>>, vector<16xi32>,
      %parallel_loop3A_1312 = arith.addi %parallel_loop3A_1305, %parallel_loop3A_1311 : vector<16xi32>
      %parallel_loop3A_1313 = arith.constant 16 : i32
      %parallel_loop3A_1314 = arith.muli %parallel_loop3A_1304, %parallel_loop3A_1313 : i32
      %parallel_loop3A_1315 = arith.index_cast %parallel_loop3A_1314 : i32 to index
      %parallel_loop3A_1316 = tpu.vector_load %arg9[%parallel_loop3A_1315] {strides = array<i32>} : memref<4096xi32, #tpu.memory_space<vmem>>, vector<16xi32>,
      tpu.vector_store %arg9[%parallel_loop3A_1315], %parallel_loop3A_1312 {strides = array<i32>} : memref<4096xi32, #tpu.memory_space<vmem>>, vector<16xi32>,
      scf.yield %parallel_loop3A_1312 : vector<16xi32>
    } {sc.loop_unroll_factor = 8 : i64, sc.parallel_access}
    %parallel_loop3A_26 = arith.constant 0 : i32
    %parallel_loop3A_27 = arith.constant 128 : i32
    %parallel_loop3A_28 = arith.constant 1 : i32
    %parallel_loop3A_29 = scf.for %parallel_loop3A_1304 = %parallel_loop3A_26 to %parallel_loop3A_27 step %parallel_loop3A_28 iter_args(%parallel_loop3A_1305 = %parallel_loop3A_25) -> (vector<16xi32>)  : i32 {
      %parallel_loop3A_1306 = arith.constant 16 : i32
      %parallel_loop3A_1307 = arith.muli %parallel_loop3A_1304, %parallel_loop3A_1306 : i32
      %parallel_loop3A_1308 = arith.index_cast %parallel_loop3A_1307 : i32 to index
      %parallel_loop3A_1309 = tpu.vector_load %arg8[%parallel_loop3A_1308] {strides = array<i32>} : memref<4096xi32, #tpu.memory_space<vmem>>, vector<16xi32>,
      %parallel_loop3A_1310 = arith.addi %parallel_loop3A_1305, %parallel_loop3A_1309 : vector<16xi32>
      %parallel_loop3A_1311 = arith.constant 128 : i32
      %parallel_loop3A_1312 = arith.addi %parallel_loop3A_1311, %parallel_loop3A_1304 : i32
      %parallel_loop3A_1313 = arith.constant 16 : i32
      %parallel_loop3A_1314 = arith.muli %parallel_loop3A_1312, %parallel_loop3A_1313 : i32
      %parallel_loop3A_1315 = arith.index_cast %parallel_loop3A_1314 : i32 to index
      %parallel_loop3A_1316 = tpu.vector_load %arg9[%parallel_loop3A_1315] {strides = array<i32>} : memref<4096xi32, #tpu.memory_space<vmem>>, vector<16xi32>,
      tpu.vector_store %arg9[%parallel_loop3A_1315], %parallel_loop3A_1310 {strides = array<i32>} : memref<4096xi32, #tpu.memory_space<vmem>>, vector<16xi32>,
      scf.yield %parallel_loop3A_1310 : vector<16xi32>
    } {sc.loop_unroll_factor = 8 : i64, sc.parallel_access}
    %add3A_30 = arith.constant 0 : i32
    %add3A_31 = arith.constant 127 : i32
    %add3A_32 = arith.addi %add3A_30, %add3A_31 : i32
    %mul3A_33 = arith.constant 16 : i32
    %mul3A_34 = arith.muli %add3A_32, %mul3A_33 : i32
    %get3A_35 = arith.index_cast %mul3A_34 : i32 to index
    %get3A_36 = tpu.vector_load %arg9[%get3A_35] {strides = array<i32>} : memref<4096xi32, #tpu.memory_space<vmem>>, vector<16xi32>,
    %reduce_sum3A_37 = arith.constant true
    %reduce_sum3A_38 = vector.broadcast %reduce_sum3A_37 : i1 to vector<16xi1>
    %reduce_sum3A_39 = tpu.scan <sum>, %get3A_36 masked %reduce_sum3A_38 : vector<16xi32>, vector<16xi1> -> vector<16xi32>
    %reduce_sum3A_40 = vector.extract %reduce_sum3A_39[15] : i32 from vector<16xi32>
    %le3A = arith.cmpi sle, %reduce_sum3A_40, %reduce_sum3A_16 : i32
    %add3A_41 = arith.constant 0 : i32
    %add3A_42 = arith.constant 128 : i32
    %add3A_43 = arith.addi %add3A_41, %add3A_42 : i32
    %jit3A_44 = arith.constant 0 : i32
    %select_n3A_45 = arith.select %le3A, %add3A_43, %jit3A_44 : i32
    %add3A_46 = arith.constant 63 : i32
    %add3A_47 = arith.addi %select_n3A_45, %add3A_46 : i32
    %mul3A_48 = arith.constant 16 : i32
    %mul3A_49 = arith.muli %add3A_47, %mul3A_48 : i32
    %get3A_50 = arith.index_cast %mul3A_49 : i32 to index
    %get3A_51 = tpu.vector_load %arg9[%get3A_50] {strides = array<i32>} : memref<4096xi32, #tpu.memory_space<vmem>>, vector<16xi32>,
    %reduce_sum3A_52 = arith.constant true
    %reduce_sum3A_53 = vector.broadcast %reduce_sum3A_52 : i1 to vector<16xi1>
    %reduce_sum3A_54 = tpu.scan <sum>, %get3A_51 masked %reduce_sum3A_53 : vector<16xi32>, vector<16xi1> -> vector<16xi32>
    %reduce_sum3A_55 = vector.extract %reduce_sum3A_54[15] : i32 from vector<16xi32>
    %le3A_56 = arith.cmpi sle, %reduce_sum3A_55, %reduce_sum3A_16 : i32
    %add3A_57 = arith.constant 64 : i32
    %add3A_58 = arith.addi %select_n3A_45, %add3A_57 : i32
    %select_n3A_59 = arith.select %le3A_56, %add3A_58, %select_n3A_45 : i32
    %add3A_60 = arith.constant 31 : i32
    %add3A_61 = arith.addi %select_n3A_59, %add3A_60 : i32
    %mul3A_62 = arith.constant 16 : i32
    %mul3A_63 = arith.muli %add3A_61, %mul3A_62 : i32
    %get3A_64 = arith.index_cast %mul3A_63 : i32 to index
    %get3A_65 = tpu.vector_load %arg9[%get3A_64] {strides = array<i32>} : memref<4096xi32, #tpu.memory_space<vmem>>, vector<16xi32>,
    %reduce_sum3A_66 = arith.constant true
    %reduce_sum3A_67 = vector.broadcast %reduce_sum3A_66 : i1 to vector<16xi1>
    %reduce_sum3A_68 = tpu.scan <sum>, %get3A_65 masked %reduce_sum3A_67 : vector<16xi32>, vector<16xi1> -> vector<16xi32>
    %reduce_sum3A_69 = vector.extract %reduce_sum3A_68[15] : i32 from vector<16xi32>
    %le3A_70 = arith.cmpi sle, %reduce_sum3A_69, %reduce_sum3A_16 : i32
    %add3A_71 = arith.constant 32 : i32
    %add3A_72 = arith.addi %select_n3A_59, %add3A_71 : i32
    %select_n3A_73 = arith.select %le3A_70, %add3A_72, %select_n3A_59 : i32
    %add3A_74 = arith.constant 15 : i32
    %add3A_75 = arith.addi %select_n3A_73, %add3A_74 : i32
    %mul3A_76 = arith.constant 16 : i32
    %mul3A_77 = arith.muli %add3A_75, %mul3A_76 : i32
    %get3A_78 = arith.index_cast %mul3A_77 : i32 to index
    %get3A_79 = tpu.vector_load %arg9[%get3A_78] {strides = array<i32>} : memref<4096xi32, #tpu.memory_space<vmem>>, vector<16xi32>,
    %reduce_sum3A_80 = arith.constant true
    %reduce_sum3A_81 = vector.broadcast %reduce_sum3A_80 : i1 to vector<16xi1>
    %reduce_sum3A_82 = tpu.scan <sum>, %get3A_79 masked %reduce_sum3A_81 : vector<16xi32>, vector<16xi1> -> vector<16xi32>
    %reduce_sum3A_83 = vector.extract %reduce_sum3A_82[15] : i32 from vector<16xi32>
    %le3A_84 = arith.cmpi sle, %reduce_sum3A_83, %reduce_sum3A_16 : i32
    %add3A_85 = arith.constant 16 : i32
    %add3A_86 = arith.addi %select_n3A_73, %add3A_85 : i32
    %select_n3A_87 = arith.select %le3A_84, %add3A_86, %select_n3A_73 : i32
    %add3A_88 = arith.constant 7 : i32
    %add3A_89 = arith.addi %select_n3A_87, %add3A_88 : i32
    %mul3A_90 = arith.constant 16 : i32
    %mul3A_91 = arith.muli %add3A_89, %mul3A_90 : i32
    %get3A_92 = arith.index_cast %mul3A_91 : i32 to index
    %get3A_93 = tpu.vector_load %arg9[%get3A_92] {strides = array<i32>} : memref<4096xi32, #tpu.memory_space<vmem>>, vector<16xi32>,
    %reduce_sum3A_94 = arith.constant true
    %reduce_sum3A_95 = vector.broadcast %reduce_sum3A_94 : i1 to vector<16xi1>
    %reduce_sum3A_96 = tpu.scan <sum>, %get3A_93 masked %reduce_sum3A_95 : vector<16xi32>, vector<16xi1> -> vector<16xi32>
    %reduce_sum3A_97 = vector.extract %reduce_sum3A_96[15] : i32 from vector<16xi32>
    %le3A_98 = arith.cmpi sle, %reduce_sum3A_97, %reduce_sum3A_16 : i32
    %add3A_99 = arith.constant 8 : i32
    %add3A_100 = arith.addi %select_n3A_87, %add3A_99 : i32
    %select_n3A_101 = arith.select %le3A_98, %add3A_100, %select_n3A_87 : i32
    %add3A_102 = arith.constant 3 : i32
    %add3A_103 = arith.addi %select_n3A_101, %add3A_102 : i32
    %mul3A_104 = arith.constant 16 : i32
    %mul3A_105 = arith.muli %add3A_103, %mul3A_104 : i32
    %get3A_106 = arith.index_cast %mul3A_105 : i32 to index
    %get3A_107 = tpu.vector_load %arg9[%get3A_106] {strides = array<i32>} : memref<4096xi32, #tpu.memory_space<vmem>>, vector<16xi32>,
    %reduce_sum3A_108 = arith.constant true
    %reduce_sum3A_109 = vector.broadcast %reduce_sum3A_108 : i1 to vector<16xi1>
    %reduce_sum3A_110 = tpu.scan <sum>, %get3A_107 masked %reduce_sum3A_109 : vector<16xi32>, vector<16xi1> -> vector<16xi32>
    %reduce_sum3A_111 = vector.extract %reduce_sum3A_110[15] : i32 from vector<16xi32>
    %le3A_112 = arith.cmpi sle, %reduce_sum3A_111, %reduce_sum3A_16 : i32
    %add3A_113 = arith.constant 4 : i32
    %add3A_114 = arith.addi %select_n3A_101, %add3A_113 : i32
    %select_n3A_115 = arith.select %le3A_112, %add3A_114, %select_n3A_101 : i32
    %add3A_116 = arith.constant 1 : i32
    %add3A_117 = arith.addi %select_n3A_115, %add3A_116 : i32
    %mul3A_118 = arith.constant 16 : i32
    %mul3A_119 = arith.muli %add3A_117, %mul3A_118 : i32
    %get3A_120 = arith.index_cast %mul3A_119 : i32 to index
    %get3A_121 = tpu.vector_load %arg9[%get3A_120] {strides = array<i32>} : memref<4096xi32, #tpu.memory_space<vmem>>, vector<16xi32>,
    %reduce_sum3A_122 = arith.constant true
    %reduce_sum3A_123 = vector.broadcast %reduce_sum3A_122 : i1 to vector<16xi1>
    %reduce_sum3A_124 = tpu.scan <sum>, %get3A_121 masked %reduce_sum3A_123 : vector<16xi32>, vector<16xi1> -> vector<16xi32>
    %reduce_sum3A_125 = vector.extract %reduce_sum3A_124[15] : i32 from vector<16xi32>
    %le3A_126 = arith.cmpi sle, %reduce_sum3A_125, %reduce_sum3A_16 : i32
    %add3A_127 = arith.constant 2 : i32
    %add3A_128 = arith.addi %select_n3A_115, %add3A_127 : i32
    %select_n3A_129 = arith.select %le3A_126, %add3A_128, %select_n3A_115 : i32
    %add3A_130 = arith.constant 0 : i32
    %add3A_131 = arith.addi %select_n3A_129, %add3A_130 : i32
    %mul3A_132 = arith.constant 16 : i32
    %mul3A_133 = arith.muli %add3A_131, %mul3A_132 : i32
    %get3A_134 = arith.index_cast %mul3A_133 : i32 to index
    %get3A_135 = tpu.vector_load %arg9[%get3A_134] {strides = array<i32>} : memref<4096xi32, #tpu.memory_space<vmem>>, vector<16xi32>,
    %reduce_sum3A_136 = arith.constant true
    %reduce_sum3A_137 = vector.broadcast %reduce_sum3A_136 : i1 to vector<16xi1>
    %reduce_sum3A_138 = tpu.scan <sum>, %get3A_135 masked %reduce_sum3A_137 : vector<16xi32>, vector<16xi1> -> vector<16xi32>
    %reduce_sum3A_139 = vector.extract %reduce_sum3A_138[15] : i32 from vector<16xi32>
    %le3A_140 = arith.cmpi sle, %reduce_sum3A_139, %reduce_sum3A_16 : i32
    %add3A_141 = arith.constant 1 : i32
    %add3A_142 = arith.addi %select_n3A_129, %add3A_141 : i32
    %select_n3A_143 = arith.select %le3A_140, %add3A_142, %select_n3A_129 : i32
    %gt3A = arith.constant 0 : i32
    %gt3A_144 = arith.cmpi sgt, %select_n3A_143, %gt3A : i32
    %sub3A = arith.constant 1 : i32
    %sub3A_145 = arith.subi %select_n3A_143, %sub3A : i32
    %max3A = arith.constant 0 : i32
    %max3A_146 = arith.maxsi %sub3A_145, %max3A : i32
    %mul3A_147 = arith.constant 16 : i32
    %mul3A_148 = arith.muli %max3A_146, %mul3A_147 : i32
    %get3A_149 = arith.index_cast %mul3A_148 : i32 to index
    %get3A_150 = tpu.vector_load %arg9[%get3A_149] {strides = array<i32>} : memref<4096xi32, #tpu.memory_space<vmem>>, vector<16xi32>,
    %reduce_sum3A_151 = arith.constant true
    %reduce_sum3A_152 = vector.broadcast %reduce_sum3A_151 : i1 to vector<16xi1>
    %reduce_sum3A_153 = tpu.scan <sum>, %get3A_150 masked %reduce_sum3A_152 : vector<16xi32>, vector<16xi1> -> vector<16xi32>
    %reduce_sum3A_154 = vector.extract %reduce_sum3A_153[15] : i32 from vector<16xi32>
    %jit3A_155 = arith.constant 0 : i32
    %select_n3A_156 = arith.select %gt3A_144, %reduce_sum3A_154, %jit3A_155 : i32
    %sub3A_157 = arith.subi %reduce_sum3A_16, %select_n3A_156 : i32
    %lt3A = arith.constant 128 : i32
    %lt3A_158 = arith.cmpi slt, %select_n3A_143, %lt3A : i32
    %sub3A_159 = arith.constant 255 : i32
    %sub3A_160 = arith.subi %sub3A_159, %select_n3A_143 : i32
    %sub3A_161 = arith.constant 128 : i32
    %sub3A_162 = arith.subi %select_n3A_143, %sub3A_161 : i32
    %select_n3A_163 = arith.select %lt3A_158, %sub3A_160, %sub3A_162 : i32
    %ge3A = arith.constant 128 : i32
    %ge3A_164 = arith.cmpi sge, %select_n3A_163, %ge3A : i32
    %jit3A_165 = arith.constant -1 : i32
    %jit3A_166 = arith.constant -2147483648 : i32
    %select_n3A_167 = arith.select %ge3A_164, %jit3A_165, %jit3A_166 : i32
    %parallel_loop3A_168 = arith.constant 0 : i32
    %parallel_loop3A_169 = arith.constant 256 : i32
    %parallel_loop3A_170 = arith.constant 1 : i32
    scf.for %parallel_loop3A_1304 = %parallel_loop3A_168 to %parallel_loop3A_169 step %parallel_loop3A_170  : i32 {
      %parallel_loop3A_1305 = arith.constant 16 : i32
      %parallel_loop3A_1306 = arith.muli %parallel_loop3A_1304, %parallel_loop3A_1305 : i32
      %parallel_loop3A_1307 = arith.index_cast %parallel_loop3A_1306 : i32 to index
      %parallel_loop3A_1308 = tpu.vector_load %arg8[%parallel_loop3A_1307] {strides = array<i32>} : memref<4096xi32, #tpu.memory_space<vmem>>, vector<16xi32>,
      tpu.vector_store %arg8[%parallel_loop3A_1307], %broadcast_in_dim3A_3 {strides = array<i32>} : memref<4096xi32, #tpu.memory_space<vmem>>, vector<16xi32>,
    } {sc.loop_unroll_factor = 8 : i64, sc.parallel_access}
    %broadcast_in_dim3A_171 = arith.constant -1 : i32
    %broadcast_in_dim3A_172 = vector.broadcast %broadcast_in_dim3A_171 : i32 to vector<16xi32>
    %parallel_loop3A_173 = arith.constant 0 : i32
    %parallel_loop3A_174 = arith.constant 512 : i32
    %parallel_loop3A_175 = arith.constant 1 : i32
    %parallel_loop3A_176 = scf.for %parallel_loop3A_1304 = %parallel_loop3A_173 to %parallel_loop3A_174 step %parallel_loop3A_175 iter_args(%parallel_loop3A_1305 = %broadcast_in_dim3A_172) -> (vector<16xi32>)  : i32 {
      %parallel_loop3A_1306 = arith.constant 4 : i32
      %parallel_loop3A_1307 = arith.muli %parallel_loop3A_1304, %parallel_loop3A_1306 : i32
      %parallel_loop3A_1308 = arith.constant 0 : i32
      %parallel_loop3A_1309 = arith.addi %parallel_loop3A_1307, %parallel_loop3A_1308 : i32
      %parallel_loop3A_1310 = arith.constant 16 : i32
      %parallel_loop3A_1311 = arith.muli %parallel_loop3A_1309, %parallel_loop3A_1310 : i32
      %parallel_loop3A_1312 = arith.index_cast %parallel_loop3A_1311 : i32 to index
      %parallel_loop3A_1313 = tpu.vector_load %arg5[%parallel_loop3A_1312] {strides = array<i32>} : memref<32768xf32, #tpu.memory_space<vmem>>, vector<16xf32>,
      %parallel_loop3A_1314 = vector.bitcast %parallel_loop3A_1313 : vector<16xf32> to vector<16xi32>
      %parallel_loop3A_1315 = arith.constant 24 : i32
      %parallel_loop3A_1316 = vector.broadcast %parallel_loop3A_1315 : i32 to vector<16xi32>
      %parallel_loop3A_1317 = arith.shrui %parallel_loop3A_1314, %parallel_loop3A_1316 : vector<16xi32>
      %parallel_loop3A_1318 = vector.broadcast %select_n3A_163 : i32 to vector<16xi32>
      %parallel_loop3A_1319 = arith.cmpi eq, %parallel_loop3A_1317, %parallel_loop3A_1318 : vector<16xi32>
      %parallel_loop3A_1320 = vector.broadcast %select_n3A_167 : i32 to vector<16xi32>
      %parallel_loop3A_1321 = arith.xori %parallel_loop3A_1314, %parallel_loop3A_1320 : vector<16xi32>
      %parallel_loop3A_1322 = arith.extui %parallel_loop3A_1319 : vector<16xi1> to vector<16xi32>
      %parallel_loop3A_1323 = arith.constant true
      %parallel_loop3A_1324 = vector.broadcast %parallel_loop3A_1323 : i1 to vector<16xi1>
      %parallel_loop3A_1325 = tpu.scan <sum>, %parallel_loop3A_1322 masked %parallel_loop3A_1324 : vector<16xi32>, vector<16xi1> -> vector<16xi32>
      %parallel_loop3A_1326 = arith.addi %parallel_loop3A_1305, %parallel_loop3A_1325 : vector<16xi32>
      %parallel_loop3A_1327 = vector.bitcast %parallel_loop3A_1321 : vector<16xi32> to vector<16xf32>
      tpu.vector_store_idx %arg6[%parallel_loop3A_1326], %parallel_loop3A_1327 masked %parallel_loop3A_1319 : memref<32768xf32, #tpu.memory_space<vmem>>[vector<16xi32>], vector<16xf32>, vector<16xi1>
      %parallel_loop3A_1328 = arith.constant 16 : i32
      %parallel_loop3A_1329 = vector.broadcast %parallel_loop3A_1328 : i32 to vector<16xi32>
      %parallel_loop3A_1330 = arith.shrui %parallel_loop3A_1321, %parallel_loop3A_1329 : vector<16xi32>
      %parallel_loop3A_1331 = arith.constant 255 : i32
      %parallel_loop3A_1332 = vector.broadcast %parallel_loop3A_1331 : i32 to vector<16xi32>
      %parallel_loop3A_1333 = arith.andi %parallel_loop3A_1330, %parallel_loop3A_1332 : vector<16xi32>
      %parallel_loop3A_1334 = arith.constant 16 : i32
      %parallel_loop3A_1335 = vector.broadcast %parallel_loop3A_1334 : i32 to vector<16xi32>
      %parallel_loop3A_1336 = arith.muli %parallel_loop3A_1333, %parallel_loop3A_1335 : vector<16xi32>
      %parallel_loop3A_1337 = arith.addi %parallel_loop3A_1336, %iota3A : vector<16xi32>
      tpu.vector_store_idx %arg8[%parallel_loop3A_1337], %broadcast_in_dim3A_1 masked %parallel_loop3A_1319 {add = true} : memref<4096xi32, #tpu.memory_space<vmem>>[vector<16xi32>], vector<16xi32>, vector<16xi1>
      %parallel_loop3A_1338 = tpu.all_reduce %parallel_loop3A_1319 {dim = 0 : i64, kind = #tpu.reduction_kind<sum>} : vector<16xi1> -> vector<16xi32>
      %parallel_loop3A_1339 = arith.addi %parallel_loop3A_1305, %parallel_loop3A_1338 : vector<16xi32>
      %parallel_loop3A_1340 = arith.constant 4 : i32
      %parallel_loop3A_1341 = arith.muli %parallel_loop3A_1304, %parallel_loop3A_1340 : i32
      %parallel_loop3A_1342 = arith.constant 1 : i32
      %parallel_loop3A_1343 = arith.addi %parallel_loop3A_1341, %parallel_loop3A_1342 : i32
      %parallel_loop3A_1344 = arith.constant 16 : i32
      %parallel_loop3A_1345 = arith.muli %parallel_loop3A_1343, %parallel_loop3A_1344 : i32
      %parallel_loop3A_1346 = arith.index_cast %parallel_loop3A_1345 : i32 to index
      %parallel_loop3A_1347 = tpu.vector_load %arg5[%parallel_loop3A_1346] {strides = array<i32>} : memref<32768xf32, #tpu.memory_space<vmem>>, vector<16xf32>,
      %parallel_loop3A_1348 = vector.bitcast %parallel_loop3A_1347 : vector<16xf32> to vector<16xi32>
      %parallel_loop3A_1349 = arith.constant 24 : i32
      %parallel_loop3A_1350 = vector.broadcast %parallel_loop3A_1349 : i32 to vector<16xi32>
      %parallel_loop3A_1351 = arith.shrui %parallel_loop3A_1348, %parallel_loop3A_1350 : vector<16xi32>
      %parallel_loop3A_1352 = vector.broadcast %select_n3A_163 : i32 to vector<16xi32>
      %parallel_loop3A_1353 = arith.cmpi eq, %parallel_loop3A_1351, %parallel_loop3A_1352 : vector<16xi32>
      %parallel_loop3A_1354 = vector.broadcast %select_n3A_167 : i32 to vector<16xi32>
      %parallel_loop3A_1355 = arith.xori %parallel_loop3A_1348, %parallel_loop3A_1354 : vector<16xi32>
      %parallel_loop3A_1356 = arith.extui %parallel_loop3A_1353 : vector<16xi1> to vector<16xi32>
      %parallel_loop3A_1357 = arith.constant true
      %parallel_loop3A_1358 = vector.broadcast %parallel_loop3A_1357 : i1 to vector<16xi1>
      %parallel_loop3A_1359 = tpu.scan <sum>, %parallel_loop3A_1356 masked %parallel_loop3A_1358 : vector<16xi32>, vector<16xi1> -> vector<16xi32>
      %parallel_loop3A_1360 = arith.addi %parallel_loop3A_1339, %parallel_loop3A_1359 : vector<16xi32>
      %parallel_loop3A_1361 = vector.bitcast %parallel_loop3A_1355 : vector<16xi32> to vector<16xf32>
      tpu.vector_store_idx %arg6[%parallel_loop3A_1360], %parallel_loop3A_1361 masked %parallel_loop3A_1353 : memref<32768xf32, #tpu.memory_space<vmem>>[vector<16xi32>], vector<16xf32>, vector<16xi1>
      %parallel_loop3A_1362 = arith.constant 16 : i32
      %parallel_loop3A_1363 = vector.broadcast %parallel_loop3A_1362 : i32 to vector<16xi32>
      %parallel_loop3A_1364 = arith.shrui %parallel_loop3A_1355, %parallel_loop3A_1363 : vector<16xi32>
      %parallel_loop3A_1365 = arith.constant 255 : i32
      %parallel_loop3A_1366 = vector.broadcast %parallel_loop3A_1365 : i32 to vector<16xi32>
      %parallel_loop3A_1367 = arith.andi %parallel_loop3A_1364, %parallel_loop3A_1366 : vector<16xi32>
      %parallel_loop3A_1368 = arith.constant 16 : i32
      %parallel_loop3A_1369 = vector.broadcast %parallel_loop3A_1368 : i32 to vector<16xi32>
      %parallel_loop3A_1370 = arith.muli %parallel_loop3A_1367, %parallel_loop3A_1369 : vector<16xi32>
      %parallel_loop3A_1371 = arith.addi %parallel_loop3A_1370, %iota3A : vector<16xi32>
      tpu.vector_store_idx %arg8[%parallel_loop3A_1371], %broadcast_in_dim3A_1 masked %parallel_loop3A_1353 {add = true} : memref<4096xi32, #tpu.memory_space<vmem>>[vector<16xi32>], vector<16xi32>, vector<16xi1>
      %parallel_loop3A_1372 = tpu.all_reduce %parallel_loop3A_1353 {dim = 0 : i64, kind = #tpu.reduction_kind<sum>} : vector<16xi1> -> vector<16xi32>
      %parallel_loop3A_1373 = arith.addi %parallel_loop3A_1339, %parallel_loop3A_1372 : vector<16xi32>
      %parallel_loop3A_1374 = arith.constant 4 : i32
      %parallel_loop3A_1375 = arith.muli %parallel_loop3A_1304, %parallel_loop3A_1374 : i32
      %parallel_loop3A_1376 = arith.constant 2 : i32
      %parallel_loop3A_1377 = arith.addi %parallel_loop3A_1375, %parallel_loop3A_1376 : i32
      %parallel_loop3A_1378 = arith.constant 16 : i32
      %parallel_loop3A_1379 = arith.muli %parallel_loop3A_1377, %parallel_loop3A_1378 : i32
      %parallel_loop3A_1380 = arith.index_cast %parallel_loop3A_1379 : i32 to index
      %parallel_loop3A_1381 = tpu.vector_load %arg5[%parallel_loop3A_1380] {strides = array<i32>} : memref<32768xf32, #tpu.memory_space<vmem>>, vector<16xf32>,
      %parallel_loop3A_1382 = vector.bitcast %parallel_loop3A_1381 : vector<16xf32> to vector<16xi32>
      %parallel_loop3A_1383 = arith.constant 24 : i32
      %parallel_loop3A_1384 = vector.broadcast %parallel_loop3A_1383 : i32 to vector<16xi32>
      %parallel_loop3A_1385 = arith.shrui %parallel_loop3A_1382, %parallel_loop3A_1384 : vector<16xi32>
      %parallel_loop3A_1386 = vector.broadcast %select_n3A_163 : i32 to vector<16xi32>
      %parallel_loop3A_1387 = arith.cmpi eq, %parallel_loop3A_1385, %parallel_loop3A_1386 : vector<16xi32>
      %parallel_loop3A_1388 = vector.broadcast %select_n3A_167 : i32 to vector<16xi32>
      %parallel_loop3A_1389 = arith.xori %parallel_loop3A_1382, %parallel_loop3A_1388 : vector<16xi32>
      %parallel_loop3A_1390 = arith.extui %parallel_loop3A_1387 : vector<16xi1> to vector<16xi32>
      %parallel_loop3A_1391 = arith.constant true
      %parallel_loop3A_1392 = vector.broadcast %parallel_loop3A_1391 : i1 to vector<16xi1>
      %parallel_loop3A_1393 = tpu.scan <sum>, %parallel_loop3A_1390 masked %parallel_loop3A_1392 : vector<16xi32>, vector<16xi1> -> vector<16xi32>
      %parallel_loop3A_1394 = arith.addi %parallel_loop3A_1373, %parallel_loop3A_1393 : vector<16xi32>
      %parallel_loop3A_1395 = vector.bitcast %parallel_loop3A_1389 : vector<16xi32> to vector<16xf32>
      tpu.vector_store_idx %arg6[%parallel_loop3A_1394], %parallel_loop3A_1395 masked %parallel_loop3A_1387 : memref<32768xf32, #tpu.memory_space<vmem>>[vector<16xi32>], vector<16xf32>, vector<16xi1>
      %parallel_loop3A_1396 = arith.constant 16 : i32
      %parallel_loop3A_1397 = vector.broadcast %parallel_loop3A_1396 : i32 to vector<16xi32>
      %parallel_loop3A_1398 = arith.shrui %parallel_loop3A_1389, %parallel_loop3A_1397 : vector<16xi32>
      %parallel_loop3A_1399 = arith.constant 255 : i32
      %parallel_loop3A_1400 = vector.broadcast %parallel_loop3A_1399 : i32 to vector<16xi32>
      %parallel_loop3A_1401 = arith.andi %parallel_loop3A_1398, %parallel_loop3A_1400 : vector<16xi32>
      %parallel_loop3A_1402 = arith.constant 16 : i32
      %parallel_loop3A_1403 = vector.broadcast %parallel_loop3A_1402 : i32 to vector<16xi32>
      %parallel_loop3A_1404 = arith.muli %parallel_loop3A_1401, %parallel_loop3A_1403 : vector<16xi32>
      %parallel_loop3A_1405 = arith.addi %parallel_loop3A_1404, %iota3A : vector<16xi32>
      tpu.vector_store_idx %arg8[%parallel_loop3A_1405], %broadcast_in_dim3A_1 masked %parallel_loop3A_1387 {add = true} : memref<4096xi32, #tpu.memory_space<vmem>>[vector<16xi32>], vector<16xi32>, vector<16xi1>
      %parallel_loop3A_1406 = tpu.all_reduce %parallel_loop3A_1387 {dim = 0 : i64, kind = #tpu.reduction_kind<sum>} : vector<16xi1> -> vector<16xi32>
      %parallel_loop3A_1407 = arith.addi %parallel_loop3A_1373, %parallel_loop3A_1406 : vector<16xi32>
      %parallel_loop3A_1408 = arith.constant 4 : i32
      %parallel_loop3A_1409 = arith.muli %parallel_loop3A_1304, %parallel_loop3A_1408 : i32
      %parallel_loop3A_1410 = arith.constant 3 : i32
      %parallel_loop3A_1411 = arith.addi %parallel_loop3A_1409, %parallel_loop3A_1410 : i32
      %parallel_loop3A_1412 = arith.constant 16 : i32
      %parallel_loop3A_1413 = arith.muli %parallel_loop3A_1411, %parallel_loop3A_1412 : i32
      %parallel_loop3A_1414 = arith.index_cast %parallel_loop3A_1413 : i32 to index
      %parallel_loop3A_1415 = tpu.vector_load %arg5[%parallel_loop3A_1414] {strides = array<i32>} : memref<32768xf32, #tpu.memory_space<vmem>>, vector<16xf32>,
      %parallel_loop3A_1416 = vector.bitcast %parallel_loop3A_1415 : vector<16xf32> to vector<16xi32>
      %parallel_loop3A_1417 = arith.constant 24 : i32
      %parallel_loop3A_1418 = vector.broadcast %parallel_loop3A_1417 : i32 to vector<16xi32>
      %parallel_loop3A_1419 = arith.shrui %parallel_loop3A_1416, %parallel_loop3A_1418 : vector<16xi32>
      %parallel_loop3A_1420 = vector.broadcast %select_n3A_163 : i32 to vector<16xi32>
      %parallel_loop3A_1421 = arith.cmpi eq, %parallel_loop3A_1419, %parallel_loop3A_1420 : vector<16xi32>
      %parallel_loop3A_1422 = vector.broadcast %select_n3A_167 : i32 to vector<16xi32>
      %parallel_loop3A_1423 = arith.xori %parallel_loop3A_1416, %parallel_loop3A_1422 : vector<16xi32>
      %parallel_loop3A_1424 = arith.extui %parallel_loop3A_1421 : vector<16xi1> to vector<16xi32>
      %parallel_loop3A_1425 = arith.constant true
      %parallel_loop3A_1426 = vector.broadcast %parallel_loop3A_1425 : i1 to vector<16xi1>
      %parallel_loop3A_1427 = tpu.scan <sum>, %parallel_loop3A_1424 masked %parallel_loop3A_1426 : vector<16xi32>, vector<16xi1> -> vector<16xi32>
      %parallel_loop3A_1428 = arith.addi %parallel_loop3A_1407, %parallel_loop3A_1427 : vector<16xi32>
      %parallel_loop3A_1429 = vector.bitcast %parallel_loop3A_1423 : vector<16xi32> to vector<16xf32>
      tpu.vector_store_idx %arg6[%parallel_loop3A_1428], %parallel_loop3A_1429 masked %parallel_loop3A_1421 : memref<32768xf32, #tpu.memory_space<vmem>>[vector<16xi32>], vector<16xf32>, vector<16xi1>
      %parallel_loop3A_1430 = arith.constant 16 : i32
      %parallel_loop3A_1431 = vector.broadcast %parallel_loop3A_1430 : i32 to vector<16xi32>
      %parallel_loop3A_1432 = arith.shrui %parallel_loop3A_1423, %parallel_loop3A_1431 : vector<16xi32>
      %parallel_loop3A_1433 = arith.constant 255 : i32
      %parallel_loop3A_1434 = vector.broadcast %parallel_loop3A_1433 : i32 to vector<16xi32>
      %parallel_loop3A_1435 = arith.andi %parallel_loop3A_1432, %parallel_loop3A_1434 : vector<16xi32>
      %parallel_loop3A_1436 = arith.constant 16 : i32
      %parallel_loop3A_1437 = vector.broadcast %parallel_loop3A_1436 : i32 to vector<16xi32>
      %parallel_loop3A_1438 = arith.muli %parallel_loop3A_1435, %parallel_loop3A_1437 : vector<16xi32>
      %parallel_loop3A_1439 = arith.addi %parallel_loop3A_1438, %iota3A : vector<16xi32>
      tpu.vector_store_idx %arg8[%parallel_loop3A_1439], %broadcast_in_dim3A_1 masked %parallel_loop3A_1421 {add = true} : memref<4096xi32, #tpu.memory_space<vmem>>[vector<16xi32>], vector<16xi32>, vector<16xi1>
      %parallel_loop3A_1440 = tpu.all_reduce %parallel_loop3A_1421 {dim = 0 : i64, kind = #tpu.reduction_kind<sum>} : vector<16xi1> -> vector<16xi32>
      %parallel_loop3A_1441 = arith.addi %parallel_loop3A_1407, %parallel_loop3A_1440 : vector<16xi32>
      scf.yield %parallel_loop3A_1441 : vector<16xi32>
    } {sc.loop_unroll_factor = 2 : i64, sc.parallel_access}
    %eq3A_177 = arith.constant 0 : i32
    %eq3A_178 = vector.broadcast %eq3A_177 : i32 to vector<16xi32>
    %eq3A_179 = arith.cmpi eq, %iota3A, %eq3A_178 : vector<16xi32>
    %jit3A_180 = arith.constant 0 : i32
    %broadcast_in_dim3A_181 = vector.broadcast %jit3A_180 : i32 to vector<16xi32>
    %select_n3A_182 = arith.select %eq3A_179, %parallel_loop3A_176, %broadcast_in_dim3A_181 : vector<16xi1>, vector<16xi32>
    %reduce_sum3A_183 = arith.constant true
    %reduce_sum3A_184 = vector.broadcast %reduce_sum3A_183 : i1 to vector<16xi1>
    %reduce_sum3A_185 = tpu.scan <sum>, %select_n3A_182 masked %reduce_sum3A_184 : vector<16xi32>, vector<16xi1> -> vector<16xi32>
    %reduce_sum3A_186 = vector.extract %reduce_sum3A_185[15] : i32 from vector<16xi32>
    %add3A_187 = arith.constant 1 : i32
    %add3A_188 = arith.addi %reduce_sum3A_186, %add3A_187 : i32
    %add3A_189 = arith.constant 15 : i32
    %add3A_190 = arith.addi %add3A_188, %add3A_189 : i32
    %div3A = arith.constant 16 : i32
    %div3A_191 = arith.divsi %add3A_190, %div3A : i32
    %parallel_loop3A_192 = arith.constant 0 : i32
    %parallel_loop3A_193 = arith.constant 256 : i32
    %parallel_loop3A_194 = arith.constant 1 : i32
    %parallel_loop3A_195 = scf.for %parallel_loop3A_1304 = %parallel_loop3A_192 to %parallel_loop3A_193 step %parallel_loop3A_194 iter_args(%parallel_loop3A_1305 = %broadcast_in_dim3A_3) -> (vector<16xi32>)  : i32 {
      %parallel_loop3A_1306 = arith.constant 16 : i32
      %parallel_loop3A_1307 = arith.muli %parallel_loop3A_1304, %parallel_loop3A_1306 : i32
      %parallel_loop3A_1308 = arith.index_cast %parallel_loop3A_1307 : i32 to index
      %parallel_loop3A_1309 = tpu.vector_load %arg8[%parallel_loop3A_1308] {strides = array<i32>} : memref<4096xi32, #tpu.memory_space<vmem>>, vector<16xi32>,
      %parallel_loop3A_1310 = arith.addi %parallel_loop3A_1305, %parallel_loop3A_1309 : vector<16xi32>
      %parallel_loop3A_1311 = arith.constant 16 : i32
      %parallel_loop3A_1312 = arith.muli %parallel_loop3A_1304, %parallel_loop3A_1311 : i32
      %parallel_loop3A_1313 = arith.index_cast %parallel_loop3A_1312 : i32 to index
      %parallel_loop3A_1314 = tpu.vector_load %arg9[%parallel_loop3A_1313] {strides = array<i32>} : memref<4096xi32, #tpu.memory_space<vmem>>, vector<16xi32>,
      tpu.vector_store %arg9[%parallel_loop3A_1313], %parallel_loop3A_1310 {strides = array<i32>} : memref<4096xi32, #tpu.memory_space<vmem>>, vector<16xi32>,
      scf.yield %parallel_loop3A_1310 : vector<16xi32>
    } {sc.loop_unroll_factor = 8 : i64, sc.parallel_access}
    %add3A_196 = arith.constant 0 : i32
    %add3A_197 = arith.constant 127 : i32
    %add3A_198 = arith.addi %add3A_196, %add3A_197 : i32
    %mul3A_199 = arith.constant 16 : i32
    %mul3A_200 = arith.muli %add3A_198, %mul3A_199 : i32
    %get3A_201 = arith.index_cast %mul3A_200 : i32 to index
    %get3A_202 = tpu.vector_load %arg9[%get3A_201] {strides = array<i32>} : memref<4096xi32, #tpu.memory_space<vmem>>, vector<16xi32>,
    %reduce_sum3A_203 = arith.constant true
    %reduce_sum3A_204 = vector.broadcast %reduce_sum3A_203 : i1 to vector<16xi1>
    %reduce_sum3A_205 = tpu.scan <sum>, %get3A_202 masked %reduce_sum3A_204 : vector<16xi32>, vector<16xi1> -> vector<16xi32>
    %reduce_sum3A_206 = vector.extract %reduce_sum3A_205[15] : i32 from vector<16xi32>
    %le3A_207 = arith.cmpi sle, %reduce_sum3A_206, %sub3A_157 : i32
    %add3A_208 = arith.constant 0 : i32
    %add3A_209 = arith.constant 128 : i32
    %add3A_210 = arith.addi %add3A_208, %add3A_209 : i32
    %jit3A_211 = arith.constant 0 : i32
    %select_n3A_212 = arith.select %le3A_207, %add3A_210, %jit3A_211 : i32
    %add3A_213 = arith.constant 63 : i32
    %add3A_214 = arith.addi %select_n3A_212, %add3A_213 : i32
    %mul3A_215 = arith.constant 16 : i32
    %mul3A_216 = arith.muli %add3A_214, %mul3A_215 : i32
    %get3A_217 = arith.index_cast %mul3A_216 : i32 to index
    %get3A_218 = tpu.vector_load %arg9[%get3A_217] {strides = array<i32>} : memref<4096xi32, #tpu.memory_space<vmem>>, vector<16xi32>,
    %reduce_sum3A_219 = arith.constant true
    %reduce_sum3A_220 = vector.broadcast %reduce_sum3A_219 : i1 to vector<16xi1>
    %reduce_sum3A_221 = tpu.scan <sum>, %get3A_218 masked %reduce_sum3A_220 : vector<16xi32>, vector<16xi1> -> vector<16xi32>
    %reduce_sum3A_222 = vector.extract %reduce_sum3A_221[15] : i32 from vector<16xi32>
    %le3A_223 = arith.cmpi sle, %reduce_sum3A_222, %sub3A_157 : i32
    %add3A_224 = arith.constant 64 : i32
    %add3A_225 = arith.addi %select_n3A_212, %add3A_224 : i32
    %select_n3A_226 = arith.select %le3A_223, %add3A_225, %select_n3A_212 : i32
    %add3A_227 = arith.constant 31 : i32
    %add3A_228 = arith.addi %select_n3A_226, %add3A_227 : i32
    %mul3A_229 = arith.constant 16 : i32
    %mul3A_230 = arith.muli %add3A_228, %mul3A_229 : i32
    %get3A_231 = arith.index_cast %mul3A_230 : i32 to index
    %get3A_232 = tpu.vector_load %arg9[%get3A_231] {strides = array<i32>} : memref<4096xi32, #tpu.memory_space<vmem>>, vector<16xi32>,
    %reduce_sum3A_233 = arith.constant true
    %reduce_sum3A_234 = vector.broadcast %reduce_sum3A_233 : i1 to vector<16xi1>
    %reduce_sum3A_235 = tpu.scan <sum>, %get3A_232 masked %reduce_sum3A_234 : vector<16xi32>, vector<16xi1> -> vector<16xi32>
    %reduce_sum3A_236 = vector.extract %reduce_sum3A_235[15] : i32 from vector<16xi32>
    %le3A_237 = arith.cmpi sle, %reduce_sum3A_236, %sub3A_157 : i32
    %add3A_238 = arith.constant 32 : i32
    %add3A_239 = arith.addi %select_n3A_226, %add3A_238 : i32
    %select_n3A_240 = arith.select %le3A_237, %add3A_239, %select_n3A_226 : i32
    %add3A_241 = arith.constant 15 : i32
    %add3A_242 = arith.addi %select_n3A_240, %add3A_241 : i32
    %mul3A_243 = arith.constant 16 : i32
    %mul3A_244 = arith.muli %add3A_242, %mul3A_243 : i32
    %get3A_245 = arith.index_cast %mul3A_244 : i32 to index
    %get3A_246 = tpu.vector_load %arg9[%get3A_245] {strides = array<i32>} : memref<4096xi32, #tpu.memory_space<vmem>>, vector<16xi32>,
    %reduce_sum3A_247 = arith.constant true
    %reduce_sum3A_248 = vector.broadcast %reduce_sum3A_247 : i1 to vector<16xi1>
    %reduce_sum3A_249 = tpu.scan <sum>, %get3A_246 masked %reduce_sum3A_248 : vector<16xi32>, vector<16xi1> -> vector<16xi32>
    %reduce_sum3A_250 = vector.extract %reduce_sum3A_249[15] : i32 from vector<16xi32>
    %le3A_251 = arith.cmpi sle, %reduce_sum3A_250, %sub3A_157 : i32
    %add3A_252 = arith.constant 16 : i32
    %add3A_253 = arith.addi %select_n3A_240, %add3A_252 : i32
    %select_n3A_254 = arith.select %le3A_251, %add3A_253, %select_n3A_240 : i32
    %add3A_255 = arith.constant 7 : i32
    %add3A_256 = arith.addi %select_n3A_254, %add3A_255 : i32
    %mul3A_257 = arith.constant 16 : i32
    %mul3A_258 = arith.muli %add3A_256, %mul3A_257 : i32
    %get3A_259 = arith.index_cast %mul3A_258 : i32 to index
    %get3A_260 = tpu.vector_load %arg9[%get3A_259] {strides = array<i32>} : memref<4096xi32, #tpu.memory_space<vmem>>, vector<16xi32>,
    %reduce_sum3A_261 = arith.constant true
    %reduce_sum3A_262 = vector.broadcast %reduce_sum3A_261 : i1 to vector<16xi1>
    %reduce_sum3A_263 = tpu.scan <sum>, %get3A_260 masked %reduce_sum3A_262 : vector<16xi32>, vector<16xi1> -> vector<16xi32>
    %reduce_sum3A_264 = vector.extract %reduce_sum3A_263[15] : i32 from vector<16xi32>
    %le3A_265 = arith.cmpi sle, %reduce_sum3A_264, %sub3A_157 : i32
    %add3A_266 = arith.constant 8 : i32
    %add3A_267 = arith.addi %select_n3A_254, %add3A_266 : i32
    %select_n3A_268 = arith.select %le3A_265, %add3A_267, %select_n3A_254 : i32
    %add3A_269 = arith.constant 3 : i32
    %add3A_270 = arith.addi %select_n3A_268, %add3A_269 : i32
    %mul3A_271 = arith.constant 16 : i32
    %mul3A_272 = arith.muli %add3A_270, %mul3A_271 : i32
    %get3A_273 = arith.index_cast %mul3A_272 : i32 to index
    %get3A_274 = tpu.vector_load %arg9[%get3A_273] {strides = array<i32>} : memref<4096xi32, #tpu.memory_space<vmem>>, vector<16xi32>,
    %reduce_sum3A_275 = arith.constant true
    %reduce_sum3A_276 = vector.broadcast %reduce_sum3A_275 : i1 to vector<16xi1>
    %reduce_sum3A_277 = tpu.scan <sum>, %get3A_274 masked %reduce_sum3A_276 : vector<16xi32>, vector<16xi1> -> vector<16xi32>
    %reduce_sum3A_278 = vector.extract %reduce_sum3A_277[15] : i32 from vector<16xi32>
    %le3A_279 = arith.cmpi sle, %reduce_sum3A_278, %sub3A_157 : i32
    %add3A_280 = arith.constant 4 : i32
    %add3A_281 = arith.addi %select_n3A_268, %add3A_280 : i32
    %select_n3A_282 = arith.select %le3A_279, %add3A_281, %select_n3A_268 : i32
    %add3A_283 = arith.constant 1 : i32
    %add3A_284 = arith.addi %select_n3A_282, %add3A_283 : i32
    %mul3A_285 = arith.constant 16 : i32
    %mul3A_286 = arith.muli %add3A_284, %mul3A_285 : i32
    %get3A_287 = arith.index_cast %mul3A_286 : i32 to index
    %get3A_288 = tpu.vector_load %arg9[%get3A_287] {strides = array<i32>} : memref<4096xi32, #tpu.memory_space<vmem>>, vector<16xi32>,
    %reduce_sum3A_289 = arith.constant true
    %reduce_sum3A_290 = vector.broadcast %reduce_sum3A_289 : i1 to vector<16xi1>
    %reduce_sum3A_291 = tpu.scan <sum>, %get3A_288 masked %reduce_sum3A_290 : vector<16xi32>, vector<16xi1> -> vector<16xi32>
    %reduce_sum3A_292 = vector.extract %reduce_sum3A_291[15] : i32 from vector<16xi32>
    %le3A_293 = arith.cmpi sle, %reduce_sum3A_292, %sub3A_157 : i32
    %add3A_294 = arith.constant 2 : i32
    %add3A_295 = arith.addi %select_n3A_282, %add3A_294 : i32
    %select_n3A_296 = arith.select %le3A_293, %add3A_295, %select_n3A_282 : i32
    %add3A_297 = arith.constant 0 : i32
    %add3A_298 = arith.addi %select_n3A_296, %add3A_297 : i32
    %mul3A_299 = arith.constant 16 : i32
    %mul3A_300 = arith.muli %add3A_298, %mul3A_299 : i32
    %get3A_301 = arith.index_cast %mul3A_300 : i32 to index
    %get3A_302 = tpu.vector_load %arg9[%get3A_301] {strides = array<i32>} : memref<4096xi32, #tpu.memory_space<vmem>>, vector<16xi32>,
    %reduce_sum3A_303 = arith.constant true
    %reduce_sum3A_304 = vector.broadcast %reduce_sum3A_303 : i1 to vector<16xi1>
    %reduce_sum3A_305 = tpu.scan <sum>, %get3A_302 masked %reduce_sum3A_304 : vector<16xi32>, vector<16xi1> -> vector<16xi32>
    %reduce_sum3A_306 = vector.extract %reduce_sum3A_305[15] : i32 from vector<16xi32>
    %le3A_307 = arith.cmpi sle, %reduce_sum3A_306, %sub3A_157 : i32
    %add3A_308 = arith.constant 1 : i32
    %add3A_309 = arith.addi %select_n3A_296, %add3A_308 : i32
    %select_n3A_310 = arith.select %le3A_307, %add3A_309, %select_n3A_296 : i32
    %gt3A_311 = arith.constant 0 : i32
    %gt3A_312 = arith.cmpi sgt, %select_n3A_310, %gt3A_311 : i32
    %sub3A_313 = arith.constant 1 : i32
    %sub3A_314 = arith.subi %select_n3A_310, %sub3A_313 : i32
    %max3A_315 = arith.constant 0 : i32
    %max3A_316 = arith.maxsi %sub3A_314, %max3A_315 : i32
    %mul3A_317 = arith.constant 16 : i32
    %mul3A_318 = arith.muli %max3A_316, %mul3A_317 : i32
    %get3A_319 = arith.index_cast %mul3A_318 : i32 to index
    %get3A_320 = tpu.vector_load %arg9[%get3A_319] {strides = array<i32>} : memref<4096xi32, #tpu.memory_space<vmem>>, vector<16xi32>,
    %reduce_sum3A_321 = arith.constant true
    %reduce_sum3A_322 = vector.broadcast %reduce_sum3A_321 : i1 to vector<16xi1>
    %reduce_sum3A_323 = tpu.scan <sum>, %get3A_320 masked %reduce_sum3A_322 : vector<16xi32>, vector<16xi1> -> vector<16xi32>
    %reduce_sum3A_324 = vector.extract %reduce_sum3A_323[15] : i32 from vector<16xi32>
    %jit3A_325 = arith.constant 0 : i32
    %select_n3A_326 = arith.select %gt3A_312, %reduce_sum3A_324, %jit3A_325 : i32
    %sub3A_327 = arith.subi %sub3A_157, %select_n3A_326 : i32
    %parallel_loop3A_328 = arith.constant 0 : i32
    %parallel_loop3A_329 = arith.constant 256 : i32
    %parallel_loop3A_330 = arith.constant 1 : i32
    scf.for %parallel_loop3A_1304 = %parallel_loop3A_328 to %parallel_loop3A_329 step %parallel_loop3A_330  : i32 {
      %parallel_loop3A_1305 = arith.constant 16 : i32
      %parallel_loop3A_1306 = arith.muli %parallel_loop3A_1304, %parallel_loop3A_1305 : i32
      %parallel_loop3A_1307 = arith.index_cast %parallel_loop3A_1306 : i32 to index
      %parallel_loop3A_1308 = tpu.vector_load %arg8[%parallel_loop3A_1307] {strides = array<i32>} : memref<4096xi32, #tpu.memory_space<vmem>>, vector<16xi32>,
      tpu.vector_store %arg8[%parallel_loop3A_1307], %broadcast_in_dim3A_3 {strides = array<i32>} : memref<4096xi32, #tpu.memory_space<vmem>>, vector<16xi32>,
    } {sc.loop_unroll_factor = 8 : i64, sc.parallel_access}
    %broadcast_in_dim3A_331 = arith.constant -1 : i32
    %broadcast_in_dim3A_332 = vector.broadcast %broadcast_in_dim3A_331 : i32 to vector<16xi32>
    %parallel_loop3A_333 = arith.constant 0 : i32
    %parallel_loop3A_334 = arith.constant 1 : i32
    %parallel_loop3A_335 = scf.for %parallel_loop3A_1304 = %parallel_loop3A_333 to %div3A_191 step %parallel_loop3A_334 iter_args(%parallel_loop3A_1305 = %broadcast_in_dim3A_332) -> (vector<16xi32>)  : i32 {
      %parallel_loop3A_1306 = arith.constant 16 : i32
      %parallel_loop3A_1307 = arith.muli %parallel_loop3A_1304, %parallel_loop3A_1306 : i32
      %parallel_loop3A_1308 = arith.index_cast %parallel_loop3A_1307 : i32 to index
      %parallel_loop3A_1309 = tpu.vector_load %arg6[%parallel_loop3A_1308] {strides = array<i32>} : memref<32768xf32, #tpu.memory_space<vmem>>, vector<16xf32>,
      %parallel_loop3A_1310 = vector.bitcast %parallel_loop3A_1309 : vector<16xf32> to vector<16xi32>
      %parallel_loop3A_1311 = vector.broadcast %parallel_loop3A_1307 : i32 to vector<16xi32>
      %parallel_loop3A_1312 = arith.addi %parallel_loop3A_1311, %iota3A : vector<16xi32>
      %parallel_loop3A_1313 = vector.broadcast %add3A_188 : i32 to vector<16xi32>
      %parallel_loop3A_1314 = arith.cmpi slt, %parallel_loop3A_1312, %parallel_loop3A_1313 : vector<16xi32>
      %parallel_loop3A_1315 = arith.constant 16 : i32
      %parallel_loop3A_1316 = vector.broadcast %parallel_loop3A_1315 : i32 to vector<16xi32>
      %parallel_loop3A_1317 = arith.shrui %parallel_loop3A_1310, %parallel_loop3A_1316 : vector<16xi32>
      %parallel_loop3A_1318 = arith.constant 255 : i32
      %parallel_loop3A_1319 = vector.broadcast %parallel_loop3A_1318 : i32 to vector<16xi32>
      %parallel_loop3A_1320 = arith.andi %parallel_loop3A_1317, %parallel_loop3A_1319 : vector<16xi32>
      %parallel_loop3A_1321 = vector.broadcast %select_n3A_310 : i32 to vector<16xi32>
      %parallel_loop3A_1322 = arith.cmpi eq, %parallel_loop3A_1320, %parallel_loop3A_1321 : vector<16xi32>
      %parallel_loop3A_1323 = arith.andi %parallel_loop3A_1314, %parallel_loop3A_1322 : vector<16xi1>
      %parallel_loop3A_1324 = arith.extui %parallel_loop3A_1323 : vector<16xi1> to vector<16xi32>
      %parallel_loop3A_1325 = arith.constant true
      %parallel_loop3A_1326 = vector.broadcast %parallel_loop3A_1325 : i1 to vector<16xi1>
      %parallel_loop3A_1327 = tpu.scan <sum>, %parallel_loop3A_1324 masked %parallel_loop3A_1326 : vector<16xi32>, vector<16xi1> -> vector<16xi32>
      %parallel_loop3A_1328 = arith.addi %parallel_loop3A_1305, %parallel_loop3A_1327 : vector<16xi32>
      tpu.vector_store_idx %arg7[%parallel_loop3A_1328], %parallel_loop3A_1309 masked %parallel_loop3A_1323 : memref<32768xf32, #tpu.memory_space<vmem>>[vector<16xi32>], vector<16xf32>, vector<16xi1>
      %parallel_loop3A_1329 = arith.constant 8 : i32
      %parallel_loop3A_1330 = vector.broadcast %parallel_loop3A_1329 : i32 to vector<16xi32>
      %parallel_loop3A_1331 = arith.shrui %parallel_loop3A_1310, %parallel_loop3A_1330 : vector<16xi32>
      %parallel_loop3A_1332 = arith.constant 255 : i32
      %parallel_loop3A_1333 = vector.broadcast %parallel_loop3A_1332 : i32 to vector<16xi32>
      %parallel_loop3A_1334 = arith.andi %parallel_loop3A_1331, %parallel_loop3A_1333 : vector<16xi32>
      %parallel_loop3A_1335 = arith.constant 16 : i32
      %parallel_loop3A_1336 = vector.broadcast %parallel_loop3A_1335 : i32 to vector<16xi32>
      %parallel_loop3A_1337 = arith.muli %parallel_loop3A_1334, %parallel_loop3A_1336 : vector<16xi32>
      %parallel_loop3A_1338 = arith.addi %parallel_loop3A_1337, %iota3A : vector<16xi32>
      tpu.vector_store_idx %arg8[%parallel_loop3A_1338], %broadcast_in_dim3A_1 masked %parallel_loop3A_1323 {add = true} : memref<4096xi32, #tpu.memory_space<vmem>>[vector<16xi32>], vector<16xi32>, vector<16xi1>
      %parallel_loop3A_1339 = tpu.all_reduce %parallel_loop3A_1323 {dim = 0 : i64, kind = #tpu.reduction_kind<sum>} : vector<16xi1> -> vector<16xi32>
      %parallel_loop3A_1340 = arith.addi %parallel_loop3A_1305, %parallel_loop3A_1339 : vector<16xi32>
      scf.yield %parallel_loop3A_1340 : vector<16xi32>
    } {sc.loop_unroll_factor = 2 : i64, sc.parallel_access}
    %eq3A_336 = arith.constant 0 : i32
    %eq3A_337 = vector.broadcast %eq3A_336 : i32 to vector<16xi32>
    %eq3A_338 = arith.cmpi eq, %iota3A, %eq3A_337 : vector<16xi32>
    %jit3A_339 = arith.constant 0 : i32
    %broadcast_in_dim3A_340 = vector.broadcast %jit3A_339 : i32 to vector<16xi32>
    %select_n3A_341 = arith.select %eq3A_338, %parallel_loop3A_335, %broadcast_in_dim3A_340 : vector<16xi1>, vector<16xi32>
    %reduce_sum3A_342 = arith.constant true
    %reduce_sum3A_343 = vector.broadcast %reduce_sum3A_342 : i1 to vector<16xi1>
    %reduce_sum3A_344 = tpu.scan <sum>, %select_n3A_341 masked %reduce_sum3A_343 : vector<16xi32>, vector<16xi1> -> vector<16xi32>
    %reduce_sum3A_345 = vector.extract %reduce_sum3A_344[15] : i32 from vector<16xi32>
    %add3A_346 = arith.constant 1 : i32
    %add3A_347 = arith.addi %reduce_sum3A_345, %add3A_346 : i32
    %parallel_loop3A_348 = arith.constant 0 : i32
    %parallel_loop3A_349 = arith.constant 256 : i32
    %parallel_loop3A_350 = arith.constant 1 : i32
    %parallel_loop3A_351 = scf.for %parallel_loop3A_1304 = %parallel_loop3A_348 to %parallel_loop3A_349 step %parallel_loop3A_350 iter_args(%parallel_loop3A_1305 = %broadcast_in_dim3A_3) -> (vector<16xi32>)  : i32 {
      %parallel_loop3A_1306 = arith.constant 16 : i32
      %parallel_loop3A_1307 = arith.muli %parallel_loop3A_1304, %parallel_loop3A_1306 : i32
      %parallel_loop3A_1308 = arith.index_cast %parallel_loop3A_1307 : i32 to index
      %parallel_loop3A_1309 = tpu.vector_load %arg8[%parallel_loop3A_1308] {strides = array<i32>} : memref<4096xi32, #tpu.memory_space<vmem>>, vector<16xi32>,
      %parallel_loop3A_1310 = arith.addi %parallel_loop3A_1305, %parallel_loop3A_1309 : vector<16xi32>
      %parallel_loop3A_1311 = arith.constant 16 : i32
      %parallel_loop3A_1312 = arith.muli %parallel_loop3A_1304, %parallel_loop3A_1311 : i32
      %parallel_loop3A_1313 = arith.index_cast %parallel_loop3A_1312 : i32 to index
      %parallel_loop3A_1314 = tpu.vector_load %arg9[%parallel_loop3A_1313] {strides = array<i32>} : memref<4096xi32, #tpu.memory_space<vmem>>, vector<16xi32>,
      tpu.vector_store %arg9[%parallel_loop3A_1313], %parallel_loop3A_1310 {strides = array<i32>} : memref<4096xi32, #tpu.memory_space<vmem>>, vector<16xi32>,
      scf.yield %parallel_loop3A_1310 : vector<16xi32>
    } {sc.loop_unroll_factor = 8 : i64, sc.parallel_access}
    %add3A_352 = arith.constant 0 : i32
    %add3A_353 = arith.constant 127 : i32
    %add3A_354 = arith.addi %add3A_352, %add3A_353 : i32
    %mul3A_355 = arith.constant 16 : i32
    %mul3A_356 = arith.muli %add3A_354, %mul3A_355 : i32
    %get3A_357 = arith.index_cast %mul3A_356 : i32 to index
    %get3A_358 = tpu.vector_load %arg9[%get3A_357] {strides = array<i32>} : memref<4096xi32, #tpu.memory_space<vmem>>, vector<16xi32>,
    %reduce_sum3A_359 = arith.constant true
    %reduce_sum3A_360 = vector.broadcast %reduce_sum3A_359 : i1 to vector<16xi1>
    %reduce_sum3A_361 = tpu.scan <sum>, %get3A_358 masked %reduce_sum3A_360 : vector<16xi32>, vector<16xi1> -> vector<16xi32>
    %reduce_sum3A_362 = vector.extract %reduce_sum3A_361[15] : i32 from vector<16xi32>
    %le3A_363 = arith.cmpi sle, %reduce_sum3A_362, %sub3A_327 : i32
    %add3A_364 = arith.constant 0 : i32
    %add3A_365 = arith.constant 128 : i32
    %add3A_366 = arith.addi %add3A_364, %add3A_365 : i32
    %jit3A_367 = arith.constant 0 : i32
    %select_n3A_368 = arith.select %le3A_363, %add3A_366, %jit3A_367 : i32
    %add3A_369 = arith.constant 63 : i32
    %add3A_370 = arith.addi %select_n3A_368, %add3A_369 : i32
    %mul3A_371 = arith.constant 16 : i32
    %mul3A_372 = arith.muli %add3A_370, %mul3A_371 : i32
    %get3A_373 = arith.index_cast %mul3A_372 : i32 to index
    %get3A_374 = tpu.vector_load %arg9[%get3A_373] {strides = array<i32>} : memref<4096xi32, #tpu.memory_space<vmem>>, vector<16xi32>,
    %reduce_sum3A_375 = arith.constant true
    %reduce_sum3A_376 = vector.broadcast %reduce_sum3A_375 : i1 to vector<16xi1>
    %reduce_sum3A_377 = tpu.scan <sum>, %get3A_374 masked %reduce_sum3A_376 : vector<16xi32>, vector<16xi1> -> vector<16xi32>
    %reduce_sum3A_378 = vector.extract %reduce_sum3A_377[15] : i32 from vector<16xi32>
    %le3A_379 = arith.cmpi sle, %reduce_sum3A_378, %sub3A_327 : i32
    %add3A_380 = arith.constant 64 : i32
    %add3A_381 = arith.addi %select_n3A_368, %add3A_380 : i32
    %select_n3A_382 = arith.select %le3A_379, %add3A_381, %select_n3A_368 : i32
    %add3A_383 = arith.constant 31 : i32
    %add3A_384 = arith.addi %select_n3A_382, %add3A_383 : i32
    %mul3A_385 = arith.constant 16 : i32
    %mul3A_386 = arith.muli %add3A_384, %mul3A_385 : i32
    %get3A_387 = arith.index_cast %mul3A_386 : i32 to index
    %get3A_388 = tpu.vector_load %arg9[%get3A_387] {strides = array<i32>} : memref<4096xi32, #tpu.memory_space<vmem>>, vector<16xi32>,
    %reduce_sum3A_389 = arith.constant true
    %reduce_sum3A_390 = vector.broadcast %reduce_sum3A_389 : i1 to vector<16xi1>
    %reduce_sum3A_391 = tpu.scan <sum>, %get3A_388 masked %reduce_sum3A_390 : vector<16xi32>, vector<16xi1> -> vector<16xi32>
    %reduce_sum3A_392 = vector.extract %reduce_sum3A_391[15] : i32 from vector<16xi32>
    %le3A_393 = arith.cmpi sle, %reduce_sum3A_392, %sub3A_327 : i32
    %add3A_394 = arith.constant 32 : i32
    %add3A_395 = arith.addi %select_n3A_382, %add3A_394 : i32
    %select_n3A_396 = arith.select %le3A_393, %add3A_395, %select_n3A_382 : i32
    %add3A_397 = arith.constant 15 : i32
    %add3A_398 = arith.addi %select_n3A_396, %add3A_397 : i32
    %mul3A_399 = arith.constant 16 : i32
    %mul3A_400 = arith.muli %add3A_398, %mul3A_399 : i32
    %get3A_401 = arith.index_cast %mul3A_400 : i32 to index
    %get3A_402 = tpu.vector_load %arg9[%get3A_401] {strides = array<i32>} : memref<4096xi32, #tpu.memory_space<vmem>>, vector<16xi32>,
    %reduce_sum3A_403 = arith.constant true
    %reduce_sum3A_404 = vector.broadcast %reduce_sum3A_403 : i1 to vector<16xi1>
    %reduce_sum3A_405 = tpu.scan <sum>, %get3A_402 masked %reduce_sum3A_404 : vector<16xi32>, vector<16xi1> -> vector<16xi32>
    %reduce_sum3A_406 = vector.extract %reduce_sum3A_405[15] : i32 from vector<16xi32>
    %le3A_407 = arith.cmpi sle, %reduce_sum3A_406, %sub3A_327 : i32
    %add3A_408 = arith.constant 16 : i32
    %add3A_409 = arith.addi %select_n3A_396, %add3A_408 : i32
    %select_n3A_410 = arith.select %le3A_407, %add3A_409, %select_n3A_396 : i32
    %add3A_411 = arith.constant 7 : i32
    %add3A_412 = arith.addi %select_n3A_410, %add3A_411 : i32
    %mul3A_413 = arith.constant 16 : i32
    %mul3A_414 = arith.muli %add3A_412, %mul3A_413 : i32
    %get3A_415 = arith.index_cast %mul3A_414 : i32 to index
    %get3A_416 = tpu.vector_load %arg9[%get3A_415] {strides = array<i32>} : memref<4096xi32, #tpu.memory_space<vmem>>, vector<16xi32>,
    %reduce_sum3A_417 = arith.constant true
    %reduce_sum3A_418 = vector.broadcast %reduce_sum3A_417 : i1 to vector<16xi1>
    %reduce_sum3A_419 = tpu.scan <sum>, %get3A_416 masked %reduce_sum3A_418 : vector<16xi32>, vector<16xi1> -> vector<16xi32>
    %reduce_sum3A_420 = vector.extract %reduce_sum3A_419[15] : i32 from vector<16xi32>
    %le3A_421 = arith.cmpi sle, %reduce_sum3A_420, %sub3A_327 : i32
    %add3A_422 = arith.constant 8 : i32
    %add3A_423 = arith.addi %select_n3A_410, %add3A_422 : i32
    %select_n3A_424 = arith.select %le3A_421, %add3A_423, %select_n3A_410 : i32
    %add3A_425 = arith.constant 3 : i32
    %add3A_426 = arith.addi %select_n3A_424, %add3A_425 : i32
    %mul3A_427 = arith.constant 16 : i32
    %mul3A_428 = arith.muli %add3A_426, %mul3A_427 : i32
    %get3A_429 = arith.index_cast %mul3A_428 : i32 to index
    %get3A_430 = tpu.vector_load %arg9[%get3A_429] {strides = array<i32>} : memref<4096xi32, #tpu.memory_space<vmem>>, vector<16xi32>,
    %reduce_sum3A_431 = arith.constant true
    %reduce_sum3A_432 = vector.broadcast %reduce_sum3A_431 : i1 to vector<16xi1>
    %reduce_sum3A_433 = tpu.scan <sum>, %get3A_430 masked %reduce_sum3A_432 : vector<16xi32>, vector<16xi1> -> vector<16xi32>
    %reduce_sum3A_434 = vector.extract %reduce_sum3A_433[15] : i32 from vector<16xi32>
    %le3A_435 = arith.cmpi sle, %reduce_sum3A_434, %sub3A_327 : i32
    %add3A_436 = arith.constant 4 : i32
    %add3A_437 = arith.addi %select_n3A_424, %add3A_436 : i32
    %select_n3A_438 = arith.select %le3A_435, %add3A_437, %select_n3A_424 : i32
    %add3A_439 = arith.constant 1 : i32
    %add3A_440 = arith.addi %select_n3A_438, %add3A_439 : i32
    %mul3A_441 = arith.constant 16 : i32
    %mul3A_442 = arith.muli %add3A_440, %mul3A_441 : i32
    %get3A_443 = arith.index_cast %mul3A_442 : i32 to index
    %get3A_444 = tpu.vector_load %arg9[%get3A_443] {strides = array<i32>} : memref<4096xi32, #tpu.memory_space<vmem>>, vector<16xi32>,
    %reduce_sum3A_445 = arith.constant true
    %reduce_sum3A_446 = vector.broadcast %reduce_sum3A_445 : i1 to vector<16xi1>
    %reduce_sum3A_447 = tpu.scan <sum>, %get3A_444 masked %reduce_sum3A_446 : vector<16xi32>, vector<16xi1> -> vector<16xi32>
    %reduce_sum3A_448 = vector.extract %reduce_sum3A_447[15] : i32 from vector<16xi32>
    %le3A_449 = arith.cmpi sle, %reduce_sum3A_448, %sub3A_327 : i32
    %add3A_450 = arith.constant 2 : i32
    %add3A_451 = arith.addi %select_n3A_438, %add3A_450 : i32
    %select_n3A_452 = arith.select %le3A_449, %add3A_451, %select_n3A_438 : i32
    %add3A_453 = arith.constant 0 : i32
    %add3A_454 = arith.addi %select_n3A_452, %add3A_453 : i32
    %mul3A_455 = arith.constant 16 : i32
    %mul3A_456 = arith.muli %add3A_454, %mul3A_455 : i32
    %get3A_457 = arith.index_cast %mul3A_456 : i32 to index
    %get3A_458 = tpu.vector_load %arg9[%get3A_457] {strides = array<i32>} : memref<4096xi32, #tpu.memory_space<vmem>>, vector<16xi32>,
    %reduce_sum3A_459 = arith.constant true
    %reduce_sum3A_460 = vector.broadcast %reduce_sum3A_459 : i1 to vector<16xi1>
    %reduce_sum3A_461 = tpu.scan <sum>, %get3A_458 masked %reduce_sum3A_460 : vector<16xi32>, vector<16xi1> -> vector<16xi32>
    %reduce_sum3A_462 = vector.extract %reduce_sum3A_461[15] : i32 from vector<16xi32>
    %le3A_463 = arith.cmpi sle, %reduce_sum3A_462, %sub3A_327 : i32
    %add3A_464 = arith.constant 1 : i32
    %add3A_465 = arith.addi %select_n3A_452, %add3A_464 : i32
    %select_n3A_466 = arith.select %le3A_463, %add3A_465, %select_n3A_452 : i32
    %gt3A_467 = arith.constant 0 : i32
    %gt3A_468 = arith.cmpi sgt, %select_n3A_466, %gt3A_467 : i32
    %sub3A_469 = arith.constant 1 : i32
    %sub3A_470 = arith.subi %select_n3A_466, %sub3A_469 : i32
    %max3A_471 = arith.constant 0 : i32
    %max3A_472 = arith.maxsi %sub3A_470, %max3A_471 : i32
    %mul3A_473 = arith.constant 16 : i32
    %mul3A_474 = arith.muli %max3A_472, %mul3A_473 : i32
    %get3A_475 = arith.index_cast %mul3A_474 : i32 to index
    %get3A_476 = tpu.vector_load %arg9[%get3A_475] {strides = array<i32>} : memref<4096xi32, #tpu.memory_space<vmem>>, vector<16xi32>,
    %reduce_sum3A_477 = arith.constant true
    %reduce_sum3A_478 = vector.broadcast %reduce_sum3A_477 : i1 to vector<16xi1>
    %reduce_sum3A_479 = tpu.scan <sum>, %get3A_476 masked %reduce_sum3A_478 : vector<16xi32>, vector<16xi1> -> vector<16xi32>
    %reduce_sum3A_480 = vector.extract %reduce_sum3A_479[15] : i32 from vector<16xi32>
    %jit3A_481 = arith.constant 0 : i32
    %select_n3A_482 = arith.select %gt3A_468, %reduce_sum3A_480, %jit3A_481 : i32
    %sub3A_483 = arith.subi %sub3A_327, %select_n3A_482 : i32
    %parallel_loop3A_484 = arith.constant 0 : i32
    %parallel_loop3A_485 = arith.constant 256 : i32
    %parallel_loop3A_486 = arith.constant 1 : i32
    scf.for %parallel_loop3A_1304 = %parallel_loop3A_484 to %parallel_loop3A_485 step %parallel_loop3A_486  : i32 {
      %parallel_loop3A_1305 = arith.constant 16 : i32
      %parallel_loop3A_1306 = arith.muli %parallel_loop3A_1304, %parallel_loop3A_1305 : i32
      %parallel_loop3A_1307 = arith.index_cast %parallel_loop3A_1306 : i32 to index
      %parallel_loop3A_1308 = tpu.vector_load %arg8[%parallel_loop3A_1307] {strides = array<i32>} : memref<4096xi32, #tpu.memory_space<vmem>>, vector<16xi32>,
      tpu.vector_store %arg8[%parallel_loop3A_1307], %broadcast_in_dim3A_3 {strides = array<i32>} : memref<4096xi32, #tpu.memory_space<vmem>>, vector<16xi32>,
    } {sc.loop_unroll_factor = 8 : i64, sc.parallel_access}
    %add3A_487 = arith.constant 15 : i32
    %add3A_488 = arith.addi %add3A_347, %add3A_487 : i32
    %div3A_489 = arith.constant 16 : i32
    %div3A_490 = arith.divsi %add3A_488, %div3A_489 : i32
    %parallel_loop3A_491 = arith.constant 0 : i32
    %parallel_loop3A_492 = arith.constant 1 : i32
    scf.for %parallel_loop3A_1304 = %parallel_loop3A_491 to %div3A_490 step %parallel_loop3A_492  : i32 {
      %parallel_loop3A_1305 = arith.constant 16 : i32
      %parallel_loop3A_1306 = arith.muli %parallel_loop3A_1304, %parallel_loop3A_1305 : i32
      %parallel_loop3A_1307 = arith.index_cast %parallel_loop3A_1306 : i32 to index
      %parallel_loop3A_1308 = tpu.vector_load %arg7[%parallel_loop3A_1307] {strides = array<i32>} : memref<32768xf32, #tpu.memory_space<vmem>>, vector<16xf32>,
      %parallel_loop3A_1309 = vector.bitcast %parallel_loop3A_1308 : vector<16xf32> to vector<16xi32>
      %parallel_loop3A_1310 = vector.broadcast %parallel_loop3A_1306 : i32 to vector<16xi32>
      %parallel_loop3A_1311 = arith.addi %parallel_loop3A_1310, %iota3A : vector<16xi32>
      %parallel_loop3A_1312 = vector.broadcast %add3A_347 : i32 to vector<16xi32>
      %parallel_loop3A_1313 = arith.cmpi slt, %parallel_loop3A_1311, %parallel_loop3A_1312 : vector<16xi32>
      %parallel_loop3A_1314 = arith.constant 8 : i32
      %parallel_loop3A_1315 = vector.broadcast %parallel_loop3A_1314 : i32 to vector<16xi32>
      %parallel_loop3A_1316 = arith.shrui %parallel_loop3A_1309, %parallel_loop3A_1315 : vector<16xi32>
      %parallel_loop3A_1317 = arith.constant 255 : i32
      %parallel_loop3A_1318 = vector.broadcast %parallel_loop3A_1317 : i32 to vector<16xi32>
      %parallel_loop3A_1319 = arith.andi %parallel_loop3A_1316, %parallel_loop3A_1318 : vector<16xi32>
      %parallel_loop3A_1320 = vector.broadcast %select_n3A_466 : i32 to vector<16xi32>
      %parallel_loop3A_1321 = arith.cmpi eq, %parallel_loop3A_1319, %parallel_loop3A_1320 : vector<16xi32>
      %parallel_loop3A_1322 = arith.andi %parallel_loop3A_1313, %parallel_loop3A_1321 : vector<16xi1>
      %parallel_loop3A_1323 = arith.constant 255 : i32
      %parallel_loop3A_1324 = vector.broadcast %parallel_loop3A_1323 : i32 to vector<16xi32>
      %parallel_loop3A_1325 = arith.andi %parallel_loop3A_1309, %parallel_loop3A_1324 : vector<16xi32>
      %parallel_loop3A_1326 = arith.constant 16 : i32
      %parallel_loop3A_1327 = vector.broadcast %parallel_loop3A_1326 : i32 to vector<16xi32>
      %parallel_loop3A_1328 = arith.muli %parallel_loop3A_1325, %parallel_loop3A_1327 : vector<16xi32>
      %parallel_loop3A_1329 = arith.addi %parallel_loop3A_1328, %iota3A : vector<16xi32>
      tpu.vector_store_idx %arg8[%parallel_loop3A_1329], %broadcast_in_dim3A_1 masked %parallel_loop3A_1322 {add = true} : memref<4096xi32, #tpu.memory_space<vmem>>[vector<16xi32>], vector<16xi32>, vector<16xi1>
    } {sc.loop_unroll_factor = 2 : i64, sc.parallel_access}
    %parallel_loop3A_493 = arith.constant 0 : i32
    %parallel_loop3A_494 = arith.constant 256 : i32
    %parallel_loop3A_495 = arith.constant 1 : i32
    %parallel_loop3A_496 = scf.for %parallel_loop3A_1304 = %parallel_loop3A_493 to %parallel_loop3A_494 step %parallel_loop3A_495 iter_args(%parallel_loop3A_1305 = %broadcast_in_dim3A_3) -> (vector<16xi32>)  : i32 {
      %parallel_loop3A_1306 = arith.constant 16 : i32
      %parallel_loop3A_1307 = arith.muli %parallel_loop3A_1304, %parallel_loop3A_1306 : i32
      %parallel_loop3A_1308 = arith.index_cast %parallel_loop3A_1307 : i32 to index
      %parallel_loop3A_1309 = tpu.vector_load %arg8[%parallel_loop3A_1308] {strides = array<i32>} : memref<4096xi32, #tpu.memory_space<vmem>>, vector<16xi32>,
      %parallel_loop3A_1310 = arith.addi %parallel_loop3A_1305, %parallel_loop3A_1309 : vector<16xi32>
      %parallel_loop3A_1311 = arith.constant 16 : i32
      %parallel_loop3A_1312 = arith.muli %parallel_loop3A_1304, %parallel_loop3A_1311 : i32
      %parallel_loop3A_1313 = arith.index_cast %parallel_loop3A_1312 : i32 to index
      %parallel_loop3A_1314 = tpu.vector_load %arg9[%parallel_loop3A_1313] {strides = array<i32>} : memref<4096xi32, #tpu.memory_space<vmem>>, vector<16xi32>,
      tpu.vector_store %arg9[%parallel_loop3A_1313], %parallel_loop3A_1310 {strides = array<i32>} : memref<4096xi32, #tpu.memory_space<vmem>>, vector<16xi32>,
      scf.yield %parallel_loop3A_1310 : vector<16xi32>
    } {sc.loop_unroll_factor = 8 : i64, sc.parallel_access}
    %add3A_497 = arith.constant 0 : i32
    %add3A_498 = arith.constant 127 : i32
    %add3A_499 = arith.addi %add3A_497, %add3A_498 : i32
    %mul3A_500 = arith.constant 16 : i32
    %mul3A_501 = arith.muli %add3A_499, %mul3A_500 : i32
    %get3A_502 = arith.index_cast %mul3A_501 : i32 to index
    %get3A_503 = tpu.vector_load %arg9[%get3A_502] {strides = array<i32>} : memref<4096xi32, #tpu.memory_space<vmem>>, vector<16xi32>,
    %reduce_sum3A_504 = arith.constant true
    %reduce_sum3A_505 = vector.broadcast %reduce_sum3A_504 : i1 to vector<16xi1>
    %reduce_sum3A_506 = tpu.scan <sum>, %get3A_503 masked %reduce_sum3A_505 : vector<16xi32>, vector<16xi1> -> vector<16xi32>
    %reduce_sum3A_507 = vector.extract %reduce_sum3A_506[15] : i32 from vector<16xi32>
    %le3A_508 = arith.cmpi sle, %reduce_sum3A_507, %sub3A_483 : i32
    %add3A_509 = arith.constant 0 : i32
    %add3A_510 = arith.constant 128 : i32
    %add3A_511 = arith.addi %add3A_509, %add3A_510 : i32
    %jit3A_512 = arith.constant 0 : i32
    %select_n3A_513 = arith.select %le3A_508, %add3A_511, %jit3A_512 : i32
    %add3A_514 = arith.constant 63 : i32
    %add3A_515 = arith.addi %select_n3A_513, %add3A_514 : i32
    %mul3A_516 = arith.constant 16 : i32
    %mul3A_517 = arith.muli %add3A_515, %mul3A_516 : i32
    %get3A_518 = arith.index_cast %mul3A_517 : i32 to index
    %get3A_519 = tpu.vector_load %arg9[%get3A_518] {strides = array<i32>} : memref<4096xi32, #tpu.memory_space<vmem>>, vector<16xi32>,
    %reduce_sum3A_520 = arith.constant true
    %reduce_sum3A_521 = vector.broadcast %reduce_sum3A_520 : i1 to vector<16xi1>
    %reduce_sum3A_522 = tpu.scan <sum>, %get3A_519 masked %reduce_sum3A_521 : vector<16xi32>, vector<16xi1> -> vector<16xi32>
    %reduce_sum3A_523 = vector.extract %reduce_sum3A_522[15] : i32 from vector<16xi32>
    %le3A_524 = arith.cmpi sle, %reduce_sum3A_523, %sub3A_483 : i32
    %add3A_525 = arith.constant 64 : i32
    %add3A_526 = arith.addi %select_n3A_513, %add3A_525 : i32
    %select_n3A_527 = arith.select %le3A_524, %add3A_526, %select_n3A_513 : i32
    %add3A_528 = arith.constant 31 : i32
    %add3A_529 = arith.addi %select_n3A_527, %add3A_528 : i32
    %mul3A_530 = arith.constant 16 : i32
    %mul3A_531 = arith.muli %add3A_529, %mul3A_530 : i32
    %get3A_532 = arith.index_cast %mul3A_531 : i32 to index
    %get3A_533 = tpu.vector_load %arg9[%get3A_532] {strides = array<i32>} : memref<4096xi32, #tpu.memory_space<vmem>>, vector<16xi32>,
    %reduce_sum3A_534 = arith.constant true
    %reduce_sum3A_535 = vector.broadcast %reduce_sum3A_534 : i1 to vector<16xi1>
    %reduce_sum3A_536 = tpu.scan <sum>, %get3A_533 masked %reduce_sum3A_535 : vector<16xi32>, vector<16xi1> -> vector<16xi32>
    %reduce_sum3A_537 = vector.extract %reduce_sum3A_536[15] : i32 from vector<16xi32>
    %le3A_538 = arith.cmpi sle, %reduce_sum3A_537, %sub3A_483 : i32
    %add3A_539 = arith.constant 32 : i32
    %add3A_540 = arith.addi %select_n3A_527, %add3A_539 : i32
    %select_n3A_541 = arith.select %le3A_538, %add3A_540, %select_n3A_527 : i32
    %add3A_542 = arith.constant 15 : i32
    %add3A_543 = arith.addi %select_n3A_541, %add3A_542 : i32
    %mul3A_544 = arith.constant 16 : i32
    %mul3A_545 = arith.muli %add3A_543, %mul3A_544 : i32
    %get3A_546 = arith.index_cast %mul3A_545 : i32 to index
    %get3A_547 = tpu.vector_load %arg9[%get3A_546] {strides = array<i32>} : memref<4096xi32, #tpu.memory_space<vmem>>, vector<16xi32>,
    %reduce_sum3A_548 = arith.constant true
    %reduce_sum3A_549 = vector.broadcast %reduce_sum3A_548 : i1 to vector<16xi1>
    %reduce_sum3A_550 = tpu.scan <sum>, %get3A_547 masked %reduce_sum3A_549 : vector<16xi32>, vector<16xi1> -> vector<16xi32>
    %reduce_sum3A_551 = vector.extract %reduce_sum3A_550[15] : i32 from vector<16xi32>
    %le3A_552 = arith.cmpi sle, %reduce_sum3A_551, %sub3A_483 : i32
    %add3A_553 = arith.constant 16 : i32
    %add3A_554 = arith.addi %select_n3A_541, %add3A_553 : i32
    %select_n3A_555 = arith.select %le3A_552, %add3A_554, %select_n3A_541 : i32
    %add3A_556 = arith.constant 7 : i32
    %add3A_557 = arith.addi %select_n3A_555, %add3A_556 : i32
    %mul3A_558 = arith.constant 16 : i32
    %mul3A_559 = arith.muli %add3A_557, %mul3A_558 : i32
    %get3A_560 = arith.index_cast %mul3A_559 : i32 to index
    %get3A_561 = tpu.vector_load %arg9[%get3A_560] {strides = array<i32>} : memref<4096xi32, #tpu.memory_space<vmem>>, vector<16xi32>,
    %reduce_sum3A_562 = arith.constant true
    %reduce_sum3A_563 = vector.broadcast %reduce_sum3A_562 : i1 to vector<16xi1>
    %reduce_sum3A_564 = tpu.scan <sum>, %get3A_561 masked %reduce_sum3A_563 : vector<16xi32>, vector<16xi1> -> vector<16xi32>
    %reduce_sum3A_565 = vector.extract %reduce_sum3A_564[15] : i32 from vector<16xi32>
    %le3A_566 = arith.cmpi sle, %reduce_sum3A_565, %sub3A_483 : i32
    %add3A_567 = arith.constant 8 : i32
    %add3A_568 = arith.addi %select_n3A_555, %add3A_567 : i32
    %select_n3A_569 = arith.select %le3A_566, %add3A_568, %select_n3A_555 : i32
    %add3A_570 = arith.constant 3 : i32
    %add3A_571 = arith.addi %select_n3A_569, %add3A_570 : i32
    %mul3A_572 = arith.constant 16 : i32
    %mul3A_573 = arith.muli %add3A_571, %mul3A_572 : i32
    %get3A_574 = arith.index_cast %mul3A_573 : i32 to index
    %get3A_575 = tpu.vector_load %arg9[%get3A_574] {strides = array<i32>} : memref<4096xi32, #tpu.memory_space<vmem>>, vector<16xi32>,
    %reduce_sum3A_576 = arith.constant true
    %reduce_sum3A_577 = vector.broadcast %reduce_sum3A_576 : i1 to vector<16xi1>
    %reduce_sum3A_578 = tpu.scan <sum>, %get3A_575 masked %reduce_sum3A_577 : vector<16xi32>, vector<16xi1> -> vector<16xi32>
    %reduce_sum3A_579 = vector.extract %reduce_sum3A_578[15] : i32 from vector<16xi32>
    %le3A_580 = arith.cmpi sle, %reduce_sum3A_579, %sub3A_483 : i32
    %add3A_581 = arith.constant 4 : i32
    %add3A_582 = arith.addi %select_n3A_569, %add3A_581 : i32
    %select_n3A_583 = arith.select %le3A_580, %add3A_582, %select_n3A_569 : i32
    %add3A_584 = arith.constant 1 : i32
    %add3A_585 = arith.addi %select_n3A_583, %add3A_584 : i32
    %mul3A_586 = arith.constant 16 : i32
    %mul3A_587 = arith.muli %add3A_585, %mul3A_586 : i32
    %get3A_588 = arith.index_cast %mul3A_587 : i32 to index
    %get3A_589 = tpu.vector_load %arg9[%get3A_588] {strides = array<i32>} : memref<4096xi32, #tpu.memory_space<vmem>>, vector<16xi32>,
    %reduce_sum3A_590 = arith.constant true
    %reduce_sum3A_591 = vector.broadcast %reduce_sum3A_590 : i1 to vector<16xi1>
    %reduce_sum3A_592 = tpu.scan <sum>, %get3A_589 masked %reduce_sum3A_591 : vector<16xi32>, vector<16xi1> -> vector<16xi32>
    %reduce_sum3A_593 = vector.extract %reduce_sum3A_592[15] : i32 from vector<16xi32>
    %le3A_594 = arith.cmpi sle, %reduce_sum3A_593, %sub3A_483 : i32
    %add3A_595 = arith.constant 2 : i32
    %add3A_596 = arith.addi %select_n3A_583, %add3A_595 : i32
    %select_n3A_597 = arith.select %le3A_594, %add3A_596, %select_n3A_583 : i32
    %add3A_598 = arith.constant 0 : i32
    %add3A_599 = arith.addi %select_n3A_597, %add3A_598 : i32
    %mul3A_600 = arith.constant 16 : i32
    %mul3A_601 = arith.muli %add3A_599, %mul3A_600 : i32
    %get3A_602 = arith.index_cast %mul3A_601 : i32 to index
    %get3A_603 = tpu.vector_load %arg9[%get3A_602] {strides = array<i32>} : memref<4096xi32, #tpu.memory_space<vmem>>, vector<16xi32>,
    %reduce_sum3A_604 = arith.constant true
    %reduce_sum3A_605 = vector.broadcast %reduce_sum3A_604 : i1 to vector<16xi1>
    %reduce_sum3A_606 = tpu.scan <sum>, %get3A_603 masked %reduce_sum3A_605 : vector<16xi32>, vector<16xi1> -> vector<16xi32>
    %reduce_sum3A_607 = vector.extract %reduce_sum3A_606[15] : i32 from vector<16xi32>
    %le3A_608 = arith.cmpi sle, %reduce_sum3A_607, %sub3A_483 : i32
    %add3A_609 = arith.constant 1 : i32
    %add3A_610 = arith.addi %select_n3A_597, %add3A_609 : i32
    %select_n3A_611 = arith.select %le3A_608, %add3A_610, %select_n3A_597 : i32
    %gt3A_612 = arith.constant 0 : i32
    %gt3A_613 = arith.cmpi sgt, %select_n3A_611, %gt3A_612 : i32
    %sub3A_614 = arith.constant 1 : i32
    %sub3A_615 = arith.subi %select_n3A_611, %sub3A_614 : i32
    %max3A_616 = arith.constant 0 : i32
    %max3A_617 = arith.maxsi %sub3A_615, %max3A_616 : i32
    %mul3A_618 = arith.constant 16 : i32
    %mul3A_619 = arith.muli %max3A_617, %mul3A_618 : i32
    %get3A_620 = arith.index_cast %mul3A_619 : i32 to index
    %get3A_621 = tpu.vector_load %arg9[%get3A_620] {strides = array<i32>} : memref<4096xi32, #tpu.memory_space<vmem>>, vector<16xi32>,
    %reduce_sum3A_622 = arith.constant true
    %reduce_sum3A_623 = vector.broadcast %reduce_sum3A_622 : i1 to vector<16xi1>
    %reduce_sum3A_624 = tpu.scan <sum>, %get3A_621 masked %reduce_sum3A_623 : vector<16xi32>, vector<16xi1> -> vector<16xi32>
    %reduce_sum3A_625 = vector.extract %reduce_sum3A_624[15] : i32 from vector<16xi32>
    %jit3A_626 = arith.constant 0 : i32
    %select_n3A_627 = arith.select %gt3A_613, %reduce_sum3A_625, %jit3A_626 : i32
    %shift_left3A = arith.constant 24 : i32
    %shift_left3A_628 = arith.shli %select_n3A_143, %shift_left3A : i32
    %shift_left3A_629 = arith.constant 16 : i32
    %shift_left3A_630 = arith.shli %select_n3A_310, %shift_left3A_629 : i32
    %or3A = arith.ori %shift_left3A_628, %shift_left3A_630 : i32
    %shift_left3A_631 = arith.constant 8 : i32
    %shift_left3A_632 = arith.shli %select_n3A_466, %shift_left3A_631 : i32
    %or3A_633 = arith.ori %or3A, %shift_left3A_632 : i32
    %or3A_634 = arith.ori %or3A_633, %select_n3A_611 : i32
    %broadcast_in_dim3A_635 = vector.broadcast %or3A_634 : i32 to vector<16xi32>
    %lt3A_636 = arith.constant 0 : i32
    %lt3A_637 = vector.broadcast %lt3A_636 : i32 to vector<16xi32>
    %lt3A_638 = arith.cmpi slt, %broadcast_in_dim3A_635, %lt3A_637 : vector<16xi32>
    %xor3A = arith.constant -2147483648 : i32
    %xor3A_639 = vector.broadcast %xor3A : i32 to vector<16xi32>
    %xor3A_640 = arith.xori %broadcast_in_dim3A_635, %xor3A_639 : vector<16xi32>
    %not3A = arith.constant dense<-1> : vector<16xi32>
    %not3A_641 = arith.xori %broadcast_in_dim3A_635, %not3A : vector<16xi32>
    %select_n3A_642 = arith.select %lt3A_638, %xor3A_640, %not3A_641 : vector<16xi1>, vector<16xi32>
    %bitcast3A = vector.bitcast %select_n3A_642 : vector<16xi32> to vector<16xf32>
    %parallel_loop3A_643 = arith.constant 0 : i32
    %parallel_loop3A_644 = arith.constant 2048 : i32
    %parallel_loop3A_645 = arith.constant 1 : i32
    scf.for %parallel_loop3A_1304 = %parallel_loop3A_643 to %parallel_loop3A_644 step %parallel_loop3A_645  : i32 {
      %parallel_loop3A_1305 = arith.constant 16 : i32
      %parallel_loop3A_1306 = arith.muli %parallel_loop3A_1304, %parallel_loop3A_1305 : i32
      %parallel_loop3A_1307 = arith.index_cast %parallel_loop3A_1306 : i32 to index
      %parallel_loop3A_1308 = tpu.vector_load %arg5[%parallel_loop3A_1307] {strides = array<i32>} : memref<32768xf32, #tpu.memory_space<vmem>>, vector<16xf32>,
      %parallel_loop3A_1309 = arith.cmpf olt, %parallel_loop3A_1308, %bitcast3A : vector<16xf32>
      %parallel_loop3A_1310 = arith.constant 0.000000e+00 : f32
      %parallel_loop3A_1311 = vector.broadcast %parallel_loop3A_1310 : f32 to vector<16xf32>
      %parallel_loop3A_1312 = arith.select %parallel_loop3A_1309, %parallel_loop3A_1311, %parallel_loop3A_1308 : vector<16xi1>, vector<16xf32>
      %parallel_loop3A_1313 = arith.constant 16 : i32
      %parallel_loop3A_1314 = arith.muli %parallel_loop3A_1304, %parallel_loop3A_1313 : i32
      %parallel_loop3A_1315 = arith.index_cast %parallel_loop3A_1314 : i32 to index
      %parallel_loop3A_1316 = tpu.vector_load %arg5[%parallel_loop3A_1315] {strides = array<i32>} : memref<32768xf32, #tpu.memory_space<vmem>>, vector<16xf32>,
      tpu.vector_store %arg5[%parallel_loop3A_1315], %parallel_loop3A_1312 {strides = array<i32>} : memref<32768xf32, #tpu.memory_space<vmem>>, vector<16xf32>,
    } {sc.loop_unroll_factor = 8 : i64, sc.parallel_access}
    "tpu.region"() ({
      %run_scoped3A = tpu.sem_alloc : memref<!tpu.dma_semaphore, #tpu.memory_space<semaphore_mem>>
      %dma_start3A = arith.constant 0 : i32
      %dma_start3A_1304 = tpu.memref_slice %arg4[%add3A_9, %dma_start3A] : memref<64x32768xf32, #tpu.memory_space<hbm>> -> memref<1x32768xf32, #tpu.memory_space<hbm>>
      %dma_start3A_1305 = tpu.memref_squeeze %dma_start3A_1304 : memref<1x32768xf32, #tpu.memory_space<hbm>> -> memref<32768xf32, #tpu.memory_space<hbm>>
      %dma_start3A_1306 = arith.constant 0 : i32
      %dma_start3A_1307 = tpu.memref_slice %arg4[%add3A_9, %dma_start3A_1306] : memref<64x32768xf32, #tpu.memory_space<hbm>> -> memref<1x32768xf32, #tpu.memory_space<hbm>>
      %dma_start3A_1308 = tpu.memref_squeeze %dma_start3A_1307 : memref<1x32768xf32, #tpu.memory_space<hbm>> -> memref<32768xf32, #tpu.memory_space<hbm>>
      tpu.enqueue_dma source(%arg5 : memref<32768xf32, #tpu.memory_space<vmem>>) target(%dma_start3A_1308 : memref<32768xf32, #tpu.memory_space<hbm>>) target_semaphore(%run_scoped3A : memref<!tpu.dma_semaphore, #tpu.memory_space<semaphore_mem>>)
      %dma_wait3A = arith.constant 0 : i32
      %dma_wait3A_1309 = tpu.memref_slice %arg4[%add3A_9, %dma_wait3A] : memref<64x32768xf32, #tpu.memory_space<hbm>> -> memref<1x32768xf32, #tpu.memory_space<hbm>>
      %dma_wait3A_1310 = tpu.memref_squeeze %dma_wait3A_1309 : memref<1x32768xf32, #tpu.memory_space<hbm>> -> memref<32768xf32, #tpu.memory_space<hbm>>
      %dma_wait3A_1311 = arith.constant 0 : i32
      %dma_wait3A_1312 = tpu.memref_slice %arg4[%add3A_9, %dma_wait3A_1311] : memref<64x32768xf32, #tpu.memory_space<hbm>> -> memref<1x32768xf32, #tpu.memory_space<hbm>>
      %dma_wait3A_1313 = tpu.memref_squeeze %dma_wait3A_1312 : memref<1x32768xf32, #tpu.memory_space<hbm>> -> memref<32768xf32, #tpu.memory_space<hbm>>
      tpu.wait_dma2 semaphore(%run_scoped3A : memref<!tpu.dma_semaphore, #tpu.memory_space<semaphore_mem>>) src(%arg5 : memref<32768xf32, #tpu.memory_space<vmem>>) dst(%dma_wait3A_1313 : memref<32768xf32, #tpu.memory_space<hbm>>)
      tpu.yield
    }) : () -> ()
    %mul3A_646 = arith.constant 2 : i32
    %mul3A_647 = arith.muli %add3A, %mul3A_646 : i32
    %add3A_648 = arith.constant 1 : i32
    %add3A_649 = arith.addi %mul3A_647, %add3A_648 : i32
    "tpu.region"() ({
      %run_scoped3A = tpu.sem_alloc : memref<!tpu.dma_semaphore, #tpu.memory_space<semaphore_mem>>
      %dma_start3A = arith.constant 0 : i32
      %dma_start3A_1304 = tpu.memref_slice %arg2[%add3A_649, %dma_start3A] : memref<64x32768xf32, #tpu.memory_space<hbm>> -> memref<1x32768xf32, #tpu.memory_space<hbm>>
      %dma_start3A_1305 = tpu.memref_squeeze %dma_start3A_1304 : memref<1x32768xf32, #tpu.memory_space<hbm>> -> memref<32768xf32, #tpu.memory_space<hbm>>
      %dma_start3A_1306 = arith.constant 0 : i32
      %dma_start3A_1307 = tpu.memref_slice %arg2[%add3A_649, %dma_start3A_1306] : memref<64x32768xf32, #tpu.memory_space<hbm>> -> memref<1x32768xf32, #tpu.memory_space<hbm>>
      %dma_start3A_1308 = tpu.memref_squeeze %dma_start3A_1307 : memref<1x32768xf32, #tpu.memory_space<hbm>> -> memref<32768xf32, #tpu.memory_space<hbm>>
      tpu.enqueue_dma source(%dma_start3A_1308 : memref<32768xf32, #tpu.memory_space<hbm>>) target(%arg5 : memref<32768xf32, #tpu.memory_space<vmem>>) target_semaphore(%run_scoped3A : memref<!tpu.dma_semaphore, #tpu.memory_space<semaphore_mem>>)
      %dma_wait3A = arith.constant 0 : i32
      %dma_wait3A_1309 = tpu.memref_slice %arg2[%add3A_649, %dma_wait3A] : memref<64x32768xf32, #tpu.memory_space<hbm>> -> memref<1x32768xf32, #tpu.memory_space<hbm>>
      %dma_wait3A_1310 = tpu.memref_squeeze %dma_wait3A_1309 : memref<1x32768xf32, #tpu.memory_space<hbm>> -> memref<32768xf32, #tpu.memory_space<hbm>>
      %dma_wait3A_1311 = arith.constant 0 : i32
      %dma_wait3A_1312 = tpu.memref_slice %arg2[%add3A_649, %dma_wait3A_1311] : memref<64x32768xf32, #tpu.memory_space<hbm>> -> memref<1x32768xf32, #tpu.memory_space<hbm>>
      %dma_wait3A_1313 = tpu.memref_squeeze %dma_wait3A_1312 : memref<1x32768xf32, #tpu.memory_space<hbm>> -> memref<32768xf32, #tpu.memory_space<hbm>>
      tpu.wait_dma2 semaphore(%run_scoped3A : memref<!tpu.dma_semaphore, #tpu.memory_space<semaphore_mem>>) src(%dma_wait3A_1313 : memref<32768xf32, #tpu.memory_space<hbm>>) dst(%arg5 : memref<32768xf32, #tpu.memory_space<vmem>>)
      tpu.yield
    }) : () -> ()
    %eq3A_650 = arith.constant 1 : i32
    %eq3A_651 = vector.broadcast %eq3A_650 : i32 to vector<16xi32>
    %eq3A_652 = arith.cmpi eq, %iota3A, %eq3A_651 : vector<16xi32>
    %get3A_653 = arith.constant 0 : index
    %get3A_654 = tpu.vector_load %arg10[%get3A_653] {strides = array<i32>} : memref<16xi32, #tpu.memory_space<vmem>>, vector<16xi32>,
    %jit3A_655 = arith.constant 0 : i32
    %broadcast_in_dim3A_656 = vector.broadcast %jit3A_655 : i32 to vector<16xi32>
    %select_n3A_657 = arith.select %eq3A_652, %get3A_654, %broadcast_in_dim3A_656 : vector<16xi1>, vector<16xi32>
    %reduce_sum3A_658 = arith.constant true
    %reduce_sum3A_659 = vector.broadcast %reduce_sum3A_658 : i1 to vector<16xi1>
    %reduce_sum3A_660 = tpu.scan <sum>, %select_n3A_657 masked %reduce_sum3A_659 : vector<16xi32>, vector<16xi1> -> vector<16xi32>
    %reduce_sum3A_661 = vector.extract %reduce_sum3A_660[15] : i32 from vector<16xi32>
    %parallel_loop3A_662 = arith.constant 0 : i32
    %parallel_loop3A_663 = arith.constant 256 : i32
    %parallel_loop3A_664 = arith.constant 1 : i32
    scf.for %parallel_loop3A_1304 = %parallel_loop3A_662 to %parallel_loop3A_663 step %parallel_loop3A_664  : i32 {
      %parallel_loop3A_1305 = arith.constant 16 : i32
      %parallel_loop3A_1306 = arith.muli %parallel_loop3A_1304, %parallel_loop3A_1305 : i32
      %parallel_loop3A_1307 = arith.index_cast %parallel_loop3A_1306 : i32 to index
      %parallel_loop3A_1308 = tpu.vector_load %arg8[%parallel_loop3A_1307] {strides = array<i32>} : memref<4096xi32, #tpu.memory_space<vmem>>, vector<16xi32>,
      tpu.vector_store %arg8[%parallel_loop3A_1307], %broadcast_in_dim3A_3 {strides = array<i32>} : memref<4096xi32, #tpu.memory_space<vmem>>, vector<16xi32>,
    } {sc.loop_unroll_factor = 8 : i64, sc.parallel_access}
    %parallel_loop3A_665 = arith.constant 0 : i32
    %parallel_loop3A_666 = arith.constant 2048 : i32
    %parallel_loop3A_667 = arith.constant 1 : i32
    scf.for %parallel_loop3A_1304 = %parallel_loop3A_665 to %parallel_loop3A_666 step %parallel_loop3A_667  : i32 {
      %parallel_loop3A_1305 = arith.constant 16 : i32
      %parallel_loop3A_1306 = arith.muli %parallel_loop3A_1304, %parallel_loop3A_1305 : i32
      %parallel_loop3A_1307 = arith.index_cast %parallel_loop3A_1306 : i32 to index
      %parallel_loop3A_1308 = tpu.vector_load %arg5[%parallel_loop3A_1307] {strides = array<i32>} : memref<32768xf32, #tpu.memory_space<vmem>>, vector<16xf32>,
      %parallel_loop3A_1309 = vector.bitcast %parallel_loop3A_1308 : vector<16xf32> to vector<16xi32>
      %parallel_loop3A_1310 = arith.constant 24 : i32
      %parallel_loop3A_1311 = vector.broadcast %parallel_loop3A_1310 : i32 to vector<16xi32>
      %parallel_loop3A_1312 = arith.shrui %parallel_loop3A_1309, %parallel_loop3A_1311 : vector<16xi32>
      %parallel_loop3A_1313 = arith.constant 16 : i32
      %parallel_loop3A_1314 = vector.broadcast %parallel_loop3A_1313 : i32 to vector<16xi32>
      %parallel_loop3A_1315 = arith.muli %parallel_loop3A_1312, %parallel_loop3A_1314 : vector<16xi32>
      %parallel_loop3A_1316 = arith.addi %parallel_loop3A_1315, %iota3A : vector<16xi32>
      tpu.vector_store_idx %arg8[%parallel_loop3A_1316], %broadcast_in_dim3A_1 {add = true} : memref<4096xi32, #tpu.memory_space<vmem>>[vector<16xi32>], vector<16xi32>,
    } {sc.loop_unroll_factor = 8 : i64, sc.parallel_access}
    %parallel_loop3A_668 = arith.constant 0 : i32
    %parallel_loop3A_669 = arith.constant 128 : i32
    %parallel_loop3A_670 = arith.constant 1 : i32
    %parallel_loop3A_671 = scf.for %parallel_loop3A_1304 = %parallel_loop3A_668 to %parallel_loop3A_669 step %parallel_loop3A_670 iter_args(%parallel_loop3A_1305 = %broadcast_in_dim3A_3) -> (vector<16xi32>)  : i32 {
      %parallel_loop3A_1306 = arith.constant 255 : i32
      %parallel_loop3A_1307 = arith.subi %parallel_loop3A_1306, %parallel_loop3A_1304 : i32
      %parallel_loop3A_1308 = arith.constant 16 : i32
      %parallel_loop3A_1309 = arith.muli %parallel_loop3A_1307, %parallel_loop3A_1308 : i32
      %parallel_loop3A_1310 = arith.index_cast %parallel_loop3A_1309 : i32 to index
      %parallel_loop3A_1311 = tpu.vector_load %arg8[%parallel_loop3A_1310] {strides = array<i32>} : memref<4096xi32, #tpu.memory_space<vmem>>, vector<16xi32>,
      %parallel_loop3A_1312 = arith.addi %parallel_loop3A_1305, %parallel_loop3A_1311 : vector<16xi32>
      %parallel_loop3A_1313 = arith.constant 16 : i32
      %parallel_loop3A_1314 = arith.muli %parallel_loop3A_1304, %parallel_loop3A_1313 : i32
      %parallel_loop3A_1315 = arith.index_cast %parallel_loop3A_1314 : i32 to index
      %parallel_loop3A_1316 = tpu.vector_load %arg9[%parallel_loop3A_1315] {strides = array<i32>} : memref<4096xi32, #tpu.memory_space<vmem>>, vector<16xi32>,
      tpu.vector_store %arg9[%parallel_loop3A_1315], %parallel_loop3A_1312 {strides = array<i32>} : memref<4096xi32, #tpu.memory_space<vmem>>, vector<16xi32>,
      scf.yield %parallel_loop3A_1312 : vector<16xi32>
    } {sc.loop_unroll_factor = 8 : i64, sc.parallel_access}
    %parallel_loop3A_672 = arith.constant 0 : i32
    %parallel_loop3A_673 = arith.constant 128 : i32
    %parallel_loop3A_674 = arith.constant 1 : i32
    %parallel_loop3A_675 = scf.for %parallel_loop3A_1304 = %parallel_loop3A_672 to %parallel_loop3A_673 step %parallel_loop3A_674 iter_args(%parallel_loop3A_1305 = %parallel_loop3A_671) -> (vector<16xi32>)  : i32 {
      %parallel_loop3A_1306 = arith.constant 16 : i32
      %parallel_loop3A_1307 = arith.muli %parallel_loop3A_1304, %parallel_loop3A_1306 : i32
      %parallel_loop3A_1308 = arith.index_cast %parallel_loop3A_1307 : i32 to index
      %parallel_loop3A_1309 = tpu.vector_load %arg8[%parallel_loop3A_1308] {strides = array<i32>} : memref<4096xi32, #tpu.memory_space<vmem>>, vector<16xi32>,
      %parallel_loop3A_1310 = arith.addi %parallel_loop3A_1305, %parallel_loop3A_1309 : vector<16xi32>
      %parallel_loop3A_1311 = arith.constant 128 : i32
      %parallel_loop3A_1312 = arith.addi %parallel_loop3A_1311, %parallel_loop3A_1304 : i32
      %parallel_loop3A_1313 = arith.constant 16 : i32
      %parallel_loop3A_1314 = arith.muli %parallel_loop3A_1312, %parallel_loop3A_1313 : i32
      %parallel_loop3A_1315 = arith.index_cast %parallel_loop3A_1314 : i32 to index
      %parallel_loop3A_1316 = tpu.vector_load %arg9[%parallel_loop3A_1315] {strides = array<i32>} : memref<4096xi32, #tpu.memory_space<vmem>>, vector<16xi32>,
      tpu.vector_store %arg9[%parallel_loop3A_1315], %parallel_loop3A_1310 {strides = array<i32>} : memref<4096xi32, #tpu.memory_space<vmem>>, vector<16xi32>,
      scf.yield %parallel_loop3A_1310 : vector<16xi32>
    } {sc.loop_unroll_factor = 8 : i64, sc.parallel_access}
    %add3A_676 = arith.constant 0 : i32
    %add3A_677 = arith.constant 127 : i32
    %add3A_678 = arith.addi %add3A_676, %add3A_677 : i32
    %mul3A_679 = arith.constant 16 : i32
    %mul3A_680 = arith.muli %add3A_678, %mul3A_679 : i32
    %get3A_681 = arith.index_cast %mul3A_680 : i32 to index
    %get3A_682 = tpu.vector_load %arg9[%get3A_681] {strides = array<i32>} : memref<4096xi32, #tpu.memory_space<vmem>>, vector<16xi32>,
    %reduce_sum3A_683 = arith.constant true
    %reduce_sum3A_684 = vector.broadcast %reduce_sum3A_683 : i1 to vector<16xi1>
    %reduce_sum3A_685 = tpu.scan <sum>, %get3A_682 masked %reduce_sum3A_684 : vector<16xi32>, vector<16xi1> -> vector<16xi32>
    %reduce_sum3A_686 = vector.extract %reduce_sum3A_685[15] : i32 from vector<16xi32>
    %le3A_687 = arith.cmpi sle, %reduce_sum3A_686, %reduce_sum3A_661 : i32
    %add3A_688 = arith.constant 0 : i32
    %add3A_689 = arith.constant 128 : i32
    %add3A_690 = arith.addi %add3A_688, %add3A_689 : i32
    %jit3A_691 = arith.constant 0 : i32
    %select_n3A_692 = arith.select %le3A_687, %add3A_690, %jit3A_691 : i32
    %add3A_693 = arith.constant 63 : i32
    %add3A_694 = arith.addi %select_n3A_692, %add3A_693 : i32
    %mul3A_695 = arith.constant 16 : i32
    %mul3A_696 = arith.muli %add3A_694, %mul3A_695 : i32
    %get3A_697 = arith.index_cast %mul3A_696 : i32 to index
    %get3A_698 = tpu.vector_load %arg9[%get3A_697] {strides = array<i32>} : memref<4096xi32, #tpu.memory_space<vmem>>, vector<16xi32>,
    %reduce_sum3A_699 = arith.constant true
    %reduce_sum3A_700 = vector.broadcast %reduce_sum3A_699 : i1 to vector<16xi1>
    %reduce_sum3A_701 = tpu.scan <sum>, %get3A_698 masked %reduce_sum3A_700 : vector<16xi32>, vector<16xi1> -> vector<16xi32>
    %reduce_sum3A_702 = vector.extract %reduce_sum3A_701[15] : i32 from vector<16xi32>
    %le3A_703 = arith.cmpi sle, %reduce_sum3A_702, %reduce_sum3A_661 : i32
    %add3A_704 = arith.constant 64 : i32
    %add3A_705 = arith.addi %select_n3A_692, %add3A_704 : i32
    %select_n3A_706 = arith.select %le3A_703, %add3A_705, %select_n3A_692 : i32
    %add3A_707 = arith.constant 31 : i32
    %add3A_708 = arith.addi %select_n3A_706, %add3A_707 : i32
    %mul3A_709 = arith.constant 16 : i32
    %mul3A_710 = arith.muli %add3A_708, %mul3A_709 : i32
    %get3A_711 = arith.index_cast %mul3A_710 : i32 to index
    %get3A_712 = tpu.vector_load %arg9[%get3A_711] {strides = array<i32>} : memref<4096xi32, #tpu.memory_space<vmem>>, vector<16xi32>,
    %reduce_sum3A_713 = arith.constant true
    %reduce_sum3A_714 = vector.broadcast %reduce_sum3A_713 : i1 to vector<16xi1>
    %reduce_sum3A_715 = tpu.scan <sum>, %get3A_712 masked %reduce_sum3A_714 : vector<16xi32>, vector<16xi1> -> vector<16xi32>
    %reduce_sum3A_716 = vector.extract %reduce_sum3A_715[15] : i32 from vector<16xi32>
    %le3A_717 = arith.cmpi sle, %reduce_sum3A_716, %reduce_sum3A_661 : i32
    %add3A_718 = arith.constant 32 : i32
    %add3A_719 = arith.addi %select_n3A_706, %add3A_718 : i32
    %select_n3A_720 = arith.select %le3A_717, %add3A_719, %select_n3A_706 : i32
    %add3A_721 = arith.constant 15 : i32
    %add3A_722 = arith.addi %select_n3A_720, %add3A_721 : i32
    %mul3A_723 = arith.constant 16 : i32
    %mul3A_724 = arith.muli %add3A_722, %mul3A_723 : i32
    %get3A_725 = arith.index_cast %mul3A_724 : i32 to index
    %get3A_726 = tpu.vector_load %arg9[%get3A_725] {strides = array<i32>} : memref<4096xi32, #tpu.memory_space<vmem>>, vector<16xi32>,
    %reduce_sum3A_727 = arith.constant true
    %reduce_sum3A_728 = vector.broadcast %reduce_sum3A_727 : i1 to vector<16xi1>
    %reduce_sum3A_729 = tpu.scan <sum>, %get3A_726 masked %reduce_sum3A_728 : vector<16xi32>, vector<16xi1> -> vector<16xi32>
    %reduce_sum3A_730 = vector.extract %reduce_sum3A_729[15] : i32 from vector<16xi32>
    %le3A_731 = arith.cmpi sle, %reduce_sum3A_730, %reduce_sum3A_661 : i32
    %add3A_732 = arith.constant 16 : i32
    %add3A_733 = arith.addi %select_n3A_720, %add3A_732 : i32
    %select_n3A_734 = arith.select %le3A_731, %add3A_733, %select_n3A_720 : i32
    %add3A_735 = arith.constant 7 : i32
    %add3A_736 = arith.addi %select_n3A_734, %add3A_735 : i32
    %mul3A_737 = arith.constant 16 : i32
    %mul3A_738 = arith.muli %add3A_736, %mul3A_737 : i32
    %get3A_739 = arith.index_cast %mul3A_738 : i32 to index
    %get3A_740 = tpu.vector_load %arg9[%get3A_739] {strides = array<i32>} : memref<4096xi32, #tpu.memory_space<vmem>>, vector<16xi32>,
    %reduce_sum3A_741 = arith.constant true
    %reduce_sum3A_742 = vector.broadcast %reduce_sum3A_741 : i1 to vector<16xi1>
    %reduce_sum3A_743 = tpu.scan <sum>, %get3A_740 masked %reduce_sum3A_742 : vector<16xi32>, vector<16xi1> -> vector<16xi32>
    %reduce_sum3A_744 = vector.extract %reduce_sum3A_743[15] : i32 from vector<16xi32>
    %le3A_745 = arith.cmpi sle, %reduce_sum3A_744, %reduce_sum3A_661 : i32
    %add3A_746 = arith.constant 8 : i32
    %add3A_747 = arith.addi %select_n3A_734, %add3A_746 : i32
    %select_n3A_748 = arith.select %le3A_745, %add3A_747, %select_n3A_734 : i32
    %add3A_749 = arith.constant 3 : i32
    %add3A_750 = arith.addi %select_n3A_748, %add3A_749 : i32
    %mul3A_751 = arith.constant 16 : i32
    %mul3A_752 = arith.muli %add3A_750, %mul3A_751 : i32
    %get3A_753 = arith.index_cast %mul3A_752 : i32 to index
    %get3A_754 = tpu.vector_load %arg9[%get3A_753] {strides = array<i32>} : memref<4096xi32, #tpu.memory_space<vmem>>, vector<16xi32>,
    %reduce_sum3A_755 = arith.constant true
    %reduce_sum3A_756 = vector.broadcast %reduce_sum3A_755 : i1 to vector<16xi1>
    %reduce_sum3A_757 = tpu.scan <sum>, %get3A_754 masked %reduce_sum3A_756 : vector<16xi32>, vector<16xi1> -> vector<16xi32>
    %reduce_sum3A_758 = vector.extract %reduce_sum3A_757[15] : i32 from vector<16xi32>
    %le3A_759 = arith.cmpi sle, %reduce_sum3A_758, %reduce_sum3A_661 : i32
    %add3A_760 = arith.constant 4 : i32
    %add3A_761 = arith.addi %select_n3A_748, %add3A_760 : i32
    %select_n3A_762 = arith.select %le3A_759, %add3A_761, %select_n3A_748 : i32
    %add3A_763 = arith.constant 1 : i32
    %add3A_764 = arith.addi %select_n3A_762, %add3A_763 : i32
    %mul3A_765 = arith.constant 16 : i32
    %mul3A_766 = arith.muli %add3A_764, %mul3A_765 : i32
    %get3A_767 = arith.index_cast %mul3A_766 : i32 to index
    %get3A_768 = tpu.vector_load %arg9[%get3A_767] {strides = array<i32>} : memref<4096xi32, #tpu.memory_space<vmem>>, vector<16xi32>,
    %reduce_sum3A_769 = arith.constant true
    %reduce_sum3A_770 = vector.broadcast %reduce_sum3A_769 : i1 to vector<16xi1>
    %reduce_sum3A_771 = tpu.scan <sum>, %get3A_768 masked %reduce_sum3A_770 : vector<16xi32>, vector<16xi1> -> vector<16xi32>
    %reduce_sum3A_772 = vector.extract %reduce_sum3A_771[15] : i32 from vector<16xi32>
    %le3A_773 = arith.cmpi sle, %reduce_sum3A_772, %reduce_sum3A_661 : i32
    %add3A_774 = arith.constant 2 : i32
    %add3A_775 = arith.addi %select_n3A_762, %add3A_774 : i32
    %select_n3A_776 = arith.select %le3A_773, %add3A_775, %select_n3A_762 : i32
    %add3A_777 = arith.constant 0 : i32
    %add3A_778 = arith.addi %select_n3A_776, %add3A_777 : i32
    %mul3A_779 = arith.constant 16 : i32
    %mul3A_780 = arith.muli %add3A_778, %mul3A_779 : i32
    %get3A_781 = arith.index_cast %mul3A_780 : i32 to index
    %get3A_782 = tpu.vector_load %arg9[%get3A_781] {strides = array<i32>} : memref<4096xi32, #tpu.memory_space<vmem>>, vector<16xi32>,
    %reduce_sum3A_783 = arith.constant true
    %reduce_sum3A_784 = vector.broadcast %reduce_sum3A_783 : i1 to vector<16xi1>
    %reduce_sum3A_785 = tpu.scan <sum>, %get3A_782 masked %reduce_sum3A_784 : vector<16xi32>, vector<16xi1> -> vector<16xi32>
    %reduce_sum3A_786 = vector.extract %reduce_sum3A_785[15] : i32 from vector<16xi32>
    %le3A_787 = arith.cmpi sle, %reduce_sum3A_786, %reduce_sum3A_661 : i32
    %add3A_788 = arith.constant 1 : i32
    %add3A_789 = arith.addi %select_n3A_776, %add3A_788 : i32
    %select_n3A_790 = arith.select %le3A_787, %add3A_789, %select_n3A_776 : i32
    %gt3A_791 = arith.constant 0 : i32
    %gt3A_792 = arith.cmpi sgt, %select_n3A_790, %gt3A_791 : i32
    %sub3A_793 = arith.constant 1 : i32
    %sub3A_794 = arith.subi %select_n3A_790, %sub3A_793 : i32
    %max3A_795 = arith.constant 0 : i32
    %max3A_796 = arith.maxsi %sub3A_794, %max3A_795 : i32
    %mul3A_797 = arith.constant 16 : i32
    %mul3A_798 = arith.muli %max3A_796, %mul3A_797 : i32
    %get3A_799 = arith.index_cast %mul3A_798 : i32 to index
    %get3A_800 = tpu.vector_load %arg9[%get3A_799] {strides = array<i32>} : memref<4096xi32, #tpu.memory_space<vmem>>, vector<16xi32>,
    %reduce_sum3A_801 = arith.constant true
    %reduce_sum3A_802 = vector.broadcast %reduce_sum3A_801 : i1 to vector<16xi1>
    %reduce_sum3A_803 = tpu.scan <sum>, %get3A_800 masked %reduce_sum3A_802 : vector<16xi32>, vector<16xi1> -> vector<16xi32>
    %reduce_sum3A_804 = vector.extract %reduce_sum3A_803[15] : i32 from vector<16xi32>
    %jit3A_805 = arith.constant 0 : i32
    %select_n3A_806 = arith.select %gt3A_792, %reduce_sum3A_804, %jit3A_805 : i32
    %sub3A_807 = arith.subi %reduce_sum3A_661, %select_n3A_806 : i32
    %lt3A_808 = arith.constant 128 : i32
    %lt3A_809 = arith.cmpi slt, %select_n3A_790, %lt3A_808 : i32
    %sub3A_810 = arith.constant 255 : i32
    %sub3A_811 = arith.subi %sub3A_810, %select_n3A_790 : i32
    %sub3A_812 = arith.constant 128 : i32
    %sub3A_813 = arith.subi %select_n3A_790, %sub3A_812 : i32
    %select_n3A_814 = arith.select %lt3A_809, %sub3A_811, %sub3A_813 : i32
    %ge3A_815 = arith.constant 128 : i32
    %ge3A_816 = arith.cmpi sge, %select_n3A_814, %ge3A_815 : i32
    %jit3A_817 = arith.constant -1 : i32
    %jit3A_818 = arith.constant -2147483648 : i32
    %select_n3A_819 = arith.select %ge3A_816, %jit3A_817, %jit3A_818 : i32
    %parallel_loop3A_820 = arith.constant 0 : i32
    %parallel_loop3A_821 = arith.constant 256 : i32
    %parallel_loop3A_822 = arith.constant 1 : i32
    scf.for %parallel_loop3A_1304 = %parallel_loop3A_820 to %parallel_loop3A_821 step %parallel_loop3A_822  : i32 {
      %parallel_loop3A_1305 = arith.constant 16 : i32
      %parallel_loop3A_1306 = arith.muli %parallel_loop3A_1304, %parallel_loop3A_1305 : i32
      %parallel_loop3A_1307 = arith.index_cast %parallel_loop3A_1306 : i32 to index
      %parallel_loop3A_1308 = tpu.vector_load %arg8[%parallel_loop3A_1307] {strides = array<i32>} : memref<4096xi32, #tpu.memory_space<vmem>>, vector<16xi32>,
      tpu.vector_store %arg8[%parallel_loop3A_1307], %broadcast_in_dim3A_3 {strides = array<i32>} : memref<4096xi32, #tpu.memory_space<vmem>>, vector<16xi32>,
    } {sc.loop_unroll_factor = 8 : i64, sc.parallel_access}
    %broadcast_in_dim3A_823 = arith.constant -1 : i32
    %broadcast_in_dim3A_824 = vector.broadcast %broadcast_in_dim3A_823 : i32 to vector<16xi32>
    %parallel_loop3A_825 = arith.constant 0 : i32
    %parallel_loop3A_826 = arith.constant 512 : i32
    %parallel_loop3A_827 = arith.constant 1 : i32
    %parallel_loop3A_828 = scf.for %parallel_loop3A_1304 = %parallel_loop3A_825 to %parallel_loop3A_826 step %parallel_loop3A_827 iter_args(%parallel_loop3A_1305 = %broadcast_in_dim3A_824) -> (vector<16xi32>)  : i32 {
      %parallel_loop3A_1306 = arith.constant 4 : i32
      %parallel_loop3A_1307 = arith.muli %parallel_loop3A_1304, %parallel_loop3A_1306 : i32
      %parallel_loop3A_1308 = arith.constant 0 : i32
      %parallel_loop3A_1309 = arith.addi %parallel_loop3A_1307, %parallel_loop3A_1308 : i32
      %parallel_loop3A_1310 = arith.constant 16 : i32
      %parallel_loop3A_1311 = arith.muli %parallel_loop3A_1309, %parallel_loop3A_1310 : i32
      %parallel_loop3A_1312 = arith.index_cast %parallel_loop3A_1311 : i32 to index
      %parallel_loop3A_1313 = tpu.vector_load %arg5[%parallel_loop3A_1312] {strides = array<i32>} : memref<32768xf32, #tpu.memory_space<vmem>>, vector<16xf32>,
      %parallel_loop3A_1314 = vector.bitcast %parallel_loop3A_1313 : vector<16xf32> to vector<16xi32>
      %parallel_loop3A_1315 = arith.constant 24 : i32
      %parallel_loop3A_1316 = vector.broadcast %parallel_loop3A_1315 : i32 to vector<16xi32>
      %parallel_loop3A_1317 = arith.shrui %parallel_loop3A_1314, %parallel_loop3A_1316 : vector<16xi32>
      %parallel_loop3A_1318 = vector.broadcast %select_n3A_814 : i32 to vector<16xi32>
      %parallel_loop3A_1319 = arith.cmpi eq, %parallel_loop3A_1317, %parallel_loop3A_1318 : vector<16xi32>
      %parallel_loop3A_1320 = vector.broadcast %select_n3A_819 : i32 to vector<16xi32>
      %parallel_loop3A_1321 = arith.xori %parallel_loop3A_1314, %parallel_loop3A_1320 : vector<16xi32>
      %parallel_loop3A_1322 = arith.extui %parallel_loop3A_1319 : vector<16xi1> to vector<16xi32>
      %parallel_loop3A_1323 = arith.constant true
      %parallel_loop3A_1324 = vector.broadcast %parallel_loop3A_1323 : i1 to vector<16xi1>
      %parallel_loop3A_1325 = tpu.scan <sum>, %parallel_loop3A_1322 masked %parallel_loop3A_1324 : vector<16xi32>, vector<16xi1> -> vector<16xi32>
      %parallel_loop3A_1326 = arith.addi %parallel_loop3A_1305, %parallel_loop3A_1325 : vector<16xi32>
      %parallel_loop3A_1327 = vector.bitcast %parallel_loop3A_1321 : vector<16xi32> to vector<16xf32>
      tpu.vector_store_idx %arg6[%parallel_loop3A_1326], %parallel_loop3A_1327 masked %parallel_loop3A_1319 : memref<32768xf32, #tpu.memory_space<vmem>>[vector<16xi32>], vector<16xf32>, vector<16xi1>
      %parallel_loop3A_1328 = arith.constant 16 : i32
      %parallel_loop3A_1329 = vector.broadcast %parallel_loop3A_1328 : i32 to vector<16xi32>
      %parallel_loop3A_1330 = arith.shrui %parallel_loop3A_1321, %parallel_loop3A_1329 : vector<16xi32>
      %parallel_loop3A_1331 = arith.constant 255 : i32
      %parallel_loop3A_1332 = vector.broadcast %parallel_loop3A_1331 : i32 to vector<16xi32>
      %parallel_loop3A_1333 = arith.andi %parallel_loop3A_1330, %parallel_loop3A_1332 : vector<16xi32>
      %parallel_loop3A_1334 = arith.constant 16 : i32
      %parallel_loop3A_1335 = vector.broadcast %parallel_loop3A_1334 : i32 to vector<16xi32>
      %parallel_loop3A_1336 = arith.muli %parallel_loop3A_1333, %parallel_loop3A_1335 : vector<16xi32>
      %parallel_loop3A_1337 = arith.addi %parallel_loop3A_1336, %iota3A : vector<16xi32>
      tpu.vector_store_idx %arg8[%parallel_loop3A_1337], %broadcast_in_dim3A_1 masked %parallel_loop3A_1319 {add = true} : memref<4096xi32, #tpu.memory_space<vmem>>[vector<16xi32>], vector<16xi32>, vector<16xi1>
      %parallel_loop3A_1338 = tpu.all_reduce %parallel_loop3A_1319 {dim = 0 : i64, kind = #tpu.reduction_kind<sum>} : vector<16xi1> -> vector<16xi32>
      %parallel_loop3A_1339 = arith.addi %parallel_loop3A_1305, %parallel_loop3A_1338 : vector<16xi32>
      %parallel_loop3A_1340 = arith.constant 4 : i32
      %parallel_loop3A_1341 = arith.muli %parallel_loop3A_1304, %parallel_loop3A_1340 : i32
      %parallel_loop3A_1342 = arith.constant 1 : i32
      %parallel_loop3A_1343 = arith.addi %parallel_loop3A_1341, %parallel_loop3A_1342 : i32
      %parallel_loop3A_1344 = arith.constant 16 : i32
      %parallel_loop3A_1345 = arith.muli %parallel_loop3A_1343, %parallel_loop3A_1344 : i32
      %parallel_loop3A_1346 = arith.index_cast %parallel_loop3A_1345 : i32 to index
      %parallel_loop3A_1347 = tpu.vector_load %arg5[%parallel_loop3A_1346] {strides = array<i32>} : memref<32768xf32, #tpu.memory_space<vmem>>, vector<16xf32>,
      %parallel_loop3A_1348 = vector.bitcast %parallel_loop3A_1347 : vector<16xf32> to vector<16xi32>
      %parallel_loop3A_1349 = arith.constant 24 : i32
      %parallel_loop3A_1350 = vector.broadcast %parallel_loop3A_1349 : i32 to vector<16xi32>
      %parallel_loop3A_1351 = arith.shrui %parallel_loop3A_1348, %parallel_loop3A_1350 : vector<16xi32>
      %parallel_loop3A_1352 = vector.broadcast %select_n3A_814 : i32 to vector<16xi32>
      %parallel_loop3A_1353 = arith.cmpi eq, %parallel_loop3A_1351, %parallel_loop3A_1352 : vector<16xi32>
      %parallel_loop3A_1354 = vector.broadcast %select_n3A_819 : i32 to vector<16xi32>
      %parallel_loop3A_1355 = arith.xori %parallel_loop3A_1348, %parallel_loop3A_1354 : vector<16xi32>
      %parallel_loop3A_1356 = arith.extui %parallel_loop3A_1353 : vector<16xi1> to vector<16xi32>
      %parallel_loop3A_1357 = arith.constant true
      %parallel_loop3A_1358 = vector.broadcast %parallel_loop3A_1357 : i1 to vector<16xi1>
      %parallel_loop3A_1359 = tpu.scan <sum>, %parallel_loop3A_1356 masked %parallel_loop3A_1358 : vector<16xi32>, vector<16xi1> -> vector<16xi32>
      %parallel_loop3A_1360 = arith.addi %parallel_loop3A_1339, %parallel_loop3A_1359 : vector<16xi32>
      %parallel_loop3A_1361 = vector.bitcast %parallel_loop3A_1355 : vector<16xi32> to vector<16xf32>
      tpu.vector_store_idx %arg6[%parallel_loop3A_1360], %parallel_loop3A_1361 masked %parallel_loop3A_1353 : memref<32768xf32, #tpu.memory_space<vmem>>[vector<16xi32>], vector<16xf32>, vector<16xi1>
      %parallel_loop3A_1362 = arith.constant 16 : i32
      %parallel_loop3A_1363 = vector.broadcast %parallel_loop3A_1362 : i32 to vector<16xi32>
      %parallel_loop3A_1364 = arith.shrui %parallel_loop3A_1355, %parallel_loop3A_1363 : vector<16xi32>
      %parallel_loop3A_1365 = arith.constant 255 : i32
      %parallel_loop3A_1366 = vector.broadcast %parallel_loop3A_1365 : i32 to vector<16xi32>
      %parallel_loop3A_1367 = arith.andi %parallel_loop3A_1364, %parallel_loop3A_1366 : vector<16xi32>
      %parallel_loop3A_1368 = arith.constant 16 : i32
      %parallel_loop3A_1369 = vector.broadcast %parallel_loop3A_1368 : i32 to vector<16xi32>
      %parallel_loop3A_1370 = arith.muli %parallel_loop3A_1367, %parallel_loop3A_1369 : vector<16xi32>
      %parallel_loop3A_1371 = arith.addi %parallel_loop3A_1370, %iota3A : vector<16xi32>
      tpu.vector_store_idx %arg8[%parallel_loop3A_1371], %broadcast_in_dim3A_1 masked %parallel_loop3A_1353 {add = true} : memref<4096xi32, #tpu.memory_space<vmem>>[vector<16xi32>], vector<16xi32>, vector<16xi1>
      %parallel_loop3A_1372 = tpu.all_reduce %parallel_loop3A_1353 {dim = 0 : i64, kind = #tpu.reduction_kind<sum>} : vector<16xi1> -> vector<16xi32>
      %parallel_loop3A_1373 = arith.addi %parallel_loop3A_1339, %parallel_loop3A_1372 : vector<16xi32>
      %parallel_loop3A_1374 = arith.constant 4 : i32
      %parallel_loop3A_1375 = arith.muli %parallel_loop3A_1304, %parallel_loop3A_1374 : i32
      %parallel_loop3A_1376 = arith.constant 2 : i32
      %parallel_loop3A_1377 = arith.addi %parallel_loop3A_1375, %parallel_loop3A_1376 : i32
      %parallel_loop3A_1378 = arith.constant 16 : i32
      %parallel_loop3A_1379 = arith.muli %parallel_loop3A_1377, %parallel_loop3A_1378 : i32
      %parallel_loop3A_1380 = arith.index_cast %parallel_loop3A_1379 : i32 to index
      %parallel_loop3A_1381 = tpu.vector_load %arg5[%parallel_loop3A_1380] {strides = array<i32>} : memref<32768xf32, #tpu.memory_space<vmem>>, vector<16xf32>,
      %parallel_loop3A_1382 = vector.bitcast %parallel_loop3A_1381 : vector<16xf32> to vector<16xi32>
      %parallel_loop3A_1383 = arith.constant 24 : i32
      %parallel_loop3A_1384 = vector.broadcast %parallel_loop3A_1383 : i32 to vector<16xi32>
      %parallel_loop3A_1385 = arith.shrui %parallel_loop3A_1382, %parallel_loop3A_1384 : vector<16xi32>
      %parallel_loop3A_1386 = vector.broadcast %select_n3A_814 : i32 to vector<16xi32>
      %parallel_loop3A_1387 = arith.cmpi eq, %parallel_loop3A_1385, %parallel_loop3A_1386 : vector<16xi32>
      %parallel_loop3A_1388 = vector.broadcast %select_n3A_819 : i32 to vector<16xi32>
      %parallel_loop3A_1389 = arith.xori %parallel_loop3A_1382, %parallel_loop3A_1388 : vector<16xi32>
      %parallel_loop3A_1390 = arith.extui %parallel_loop3A_1387 : vector<16xi1> to vector<16xi32>
      %parallel_loop3A_1391 = arith.constant true
      %parallel_loop3A_1392 = vector.broadcast %parallel_loop3A_1391 : i1 to vector<16xi1>
      %parallel_loop3A_1393 = tpu.scan <sum>, %parallel_loop3A_1390 masked %parallel_loop3A_1392 : vector<16xi32>, vector<16xi1> -> vector<16xi32>
      %parallel_loop3A_1394 = arith.addi %parallel_loop3A_1373, %parallel_loop3A_1393 : vector<16xi32>
      %parallel_loop3A_1395 = vector.bitcast %parallel_loop3A_1389 : vector<16xi32> to vector<16xf32>
      tpu.vector_store_idx %arg6[%parallel_loop3A_1394], %parallel_loop3A_1395 masked %parallel_loop3A_1387 : memref<32768xf32, #tpu.memory_space<vmem>>[vector<16xi32>], vector<16xf32>, vector<16xi1>
      %parallel_loop3A_1396 = arith.constant 16 : i32
      %parallel_loop3A_1397 = vector.broadcast %parallel_loop3A_1396 : i32 to vector<16xi32>
      %parallel_loop3A_1398 = arith.shrui %parallel_loop3A_1389, %parallel_loop3A_1397 : vector<16xi32>
      %parallel_loop3A_1399 = arith.constant 255 : i32
      %parallel_loop3A_1400 = vector.broadcast %parallel_loop3A_1399 : i32 to vector<16xi32>
      %parallel_loop3A_1401 = arith.andi %parallel_loop3A_1398, %parallel_loop3A_1400 : vector<16xi32>
      %parallel_loop3A_1402 = arith.constant 16 : i32
      %parallel_loop3A_1403 = vector.broadcast %parallel_loop3A_1402 : i32 to vector<16xi32>
      %parallel_loop3A_1404 = arith.muli %parallel_loop3A_1401, %parallel_loop3A_1403 : vector<16xi32>
      %parallel_loop3A_1405 = arith.addi %parallel_loop3A_1404, %iota3A : vector<16xi32>
      tpu.vector_store_idx %arg8[%parallel_loop3A_1405], %broadcast_in_dim3A_1 masked %parallel_loop3A_1387 {add = true} : memref<4096xi32, #tpu.memory_space<vmem>>[vector<16xi32>], vector<16xi32>, vector<16xi1>
      %parallel_loop3A_1406 = tpu.all_reduce %parallel_loop3A_1387 {dim = 0 : i64, kind = #tpu.reduction_kind<sum>} : vector<16xi1> -> vector<16xi32>
      %parallel_loop3A_1407 = arith.addi %parallel_loop3A_1373, %parallel_loop3A_1406 : vector<16xi32>
      %parallel_loop3A_1408 = arith.constant 4 : i32
      %parallel_loop3A_1409 = arith.muli %parallel_loop3A_1304, %parallel_loop3A_1408 : i32
      %parallel_loop3A_1410 = arith.constant 3 : i32
      %parallel_loop3A_1411 = arith.addi %parallel_loop3A_1409, %parallel_loop3A_1410 : i32
      %parallel_loop3A_1412 = arith.constant 16 : i32
      %parallel_loop3A_1413 = arith.muli %parallel_loop3A_1411, %parallel_loop3A_1412 : i32
      %parallel_loop3A_1414 = arith.index_cast %parallel_loop3A_1413 : i32 to index
      %parallel_loop3A_1415 = tpu.vector_load %arg5[%parallel_loop3A_1414] {strides = array<i32>} : memref<32768xf32, #tpu.memory_space<vmem>>, vector<16xf32>,
      %parallel_loop3A_1416 = vector.bitcast %parallel_loop3A_1415 : vector<16xf32> to vector<16xi32>
      %parallel_loop3A_1417 = arith.constant 24 : i32
      %parallel_loop3A_1418 = vector.broadcast %parallel_loop3A_1417 : i32 to vector<16xi32>
      %parallel_loop3A_1419 = arith.shrui %parallel_loop3A_1416, %parallel_loop3A_1418 : vector<16xi32>
      %parallel_loop3A_1420 = vector.broadcast %select_n3A_814 : i32 to vector<16xi32>
      %parallel_loop3A_1421 = arith.cmpi eq, %parallel_loop3A_1419, %parallel_loop3A_1420 : vector<16xi32>
      %parallel_loop3A_1422 = vector.broadcast %select_n3A_819 : i32 to vector<16xi32>
      %parallel_loop3A_1423 = arith.xori %parallel_loop3A_1416, %parallel_loop3A_1422 : vector<16xi32>
      %parallel_loop3A_1424 = arith.extui %parallel_loop3A_1421 : vector<16xi1> to vector<16xi32>
      %parallel_loop3A_1425 = arith.constant true
      %parallel_loop3A_1426 = vector.broadcast %parallel_loop3A_1425 : i1 to vector<16xi1>
      %parallel_loop3A_1427 = tpu.scan <sum>, %parallel_loop3A_1424 masked %parallel_loop3A_1426 : vector<16xi32>, vector<16xi1> -> vector<16xi32>
      %parallel_loop3A_1428 = arith.addi %parallel_loop3A_1407, %parallel_loop3A_1427 : vector<16xi32>
      %parallel_loop3A_1429 = vector.bitcast %parallel_loop3A_1423 : vector<16xi32> to vector<16xf32>
      tpu.vector_store_idx %arg6[%parallel_loop3A_1428], %parallel_loop3A_1429 masked %parallel_loop3A_1421 : memref<32768xf32, #tpu.memory_space<vmem>>[vector<16xi32>], vector<16xf32>, vector<16xi1>
      %parallel_loop3A_1430 = arith.constant 16 : i32
      %parallel_loop3A_1431 = vector.broadcast %parallel_loop3A_1430 : i32 to vector<16xi32>
      %parallel_loop3A_1432 = arith.shrui %parallel_loop3A_1423, %parallel_loop3A_1431 : vector<16xi32>
      %parallel_loop3A_1433 = arith.constant 255 : i32
      %parallel_loop3A_1434 = vector.broadcast %parallel_loop3A_1433 : i32 to vector<16xi32>
      %parallel_loop3A_1435 = arith.andi %parallel_loop3A_1432, %parallel_loop3A_1434 : vector<16xi32>
      %parallel_loop3A_1436 = arith.constant 16 : i32
      %parallel_loop3A_1437 = vector.broadcast %parallel_loop3A_1436 : i32 to vector<16xi32>
      %parallel_loop3A_1438 = arith.muli %parallel_loop3A_1435, %parallel_loop3A_1437 : vector<16xi32>
      %parallel_loop3A_1439 = arith.addi %parallel_loop3A_1438, %iota3A : vector<16xi32>
      tpu.vector_store_idx %arg8[%parallel_loop3A_1439], %broadcast_in_dim3A_1 masked %parallel_loop3A_1421 {add = true} : memref<4096xi32, #tpu.memory_space<vmem>>[vector<16xi32>], vector<16xi32>, vector<16xi1>
      %parallel_loop3A_1440 = tpu.all_reduce %parallel_loop3A_1421 {dim = 0 : i64, kind = #tpu.reduction_kind<sum>} : vector<16xi1> -> vector<16xi32>
      %parallel_loop3A_1441 = arith.addi %parallel_loop3A_1407, %parallel_loop3A_1440 : vector<16xi32>
      scf.yield %parallel_loop3A_1441 : vector<16xi32>
    } {sc.loop_unroll_factor = 2 : i64, sc.parallel_access}
    %eq3A_829 = arith.constant 0 : i32
    %eq3A_830 = vector.broadcast %eq3A_829 : i32 to vector<16xi32>
    %eq3A_831 = arith.cmpi eq, %iota3A, %eq3A_830 : vector<16xi32>
    %jit3A_832 = arith.constant 0 : i32
    %broadcast_in_dim3A_833 = vector.broadcast %jit3A_832 : i32 to vector<16xi32>
    %select_n3A_834 = arith.select %eq3A_831, %parallel_loop3A_828, %broadcast_in_dim3A_833 : vector<16xi1>, vector<16xi32>
    %reduce_sum3A_835 = arith.constant true
    %reduce_sum3A_836 = vector.broadcast %reduce_sum3A_835 : i1 to vector<16xi1>
    %reduce_sum3A_837 = tpu.scan <sum>, %select_n3A_834 masked %reduce_sum3A_836 : vector<16xi32>, vector<16xi1> -> vector<16xi32>
    %reduce_sum3A_838 = vector.extract %reduce_sum3A_837[15] : i32 from vector<16xi32>
    %add3A_839 = arith.constant 1 : i32
    %add3A_840 = arith.addi %reduce_sum3A_838, %add3A_839 : i32
    %add3A_841 = arith.constant 15 : i32
    %add3A_842 = arith.addi %add3A_840, %add3A_841 : i32
    %div3A_843 = arith.constant 16 : i32
    %div3A_844 = arith.divsi %add3A_842, %div3A_843 : i32
    %parallel_loop3A_845 = arith.constant 0 : i32
    %parallel_loop3A_846 = arith.constant 256 : i32
    %parallel_loop3A_847 = arith.constant 1 : i32
    %parallel_loop3A_848 = scf.for %parallel_loop3A_1304 = %parallel_loop3A_845 to %parallel_loop3A_846 step %parallel_loop3A_847 iter_args(%parallel_loop3A_1305 = %broadcast_in_dim3A_3) -> (vector<16xi32>)  : i32 {
      %parallel_loop3A_1306 = arith.constant 16 : i32
      %parallel_loop3A_1307 = arith.muli %parallel_loop3A_1304, %parallel_loop3A_1306 : i32
      %parallel_loop3A_1308 = arith.index_cast %parallel_loop3A_1307 : i32 to index
      %parallel_loop3A_1309 = tpu.vector_load %arg8[%parallel_loop3A_1308] {strides = array<i32>} : memref<4096xi32, #tpu.memory_space<vmem>>, vector<16xi32>,
      %parallel_loop3A_1310 = arith.addi %parallel_loop3A_1305, %parallel_loop3A_1309 : vector<16xi32>
      %parallel_loop3A_1311 = arith.constant 16 : i32
      %parallel_loop3A_1312 = arith.muli %parallel_loop3A_1304, %parallel_loop3A_1311 : i32
      %parallel_loop3A_1313 = arith.index_cast %parallel_loop3A_1312 : i32 to index
      %parallel_loop3A_1314 = tpu.vector_load %arg9[%parallel_loop3A_1313] {strides = array<i32>} : memref<4096xi32, #tpu.memory_space<vmem>>, vector<16xi32>,
      tpu.vector_store %arg9[%parallel_loop3A_1313], %parallel_loop3A_1310 {strides = array<i32>} : memref<4096xi32, #tpu.memory_space<vmem>>, vector<16xi32>,
      scf.yield %parallel_loop3A_1310 : vector<16xi32>
    } {sc.loop_unroll_factor = 8 : i64, sc.parallel_access}
    %add3A_849 = arith.constant 0 : i32
    %add3A_850 = arith.constant 127 : i32
    %add3A_851 = arith.addi %add3A_849, %add3A_850 : i32
    %mul3A_852 = arith.constant 16 : i32
    %mul3A_853 = arith.muli %add3A_851, %mul3A_852 : i32
    %get3A_854 = arith.index_cast %mul3A_853 : i32 to index
    %get3A_855 = tpu.vector_load %arg9[%get3A_854] {strides = array<i32>} : memref<4096xi32, #tpu.memory_space<vmem>>, vector<16xi32>,
    %reduce_sum3A_856 = arith.constant true
    %reduce_sum3A_857 = vector.broadcast %reduce_sum3A_856 : i1 to vector<16xi1>
    %reduce_sum3A_858 = tpu.scan <sum>, %get3A_855 masked %reduce_sum3A_857 : vector<16xi32>, vector<16xi1> -> vector<16xi32>
    %reduce_sum3A_859 = vector.extract %reduce_sum3A_858[15] : i32 from vector<16xi32>
    %le3A_860 = arith.cmpi sle, %reduce_sum3A_859, %sub3A_807 : i32
    %add3A_861 = arith.constant 0 : i32
    %add3A_862 = arith.constant 128 : i32
    %add3A_863 = arith.addi %add3A_861, %add3A_862 : i32
    %jit3A_864 = arith.constant 0 : i32
    %select_n3A_865 = arith.select %le3A_860, %add3A_863, %jit3A_864 : i32
    %add3A_866 = arith.constant 63 : i32
    %add3A_867 = arith.addi %select_n3A_865, %add3A_866 : i32
    %mul3A_868 = arith.constant 16 : i32
    %mul3A_869 = arith.muli %add3A_867, %mul3A_868 : i32
    %get3A_870 = arith.index_cast %mul3A_869 : i32 to index
    %get3A_871 = tpu.vector_load %arg9[%get3A_870] {strides = array<i32>} : memref<4096xi32, #tpu.memory_space<vmem>>, vector<16xi32>,
    %reduce_sum3A_872 = arith.constant true
    %reduce_sum3A_873 = vector.broadcast %reduce_sum3A_872 : i1 to vector<16xi1>
    %reduce_sum3A_874 = tpu.scan <sum>, %get3A_871 masked %reduce_sum3A_873 : vector<16xi32>, vector<16xi1> -> vector<16xi32>
    %reduce_sum3A_875 = vector.extract %reduce_sum3A_874[15] : i32 from vector<16xi32>
    %le3A_876 = arith.cmpi sle, %reduce_sum3A_875, %sub3A_807 : i32
    %add3A_877 = arith.constant 64 : i32
    %add3A_878 = arith.addi %select_n3A_865, %add3A_877 : i32
    %select_n3A_879 = arith.select %le3A_876, %add3A_878, %select_n3A_865 : i32
    %add3A_880 = arith.constant 31 : i32
    %add3A_881 = arith.addi %select_n3A_879, %add3A_880 : i32
    %mul3A_882 = arith.constant 16 : i32
    %mul3A_883 = arith.muli %add3A_881, %mul3A_882 : i32
    %get3A_884 = arith.index_cast %mul3A_883 : i32 to index
    %get3A_885 = tpu.vector_load %arg9[%get3A_884] {strides = array<i32>} : memref<4096xi32, #tpu.memory_space<vmem>>, vector<16xi32>,
    %reduce_sum3A_886 = arith.constant true
    %reduce_sum3A_887 = vector.broadcast %reduce_sum3A_886 : i1 to vector<16xi1>
    %reduce_sum3A_888 = tpu.scan <sum>, %get3A_885 masked %reduce_sum3A_887 : vector<16xi32>, vector<16xi1> -> vector<16xi32>
    %reduce_sum3A_889 = vector.extract %reduce_sum3A_888[15] : i32 from vector<16xi32>
    %le3A_890 = arith.cmpi sle, %reduce_sum3A_889, %sub3A_807 : i32
    %add3A_891 = arith.constant 32 : i32
    %add3A_892 = arith.addi %select_n3A_879, %add3A_891 : i32
    %select_n3A_893 = arith.select %le3A_890, %add3A_892, %select_n3A_879 : i32
    %add3A_894 = arith.constant 15 : i32
    %add3A_895 = arith.addi %select_n3A_893, %add3A_894 : i32
    %mul3A_896 = arith.constant 16 : i32
    %mul3A_897 = arith.muli %add3A_895, %mul3A_896 : i32
    %get3A_898 = arith.index_cast %mul3A_897 : i32 to index
    %get3A_899 = tpu.vector_load %arg9[%get3A_898] {strides = array<i32>} : memref<4096xi32, #tpu.memory_space<vmem>>, vector<16xi32>,
    %reduce_sum3A_900 = arith.constant true
    %reduce_sum3A_901 = vector.broadcast %reduce_sum3A_900 : i1 to vector<16xi1>
    %reduce_sum3A_902 = tpu.scan <sum>, %get3A_899 masked %reduce_sum3A_901 : vector<16xi32>, vector<16xi1> -> vector<16xi32>
    %reduce_sum3A_903 = vector.extract %reduce_sum3A_902[15] : i32 from vector<16xi32>
    %le3A_904 = arith.cmpi sle, %reduce_sum3A_903, %sub3A_807 : i32
    %add3A_905 = arith.constant 16 : i32
    %add3A_906 = arith.addi %select_n3A_893, %add3A_905 : i32
    %select_n3A_907 = arith.select %le3A_904, %add3A_906, %select_n3A_893 : i32
    %add3A_908 = arith.constant 7 : i32
    %add3A_909 = arith.addi %select_n3A_907, %add3A_908 : i32
    %mul3A_910 = arith.constant 16 : i32
    %mul3A_911 = arith.muli %add3A_909, %mul3A_910 : i32
    %get3A_912 = arith.index_cast %mul3A_911 : i32 to index
    %get3A_913 = tpu.vector_load %arg9[%get3A_912] {strides = array<i32>} : memref<4096xi32, #tpu.memory_space<vmem>>, vector<16xi32>,
    %reduce_sum3A_914 = arith.constant true
    %reduce_sum3A_915 = vector.broadcast %reduce_sum3A_914 : i1 to vector<16xi1>
    %reduce_sum3A_916 = tpu.scan <sum>, %get3A_913 masked %reduce_sum3A_915 : vector<16xi32>, vector<16xi1> -> vector<16xi32>
    %reduce_sum3A_917 = vector.extract %reduce_sum3A_916[15] : i32 from vector<16xi32>
    %le3A_918 = arith.cmpi sle, %reduce_sum3A_917, %sub3A_807 : i32
    %add3A_919 = arith.constant 8 : i32
    %add3A_920 = arith.addi %select_n3A_907, %add3A_919 : i32
    %select_n3A_921 = arith.select %le3A_918, %add3A_920, %select_n3A_907 : i32
    %add3A_922 = arith.constant 3 : i32
    %add3A_923 = arith.addi %select_n3A_921, %add3A_922 : i32
    %mul3A_924 = arith.constant 16 : i32
    %mul3A_925 = arith.muli %add3A_923, %mul3A_924 : i32
    %get3A_926 = arith.index_cast %mul3A_925 : i32 to index
    %get3A_927 = tpu.vector_load %arg9[%get3A_926] {strides = array<i32>} : memref<4096xi32, #tpu.memory_space<vmem>>, vector<16xi32>,
    %reduce_sum3A_928 = arith.constant true
    %reduce_sum3A_929 = vector.broadcast %reduce_sum3A_928 : i1 to vector<16xi1>
    %reduce_sum3A_930 = tpu.scan <sum>, %get3A_927 masked %reduce_sum3A_929 : vector<16xi32>, vector<16xi1> -> vector<16xi32>
    %reduce_sum3A_931 = vector.extract %reduce_sum3A_930[15] : i32 from vector<16xi32>
    %le3A_932 = arith.cmpi sle, %reduce_sum3A_931, %sub3A_807 : i32
    %add3A_933 = arith.constant 4 : i32
    %add3A_934 = arith.addi %select_n3A_921, %add3A_933 : i32
    %select_n3A_935 = arith.select %le3A_932, %add3A_934, %select_n3A_921 : i32
    %add3A_936 = arith.constant 1 : i32
    %add3A_937 = arith.addi %select_n3A_935, %add3A_936 : i32
    %mul3A_938 = arith.constant 16 : i32
    %mul3A_939 = arith.muli %add3A_937, %mul3A_938 : i32
    %get3A_940 = arith.index_cast %mul3A_939 : i32 to index
    %get3A_941 = tpu.vector_load %arg9[%get3A_940] {strides = array<i32>} : memref<4096xi32, #tpu.memory_space<vmem>>, vector<16xi32>,
    %reduce_sum3A_942 = arith.constant true
    %reduce_sum3A_943 = vector.broadcast %reduce_sum3A_942 : i1 to vector<16xi1>
    %reduce_sum3A_944 = tpu.scan <sum>, %get3A_941 masked %reduce_sum3A_943 : vector<16xi32>, vector<16xi1> -> vector<16xi32>
    %reduce_sum3A_945 = vector.extract %reduce_sum3A_944[15] : i32 from vector<16xi32>
    %le3A_946 = arith.cmpi sle, %reduce_sum3A_945, %sub3A_807 : i32
    %add3A_947 = arith.constant 2 : i32
    %add3A_948 = arith.addi %select_n3A_935, %add3A_947 : i32
    %select_n3A_949 = arith.select %le3A_946, %add3A_948, %select_n3A_935 : i32
    %add3A_950 = arith.constant 0 : i32
    %add3A_951 = arith.addi %select_n3A_949, %add3A_950 : i32
    %mul3A_952 = arith.constant 16 : i32
    %mul3A_953 = arith.muli %add3A_951, %mul3A_952 : i32
    %get3A_954 = arith.index_cast %mul3A_953 : i32 to index
    %get3A_955 = tpu.vector_load %arg9[%get3A_954] {strides = array<i32>} : memref<4096xi32, #tpu.memory_space<vmem>>, vector<16xi32>,
    %reduce_sum3A_956 = arith.constant true
    %reduce_sum3A_957 = vector.broadcast %reduce_sum3A_956 : i1 to vector<16xi1>
    %reduce_sum3A_958 = tpu.scan <sum>, %get3A_955 masked %reduce_sum3A_957 : vector<16xi32>, vector<16xi1> -> vector<16xi32>
    %reduce_sum3A_959 = vector.extract %reduce_sum3A_958[15] : i32 from vector<16xi32>
    %le3A_960 = arith.cmpi sle, %reduce_sum3A_959, %sub3A_807 : i32
    %add3A_961 = arith.constant 1 : i32
    %add3A_962 = arith.addi %select_n3A_949, %add3A_961 : i32
    %select_n3A_963 = arith.select %le3A_960, %add3A_962, %select_n3A_949 : i32
    %gt3A_964 = arith.constant 0 : i32
    %gt3A_965 = arith.cmpi sgt, %select_n3A_963, %gt3A_964 : i32
    %sub3A_966 = arith.constant 1 : i32
    %sub3A_967 = arith.subi %select_n3A_963, %sub3A_966 : i32
    %max3A_968 = arith.constant 0 : i32
    %max3A_969 = arith.maxsi %sub3A_967, %max3A_968 : i32
    %mul3A_970 = arith.constant 16 : i32
    %mul3A_971 = arith.muli %max3A_969, %mul3A_970 : i32
    %get3A_972 = arith.index_cast %mul3A_971 : i32 to index
    %get3A_973 = tpu.vector_load %arg9[%get3A_972] {strides = array<i32>} : memref<4096xi32, #tpu.memory_space<vmem>>, vector<16xi32>,
    %reduce_sum3A_974 = arith.constant true
    %reduce_sum3A_975 = vector.broadcast %reduce_sum3A_974 : i1 to vector<16xi1>
    %reduce_sum3A_976 = tpu.scan <sum>, %get3A_973 masked %reduce_sum3A_975 : vector<16xi32>, vector<16xi1> -> vector<16xi32>
    %reduce_sum3A_977 = vector.extract %reduce_sum3A_976[15] : i32 from vector<16xi32>
    %jit3A_978 = arith.constant 0 : i32
    %select_n3A_979 = arith.select %gt3A_965, %reduce_sum3A_977, %jit3A_978 : i32
    %sub3A_980 = arith.subi %sub3A_807, %select_n3A_979 : i32
    %parallel_loop3A_981 = arith.constant 0 : i32
    %parallel_loop3A_982 = arith.constant 256 : i32
    %parallel_loop3A_983 = arith.constant 1 : i32
    scf.for %parallel_loop3A_1304 = %parallel_loop3A_981 to %parallel_loop3A_982 step %parallel_loop3A_983  : i32 {
      %parallel_loop3A_1305 = arith.constant 16 : i32
      %parallel_loop3A_1306 = arith.muli %parallel_loop3A_1304, %parallel_loop3A_1305 : i32
      %parallel_loop3A_1307 = arith.index_cast %parallel_loop3A_1306 : i32 to index
      %parallel_loop3A_1308 = tpu.vector_load %arg8[%parallel_loop3A_1307] {strides = array<i32>} : memref<4096xi32, #tpu.memory_space<vmem>>, vector<16xi32>,
      tpu.vector_store %arg8[%parallel_loop3A_1307], %broadcast_in_dim3A_3 {strides = array<i32>} : memref<4096xi32, #tpu.memory_space<vmem>>, vector<16xi32>,
    } {sc.loop_unroll_factor = 8 : i64, sc.parallel_access}
    %broadcast_in_dim3A_984 = arith.constant -1 : i32
    %broadcast_in_dim3A_985 = vector.broadcast %broadcast_in_dim3A_984 : i32 to vector<16xi32>
    %parallel_loop3A_986 = arith.constant 0 : i32
    %parallel_loop3A_987 = arith.constant 1 : i32
    %parallel_loop3A_988 = scf.for %parallel_loop3A_1304 = %parallel_loop3A_986 to %div3A_844 step %parallel_loop3A_987 iter_args(%parallel_loop3A_1305 = %broadcast_in_dim3A_985) -> (vector<16xi32>)  : i32 {
      %parallel_loop3A_1306 = arith.constant 16 : i32
      %parallel_loop3A_1307 = arith.muli %parallel_loop3A_1304, %parallel_loop3A_1306 : i32
      %parallel_loop3A_1308 = arith.index_cast %parallel_loop3A_1307 : i32 to index
      %parallel_loop3A_1309 = tpu.vector_load %arg6[%parallel_loop3A_1308] {strides = array<i32>} : memref<32768xf32, #tpu.memory_space<vmem>>, vector<16xf32>,
      %parallel_loop3A_1310 = vector.bitcast %parallel_loop3A_1309 : vector<16xf32> to vector<16xi32>
      %parallel_loop3A_1311 = vector.broadcast %parallel_loop3A_1307 : i32 to vector<16xi32>
      %parallel_loop3A_1312 = arith.addi %parallel_loop3A_1311, %iota3A : vector<16xi32>
      %parallel_loop3A_1313 = vector.broadcast %add3A_840 : i32 to vector<16xi32>
      %parallel_loop3A_1314 = arith.cmpi slt, %parallel_loop3A_1312, %parallel_loop3A_1313 : vector<16xi32>
      %parallel_loop3A_1315 = arith.constant 16 : i32
      %parallel_loop3A_1316 = vector.broadcast %parallel_loop3A_1315 : i32 to vector<16xi32>
      %parallel_loop3A_1317 = arith.shrui %parallel_loop3A_1310, %parallel_loop3A_1316 : vector<16xi32>
      %parallel_loop3A_1318 = arith.constant 255 : i32
      %parallel_loop3A_1319 = vector.broadcast %parallel_loop3A_1318 : i32 to vector<16xi32>
      %parallel_loop3A_1320 = arith.andi %parallel_loop3A_1317, %parallel_loop3A_1319 : vector<16xi32>
      %parallel_loop3A_1321 = vector.broadcast %select_n3A_963 : i32 to vector<16xi32>
      %parallel_loop3A_1322 = arith.cmpi eq, %parallel_loop3A_1320, %parallel_loop3A_1321 : vector<16xi32>
      %parallel_loop3A_1323 = arith.andi %parallel_loop3A_1314, %parallel_loop3A_1322 : vector<16xi1>
      %parallel_loop3A_1324 = arith.extui %parallel_loop3A_1323 : vector<16xi1> to vector<16xi32>
      %parallel_loop3A_1325 = arith.constant true
      %parallel_loop3A_1326 = vector.broadcast %parallel_loop3A_1325 : i1 to vector<16xi1>
      %parallel_loop3A_1327 = tpu.scan <sum>, %parallel_loop3A_1324 masked %parallel_loop3A_1326 : vector<16xi32>, vector<16xi1> -> vector<16xi32>
      %parallel_loop3A_1328 = arith.addi %parallel_loop3A_1305, %parallel_loop3A_1327 : vector<16xi32>
      tpu.vector_store_idx %arg7[%parallel_loop3A_1328], %parallel_loop3A_1309 masked %parallel_loop3A_1323 : memref<32768xf32, #tpu.memory_space<vmem>>[vector<16xi32>], vector<16xf32>, vector<16xi1>
      %parallel_loop3A_1329 = arith.constant 8 : i32
      %parallel_loop3A_1330 = vector.broadcast %parallel_loop3A_1329 : i32 to vector<16xi32>
      %parallel_loop3A_1331 = arith.shrui %parallel_loop3A_1310, %parallel_loop3A_1330 : vector<16xi32>
      %parallel_loop3A_1332 = arith.constant 255 : i32
      %parallel_loop3A_1333 = vector.broadcast %parallel_loop3A_1332 : i32 to vector<16xi32>
      %parallel_loop3A_1334 = arith.andi %parallel_loop3A_1331, %parallel_loop3A_1333 : vector<16xi32>
      %parallel_loop3A_1335 = arith.constant 16 : i32
      %parallel_loop3A_1336 = vector.broadcast %parallel_loop3A_1335 : i32 to vector<16xi32>
      %parallel_loop3A_1337 = arith.muli %parallel_loop3A_1334, %parallel_loop3A_1336 : vector<16xi32>
      %parallel_loop3A_1338 = arith.addi %parallel_loop3A_1337, %iota3A : vector<16xi32>
      tpu.vector_store_idx %arg8[%parallel_loop3A_1338], %broadcast_in_dim3A_1 masked %parallel_loop3A_1323 {add = true} : memref<4096xi32, #tpu.memory_space<vmem>>[vector<16xi32>], vector<16xi32>, vector<16xi1>
      %parallel_loop3A_1339 = tpu.all_reduce %parallel_loop3A_1323 {dim = 0 : i64, kind = #tpu.reduction_kind<sum>} : vector<16xi1> -> vector<16xi32>
      %parallel_loop3A_1340 = arith.addi %parallel_loop3A_1305, %parallel_loop3A_1339 : vector<16xi32>
      scf.yield %parallel_loop3A_1340 : vector<16xi32>
    } {sc.loop_unroll_factor = 2 : i64, sc.parallel_access}
    %eq3A_989 = arith.constant 0 : i32
    %eq3A_990 = vector.broadcast %eq3A_989 : i32 to vector<16xi32>
    %eq3A_991 = arith.cmpi eq, %iota3A, %eq3A_990 : vector<16xi32>
    %jit3A_992 = arith.constant 0 : i32
    %broadcast_in_dim3A_993 = vector.broadcast %jit3A_992 : i32 to vector<16xi32>
    %select_n3A_994 = arith.select %eq3A_991, %parallel_loop3A_988, %broadcast_in_dim3A_993 : vector<16xi1>, vector<16xi32>
    %reduce_sum3A_995 = arith.constant true
    %reduce_sum3A_996 = vector.broadcast %reduce_sum3A_995 : i1 to vector<16xi1>
    %reduce_sum3A_997 = tpu.scan <sum>, %select_n3A_994 masked %reduce_sum3A_996 : vector<16xi32>, vector<16xi1> -> vector<16xi32>
    %reduce_sum3A_998 = vector.extract %reduce_sum3A_997[15] : i32 from vector<16xi32>
    %add3A_999 = arith.constant 1 : i32
    %add3A_1000 = arith.addi %reduce_sum3A_998, %add3A_999 : i32
    %parallel_loop3A_1001 = arith.constant 0 : i32
    %parallel_loop3A_1002 = arith.constant 256 : i32
    %parallel_loop3A_1003 = arith.constant 1 : i32
    %parallel_loop3A_1004 = scf.for %parallel_loop3A_1304 = %parallel_loop3A_1001 to %parallel_loop3A_1002 step %parallel_loop3A_1003 iter_args(%parallel_loop3A_1305 = %broadcast_in_dim3A_3) -> (vector<16xi32>)  : i32 {
      %parallel_loop3A_1306 = arith.constant 16 : i32
      %parallel_loop3A_1307 = arith.muli %parallel_loop3A_1304, %parallel_loop3A_1306 : i32
      %parallel_loop3A_1308 = arith.index_cast %parallel_loop3A_1307 : i32 to index
      %parallel_loop3A_1309 = tpu.vector_load %arg8[%parallel_loop3A_1308] {strides = array<i32>} : memref<4096xi32, #tpu.memory_space<vmem>>, vector<16xi32>,
      %parallel_loop3A_1310 = arith.addi %parallel_loop3A_1305, %parallel_loop3A_1309 : vector<16xi32>
      %parallel_loop3A_1311 = arith.constant 16 : i32
      %parallel_loop3A_1312 = arith.muli %parallel_loop3A_1304, %parallel_loop3A_1311 : i32
      %parallel_loop3A_1313 = arith.index_cast %parallel_loop3A_1312 : i32 to index
      %parallel_loop3A_1314 = tpu.vector_load %arg9[%parallel_loop3A_1313] {strides = array<i32>} : memref<4096xi32, #tpu.memory_space<vmem>>, vector<16xi32>,
      tpu.vector_store %arg9[%parallel_loop3A_1313], %parallel_loop3A_1310 {strides = array<i32>} : memref<4096xi32, #tpu.memory_space<vmem>>, vector<16xi32>,
      scf.yield %parallel_loop3A_1310 : vector<16xi32>
    } {sc.loop_unroll_factor = 8 : i64, sc.parallel_access}
    %add3A_1005 = arith.constant 0 : i32
    %add3A_1006 = arith.constant 127 : i32
    %add3A_1007 = arith.addi %add3A_1005, %add3A_1006 : i32
    %mul3A_1008 = arith.constant 16 : i32
    %mul3A_1009 = arith.muli %add3A_1007, %mul3A_1008 : i32
    %get3A_1010 = arith.index_cast %mul3A_1009 : i32 to index
    %get3A_1011 = tpu.vector_load %arg9[%get3A_1010] {strides = array<i32>} : memref<4096xi32, #tpu.memory_space<vmem>>, vector<16xi32>,
    %reduce_sum3A_1012 = arith.constant true
    %reduce_sum3A_1013 = vector.broadcast %reduce_sum3A_1012 : i1 to vector<16xi1>
    %reduce_sum3A_1014 = tpu.scan <sum>, %get3A_1011 masked %reduce_sum3A_1013 : vector<16xi32>, vector<16xi1> -> vector<16xi32>
    %reduce_sum3A_1015 = vector.extract %reduce_sum3A_1014[15] : i32 from vector<16xi32>
    %le3A_1016 = arith.cmpi sle, %reduce_sum3A_1015, %sub3A_980 : i32
    %add3A_1017 = arith.constant 0 : i32
    %add3A_1018 = arith.constant 128 : i32
    %add3A_1019 = arith.addi %add3A_1017, %add3A_1018 : i32
    %jit3A_1020 = arith.constant 0 : i32
    %select_n3A_1021 = arith.select %le3A_1016, %add3A_1019, %jit3A_1020 : i32
    %add3A_1022 = arith.constant 63 : i32
    %add3A_1023 = arith.addi %select_n3A_1021, %add3A_1022 : i32
    %mul3A_1024 = arith.constant 16 : i32
    %mul3A_1025 = arith.muli %add3A_1023, %mul3A_1024 : i32
    %get3A_1026 = arith.index_cast %mul3A_1025 : i32 to index
    %get3A_1027 = tpu.vector_load %arg9[%get3A_1026] {strides = array<i32>} : memref<4096xi32, #tpu.memory_space<vmem>>, vector<16xi32>,
    %reduce_sum3A_1028 = arith.constant true
    %reduce_sum3A_1029 = vector.broadcast %reduce_sum3A_1028 : i1 to vector<16xi1>
    %reduce_sum3A_1030 = tpu.scan <sum>, %get3A_1027 masked %reduce_sum3A_1029 : vector<16xi32>, vector<16xi1> -> vector<16xi32>
    %reduce_sum3A_1031 = vector.extract %reduce_sum3A_1030[15] : i32 from vector<16xi32>
    %le3A_1032 = arith.cmpi sle, %reduce_sum3A_1031, %sub3A_980 : i32
    %add3A_1033 = arith.constant 64 : i32
    %add3A_1034 = arith.addi %select_n3A_1021, %add3A_1033 : i32
    %select_n3A_1035 = arith.select %le3A_1032, %add3A_1034, %select_n3A_1021 : i32
    %add3A_1036 = arith.constant 31 : i32
    %add3A_1037 = arith.addi %select_n3A_1035, %add3A_1036 : i32
    %mul3A_1038 = arith.constant 16 : i32
    %mul3A_1039 = arith.muli %add3A_1037, %mul3A_1038 : i32
    %get3A_1040 = arith.index_cast %mul3A_1039 : i32 to index
    %get3A_1041 = tpu.vector_load %arg9[%get3A_1040] {strides = array<i32>} : memref<4096xi32, #tpu.memory_space<vmem>>, vector<16xi32>,
    %reduce_sum3A_1042 = arith.constant true
    %reduce_sum3A_1043 = vector.broadcast %reduce_sum3A_1042 : i1 to vector<16xi1>
    %reduce_sum3A_1044 = tpu.scan <sum>, %get3A_1041 masked %reduce_sum3A_1043 : vector<16xi32>, vector<16xi1> -> vector<16xi32>
    %reduce_sum3A_1045 = vector.extract %reduce_sum3A_1044[15] : i32 from vector<16xi32>
    %le3A_1046 = arith.cmpi sle, %reduce_sum3A_1045, %sub3A_980 : i32
    %add3A_1047 = arith.constant 32 : i32
    %add3A_1048 = arith.addi %select_n3A_1035, %add3A_1047 : i32
    %select_n3A_1049 = arith.select %le3A_1046, %add3A_1048, %select_n3A_1035 : i32
    %add3A_1050 = arith.constant 15 : i32
    %add3A_1051 = arith.addi %select_n3A_1049, %add3A_1050 : i32
    %mul3A_1052 = arith.constant 16 : i32
    %mul3A_1053 = arith.muli %add3A_1051, %mul3A_1052 : i32
    %get3A_1054 = arith.index_cast %mul3A_1053 : i32 to index
    %get3A_1055 = tpu.vector_load %arg9[%get3A_1054] {strides = array<i32>} : memref<4096xi32, #tpu.memory_space<vmem>>, vector<16xi32>,
    %reduce_sum3A_1056 = arith.constant true
    %reduce_sum3A_1057 = vector.broadcast %reduce_sum3A_1056 : i1 to vector<16xi1>
    %reduce_sum3A_1058 = tpu.scan <sum>, %get3A_1055 masked %reduce_sum3A_1057 : vector<16xi32>, vector<16xi1> -> vector<16xi32>
    %reduce_sum3A_1059 = vector.extract %reduce_sum3A_1058[15] : i32 from vector<16xi32>
    %le3A_1060 = arith.cmpi sle, %reduce_sum3A_1059, %sub3A_980 : i32
    %add3A_1061 = arith.constant 16 : i32
    %add3A_1062 = arith.addi %select_n3A_1049, %add3A_1061 : i32
    %select_n3A_1063 = arith.select %le3A_1060, %add3A_1062, %select_n3A_1049 : i32
    %add3A_1064 = arith.constant 7 : i32
    %add3A_1065 = arith.addi %select_n3A_1063, %add3A_1064 : i32
    %mul3A_1066 = arith.constant 16 : i32
    %mul3A_1067 = arith.muli %add3A_1065, %mul3A_1066 : i32
    %get3A_1068 = arith.index_cast %mul3A_1067 : i32 to index
    %get3A_1069 = tpu.vector_load %arg9[%get3A_1068] {strides = array<i32>} : memref<4096xi32, #tpu.memory_space<vmem>>, vector<16xi32>,
    %reduce_sum3A_1070 = arith.constant true
    %reduce_sum3A_1071 = vector.broadcast %reduce_sum3A_1070 : i1 to vector<16xi1>
    %reduce_sum3A_1072 = tpu.scan <sum>, %get3A_1069 masked %reduce_sum3A_1071 : vector<16xi32>, vector<16xi1> -> vector<16xi32>
    %reduce_sum3A_1073 = vector.extract %reduce_sum3A_1072[15] : i32 from vector<16xi32>
    %le3A_1074 = arith.cmpi sle, %reduce_sum3A_1073, %sub3A_980 : i32
    %add3A_1075 = arith.constant 8 : i32
    %add3A_1076 = arith.addi %select_n3A_1063, %add3A_1075 : i32
    %select_n3A_1077 = arith.select %le3A_1074, %add3A_1076, %select_n3A_1063 : i32
    %add3A_1078 = arith.constant 3 : i32
    %add3A_1079 = arith.addi %select_n3A_1077, %add3A_1078 : i32
    %mul3A_1080 = arith.constant 16 : i32
    %mul3A_1081 = arith.muli %add3A_1079, %mul3A_1080 : i32
    %get3A_1082 = arith.index_cast %mul3A_1081 : i32 to index
    %get3A_1083 = tpu.vector_load %arg9[%get3A_1082] {strides = array<i32>} : memref<4096xi32, #tpu.memory_space<vmem>>, vector<16xi32>,
    %reduce_sum3A_1084 = arith.constant true
    %reduce_sum3A_1085 = vector.broadcast %reduce_sum3A_1084 : i1 to vector<16xi1>
    %reduce_sum3A_1086 = tpu.scan <sum>, %get3A_1083 masked %reduce_sum3A_1085 : vector<16xi32>, vector<16xi1> -> vector<16xi32>
    %reduce_sum3A_1087 = vector.extract %reduce_sum3A_1086[15] : i32 from vector<16xi32>
    %le3A_1088 = arith.cmpi sle, %reduce_sum3A_1087, %sub3A_980 : i32
    %add3A_1089 = arith.constant 4 : i32
    %add3A_1090 = arith.addi %select_n3A_1077, %add3A_1089 : i32
    %select_n3A_1091 = arith.select %le3A_1088, %add3A_1090, %select_n3A_1077 : i32
    %add3A_1092 = arith.constant 1 : i32
    %add3A_1093 = arith.addi %select_n3A_1091, %add3A_1092 : i32
    %mul3A_1094 = arith.constant 16 : i32
    %mul3A_1095 = arith.muli %add3A_1093, %mul3A_1094 : i32
    %get3A_1096 = arith.index_cast %mul3A_1095 : i32 to index
    %get3A_1097 = tpu.vector_load %arg9[%get3A_1096] {strides = array<i32>} : memref<4096xi32, #tpu.memory_space<vmem>>, vector<16xi32>,
    %reduce_sum3A_1098 = arith.constant true
    %reduce_sum3A_1099 = vector.broadcast %reduce_sum3A_1098 : i1 to vector<16xi1>
    %reduce_sum3A_1100 = tpu.scan <sum>, %get3A_1097 masked %reduce_sum3A_1099 : vector<16xi32>, vector<16xi1> -> vector<16xi32>
    %reduce_sum3A_1101 = vector.extract %reduce_sum3A_1100[15] : i32 from vector<16xi32>
    %le3A_1102 = arith.cmpi sle, %reduce_sum3A_1101, %sub3A_980 : i32
    %add3A_1103 = arith.constant 2 : i32
    %add3A_1104 = arith.addi %select_n3A_1091, %add3A_1103 : i32
    %select_n3A_1105 = arith.select %le3A_1102, %add3A_1104, %select_n3A_1091 : i32
    %add3A_1106 = arith.constant 0 : i32
    %add3A_1107 = arith.addi %select_n3A_1105, %add3A_1106 : i32
    %mul3A_1108 = arith.constant 16 : i32
    %mul3A_1109 = arith.muli %add3A_1107, %mul3A_1108 : i32
    %get3A_1110 = arith.index_cast %mul3A_1109 : i32 to index
    %get3A_1111 = tpu.vector_load %arg9[%get3A_1110] {strides = array<i32>} : memref<4096xi32, #tpu.memory_space<vmem>>, vector<16xi32>,
    %reduce_sum3A_1112 = arith.constant true
    %reduce_sum3A_1113 = vector.broadcast %reduce_sum3A_1112 : i1 to vector<16xi1>
    %reduce_sum3A_1114 = tpu.scan <sum>, %get3A_1111 masked %reduce_sum3A_1113 : vector<16xi32>, vector<16xi1> -> vector<16xi32>
    %reduce_sum3A_1115 = vector.extract %reduce_sum3A_1114[15] : i32 from vector<16xi32>
    %le3A_1116 = arith.cmpi sle, %reduce_sum3A_1115, %sub3A_980 : i32
    %add3A_1117 = arith.constant 1 : i32
    %add3A_1118 = arith.addi %select_n3A_1105, %add3A_1117 : i32
    %select_n3A_1119 = arith.select %le3A_1116, %add3A_1118, %select_n3A_1105 : i32
    %gt3A_1120 = arith.constant 0 : i32
    %gt3A_1121 = arith.cmpi sgt, %select_n3A_1119, %gt3A_1120 : i32
    %sub3A_1122 = arith.constant 1 : i32
    %sub3A_1123 = arith.subi %select_n3A_1119, %sub3A_1122 : i32
    %max3A_1124 = arith.constant 0 : i32
    %max3A_1125 = arith.maxsi %sub3A_1123, %max3A_1124 : i32
    %mul3A_1126 = arith.constant 16 : i32
    %mul3A_1127 = arith.muli %max3A_1125, %mul3A_1126 : i32
    %get3A_1128 = arith.index_cast %mul3A_1127 : i32 to index
    %get3A_1129 = tpu.vector_load %arg9[%get3A_1128] {strides = array<i32>} : memref<4096xi32, #tpu.memory_space<vmem>>, vector<16xi32>,
    %reduce_sum3A_1130 = arith.constant true
    %reduce_sum3A_1131 = vector.broadcast %reduce_sum3A_1130 : i1 to vector<16xi1>
    %reduce_sum3A_1132 = tpu.scan <sum>, %get3A_1129 masked %reduce_sum3A_1131 : vector<16xi32>, vector<16xi1> -> vector<16xi32>
    %reduce_sum3A_1133 = vector.extract %reduce_sum3A_1132[15] : i32 from vector<16xi32>
    %jit3A_1134 = arith.constant 0 : i32
    %select_n3A_1135 = arith.select %gt3A_1121, %reduce_sum3A_1133, %jit3A_1134 : i32
    %sub3A_1136 = arith.subi %sub3A_980, %select_n3A_1135 : i32
    %parallel_loop3A_1137 = arith.constant 0 : i32
    %parallel_loop3A_1138 = arith.constant 256 : i32
    %parallel_loop3A_1139 = arith.constant 1 : i32
    scf.for %parallel_loop3A_1304 = %parallel_loop3A_1137 to %parallel_loop3A_1138 step %parallel_loop3A_1139  : i32 {
      %parallel_loop3A_1305 = arith.constant 16 : i32
      %parallel_loop3A_1306 = arith.muli %parallel_loop3A_1304, %parallel_loop3A_1305 : i32
      %parallel_loop3A_1307 = arith.index_cast %parallel_loop3A_1306 : i32 to index
      %parallel_loop3A_1308 = tpu.vector_load %arg8[%parallel_loop3A_1307] {strides = array<i32>} : memref<4096xi32, #tpu.memory_space<vmem>>, vector<16xi32>,
      tpu.vector_store %arg8[%parallel_loop3A_1307], %broadcast_in_dim3A_3 {strides = array<i32>} : memref<4096xi32, #tpu.memory_space<vmem>>, vector<16xi32>,
    } {sc.loop_unroll_factor = 8 : i64, sc.parallel_access}
    %add3A_1140 = arith.constant 15 : i32
    %add3A_1141 = arith.addi %add3A_1000, %add3A_1140 : i32
    %div3A_1142 = arith.constant 16 : i32
    %div3A_1143 = arith.divsi %add3A_1141, %div3A_1142 : i32
    %parallel_loop3A_1144 = arith.constant 0 : i32
    %parallel_loop3A_1145 = arith.constant 1 : i32
    scf.for %parallel_loop3A_1304 = %parallel_loop3A_1144 to %div3A_1143 step %parallel_loop3A_1145  : i32 {
      %parallel_loop3A_1305 = arith.constant 16 : i32
      %parallel_loop3A_1306 = arith.muli %parallel_loop3A_1304, %parallel_loop3A_1305 : i32
      %parallel_loop3A_1307 = arith.index_cast %parallel_loop3A_1306 : i32 to index
      %parallel_loop3A_1308 = tpu.vector_load %arg7[%parallel_loop3A_1307] {strides = array<i32>} : memref<32768xf32, #tpu.memory_space<vmem>>, vector<16xf32>,
      %parallel_loop3A_1309 = vector.bitcast %parallel_loop3A_1308 : vector<16xf32> to vector<16xi32>
      %parallel_loop3A_1310 = vector.broadcast %parallel_loop3A_1306 : i32 to vector<16xi32>
      %parallel_loop3A_1311 = arith.addi %parallel_loop3A_1310, %iota3A : vector<16xi32>
      %parallel_loop3A_1312 = vector.broadcast %add3A_1000 : i32 to vector<16xi32>
      %parallel_loop3A_1313 = arith.cmpi slt, %parallel_loop3A_1311, %parallel_loop3A_1312 : vector<16xi32>
      %parallel_loop3A_1314 = arith.constant 8 : i32
      %parallel_loop3A_1315 = vector.broadcast %parallel_loop3A_1314 : i32 to vector<16xi32>
      %parallel_loop3A_1316 = arith.shrui %parallel_loop3A_1309, %parallel_loop3A_1315 : vector<16xi32>
      %parallel_loop3A_1317 = arith.constant 255 : i32
      %parallel_loop3A_1318 = vector.broadcast %parallel_loop3A_1317 : i32 to vector<16xi32>
      %parallel_loop3A_1319 = arith.andi %parallel_loop3A_1316, %parallel_loop3A_1318 : vector<16xi32>
      %parallel_loop3A_1320 = vector.broadcast %select_n3A_1119 : i32 to vector<16xi32>
      %parallel_loop3A_1321 = arith.cmpi eq, %parallel_loop3A_1319, %parallel_loop3A_1320 : vector<16xi32>
      %parallel_loop3A_1322 = arith.andi %parallel_loop3A_1313, %parallel_loop3A_1321 : vector<16xi1>
      %parallel_loop3A_1323 = arith.constant 255 : i32
      %parallel_loop3A_1324 = vector.broadcast %parallel_loop3A_1323 : i32 to vector<16xi32>
      %parallel_loop3A_1325 = arith.andi %parallel_loop3A_1309, %parallel_loop3A_1324 : vector<16xi32>
      %parallel_loop3A_1326 = arith.constant 16 : i32
      %parallel_loop3A_1327 = vector.broadcast %parallel_loop3A_1326 : i32 to vector<16xi32>
      %parallel_loop3A_1328 = arith.muli %parallel_loop3A_1325, %parallel_loop3A_1327 : vector<16xi32>
      %parallel_loop3A_1329 = arith.addi %parallel_loop3A_1328, %iota3A : vector<16xi32>
      tpu.vector_store_idx %arg8[%parallel_loop3A_1329], %broadcast_in_dim3A_1 masked %parallel_loop3A_1322 {add = true} : memref<4096xi32, #tpu.memory_space<vmem>>[vector<16xi32>], vector<16xi32>, vector<16xi1>
    } {sc.loop_unroll_factor = 2 : i64, sc.parallel_access}
    %parallel_loop3A_1146 = arith.constant 0 : i32
    %parallel_loop3A_1147 = arith.constant 256 : i32
    %parallel_loop3A_1148 = arith.constant 1 : i32
    %parallel_loop3A_1149 = scf.for %parallel_loop3A_1304 = %parallel_loop3A_1146 to %parallel_loop3A_1147 step %parallel_loop3A_1148 iter_args(%parallel_loop3A_1305 = %broadcast_in_dim3A_3) -> (vector<16xi32>)  : i32 {
      %parallel_loop3A_1306 = arith.constant 16 : i32
      %parallel_loop3A_1307 = arith.muli %parallel_loop3A_1304, %parallel_loop3A_1306 : i32
      %parallel_loop3A_1308 = arith.index_cast %parallel_loop3A_1307 : i32 to index
      %parallel_loop3A_1309 = tpu.vector_load %arg8[%parallel_loop3A_1308] {strides = array<i32>} : memref<4096xi32, #tpu.memory_space<vmem>>, vector<16xi32>,
      %parallel_loop3A_1310 = arith.addi %parallel_loop3A_1305, %parallel_loop3A_1309 : vector<16xi32>
      %parallel_loop3A_1311 = arith.constant 16 : i32
      %parallel_loop3A_1312 = arith.muli %parallel_loop3A_1304, %parallel_loop3A_1311 : i32
      %parallel_loop3A_1313 = arith.index_cast %parallel_loop3A_1312 : i32 to index
      %parallel_loop3A_1314 = tpu.vector_load %arg9[%parallel_loop3A_1313] {strides = array<i32>} : memref<4096xi32, #tpu.memory_space<vmem>>, vector<16xi32>,
      tpu.vector_store %arg9[%parallel_loop3A_1313], %parallel_loop3A_1310 {strides = array<i32>} : memref<4096xi32, #tpu.memory_space<vmem>>, vector<16xi32>,
      scf.yield %parallel_loop3A_1310 : vector<16xi32>
    } {sc.loop_unroll_factor = 8 : i64, sc.parallel_access}
    %add3A_1150 = arith.constant 0 : i32
    %add3A_1151 = arith.constant 127 : i32
    %add3A_1152 = arith.addi %add3A_1150, %add3A_1151 : i32
    %mul3A_1153 = arith.constant 16 : i32
    %mul3A_1154 = arith.muli %add3A_1152, %mul3A_1153 : i32
    %get3A_1155 = arith.index_cast %mul3A_1154 : i32 to index
    %get3A_1156 = tpu.vector_load %arg9[%get3A_1155] {strides = array<i32>} : memref<4096xi32, #tpu.memory_space<vmem>>, vector<16xi32>,
    %reduce_sum3A_1157 = arith.constant true
    %reduce_sum3A_1158 = vector.broadcast %reduce_sum3A_1157 : i1 to vector<16xi1>
    %reduce_sum3A_1159 = tpu.scan <sum>, %get3A_1156 masked %reduce_sum3A_1158 : vector<16xi32>, vector<16xi1> -> vector<16xi32>
    %reduce_sum3A_1160 = vector.extract %reduce_sum3A_1159[15] : i32 from vector<16xi32>
    %le3A_1161 = arith.cmpi sle, %reduce_sum3A_1160, %sub3A_1136 : i32
    %add3A_1162 = arith.constant 0 : i32
    %add3A_1163 = arith.constant 128 : i32
    %add3A_1164 = arith.addi %add3A_1162, %add3A_1163 : i32
    %jit3A_1165 = arith.constant 0 : i32
    %select_n3A_1166 = arith.select %le3A_1161, %add3A_1164, %jit3A_1165 : i32
    %add3A_1167 = arith.constant 63 : i32
    %add3A_1168 = arith.addi %select_n3A_1166, %add3A_1167 : i32
    %mul3A_1169 = arith.constant 16 : i32
    %mul3A_1170 = arith.muli %add3A_1168, %mul3A_1169 : i32
    %get3A_1171 = arith.index_cast %mul3A_1170 : i32 to index
    %get3A_1172 = tpu.vector_load %arg9[%get3A_1171] {strides = array<i32>} : memref<4096xi32, #tpu.memory_space<vmem>>, vector<16xi32>,
    %reduce_sum3A_1173 = arith.constant true
    %reduce_sum3A_1174 = vector.broadcast %reduce_sum3A_1173 : i1 to vector<16xi1>
    %reduce_sum3A_1175 = tpu.scan <sum>, %get3A_1172 masked %reduce_sum3A_1174 : vector<16xi32>, vector<16xi1> -> vector<16xi32>
    %reduce_sum3A_1176 = vector.extract %reduce_sum3A_1175[15] : i32 from vector<16xi32>
    %le3A_1177 = arith.cmpi sle, %reduce_sum3A_1176, %sub3A_1136 : i32
    %add3A_1178 = arith.constant 64 : i32
    %add3A_1179 = arith.addi %select_n3A_1166, %add3A_1178 : i32
    %select_n3A_1180 = arith.select %le3A_1177, %add3A_1179, %select_n3A_1166 : i32
    %add3A_1181 = arith.constant 31 : i32
    %add3A_1182 = arith.addi %select_n3A_1180, %add3A_1181 : i32
    %mul3A_1183 = arith.constant 16 : i32
    %mul3A_1184 = arith.muli %add3A_1182, %mul3A_1183 : i32
    %get3A_1185 = arith.index_cast %mul3A_1184 : i32 to index
    %get3A_1186 = tpu.vector_load %arg9[%get3A_1185] {strides = array<i32>} : memref<4096xi32, #tpu.memory_space<vmem>>, vector<16xi32>,
    %reduce_sum3A_1187 = arith.constant true
    %reduce_sum3A_1188 = vector.broadcast %reduce_sum3A_1187 : i1 to vector<16xi1>
    %reduce_sum3A_1189 = tpu.scan <sum>, %get3A_1186 masked %reduce_sum3A_1188 : vector<16xi32>, vector<16xi1> -> vector<16xi32>
    %reduce_sum3A_1190 = vector.extract %reduce_sum3A_1189[15] : i32 from vector<16xi32>
    %le3A_1191 = arith.cmpi sle, %reduce_sum3A_1190, %sub3A_1136 : i32
    %add3A_1192 = arith.constant 32 : i32
    %add3A_1193 = arith.addi %select_n3A_1180, %add3A_1192 : i32
    %select_n3A_1194 = arith.select %le3A_1191, %add3A_1193, %select_n3A_1180 : i32
    %add3A_1195 = arith.constant 15 : i32
    %add3A_1196 = arith.addi %select_n3A_1194, %add3A_1195 : i32
    %mul3A_1197 = arith.constant 16 : i32
    %mul3A_1198 = arith.muli %add3A_1196, %mul3A_1197 : i32
    %get3A_1199 = arith.index_cast %mul3A_1198 : i32 to index
    %get3A_1200 = tpu.vector_load %arg9[%get3A_1199] {strides = array<i32>} : memref<4096xi32, #tpu.memory_space<vmem>>, vector<16xi32>,
    %reduce_sum3A_1201 = arith.constant true
    %reduce_sum3A_1202 = vector.broadcast %reduce_sum3A_1201 : i1 to vector<16xi1>
    %reduce_sum3A_1203 = tpu.scan <sum>, %get3A_1200 masked %reduce_sum3A_1202 : vector<16xi32>, vector<16xi1> -> vector<16xi32>
    %reduce_sum3A_1204 = vector.extract %reduce_sum3A_1203[15] : i32 from vector<16xi32>
    %le3A_1205 = arith.cmpi sle, %reduce_sum3A_1204, %sub3A_1136 : i32
    %add3A_1206 = arith.constant 16 : i32
    %add3A_1207 = arith.addi %select_n3A_1194, %add3A_1206 : i32
    %select_n3A_1208 = arith.select %le3A_1205, %add3A_1207, %select_n3A_1194 : i32
    %add3A_1209 = arith.constant 7 : i32
    %add3A_1210 = arith.addi %select_n3A_1208, %add3A_1209 : i32
    %mul3A_1211 = arith.constant 16 : i32
    %mul3A_1212 = arith.muli %add3A_1210, %mul3A_1211 : i32
    %get3A_1213 = arith.index_cast %mul3A_1212 : i32 to index
    %get3A_1214 = tpu.vector_load %arg9[%get3A_1213] {strides = array<i32>} : memref<4096xi32, #tpu.memory_space<vmem>>, vector<16xi32>,
    %reduce_sum3A_1215 = arith.constant true
    %reduce_sum3A_1216 = vector.broadcast %reduce_sum3A_1215 : i1 to vector<16xi1>
    %reduce_sum3A_1217 = tpu.scan <sum>, %get3A_1214 masked %reduce_sum3A_1216 : vector<16xi32>, vector<16xi1> -> vector<16xi32>
    %reduce_sum3A_1218 = vector.extract %reduce_sum3A_1217[15] : i32 from vector<16xi32>
    %le3A_1219 = arith.cmpi sle, %reduce_sum3A_1218, %sub3A_1136 : i32
    %add3A_1220 = arith.constant 8 : i32
    %add3A_1221 = arith.addi %select_n3A_1208, %add3A_1220 : i32
    %select_n3A_1222 = arith.select %le3A_1219, %add3A_1221, %select_n3A_1208 : i32
    %add3A_1223 = arith.constant 3 : i32
    %add3A_1224 = arith.addi %select_n3A_1222, %add3A_1223 : i32
    %mul3A_1225 = arith.constant 16 : i32
    %mul3A_1226 = arith.muli %add3A_1224, %mul3A_1225 : i32
    %get3A_1227 = arith.index_cast %mul3A_1226 : i32 to index
    %get3A_1228 = tpu.vector_load %arg9[%get3A_1227] {strides = array<i32>} : memref<4096xi32, #tpu.memory_space<vmem>>, vector<16xi32>,
    %reduce_sum3A_1229 = arith.constant true
    %reduce_sum3A_1230 = vector.broadcast %reduce_sum3A_1229 : i1 to vector<16xi1>
    %reduce_sum3A_1231 = tpu.scan <sum>, %get3A_1228 masked %reduce_sum3A_1230 : vector<16xi32>, vector<16xi1> -> vector<16xi32>
    %reduce_sum3A_1232 = vector.extract %reduce_sum3A_1231[15] : i32 from vector<16xi32>
    %le3A_1233 = arith.cmpi sle, %reduce_sum3A_1232, %sub3A_1136 : i32
    %add3A_1234 = arith.constant 4 : i32
    %add3A_1235 = arith.addi %select_n3A_1222, %add3A_1234 : i32
    %select_n3A_1236 = arith.select %le3A_1233, %add3A_1235, %select_n3A_1222 : i32
    %add3A_1237 = arith.constant 1 : i32
    %add3A_1238 = arith.addi %select_n3A_1236, %add3A_1237 : i32
    %mul3A_1239 = arith.constant 16 : i32
    %mul3A_1240 = arith.muli %add3A_1238, %mul3A_1239 : i32
    %get3A_1241 = arith.index_cast %mul3A_1240 : i32 to index
    %get3A_1242 = tpu.vector_load %arg9[%get3A_1241] {strides = array<i32>} : memref<4096xi32, #tpu.memory_space<vmem>>, vector<16xi32>,
    %reduce_sum3A_1243 = arith.constant true
    %reduce_sum3A_1244 = vector.broadcast %reduce_sum3A_1243 : i1 to vector<16xi1>
    %reduce_sum3A_1245 = tpu.scan <sum>, %get3A_1242 masked %reduce_sum3A_1244 : vector<16xi32>, vector<16xi1> -> vector<16xi32>
    %reduce_sum3A_1246 = vector.extract %reduce_sum3A_1245[15] : i32 from vector<16xi32>
    %le3A_1247 = arith.cmpi sle, %reduce_sum3A_1246, %sub3A_1136 : i32
    %add3A_1248 = arith.constant 2 : i32
    %add3A_1249 = arith.addi %select_n3A_1236, %add3A_1248 : i32
    %select_n3A_1250 = arith.select %le3A_1247, %add3A_1249, %select_n3A_1236 : i32
    %add3A_1251 = arith.constant 0 : i32
    %add3A_1252 = arith.addi %select_n3A_1250, %add3A_1251 : i32
    %mul3A_1253 = arith.constant 16 : i32
    %mul3A_1254 = arith.muli %add3A_1252, %mul3A_1253 : i32
    %get3A_1255 = arith.index_cast %mul3A_1254 : i32 to index
    %get3A_1256 = tpu.vector_load %arg9[%get3A_1255] {strides = array<i32>} : memref<4096xi32, #tpu.memory_space<vmem>>, vector<16xi32>,
    %reduce_sum3A_1257 = arith.constant true
    %reduce_sum3A_1258 = vector.broadcast %reduce_sum3A_1257 : i1 to vector<16xi1>
    %reduce_sum3A_1259 = tpu.scan <sum>, %get3A_1256 masked %reduce_sum3A_1258 : vector<16xi32>, vector<16xi1> -> vector<16xi32>
    %reduce_sum3A_1260 = vector.extract %reduce_sum3A_1259[15] : i32 from vector<16xi32>
    %le3A_1261 = arith.cmpi sle, %reduce_sum3A_1260, %sub3A_1136 : i32
    %add3A_1262 = arith.constant 1 : i32
    %add3A_1263 = arith.addi %select_n3A_1250, %add3A_1262 : i32
    %select_n3A_1264 = arith.select %le3A_1261, %add3A_1263, %select_n3A_1250 : i32
    %gt3A_1265 = arith.constant 0 : i32
    %gt3A_1266 = arith.cmpi sgt, %select_n3A_1264, %gt3A_1265 : i32
    %sub3A_1267 = arith.constant 1 : i32
    %sub3A_1268 = arith.subi %select_n3A_1264, %sub3A_1267 : i32
    %max3A_1269 = arith.constant 0 : i32
    %max3A_1270 = arith.maxsi %sub3A_1268, %max3A_1269 : i32
    %mul3A_1271 = arith.constant 16 : i32
    %mul3A_1272 = arith.muli %max3A_1270, %mul3A_1271 : i32
    %get3A_1273 = arith.index_cast %mul3A_1272 : i32 to index
    %get3A_1274 = tpu.vector_load %arg9[%get3A_1273] {strides = array<i32>} : memref<4096xi32, #tpu.memory_space<vmem>>, vector<16xi32>,
    %reduce_sum3A_1275 = arith.constant true
    %reduce_sum3A_1276 = vector.broadcast %reduce_sum3A_1275 : i1 to vector<16xi1>
    %reduce_sum3A_1277 = tpu.scan <sum>, %get3A_1274 masked %reduce_sum3A_1276 : vector<16xi32>, vector<16xi1> -> vector<16xi32>
    %reduce_sum3A_1278 = vector.extract %reduce_sum3A_1277[15] : i32 from vector<16xi32>
    %jit3A_1279 = arith.constant 0 : i32
    %select_n3A_1280 = arith.select %gt3A_1266, %reduce_sum3A_1278, %jit3A_1279 : i32
    %shift_left3A_1281 = arith.constant 24 : i32
    %shift_left3A_1282 = arith.shli %select_n3A_790, %shift_left3A_1281 : i32
    %shift_left3A_1283 = arith.constant 16 : i32
    %shift_left3A_1284 = arith.shli %select_n3A_963, %shift_left3A_1283 : i32
    %or3A_1285 = arith.ori %shift_left3A_1282, %shift_left3A_1284 : i32
    %shift_left3A_1286 = arith.constant 8 : i32
    %shift_left3A_1287 = arith.shli %select_n3A_1119, %shift_left3A_1286 : i32
    %or3A_1288 = arith.ori %or3A_1285, %shift_left3A_1287 : i32
    %or3A_1289 = arith.ori %or3A_1288, %select_n3A_1264 : i32
    %broadcast_in_dim3A_1290 = vector.broadcast %or3A_1289 : i32 to vector<16xi32>
    %lt3A_1291 = arith.constant 0 : i32
    %lt3A_1292 = vector.broadcast %lt3A_1291 : i32 to vector<16xi32>
    %lt3A_1293 = arith.cmpi slt, %broadcast_in_dim3A_1290, %lt3A_1292 : vector<16xi32>
    %xor3A_1294 = arith.constant -2147483648 : i32
    %xor3A_1295 = vector.broadcast %xor3A_1294 : i32 to vector<16xi32>
    %xor3A_1296 = arith.xori %broadcast_in_dim3A_1290, %xor3A_1295 : vector<16xi32>
    %not3A_1297 = arith.constant dense<-1> : vector<16xi32>
    %not3A_1298 = arith.xori %broadcast_in_dim3A_1290, %not3A_1297 : vector<16xi32>
    %select_n3A_1299 = arith.select %lt3A_1293, %xor3A_1296, %not3A_1298 : vector<16xi1>, vector<16xi32>
    %bitcast3A_1300 = vector.bitcast %select_n3A_1299 : vector<16xi32> to vector<16xf32>
    %parallel_loop3A_1301 = arith.constant 0 : i32
    %parallel_loop3A_1302 = arith.constant 2048 : i32
    %parallel_loop3A_1303 = arith.constant 1 : i32
    scf.for %parallel_loop3A_1304 = %parallel_loop3A_1301 to %parallel_loop3A_1302 step %parallel_loop3A_1303  : i32 {
      %parallel_loop3A_1305 = arith.constant 16 : i32
      %parallel_loop3A_1306 = arith.muli %parallel_loop3A_1304, %parallel_loop3A_1305 : i32
      %parallel_loop3A_1307 = arith.index_cast %parallel_loop3A_1306 : i32 to index
      %parallel_loop3A_1308 = tpu.vector_load %arg5[%parallel_loop3A_1307] {strides = array<i32>} : memref<32768xf32, #tpu.memory_space<vmem>>, vector<16xf32>,
      %parallel_loop3A_1309 = arith.cmpf olt, %parallel_loop3A_1308, %bitcast3A_1300 : vector<16xf32>
      %parallel_loop3A_1310 = arith.constant 0.000000e+00 : f32
      %parallel_loop3A_1311 = vector.broadcast %parallel_loop3A_1310 : f32 to vector<16xf32>
      %parallel_loop3A_1312 = arith.select %parallel_loop3A_1309, %parallel_loop3A_1311, %parallel_loop3A_1308 : vector<16xi1>, vector<16xf32>
      %parallel_loop3A_1313 = arith.constant 16 : i32
      %parallel_loop3A_1314 = arith.muli %parallel_loop3A_1304, %parallel_loop3A_1313 : i32
      %parallel_loop3A_1315 = arith.index_cast %parallel_loop3A_1314 : i32 to index
      %parallel_loop3A_1316 = tpu.vector_load %arg5[%parallel_loop3A_1315] {strides = array<i32>} : memref<32768xf32, #tpu.memory_space<vmem>>, vector<16xf32>,
      tpu.vector_store %arg5[%parallel_loop3A_1315], %parallel_loop3A_1312 {strides = array<i32>} : memref<32768xf32, #tpu.memory_space<vmem>>, vector<16xf32>,
    } {sc.loop_unroll_factor = 8 : i64, sc.parallel_access}
    "tpu.region"() ({
      %run_scoped3A = tpu.sem_alloc : memref<!tpu.dma_semaphore, #tpu.memory_space<semaphore_mem>>
      %dma_start3A = arith.constant 0 : i32
      %dma_start3A_1304 = tpu.memref_slice %arg4[%add3A_649, %dma_start3A] : memref<64x32768xf32, #tpu.memory_space<hbm>> -> memref<1x32768xf32, #tpu.memory_space<hbm>>
      %dma_start3A_1305 = tpu.memref_squeeze %dma_start3A_1304 : memref<1x32768xf32, #tpu.memory_space<hbm>> -> memref<32768xf32, #tpu.memory_space<hbm>>
      %dma_start3A_1306 = arith.constant 0 : i32
      %dma_start3A_1307 = tpu.memref_slice %arg4[%add3A_649, %dma_start3A_1306] : memref<64x32768xf32, #tpu.memory_space<hbm>> -> memref<1x32768xf32, #tpu.memory_space<hbm>>
      %dma_start3A_1308 = tpu.memref_squeeze %dma_start3A_1307 : memref<1x32768xf32, #tpu.memory_space<hbm>> -> memref<32768xf32, #tpu.memory_space<hbm>>
      tpu.enqueue_dma source(%arg5 : memref<32768xf32, #tpu.memory_space<vmem>>) target(%dma_start3A_1308 : memref<32768xf32, #tpu.memory_space<hbm>>) target_semaphore(%run_scoped3A : memref<!tpu.dma_semaphore, #tpu.memory_space<semaphore_mem>>)
      %dma_wait3A = arith.constant 0 : i32
      %dma_wait3A_1309 = tpu.memref_slice %arg4[%add3A_649, %dma_wait3A] : memref<64x32768xf32, #tpu.memory_space<hbm>> -> memref<1x32768xf32, #tpu.memory_space<hbm>>
      %dma_wait3A_1310 = tpu.memref_squeeze %dma_wait3A_1309 : memref<1x32768xf32, #tpu.memory_space<hbm>> -> memref<32768xf32, #tpu.memory_space<hbm>>
      %dma_wait3A_1311 = arith.constant 0 : i32
      %dma_wait3A_1312 = tpu.memref_slice %arg4[%add3A_649, %dma_wait3A_1311] : memref<64x32768xf32, #tpu.memory_space<hbm>> -> memref<1x32768xf32, #tpu.memory_space<hbm>>
      %dma_wait3A_1313 = tpu.memref_squeeze %dma_wait3A_1312 : memref<1x32768xf32, #tpu.memory_space<hbm>> -> memref<32768xf32, #tpu.memory_space<hbm>>
      tpu.wait_dma2 semaphore(%run_scoped3A : memref<!tpu.dma_semaphore, #tpu.memory_space<semaphore_mem>>) src(%arg5 : memref<32768xf32, #tpu.memory_space<vmem>>) dst(%dma_wait3A_1313 : memref<32768xf32, #tpu.memory_space<hbm>>)
      tpu.yield
    }) : () -> ()
    return
  }
}

</mosaic_0001>

<sc_bundles>
// kernel: kernel.3.cloned.1.call-start
scs
__scs_entry_jumppad:
0x0: {  	(pc) =	sbr.rel $0x88, $3  }
0x1: {  	(tag) =	ssettag $0x0;
	lr =	simm.s32 $0x1  }
0x2: {  	[smem:$0x3F9E] =	sst lr;
	_ =	strace $0xD0000000  }
0x3: {  	_ = 	snop  }
0x4: {  	_ = 	snop  }
0x5: {  	_ = 	snop  }
0x6: {  	_ = 	snop  }
0x7: {  	_ = 	snop  }
__scs_overlays_trampoline_lowered:
0x8: {  	[smem:$0x3FAD] =	sst s0  }
0x9: {  	[smem:$0x3FAE] =	sst s1  }
0xa: {  	[smem:$0x3FAF] =	sst s2  }
0xb: {  	[smem:$0x3FB0] =	sst s3  }
0xc: {  	[smem:$0x3FB1] =	sst s4  }
0xd: {  	[smem:$0x3FB2] =	sst s5  }
0xe: {  	[smem:$0x3FB3] =	sst s6  }
0xf: {  	[smem:$0x3FB4] =	sst s7  }
0x10: {  	[smem:$0x3FB5] =	sst s8  }
0x11: {  	[smem:$0x3FB6] =	sst s9;
	s0 =	simm.s32 @!p0 $0x0  }
0x12: {  	s1 =	sld [smem:$0x3F9C];
	s0 =	simm.s32 @p0 $0x1  }
0x13: {  	[smem:$0x3FB7] =	sst s0;
	s0 =	simm.s32 @!p1 $0x0  }
0x14: {  	s2 =	sld [smem:$0x3F9B];
	s0 =	simm.s32 @p1 $0x1  }
0x15: {  	[smem:$0x3FB8] =	sst s0;
	s0 =	simm.s32 @!p2 $0x0  }
0x16: {  	s3 =	sld [smem:$0x3FDB];
	s0 =	simm.s32 @p2 $0x1  }
0x17: {  	s4 =	simm.s32 $0x1BF5;
	[smem:$0x3FBA] =	sst s0  }
0x18: {  	s0 =	sld [smem:$0x3F9D];
	_ =	swait.ge [sflag:s4], $0x0  }
0x19: {  	s7 =	sld [smem:$0x3F9E]  }
0x1a: {  	s8 =	sadd.s32 $0xFFFFE003, lr  }
0x1b: {  	s9 =	sadd.s32 $0xFFFFFEF7, lr;
	s5 =	simm.s32 $0xFFFFFFFF;
	p2 =	slt.u32 s8, $0xFFFFF086  }
0x1c: {  	p1 =	slt.u32 s9, $0xF7A;
	s5 =	simm.s32 @!p2 $0x0  }
0x1d: {  	s5 =	simm.s32 @p1 $0x1;
	p0 =	seq.s32 s7, s2  }
0x1e: {  	s7 =	smul.u32 @!p0 $0xF7A, s2;
	p2 =	seq.s32 @!p0 s5, $0x0  }
0x1f: {  	s9 =	smul.u32 $0xF7A, s1;
	s8 =	simm.s32 @!p0 $0x1BF5;
	p2 =	por !p2, p0  }
0x20: {  	[sflag:s8] =	ssyncset.s32 @!p0 $0xFFFFF086;
	s6 =	sadd.s32 @!p0 s3, s7;
	s7 =	simm.s32 @!p0 $0x108  }
0x21: {  	s3 =	sadd.s32 s3, s9;
	s6 =	sadd.s32 @!p0 $0x88, s6;
	s7 =	simm.s32 @p2 $0x1082  }
0x22: {  	[simem:s7], [sflag:s8] =	dma.local @!p0 [hbm:s6], $0xF7A  }
0x23: {  	s9 =	sor.u32 $0xD0000000, s2;
	s6 =	simm.s32 $0x108;
	_ =	swait.ge @!p0 [sflag:s8], $0x0  }
0x24: {  	s3 =	sadd.s32 $0x88, s3;
	s6 =	simm.s32 @!p1 $0x1082;
	[sflag:s4] =	ssyncset.s32 $0xFFFFF086  }
0x25: {  	[simem:s6], [sflag:s4] =	dma.local [hbm:s3], $0xF7A  }
0x26: {  	[smem:$0x3F9E] =	sst s1;
	(tag) =	ssettag s2;
	_ =	strace s9  }
0x27: {  	s1 =	sld [smem:$0x3FAE]  }
0x28: {  	s2 =	sld [smem:$0x3FAF]  }
0x29: {  	s4 =	sld [smem:$0x3FB1]  }
0x2a: {  	p0 =	seq.s32 s5, $0x0;
	s5 =	sld [smem:$0x3FB2]  }
0x2b: {  	s6 =	sld [smem:$0x3FB3]  }
0x2c: {  	s7 =	sld [smem:$0x3FB4]  }
0x2d: {  	s3 =	simm.s32 $0x108;
	s8 =	sld [smem:$0x3FB5]  }
0x2e: {  	s3 =	simm.s32 @!p0 $0x1082;
	s9 =	sld [smem:$0x3FB6]  }
0x2f: {  	lr =	sadd.s32 s0, s3;
	s0 =	sld [smem:$0x3FAD]  }
0x30: {  	s3 =	sld [smem:$0x3FB0]  }
0x31: {  	[smem:$0x3FB9] =	sst s10  }
0x32: {  	s10 =	sld [smem:$0x3FB7];
	_ =	sdelay $0x3  }
0x33: {  	p0 =	seq.s32 s10, $0x1;
	s10 =	sld [smem:$0x3FB9];
	_ =	sdelay $0x3  }
0x34: {  	[smem:$0x3FB9] =	sst s10  }
0x35: {  	s10 =	sld [smem:$0x3FB8];
	_ =	sdelay $0x3  }
0x36: {  	p1 =	seq.s32 s10, $0x1;
	s10 =	sld [smem:$0x3FB9];
	_ =	sdelay $0x3  }
0x37: {  	[smem:$0x3FB9] =	sst s10  }
0x38: {  	s10 =	sld [smem:$0x3FBA]  }
0x39: {  	_ = 	snop;
	(pc) =	sbr.ind lr, $3  }
0x3a: {  	_ = 	snop  }
0x3b: {  	_ = 	snop  }
0x3c: {  	p2 =	seq.s32 s10, $0x1;
	s10 =	sld [smem:$0x3FB9]  }
0x3d: {  	_ =	shalt  }
0x3e: {  	_ =	shalt  }
0x3f: {  	_ =	shalt  }
0x40: {  	_ =	shalt  }
0x41: {  	_ =	shalt  }
0x42: {  	_ =	shalt  }
0x43: {  	_ =	shalt  }
0x44: {  	_ =	shalt  }
0x45: {  	_ =	shalt  }
0x46: {  	_ =	shalt  }
0x47: {  	_ =	shalt  }
0x48: {  	_ =	shalt  }
0x49: {  	_ =	shalt  }
0x4a: {  	_ =	shalt  }
0x4b: {  	_ =	shalt  }
0x4c: {  	_ =	shalt  }
0x4d: {  	_ =	shalt  }
0x4e: {  	_ =	shalt  }
0x4f: {  	_ =	shalt  }
0x50: {  	_ =	shalt  }
0x51: {  	_ =	shalt  }
0x52: {  	_ =	shalt  }
0x53: {  	_ =	shalt  }
0x54: {  	_ =	shalt  }
0x55: {  	_ =	shalt  }
0x56: {  	_ =	shalt  }
0x57: {  	_ =	shalt  }
0x58: {  	_ =	shalt  }
0x59: {  	_ =	shalt  }
0x5a: {  	_ =	shalt  }
0x5b: {  	_ =	shalt  }
0x5c: {  	_ =	shalt  }
0x5d: {  	_ =	shalt  }
0x5e: {  	_ =	shalt  }
0x5f: {  	_ =	shalt  }
0x60: {  	_ =	shalt  }
0x61: {  	_ =	shalt  }
0x62: {  	_ =	shalt  }
0x63: {  	_ =	shalt  }
0x64: {  	_ =	shalt  }
0x65: {  	_ =	shalt  }
0x66: {  	_ =	shalt  }
0x67: {  	_ =	shalt  }
0x68: {  	_ =	shalt  }
0x69: {  	_ =	shalt  }
0x6a: {  	_ =	shalt  }
0x6b: {  	_ =	shalt  }
0x6c: {  	_ =	shalt  }
0x6d: {  	_ =	shalt  }
0x6e: {  	_ =	shalt  }
0x6f: {  	_ =	shalt  }
0x70: {  	_ =	shalt  }
0x71: {  	_ =	shalt  }
0x72: {  	_ =	shalt  }
0x73: {  	_ =	shalt  }
0x74: {  	_ =	shalt  }
0x75: {  	_ =	shalt  }
0x76: {  	_ =	shalt  }
0x77: {  	_ =	shalt  }
0x78: {  	_ =	shalt  }
0x79: {  	_ =	shalt  }
0x7a: {  	_ =	shalt  }
0x7b: {  	_ =	shalt  }
0x7c: {  	_ =	shalt  }
0x7d: {  	_ =	shalt  }
0x7e: {  	_ =	shalt  }
0x7f: {  	_ =	shalt  }
0x80: {  	_ =	shalt  }
0x81: {  	_ =	shalt  }
0x82: {  	_ =	shalt  }
0x83: {  	_ =	shalt  }
0x84: {  	_ =	shalt  }
0x85: {  	_ =	shalt  }
0x86: {  	_ =	shalt  }
0x87: {  	_ =	shalt  }
.Lfunc_end0:
.L_simem_size_0:
called_computation_lowered:
.L_overlay_start_0:
0x88: {  	s2 =	sld [smem:$0x3FD9]  }
0x89: {  	s3 =	sld [smem:$0x3FFE];
	_ =	sdelay $0x1  }
0x8a: {  	s1 =	srdreg.scid  }
0x8b: {  	s0 =	sand.u32 $0x1, s1  }
0x8c: {  	s17 =	sshll.u32 s0, $0xA;
	s2 =	sadd.s32 s3, s2  }
0x8d: {  	s2 =	sadd.s32 s2, s17  }
0x8e: {  	[smem:$0x3FC5] =	sst s2  }
0x8f: {  	_ = 	snop  }
0x90: {  	s2 =	sld [smem:$0x3FC9]  }
0x91: {  	s18 =	sld [smem:$0x3FD0];
	(tm) =	ssettm $0x1  }
0x92: {  	s4 =	sld [smem:$0x3FFB];
	_ =	sdelay $0x3  }
0x93: {  	_ =	strace s4  }
0x94: {  	s4 =	sld [smem:$0x3FFC];
	_ =	sdelay $0x3  }
0x95: {  	_ =	strace s4  }
0x96: {  	s4 =	sld [smem:$0x3FFD];
	_ =	sdelay $0x3  }
0x97: {  	_ =	strace s4  }
0x98: {  	_ =	strace $0x8FFFFFFF  }
0x99: {  	s19 =	sld [smem:$0x3FDB];
	_ =	sdelay $0x1  }
0x9a: {  	s5 =	simm.s32 $_scs_section_size  }
0x9b: {  	s6 =	simm.s32 $_size__tile_overlayer_lowered;
	s7 =	simm.s32 $_tile_overlayer_lowered  }
0x9c: {  	s22 =	simm.s32 $0x1BFF;
	s21 =	sshll.u32 s7, $0x1;
	s4 =	sadd.s32 s5, s19  }
0x9d: {  	s8 =	simm.s32 $0x0;
	s20 =	sshll.u32 s6, $0x1;
	s6 =	sadd.s32 s21, s4  }
0x9e: {  	[timem:s8], [sflag:s22] =	dma.local [hbm:s6], s20  }
0x9f: {  	_ =	swait.ge [sflag:s22], s20  }
0xa0: {  	s5 =	ssub.s32 $0x0, s20;
	[sflag:s22] =	ssyncset.done $0x0  }
0xa1: {  	[sflag:s22] =	ssyncadd.s32 s5;
	_ =	sdelay $0x1  }
0xa2: {  	s23 =	simm.s32 $0x1B8B  }
0xa3: {  	_ =	swait.ge [sflag:s23], $0x1  }
0xa4: {  	[sflag:s23] =	ssyncset.done $0x0  }
0xa5: {  	s25 =	simm.s32 $0x1B8E;
	s24 =	sld [smem:$0x3FFE];
	[sflag:s23] =	ssyncadd.s32 $0xFFFFFFFF  }
0xa6: {  	s26 =	simm.s32 $execute0_lowered;
	[smem:$0x3FD2] =	sst s25  }
0xa7: {  	s6 =	sshll.u32 s26, $0x1;
	_ =	strace $0x80000046;
	[dreg:$0x1] =	wrdreg $0xFFFFFFFF  }
0xa8: {  	s28 =	simm.s32 $_size_execute0_lowered;
	s4 =	sadd.s32 s4, s6;
	[dreg:$0x0] =	wrdreg $0x0  }
0xa9: {  	s6 =	sshll.u32 s28, $0x1;
	[dreg:$0x2] =	wrdreg s4  }
0xaa: {  	[dreg:$0x3] =	wrdreg s6  }
0xab: {  	[dreg:$0x4] =	wrdreg $0xC0  }
0xac: {  	_ =	task [dreg:s8], $0x5FFFF  }
0xad: {  	[dreg:$0x1] =	wrdreg $0xFFFFFFFF  }
0xae: {  	[dreg:$0x0] =	wrdreg $0x60  }
0xaf: {  	[dreg:$0x2] =	wrdreg s2  }
0xb0: {  	[dreg:$0x3] =	wrdreg s24  }
0xb1: {  	[dreg:$0x4] =	wrdreg s18  }
0xb2: {  	[dreg:$0x5] =	wrdreg $0x9  }
0xb3: {  	_ =	task.clear_ibuf [dreg:s8], $0x6FFFF;
	_ =	strace $0x90000046  }
0xb4: {  	s29 =	simm.s32 $0x9;
	_ =	strace $0x80000048  }
0xb5: {  	_ =	swait.ge [sflag:s29], $0x1  }
0xb6: {  	[sflag:s29] =	ssyncadd.s32 $0xFFFFFFFF  }
0xb7: {  	_ =	strace $0x90000048  }
0xb8: {  	_ =	sfence  }
0xb9: {  	s30 =	sld [smem:$0x0];
	_ =	sdelay $0x2  }
0xba: {  	s31 =	sshll.u32 s1, $0xD;
	s1 =	sshrl.u32 s1, $0x2  }
0xbb: {  	s3 =	sand.u32 $0x4000, s31;
	s1 =	sadd.s32 s1, s30  }
0xbc: {  	s0 =	sor.u32 s3, s0;
	s1 =	sshll.u32 s1, $0x11  }
0xbd: {  	s0 =	sor.u32 s1, s0  }
0xbe: {  	s0 =	sadd.s32 $0x8F2B, s0  }
0xbf: {  	[sflag:s0] =	ssyncadd.remote.s32 $0x1  }
0xc0: {  	_ =	sfence.sel $0xFFFF  }
0xc1: {  	[dreg:$0x0] =	wrdreg $0xFFFFFFFF;
	(pc) =	sbr.abs _section_cstart, $3  }
0xc2: {  	[dreg:$0x1] =	wrdreg $0xFFFFFFFF  }
0xc3: {  	_ =	task.clear_ibuf [dreg:s8], $0x2FFFF;
	_ =	strace $0x9FFFFFFF  }
0xc4: {  	(tm) =	ssettm $0x7FFFFFFF  }
0xc5: {  	_ =	shalt  }
tec
execute0_lowered:
.L_overlay_start_1:
0x0: {  	(tag) =	ssettag $0x1  }
0x1: {  	s6 =	rddreg [dreg:$0x0]  }
0x2: {  	s3 =	rddreg [dreg:$0x1]  }
0x3: {  	s7 =	rddreg [dreg:$0x2]  }
0x4: {  	s0 =	rddreg [dreg:$0x3];
	s4 =	srdreg.scid  }
0x5: {  	s1 =	stileid.u32;
	s2 =	simm.s32 $0x0;
	s11 =	simm.s32 $0x80  }
0x6: {  	s12 =	simm.s32 $0x400;
	s13 =	simm.s32 $0x18000;
	s14 =	simm.s32 $0x8000  }
0x7: {  	s15 =	simm.s32 $0x10000;
	s16 =	simm.s32 $0x0;
	s4 =	sand.u32 $0x1, s4  }
0x8: {  	s5 =	sshll.u32 s1, $0x1;
	[smem:$0x7FF] =	sst s2;
	s9 =	sshll.u32 s1, $0xE  }
0x9: {  	s5 =	sor.u32 s4, s5;
	s4 =	ssub.s32 $0x2, s4;
	_ =	strace $0x80000047  }
0xa: {  	s8 =	sshll.u32 s5, $0x5;
	s10 =	sshrl.u32 s4, $0x1;
	s30 =	sshll.u32 s5, $0x1  }
0xb: {  	s8 =	sor.u32 s9, s8;
	s29 =	ssub.s32 s4, s10;
	s3 =	sadd.s32 s3, s30  }
0xc: {  	s9 =	simm.s32 $0x1A000;
	s10 =	simm.s32 $0x1;
	s31 =	sand.u32 $0x38060, s8  }
0xd: {  	v0 =	vimm.s32 $0x0;
	v1 =	vlaneseq.u32;
	v2 =	vimm.s32 $0x1;
	s4 =	sadd.s32 s6, s31;
	s8 =	sor.u32 $0x10, s31;
	s5 =	sadd.s32 s7, s31  }
0xe: {  	vm0 =	vmmov $0x1;
	v3 =	vimm.s32 $0x80000000;
	vm1 =	vcmask $0x308;
	s6 =	sadd.s32 s6, s8;
	s7 =	sadd.s32 s7, s8;
	s8 =	smax.u32 s29, $0x1  }
.LBB2_1:
0xf: {  	[tilespmem:s9], [sflag:$0x1] =	stream.linear.gather [hbm4b:s3+s2], $0x10, $0x38;
	[tilespmem:$0x1A080] =	vst v63  }
0x10: {  	_ =	swait.ge [sflag:s10], $0x10  }
0x11: {  	[sflag:s10] =	ssyncset.done $0x0  }
0x12: {  	[sflag:s10] =	ssyncadd.s32 $0xFFFFFFF0  }
0x13: {  	[tilespmem:s2], [sflag:$0x1] =	stream.strided.gather [hbm4b:s4+s11], $0x8000, s12, s11, $0x38;
	[tilespmem:$0x1A080] =	vst v63  }
0x14: {  	_ =	swait.ge [sflag:s10], $0x8000  }
0x15: {  	[sflag:s10] =	ssyncset.done $0x0  }
0x16: {  	s17 =	simm.s32 $0x18040;
	[sflag:s10] =	ssyncadd.s32 $0xFFFF8000  }
0x17: {  	v4 =	vld [tilespmem:$0x1A000];
	[tilespmem:s17+$0xFFFFFFC0] =	vst v0  }
0x18: {  	[tilespmem:s17+$0x30] =	vst v0  }
0x19: {  	[tilespmem:s17+$0x20] =	vst v0  }
0x1a: {  	[tilespmem:s17+$0x10] =	vst v0  }
0x1b: {  	[tilespmem:s17+$0x0] =	vst v0  }
0x1c: {  	[tilespmem:s17+$0xFFFFFFF0] =	vst v0  }
0x1d: {  	s19 =	simm.s32 $0x0;
	[tilespmem:s17+$0xFFFFFFE0] =	vst v0  }
.LBB2_2:
0x1e: {  	s19 =	sadd.s32 $0x8, s19;
	[tilespmem:s17+$0xFFFFFFD0] =	vst v0;
	s17 =	sadd.s32 $0x80, s17;
	s18 =	simm.s32 $0x40  }
0x1f: {  	[tilespmem:s17+$0xFFFFFFC0] =	vst v0;
	p0 =	slt.u32 s19, $0xF8  }
0x20: {  	[tilespmem:s17+$0x30] =	vst v0  }
.Ltmp0:
0x21: {  	[tilespmem:s17+$0x20] =	vst v0;
	(pc) =	sbr.rel @p0 .LBB2_2-.Ltmp0, $4  }
0x22: {  	[tilespmem:s17+$0x10] =	vst v0  }
0x23: {  	[tilespmem:s17+$0x0] =	vst v0  }
0x24: {  	[tilespmem:s17+$0xFFFFFFF0] =	vst v0  }
0x25: {  	[tilespmem:s17+$0xFFFFFFE0] =	vst v0  }
0x26: {  	[tilespmem:s17+$0xFFFFFFD0] =	vst v0  }
0x27: {  	v5 =	vld [tilespmem:s18+$0x30]  }
0x28: {  	v6 =	vld [tilespmem:s18+$0xFFFFFFD0]  }
0x29: {  	v7 =	vld [tilespmem:s18+$0xFFFFFFE0]  }
0x2a: {  	v8 =	vld [tilespmem:s18+$0xFFFFFFF0];
	_ =	sdelay $0x1  }
0x2b: {  	v9 =	vld [tilespmem:s18+$0x0];
	v5 =	vshrl.u32 v5, $0x14  }
0x2c: {  	v10 =	vld [tilespmem:s18+$0x10];
	v6 =	vshrl.u32 v6, $0x14;
	v5 =	vand.u32 $0xFF0, v5  }
0x2d: {  	v11 =	vld [tilespmem:s18+$0x20];
	v7 =	vshrl.u32 v7, $0x14;
	v6 =	vand.u32 $0xFF0, v6;
	v12 =	vor.u32 v1, v5  }
0x2e: {  	v13 =	vld [tilespmem:s18+$0xFFFFFFC0];
	v6 =	vor.u32 v1, v6;
	v5 =	vand.u32 $0xFF0, v7;
	v7 =	vshrl.u32 v8, $0x14  }
0x2f: {  	v8 =	vor.u32 v1, v5;
	v5 =	vand.u32 $0xFF0, v7  }
0x30: {  	v14 =	vor.u32 v1, v5  }
0x31: {  	v7 =	vshrl.u32 v9, $0x14  }
0x32: {  	v9 =	vshrl.u32 v11, $0x14;
	v5 =	vand.u32 $0xFF0, v7;
	v7 =	vshrl.u32 v10, $0x14;
	[tilespmem:v12+s13+$0x0] =	vst.idx.add.s32.msk $0xffff, v2  }
0x33: {  	v10 =	vshrl.u32 v13, $0x14;
	v5 =	vor.u32 v1, v5;
	v7 =	vand.u32 $0xFF0, v7;
	[tilespmem:v6+s13+$0x0] =	vst.idx.add.s32.msk $0xffff, v2  }
0x34: {  	s19 =	simm.s32 $0x0;
	v6 =	vor.u32 v1, v7;
	v7 =	vand.u32 $0xFF0, v9;
	v9 =	vand.u32 $0xFF0, v10;
	[tilespmem:v8+s13+$0x0] =	vst.idx.add.s32.msk $0xffff, v2  }
0x35: {  	s17 =	simm.s32 $0x19040;
	s20 =	simm.s32 $0xC0;
	s18 =	simm.s32 $0x18FF0;
	v7 =	vor.u32 v1, v7;
	v9 =	vor.u32 v1, v9;
	[tilespmem:v14+s13+$0x0] =	vst.idx.add.s32.msk $0xffff, v2  }
.LBB2_4:
0x36: {  	v8 =	vld [tilespmem:s20+$0x30];
	s19 =	sadd.s32 $0x8, s19  }
0x37: {  	v10 =	vld [tilespmem:s20+$0xFFFFFFD0];
	p0 =	slt.u32 s19, $0x7F8  }
0x38: {  	v11 =	vld [tilespmem:s20+$0xFFFFFFE0]  }
0x39: {  	v12 =	vld [tilespmem:s20+$0xFFFFFFF0]  }
0x3a: {  	v13 =	vld [tilespmem:s20+$0x0]  }
0x3b: {  	v14 =	vld [tilespmem:s20+$0x10];
	v8 =	vshrl.u32 v8, $0x14  }
0x3c: {  	v10 =	vshrl.u32 v10, $0x14;
	v15 =	vld [tilespmem:s20+$0x20];
	v16 =	vand.u32 $0xFF0, v8;
	v8 =	vimm.s32 $0x0  }
0x3d: {  	v17 =	vld [tilespmem:s20+$0xFFFFFFC0];
	v10 =	vand.u32 $0xFF0, v10;
	v11 =	vshrl.u32 v11, $0x14;
	v16 =	vor.u32 v1, v16  }
0x3e: {  	v10 =	vor.u32 v1, v10;
	v11 =	vand.u32 $0xFF0, v11;
	v12 =	vshrl.u32 v12, $0x14;
	[tilespmem:v9+s13+$0x0] =	vst.idx.add.s32.msk $0xffff, v2  }
0x3f: {  	v11 =	vor.u32 v1, v11;
	v9 =	vand.u32 $0xFF0, v12;
	v12 =	vshrl.u32 v13, $0x14;
	[tilespmem:v5+s13+$0x0] =	vst.idx.add.s32.msk $0xffff, v2  }
0x40: {  	v13 =	vor.u32 v1, v9;
	v5 =	vand.u32 $0xFF0, v12;
	v9 =	vshrl.u32 v14, $0x14;
	[tilespmem:v6+s13+$0x0] =	vst.idx.add.s32.msk $0xffff, v2  }
.Ltmp1:
0x41: {  	v5 =	vor.u32 v1, v5;
	v6 =	vand.u32 $0xFF0, v9;
	v9 =	vshrl.u32 v15, $0x14;
	[tilespmem:v7+s13+$0x0] =	vst.idx.add.s32.msk $0xffff, v2;
	(pc) =	sbr.rel @p0 .LBB2_4-.Ltmp1, $4  }
0x42: {  	v7 =	vshrl.u32 v17, $0x14;
	v6 =	vor.u32 v1, v6;
	v9 =	vand.u32 $0xFF0, v9;
	[tilespmem:v16+s13+$0x0] =	vst.idx.add.s32.msk $0xffff, v2  }
0x43: {  	v12 =	vand.u32 $0xFF0, v7;
	[tilespmem:v10+s13+$0x0] =	vst.idx.add.s32.msk $0xffff, v2;
	v7 =	vor.u32 v1, v9  }
0x44: {  	v9 =	vor.u32 v1, v12;
	[tilespmem:v11+s13+$0x0] =	vst.idx.add.s32.msk $0xffff, v2  }
0x45: {  	s20 =	sadd.s32 $0x80, s20;
	[tilespmem:v13+s13+$0x0] =	vst.idx.add.s32.msk $0xffff, v2  }
0x46: {  	_ =	sdelay $0x3  }
0x47: {  	[tilespmem:v9+s13+$0x0] =	vst.idx.add.s32.msk $0xffff, v2  }
0x48: {  	[tilespmem:v5+s13+$0x0] =	vst.idx.add.s32.msk $0xffff, v2  }
0x49: {  	[tilespmem:v6+s13+$0x0] =	vst.idx.add.s32.msk $0xffff, v2  }
0x4a: {  	[tilespmem:v7+s13+$0x0] =	vst.idx.add.s32.msk $0xffff, v2  }
0x4b: {  	v6 =	vld [tilespmem:s18+$0x0]  }
0x4c: {  	v9 =	vld [tilespmem:s18+$0xFFFFFFF0]  }
0x4d: {  	v10 =	vld [tilespmem:s18+$0xFFFFFFE0]  }
0x4e: {  	v7 =	vld [tilespmem:s18+$0xFFFFFFD0]  }
0x4f: {  	v5 =	vld [tilespmem:s18+$0xFFFFFFC0]  }
0x50: {  	v8 =	vadd.s32 v8, v6;
	v6 =	vld [tilespmem:s18+$0xFFFFFFB0]  }
0x51: {  	[tilespmem:s17+$0xFFFFFFC0] =	vst v8;
	v9 =	vadd.s32 v8, v9;
	v8 =	vld [tilespmem:s18+$0xFFFFFFA0]  }
0x52: {  	s19 =	simm.s32 $0x0;
	s20 =	simm.s32 $0x18F70;
	[tilespmem:s17+$0xFFFFFFD0] =	vst v9;
	v10 =	vadd.s32 v9, v10;
	v9 =	vld [tilespmem:s18+$0xFFFFFF90]  }
.LBB2_6:
0x53: {  	v11 =	vld [tilespmem:s20+$0x0];
	s19 =	sadd.s32 $0x8, s19;
	[tilespmem:s17+$0xFFFFFFE0] =	vst v10;
	v7 =	vadd.s32 v10, v7  }
0x54: {  	v10 =	vld [tilespmem:s20+$0xFFFFFFF0];
	p0 =	slt.u32 s19, $0x78;
	[tilespmem:s17+$0xFFFFFFF0] =	vst v7;
	v5 =	vadd.s32 v7, v5  }
0x55: {  	v12 =	vld [tilespmem:s20+$0xFFFFFFE0];
	[tilespmem:s17+$0x0] =	vst v5;
	v5 =	vadd.s32 v5, v6  }
.Ltmp2:
0x56: {  	v7 =	vld [tilespmem:s20+$0xFFFFFFD0];
	[tilespmem:s17+$0x10] =	vst v5;
	v6 =	vadd.s32 v5, v8;
	(pc) =	sbr.rel @p0 .LBB2_6-.Ltmp2, $4  }
0x57: {  	v5 =	vld [tilespmem:s20+$0xFFFFFFC0];
	[tilespmem:s17+$0x20] =	vst v6;
	v8 =	vadd.s32 v6, v9  }
0x58: {  	s18 =	simm.s32 $0x19870;
	v9 =	vadd.s32 v8, v11;
	v6 =	vld [tilespmem:s20+$0xFFFFFFB0];
	[tilespmem:s17+$0x30] =	vst v8;
	s17 =	sadd.s32 $0x80, s17  }
0x59: {  	[tilespmem:s17+$0xFFFFFFC0] =	vst v9;
	v9 =	vadd.s32 v9, v10;
	v8 =	vld [tilespmem:s20+$0xFFFFFFA0]  }
0x5a: {  	[tilespmem:s17+$0xFFFFFFD0] =	vst v9;
	v10 =	vadd.s32 v9, v12;
	v9 =	vld [tilespmem:s20+$0xFFFFFF90];
	s20 =	sadd.s32 $0xFFFFFF80, s20  }
0x5b: {  	[tilespmem:s17+$0xFFFFFFE0] =	vst v10;
	v7 =	vadd.s32 v10, v7  }
0x5c: {  	[tilespmem:s17+$0xFFFFFFF0] =	vst v7;
	v5 =	vadd.s32 v7, v5  }
0x5d: {  	[tilespmem:s17+$0x0] =	vst v5;
	v5 =	vadd.s32 v5, v6  }
0x5e: {  	[tilespmem:s17+$0x10] =	vst v5;
	v5 =	vadd.s32 v5, v8  }
0x5f: {  	[tilespmem:s17+$0x20] =	vst v5;
	v6 =	vadd.s32 v5, v9  }
0x60: {  	s19 =	simm.s32 $0x18040;
	[tilespmem:s17+$0x30] =	vst v6  }
0x61: {  	v8 =	vld [tilespmem:s19+$0xFFFFFFC0]  }
0x62: {  	v9 =	vld [tilespmem:s19+$0xFFFFFFD0]  }
0x63: {  	v10 =	vld [tilespmem:s19+$0xFFFFFFE0]  }
0x64: {  	v7 =	vld [tilespmem:s19+$0xFFFFFFF0]  }
0x65: {  	v5 =	vld [tilespmem:s19+$0x0]  }
0x66: {  	v8 =	vadd.s32 v6, v8;
	v6 =	vld [tilespmem:s19+$0x10]  }
0x67: {  	[tilespmem:s18+$0xFFFFFF90] =	vst v8;
	v9 =	vadd.s32 v8, v9;
	v8 =	vld [tilespmem:s19+$0x20]  }
0x68: {  	s17 =	simm.s32 $0x0;
	[tilespmem:s18+$0xFFFFFFA0] =	vst v9;
	v10 =	vadd.s32 v9, v10;
	v9 =	vld [tilespmem:s19+$0x30];
	s19 =	simm.s32 $0x180C0  }
.LBB2_8:
0x69: {  	v11 =	vld [tilespmem:s19+$0xFFFFFFC0];
	s17 =	sadd.s32 $0x8, s17;
	[tilespmem:s18+$0xFFFFFFB0] =	vst v10;
	v7 =	vadd.s32 v10, v7  }
0x6a: {  	v10 =	vld [tilespmem:s19+$0xFFFFFFD0];
	p0 =	slt.u32 s17, $0x78;
	[tilespmem:s18+$0xFFFFFFC0] =	vst v7;
	v5 =	vadd.s32 v7, v5  }
0x6b: {  	v12 =	vld [tilespmem:s19+$0xFFFFFFE0];
	[tilespmem:s18+$0xFFFFFFD0] =	vst v5;
	v5 =	vadd.s32 v5, v6  }
.Ltmp3:
0x6c: {  	v7 =	vld [tilespmem:s19+$0xFFFFFFF0];
	[tilespmem:s18+$0xFFFFFFE0] =	vst v5;
	v6 =	vadd.s32 v5, v8;
	(pc) =	sbr.rel @p0 .LBB2_8-.Ltmp3, $4  }
0x6d: {  	v5 =	vld [tilespmem:s19+$0x0];
	[tilespmem:s18+$0xFFFFFFF0] =	vst v6;
	v8 =	vadd.s32 v6, v9  }
0x6e: {  	v9 =	vadd.s32 v8, v11;
	v6 =	vld [tilespmem:s19+$0x10];
	[tilespmem:s18+$0x0] =	vst v8;
	s18 =	sadd.s32 $0x80, s18  }
0x6f: {  	[tilespmem:s18+$0xFFFFFF90] =	vst v9;
	v9 =	vadd.s32 v9, v10;
	v8 =	vld [tilespmem:s19+$0x20]  }
0x70: {  	[tilespmem:s18+$0xFFFFFFA0] =	vst v9;
	v10 =	vadd.s32 v9, v12;
	v9 =	vld [tilespmem:s19+$0x30];
	s19 =	sadd.s32 $0x80, s19  }
0x71: {  	[tilespmem:s18+$0xFFFFFFB0] =	vst v10;
	v7 =	vadd.s32 v10, v7  }
0x72: {  	[tilespmem:s18+$0xFFFFFFC0] =	vst v7;
	v5 =	vadd.s32 v7, v5  }
0x73: {  	[tilespmem:s18+$0xFFFFFFD0] =	vst v5;
	v5 =	vadd.s32 v5, v6  }
0x74: {  	[tilespmem:s18+$0xFFFFFFE0] =	vst v5;
	v5 =	vadd.s32 v5, v8  }
0x75: {  	[tilespmem:s18+$0xFFFFFFF0] =	vst v5;
	v5 =	vadd.s32 v5, v9  }
0x76: {  	[tilespmem:s18+$0x0] =	vst v5  }
0x77: {  	v5 =	vld [tilespmem:$0x197F0];
	_ =	sdelay $0x2  }
0x78: {  	v4 =	vnsel vm0, $0x0, v4  }
0x79: {  	(xrf0) =	vadd.scan.msk.s32 $0xffff, v4  }
0x7a: {  	(xrf0) =	vadd.scan.msk.s32 $0xffff, v5;
	_ =	sdelay $0x4  }
0x7b: {  	v4, _, _ =	vpop (xrf0)  }
0x7c: {  	(v2sf) =	vpush v4, $0xF;
	v4, _, _ =	vpop (xrf0)  }
0x7d: {  	(v2sf) =	vpush v4, $0xF;
	_ =	sdelay $0xd  }
0x7e: {  	s18 =	spop (v2sf)  }
0x7f: {  	s17 =	spop (v2sf)  }
0x80: {  	p0 =	sgt.s32 s17, s18;
	s17 =	simm.s32 $0x0  }
0x81: {  	s17 =	simm.s32 @!p0 $0x80  }
0x82: {  	s19 =	sshll.u32 s17, $0x4  }
0x83: {  	v4 =	vld [tilespmem:s19+$0x193F0];
	_ =	sdelay $0x4  }
0x84: {  	(xrf0) =	vadd.scan.msk.s32 $0xffff, v4;
	_ =	sdelay $0x5  }
0x85: {  	v4, _, _ =	vpop (xrf0)  }
0x86: {  	(v2sf) =	vpush v4, $0xF;
	_ =	sdelay $0xe  }
0x87: {  	s24 =	spop (v2sf)  }
0x88: {  	s19 =	sor.u32 $0x40, s17;
	p0 =	sgt.s32 s24, s18  }
0x89: {  	s19 =	smov.u32 @p0 s17  }
0x8a: {  	s17 =	sshll.u32 s19, $0x4  }
0x8b: {  	v4 =	vld [tilespmem:s17+$0x191F0];
	_ =	sdelay $0x4  }
0x8c: {  	(xrf0) =	vadd.scan.msk.s32 $0xffff, v4;
	_ =	sdelay $0x5  }
0x8d: {  	v4, _, _ =	vpop (xrf0)  }
0x8e: {  	(v2sf) =	vpush v4, $0xF;
	_ =	sdelay $0xe  }
0x8f: {  	s25 =	spop (v2sf)  }
0x90: {  	s17 =	sor.u32 $0x20, s19;
	p0 =	sgt.s32 s25, s18  }
0x91: {  	s17 =	smov.u32 @p0 s19  }
0x92: {  	s19 =	sshll.u32 s17, $0x4  }
0x93: {  	v4 =	vld [tilespmem:s19+$0x190F0];
	_ =	sdelay $0x4  }
0x94: {  	(xrf0) =	vadd.scan.msk.s32 $0xffff, v4;
	_ =	sdelay $0x5  }
0x95: {  	v4, _, _ =	vpop (xrf0)  }
0x96: {  	(v2sf) =	vpush v4, $0xF;
	_ =	sdelay $0xe  }
0x97: {  	s26 =	spop (v2sf)  }
0x98: {  	s19 =	sor.u32 $0x10, s17;
	p0 =	sgt.s32 s26, s18  }
0x99: {  	s19 =	smov.u32 @p0 s17  }
0x9a: {  	s17 =	sshll.u32 s19, $0x4  }
0x9b: {  	s17 =	sand.u32 $0x3FFFFFF0, s17  }
0x9c: {  	v4 =	vld [tilespmem:s17+$0x19070];
	_ =	sdelay $0x4  }
0x9d: {  	(xrf0) =	vadd.scan.msk.s32 $0xffff, v4;
	_ =	sdelay $0x5  }
0x9e: {  	v4, _, _ =	vpop (xrf0)  }
0x9f: {  	(v2sf) =	vpush v4, $0xF;
	_ =	sdelay $0xe  }
0xa0: {  	s28 =	spop (v2sf)  }
0xa1: {  	s17 =	sadd.s32 $0x8, s19;
	p0 =	sgt.s32 s28, s18  }
0xa2: {  	s17 =	smov.u32 @p0 s19  }
0xa3: {  	s19 =	sshll.u32 s17, $0x4  }
0xa4: {  	s19 =	sand.u32 $0x3FFFFFF0, s19  }
0xa5: {  	v4 =	vld [tilespmem:s19+$0x19030];
	_ =	sdelay $0x4  }
0xa6: {  	(xrf0) =	vadd.scan.msk.s32 $0xffff, v4;
	_ =	sdelay $0x5  }
0xa7: {  	v4, _, _ =	vpop (xrf0)  }
0xa8: {  	(v2sf) =	vpush v4, $0xF;
	_ =	sdelay $0xe  }
0xa9: {  	s29 =	spop (v2sf)  }
0xaa: {  	s19 =	sadd.s32 $0x4, s17;
	p0 =	sgt.s32 s29, s18  }
0xab: {  	s19 =	smov.u32 @p0 s17  }
0xac: {  	s17 =	sshll.u32 s19, $0x4  }
0xad: {  	s17 =	sand.u32 $0x3FFFFFF0, s17  }
0xae: {  	v4 =	vld [tilespmem:s17+$0x19010];
	_ =	sdelay $0x4  }
0xaf: {  	(xrf0) =	vadd.scan.msk.s32 $0xffff, v4;
	_ =	sdelay $0x5  }
0xb0: {  	v4, _, _ =	vpop (xrf0)  }
0xb1: {  	(v2sf) =	vpush v4, $0xF;
	_ =	sdelay $0xe  }
0xb2: {  	s30 =	spop (v2sf)  }
0xb3: {  	s17 =	sadd.s32 $0x2, s19;
	p0 =	sgt.s32 s30, s18  }
0xb4: {  	s17 =	smov.u32 @p0 s19  }
0xb5: {  	s19 =	sshll.u32 s17, $0x4  }
0xb6: {  	s19 =	sand.u32 $0x3FFFFFF0, s19  }
0xb7: {  	v4 =	vld [tilespmem:s19+$0x19000];
	_ =	sdelay $0x4  }
0xb8: {  	(xrf0) =	vadd.scan.msk.s32 $0xffff, v4;
	_ =	sdelay $0x5  }
0xb9: {  	v4, _, _ =	vpop (xrf0)  }
0xba: {  	(v2sf) =	vpush v4, $0xF;
	_ =	sdelay $0xe  }
0xbb: {  	s31 =	spop (v2sf)  }
0xbc: {  	s19 =	simm.s32 $0x1;
	p0 =	sle.s32 s31, s18  }
0xbd: {  	s19 =	simm.s32 @!p0 $0x0  }
0xbe: {  	s17 =	sadd.s32 s19, s17  }
0xbf: {  	s19 =	smax.u32 s17, $0x1  }
0xc0: {  	s19 =	sshll.u32 s19, $0x4  }
0xc1: {  	s19 =	sand.u32 $0x3FFFFFF0, s19  }
0xc2: {  	v4 =	vld [tilespmem:s19+$0x18FF0];
	s19 =	simm.s32 $0x18040  }
0xc3: {  	[tilespmem:s19+$0xFFFFFFC0] =	vst v0  }
0xc4: {  	[tilespmem:s19+$0x30] =	vst v0  }
0xc5: {  	[tilespmem:s19+$0x20] =	vst v0  }
0xc6: {  	[tilespmem:s19+$0x10] =	vst v0  }
0xc7: {  	[tilespmem:s19+$0x0] =	vst v0  }
0xc8: {  	[tilespmem:s19+$0xFFFFFFF0] =	vst v0  }
0xc9: {  	s20 =	simm.s32 $0x0;
	[tilespmem:s19+$0xFFFFFFE0] =	vst v0  }
.LBB2_10:
0xca: {  	s20 =	sadd.s32 $0x8, s20;
	[tilespmem:s19+$0xFFFFFFD0] =	vst v0;
	s19 =	sadd.s32 $0x80, s19  }
0xcb: {  	[tilespmem:s19+$0xFFFFFFC0] =	vst v0;
	p0 =	slt.u32 s20, $0xF8  }
0xcc: {  	[tilespmem:s19+$0x30] =	vst v0  }
.Ltmp4:
0xcd: {  	[tilespmem:s19+$0x20] =	vst v0;
	(pc) =	sbr.rel @p0 .LBB2_10-.Ltmp4, $4  }
0xce: {  	[tilespmem:s19+$0x10] =	vst v0  }
0xcf: {  	[tilespmem:s19+$0x0] =	vst v0  }
0xd0: {  	[tilespmem:s19+$0xFFFFFFF0] =	vst v0  }
0xd1: {  	[tilespmem:s19+$0xFFFFFFE0] =	vst v0  }
0xd2: {  	[tilespmem:s19+$0xFFFFFFD0] =	vst v0;
	s31 =	simm.s32 $0x40  }
0xd3: {  	v8 =	vld [tilespmem:s31+$0xFFFFFFC0];
	_ =	sdelay $0x2  }
0xd4: {  	p0 =	slt.u32 s17, $0x80;
	s19 =	ssub.s32 $0xFF, s17;
	s20 =	sadd.s32 $0xFFFFFF80, s17  }
0xd5: {  	s20 =	smov.u32 @p0 s19  }
0xd6: {  	v6 =	vmov s20;
	v9 =	vshrl.u32 v8, $0x18  }
0xd7: {  	vm2 =	veq.s32 v9, v6  }
0xd8: {  	v9 =	vsel vm2, $0x1, v0  }
0xd9: {  	(xrf0) =	vadd.scan.msk.s32 $0xffff, v9;
	_ =	sdelay $0x1  }
0xda: {  	s19 =	simm.s32 $0xFFFFFFFF;
	p0 =	sgt.s32 s20, $0x7F  }
0xdb: {  	s19 =	simm.s32 @!p0 $0x80000000  }
0xdc: {  	v5 =	vmov s19  }
0xdd: {  	v8 =	vxor.u32 v5, v8  }
0xde: {  	v7 =	vimm.s32 $0xFFFFFFFF;
	v9 =	vshrl.u32 v8, $0xC;
	v10, _, _ =	vpop (xrf0)  }
0xdf: {  	v9 =	vand.u32 $0xFF0, v9;
	v10 =	vadd.s32 v7, v10  }
0xe0: {  	v9 =	vor.u32 v1, v9;
	_ =	sdelay $0x3  }
0xe1: {  	[tilespmem:v10+s14+$0x0] =	vst.idx.msk vm2, v8  }
0xe2: {  	[tilespmem:v9+s13+$0x0] =	vst.idx.add.s32.msk vm2, v2  }
0xe3: {  	v8 =	vld [tilespmem:s31+$0xFFFFFFD0];
	_ =	sdelay $0x4  }
0xe4: {  	v9 =	vshrl.u32 v8, $0x18  }
0xe5: {  	vm3 =	veq.s32 v9, v6  }
0xe6: {  	v9 =	vsel vm3, $0x1, v0  }
0xe7: {  	(xrf0) =	vadd.scan.msk.s32 $0xffff, v9;
	_ =	sdelay $0x3  }
0xe8: {  	v9 =	vmpcnt.ones.xlane vm2  }
0xe9: {  	v8 =	vxor.u32 v5, v8  }
0xea: {  	v7 =	vadd.s32 v7, v9;
	v9 =	vshrl.u32 v8, $0xC;
	v10, _, _ =	vpop (xrf0)  }
0xeb: {  	v9 =	vand.u32 $0xFF0, v9;
	v10 =	vadd.s32 v7, v10  }
0xec: {  	v9 =	vor.u32 v1, v9;
	_ =	sdelay $0x3  }
0xed: {  	[tilespmem:v10+s14+$0x0] =	vst.idx.msk vm3, v8  }
0xee: {  	[tilespmem:v9+s13+$0x0] =	vst.idx.add.s32.msk vm3, v2  }
0xef: {  	v8 =	vld [tilespmem:s31+$0xFFFFFFE0];
	_ =	sdelay $0x4  }
0xf0: {  	v9 =	vshrl.u32 v8, $0x18  }
0xf1: {  	vm2 =	veq.s32 v9, v6  }
0xf2: {  	v9 =	vsel vm2, $0x1, v0  }
0xf3: {  	(xrf0) =	vadd.scan.msk.s32 $0xffff, v9;
	_ =	sdelay $0x3  }
0xf4: {  	v9 =	vmpcnt.ones.xlane vm3  }
0xf5: {  	v8 =	vxor.u32 v5, v8  }
0xf6: {  	v7 =	vadd.s32 v7, v9;
	v9 =	vshrl.u32 v8, $0xC;
	v10, _, _ =	vpop (xrf0)  }
0xf7: {  	v9 =	vand.u32 $0xFF0, v9;
	v10 =	vadd.s32 v7, v10  }
0xf8: {  	v9 =	vor.u32 v1, v9  }
0xf9: {  	v11 =	vld [tilespmem:s31+$0x0];
	_ =	sdelay $0x2  }
0xfa: {  	[tilespmem:v10+s14+$0x0] =	vst.idx.msk vm2, v8  }
0xfb: {  	[tilespmem:v9+s13+$0x0] =	vst.idx.add.s32.msk vm2, v2  }
0xfc: {  	v9 =	vshrl.u32 v11, $0x18;
	v8 =	vld [tilespmem:s31+$0xFFFFFFF0]  }
0xfd: {  	vm3 =	veq.s32 v9, v6  }
0xfe: {  	v9 =	vsel vm3, $0x1, v0  }
0xff: {  	(xrf0) =	vadd.scan.msk.s32 $0xffff, v9;
	_ =	sdelay $0x1  }
0x100: {  	v9 =	vshrl.u32 v8, $0x18  }
0x101: {  	v10 =	vmpcnt.ones.xlane vm2;
	vm4 =	veq.s32 v9, v6  }
0x102: {  	v9 =	vmpcnt.ones.xlane vm4  }
0x103: {  	v7 =	vadd.s32 v7, v10;
	v10 =	vxor.u32 v5, v11  }
0x104: {  	v11 =	vshrl.u32 v10, $0xC;
	v12, _, _ =	vpop (xrf0);
	v9 =	vadd.s32 v7, v9  }
0x105: {  	v11 =	vand.u32 $0xFF0, v11;
	v12 =	vadd.s32 v9, v12  }
0x106: {  	v11 =	vor.u32 v1, v11;
	_ =	sdelay $0x3  }
0x107: {  	[tilespmem:v12+s14+$0x0] =	vst.idx.msk vm3, v10  }
0x108: {  	[tilespmem:v11+s13+$0x0] =	vst.idx.add.s32.msk vm3, v2  }
0x109: {  	v10 =	vld [tilespmem:s31+$0x10];
	_ =	sdelay $0x4  }
0x10a: {  	v11 =	vshrl.u32 v10, $0x18  }
0x10b: {  	v58 =	vsel vm4, $0x1, v0;
	vm2 =	veq.s32 v11, v6  }
0x10c: {  	(xrf0) =	vadd.scan.msk.s32 $0xffff, v58;
	v11 =	vsel vm2, $0x1, v0  }
0x10d: {  	(xrf0) =	vadd.scan.msk.s32 $0xffff, v11;
	_ =	sdelay $0x3  }
0x10e: {  	v11 =	vmpcnt.ones.xlane vm3  }
0x10f: {  	v12, _, _ =	vpop (xrf0);
	v10 =	vxor.u32 v5, v10  }
0x110: {  	v9 =	vadd.s32 v9, v11;
	v11 =	vshrl.u32 v10, $0xC;
	v13, _, _ =	vpop (xrf0)  }
0x111: {  	v11 =	vand.u32 $0xFF0, v11;
	v13 =	vadd.s32 v9, v13  }
0x112: {  	v11 =	vor.u32 v1, v11;
	_ =	sdelay $0x3  }
0x113: {  	[tilespmem:v13+s14+$0x0] =	vst.idx.msk vm2, v10  }
0x114: {  	[tilespmem:v11+s13+$0x0] =	vst.idx.add.s32.msk vm2, v2  }
0x115: {  	v10 =	vld [tilespmem:s31+$0x20];
	_ =	sdelay $0x4  }
0x116: {  	v11 =	vshrl.u32 v10, $0x18  }
0x117: {  	vm5 =	veq.s32 v11, v6  }
0x118: {  	v11 =	vsel vm5, $0x1, v0  }
0x119: {  	(xrf0) =	vadd.scan.msk.s32 $0xffff, v11;
	_ =	sdelay $0x3  }
0x11a: {  	v11 =	vmpcnt.ones.xlane vm2  }
0x11b: {  	v10 =	vxor.u32 v5, v10  }
0x11c: {  	v9 =	vadd.s32 v9, v11;
	v11 =	vshrl.u32 v10, $0xC;
	v59, _, _ =	vpop (xrf0)  }
0x11d: {  	v11 =	vand.u32 $0xFF0, v11;
	v13 =	vadd.s32 v9, v59  }
0x11e: {  	v11 =	vor.u32 v1, v11;
	_ =	sdelay $0x1  }
0x11f: {  	s19 =	simm.s32 $0xC0  }
0x120: {  	v14 =	vld [tilespmem:s19+$0xFFFFFFC0]  }
0x121: {  	[tilespmem:v13+s14+$0x0] =	vst.idx.msk vm5, v10  }
0x122: {  	[tilespmem:v11+s13+$0x0] =	vst.idx.add.s32.msk vm5, v2  }
0x123: {  	v10 =	vld [tilespmem:s31+$0x30];
	_ =	sdelay $0x1  }
0x124: {  	v11 =	vshrl.u32 v14, $0x18  }
0x125: {  	vm3 =	veq.s32 v11, v6  }
0x126: {  	v11 =	vsel vm3, $0x1, v0  }
0x127: {  	(xrf0) =	vadd.scan.msk.s32 $0xffff, v11;
	v60 =	vshrl.u32 v10, $0x18  }
0x128: {  	vm2 =	veq.s32 v60, v6  }
0x129: {  	v61 =	vxor.u32 v5, v8;
	v11 =	vsel vm2, $0x1, v0  }
0x12a: {  	v8 =	vshrl.u32 v61, $0xC;
	(xrf0) =	vadd.scan.msk.s32 $0xffff, v11;
	v11 =	vmpcnt.ones.xlane vm5  }
0x12b: {  	v8 =	vand.u32 $0xFF0, v8;
	v62 =	vmpcnt.ones.xlane vm2  }
0x12c: {  	v7 =	vadd.s32 v7, v12;
	v14 =	vxor.u32 v5, v14;
	v9 =	vadd.s32 v9, v11  }
0x12d: {  	v15 =	vshrl.u32 v14, $0xC;
	v16, _, _ =	vpop (xrf0);
	v11 =	vor.u32 v1, v8;
	v8 =	vadd.s32 v9, v62  }
0x12e: {  	v15 =	vand.u32 $0xFF0, v15;
	v12 =	vadd.s32 v8, v16  }
0x12f: {  	v15 =	vor.u32 v1, v15;
	_ =	sdelay $0x1  }
0x130: {  	v10 =	vxor.u32 v5, v10  }
0x131: {  	[tilespmem:v7+s14+$0x0] =	vst.idx.msk vm4, v61;
	v7 =	vshrl.u32 v10, $0xC;
	v63, _, _ =	vpop (xrf0)  }
0x132: {  	v7 =	vand.u32 $0xFF0, v7;
	v16 =	vadd.s32 v9, v63;
	[tilespmem:v12+s14+$0x0] =	vst.idx.msk vm3, v14  }
0x133: {  	v7 =	vor.u32 v1, v7;
	[tilespmem:v15+s13+$0x0] =	vst.idx.add.s32.msk vm3, v2  }
0x134: {  	v9 =	vld [tilespmem:s19+$0xFFFFFFD0];
	_ =	sdelay $0x1  }
0x135: {  	[tilespmem:v11+s13+$0x0] =	vst.idx.add.s32.msk vm4, v2  }
0x136: {  	s21 =	simm.s32 $0x2;
	s20 =	simm.s32 $0xC0;
	[tilespmem:v16+s14+$0x0] =	vst.idx.msk vm2, v10  }
.LBB2_12:
0x137: {  	s21 =	sadd.s32 $0x2, s21;
	[tilespmem:v7+s13+$0x0] =	vst.idx.add.s32.msk vm2, v2  }
0x138: {  	p0 =	slt.u32 s21, $0x1FE;
	v7 =	vshrl.u32 v9, $0x18  }
0x139: {  	vm2 =	veq.s32 v7, v6  }
0x13a: {  	v7 =	vsel vm2, $0x1, v0  }
0x13b: {  	(xrf0) =	vadd.scan.msk.s32 $0xffff, v7;
	_ =	sdelay $0x3  }
0x13c: {  	v7 =	vmpcnt.ones.xlane vm3  }
0x13d: {  	v9 =	vxor.u32 v5, v9  }
0x13e: {  	v7 =	vadd.s32 v8, v7;
	v8 =	vshrl.u32 v9, $0xC;
	v10, _, _ =	vpop (xrf0)  }
0x13f: {  	v8 =	vand.u32 $0xFF0, v8;
	v10 =	vadd.s32 v7, v10  }
0x140: {  	v8 =	vor.u32 v1, v8;
	_ =	sdelay $0x3  }
0x141: {  	[tilespmem:v10+s14+$0x0] =	vst.idx.msk vm2, v9  }
0x142: {  	[tilespmem:v8+s13+$0x0] =	vst.idx.add.s32.msk vm2, v2  }
0x143: {  	v8 =	vld [tilespmem:s19+$0xFFFFFFE0];
	_ =	sdelay $0x4  }
0x144: {  	v9 =	vshrl.u32 v8, $0x18  }
0x145: {  	vm3 =	veq.s32 v9, v6  }
0x146: {  	v9 =	vsel vm3, $0x1, v0;
	v10 =	vmpcnt.ones.xlane vm3  }
0x147: {  	(xrf0) =	vadd.scan.msk.s32 $0xffff, v9;
	_ =	sdelay $0x3  }
0x148: {  	v9 =	vmpcnt.ones.xlane vm2  }
0x149: {  	v8 =	vxor.u32 v5, v8  }
0x14a: {  	v7 =	vadd.s32 v7, v9;
	v9 =	vshrl.u32 v8, $0xC;
	v11, _, _ =	vpop (xrf0)  }
0x14b: {  	v9 =	vand.u32 $0xFF0, v9;
	v11 =	vadd.s32 v7, v11  }
0x14c: {  	v9 =	vor.u32 v1, v9  }
0x14d: {  	v12 =	vld [tilespmem:s19+$0x0];
	_ =	sdelay $0x2  }
0x14e: {  	[tilespmem:v11+s14+$0x0] =	vst.idx.msk vm3, v8  }
0x14f: {  	[tilespmem:v9+s13+$0x0] =	vst.idx.add.s32.msk vm3, v2  }
0x150: {  	v8 =	vld [tilespmem:s19+$0xFFFFFFF0];
	v9 =	vshrl.u32 v12, $0x18  }
0x151: {  	vm2 =	veq.s32 v9, v6  }
0x152: {  	v9 =	vsel vm2, $0x1, v0  }
0x153: {  	(xrf0) =	vadd.scan.msk.s32 $0xffff, v9;
	_ =	sdelay $0x1  }
0x154: {  	v9 =	vshrl.u32 v8, $0x18  }
0x155: {  	vm3 =	veq.s32 v9, v6  }
0x156: {  	v9 =	vsel vm3, $0x1, v0;
	v11 =	vmpcnt.ones.xlane vm3  }
0x157: {  	v7 =	vadd.s32 v7, v10;
	v10 =	vxor.u32 v5, v12;
	(xrf0) =	vadd.scan.msk.s32 $0xffff, v9  }
0x158: {  	v9 =	vadd.s32 v7, v11;
	v11 =	vshrl.u32 v10, $0xC;
	v12, _, _ =	vpop (xrf0)  }
0x159: {  	v12 =	vadd.s32 v9, v12;
	v11 =	vand.u32 $0xFF0, v11  }
0x15a: {  	v11 =	vor.u32 v1, v11;
	_ =	sdelay $0x2  }
0x15b: {  	v13, _, _ =	vpop (xrf0)  }
0x15c: {  	v7 =	vadd.s32 v7, v13;
	[tilespmem:v12+s14+$0x0] =	vst.idx.msk vm2, v10  }
0x15d: {  	[tilespmem:v11+s13+$0x0] =	vst.idx.add.s32.msk vm2, v2  }
0x15e: {  	v10 =	vld [tilespmem:s19+$0x10];
	_ =	sdelay $0x1  }
0x15f: {  	v8 =	vxor.u32 v5, v8  }
0x160: {  	[tilespmem:v7+s14+$0x0] =	vst.idx.msk vm3, v8;
	v7 =	vshrl.u32 v8, $0xC  }
0x161: {  	v7 =	vand.u32 $0xFF0, v7  }
0x162: {  	v7 =	vor.u32 v1, v7;
	v8 =	vshrl.u32 v10, $0x18  }
0x163: {  	vm4 =	veq.s32 v8, v6  }
0x164: {  	v8 =	vsel vm4, $0x1, v0;
	v11 =	vmpcnt.ones.xlane vm4  }
0x165: {  	(xrf0) =	vadd.scan.msk.s32 $0xffff, v8;
	_ =	sdelay $0x1  }
0x166: {  	[tilespmem:v7+s13+$0x0] =	vst.idx.add.s32.msk vm3, v2;
	_ =	sdelay $0x1  }
0x167: {  	v7 =	vmpcnt.ones.xlane vm2  }
0x168: {  	v8 =	vxor.u32 v5, v10  }
0x169: {  	v7 =	vadd.s32 v9, v7;
	v9 =	vshrl.u32 v8, $0xC;
	v10, _, _ =	vpop (xrf0)  }
0x16a: {  	v9 =	vand.u32 $0xFF0, v9;
	v10 =	vadd.s32 v7, v10  }
0x16b: {  	v9 =	vor.u32 v1, v9;
	_ =	sdelay $0x3  }
0x16c: {  	[tilespmem:v10+s14+$0x0] =	vst.idx.msk vm4, v8  }
0x16d: {  	[tilespmem:v9+s13+$0x0] =	vst.idx.add.s32.msk vm4, v2  }
0x16e: {  	v8 =	vld [tilespmem:s19+$0x20];
	_ =	sdelay $0x4  }
0x16f: {  	v9 =	vshrl.u32 v8, $0x18  }
0x170: {  	vm2 =	veq.s32 v9, v6  }
0x171: {  	v9 =	vsel vm2, $0x1, v0;
	v10 =	vmpcnt.ones.xlane vm2  }
0x172: {  	(xrf0) =	vadd.scan.msk.s32 $0xffff, v9;
	_ =	sdelay $0x4  }
0x173: {  	v8 =	vxor.u32 v5, v8  }
0x174: {  	v7 =	vadd.s32 v7, v11;
	v9 =	vshrl.u32 v8, $0xC;
	v11, _, _ =	vpop (xrf0)  }
0x175: {  	v9 =	vand.u32 $0xFF0, v9;
	v11 =	vadd.s32 v7, v11  }
0x176: {  	s19 =	sadd.s32 $0x80, s19;
	v9 =	vor.u32 v1, v9  }
0x177: {  	v12 =	vld [tilespmem:s19+$0xFFFFFFC0];
	_ =	sdelay $0x2  }
0x178: {  	[tilespmem:v11+s14+$0x0] =	vst.idx.msk vm2, v8  }
0x179: {  	[tilespmem:v9+s13+$0x0] =	vst.idx.add.s32.msk vm2, v2  }
0x17a: {  	v8 =	vshrl.u32 v12, $0x18;
	v9 =	vld [tilespmem:s20+$0x30];
	s20 =	smov.u32 s19  }
0x17b: {  	vm3 =	veq.s32 v8, v6  }
0x17c: {  	v8 =	vsel vm3, $0x1, v0  }
0x17d: {  	(xrf0) =	vadd.scan.msk.s32 $0xffff, v8;
	_ =	sdelay $0x1  }
0x17e: {  	v8 =	vshrl.u32 v9, $0x18  }
0x17f: {  	vm2 =	veq.s32 v8, v6  }
0x180: {  	v8 =	vsel vm2, $0x1, v0;
	v11 =	vmpcnt.ones.xlane vm2  }
0x181: {  	v7 =	vadd.s32 v7, v10;
	v12 =	vxor.u32 v5, v12;
	(xrf0) =	vadd.scan.msk.s32 $0xffff, v8  }
0x182: {  	v10 =	vshrl.u32 v12, $0xC;
	v13, _, _ =	vpop (xrf0);
	v8 =	vadd.s32 v7, v11  }
0x183: {  	v10 =	vand.u32 $0xFF0, v10;
	v11 =	vadd.s32 v8, v13  }
0x184: {  	v10 =	vor.u32 v1, v10;
	_ =	sdelay $0x1  }
0x185: {  	v13 =	vxor.u32 v5, v9  }
0x186: {  	v9 =	vshrl.u32 v13, $0xC;
	v14, _, _ =	vpop (xrf0)  }
0x187: {  	[tilespmem:v11+s14+$0x0] =	vst.idx.msk vm3, v12;
	v11 =	vadd.s32 v7, v14;
	v7 =	vand.u32 $0xFF0, v9  }
.Ltmp5:
0x188: {  	[tilespmem:v10+s13+$0x0] =	vst.idx.add.s32.msk vm3, v2;
	v7 =	vor.u32 v1, v7;
	(pc) =	sbr.rel @p0 .LBB2_12-.Ltmp5, $2  }
0x189: {  	v9 =	vld [tilespmem:s19+$0xFFFFFFD0];
	_ =	sdelay $0x2  }
0x18a: {  	[tilespmem:v11+s14+$0x0] =	vst.idx.msk vm2, v13  }
0x18b: {  	_ = 	snop  }
0x18c: {  	v10 =	vshrl.u32 v9, $0x18  }
0x18d: {  	vm4 =	veq.s32 v10, v6  }
0x18e: {  	v10 =	vsel vm4, $0x1, v0  }
0x18f: {  	(xrf0) =	vadd.scan.msk.s32 $0xffff, v10;
	_ =	sdelay $0x3  }
0x190: {  	v10 =	vmpcnt.ones.xlane vm3  }
0x191: {  	v9 =	vxor.u32 v5, v9  }
0x192: {  	v8 =	vadd.s32 v8, v10;
	v10 =	vshrl.u32 v9, $0xC;
	v11, _, _ =	vpop (xrf0)  }
0x193: {  	v10 =	vand.u32 $0xFF0, v10;
	v11 =	vadd.s32 v8, v11  }
0x194: {  	v10 =	vor.u32 v1, v10;
	_ =	sdelay $0x3  }
0x195: {  	[tilespmem:v11+s14+$0x0] =	vst.idx.msk vm4, v9  }
0x196: {  	[tilespmem:v10+s13+$0x0] =	vst.idx.add.s32.msk vm4, v2  }
0x197: {  	v9 =	vld [tilespmem:s19+$0xFFFFFFE0];
	_ =	sdelay $0x4  }
0x198: {  	v10 =	vshrl.u32 v9, $0x18  }
0x199: {  	vm3 =	veq.s32 v10, v6  }
0x19a: {  	v10 =	vsel vm3, $0x1, v0  }
0x19b: {  	(xrf0) =	vadd.scan.msk.s32 $0xffff, v10;
	_ =	sdelay $0x3  }
0x19c: {  	v10 =	vmpcnt.ones.xlane vm4  }
0x19d: {  	v9 =	vxor.u32 v5, v9  }
0x19e: {  	v8 =	vadd.s32 v8, v10;
	v10 =	vshrl.u32 v9, $0xC;
	v11, _, _ =	vpop (xrf0)  }
0x19f: {  	v10 =	vand.u32 $0xFF0, v10;
	v11 =	vadd.s32 v8, v11  }
0x1a0: {  	v10 =	vor.u32 v1, v10  }
0x1a1: {  	v12 =	vld [tilespmem:s19+$0x0];
	_ =	sdelay $0x2  }
0x1a2: {  	[tilespmem:v11+s14+$0x0] =	vst.idx.msk vm3, v9  }
0x1a3: {  	[tilespmem:v10+s13+$0x0] =	vst.idx.add.s32.msk vm3, v2  }
0x1a4: {  	v10 =	vshrl.u32 v12, $0x18;
	v9 =	vld [tilespmem:s19+$0xFFFFFFF0]  }
0x1a5: {  	vm13 =	veq.s32 v10, v6  }
0x1a6: {  	v10 =	vsel vm13, $0x1, v0  }
0x1a7: {  	(xrf0) =	vadd.scan.msk.s32 $0xffff, v10;
	_ =	sdelay $0x1  }
0x1a8: {  	v10 =	vshrl.u32 v9, $0x18  }
0x1a9: {  	v11 =	vmpcnt.ones.xlane vm3;
	vm3 =	veq.s32 v10, v6  }
0x1aa: {  	v10 =	vmpcnt.ones.xlane vm3  }
0x1ab: {  	v8 =	vadd.s32 v8, v11;
	v11 =	vxor.u32 v5, v12  }
0x1ac: {  	v12 =	vshrl.u32 v11, $0xC;
	v13, _, _ =	vpop (xrf0);
	v10 =	vadd.s32 v8, v10  }
0x1ad: {  	v12 =	vand.u32 $0xFF0, v12;
	v13 =	vadd.s32 v10, v13  }
0x1ae: {  	v12 =	vor.u32 v1, v12;
	_ =	sdelay $0x3  }
0x1af: {  	[tilespmem:v13+s14+$0x0] =	vst.idx.msk vm13, v11  }
0x1b0: {  	[tilespmem:v12+s13+$0x0] =	vst.idx.add.s32.msk vm13, v2  }
0x1b1: {  	v11 =	vld [tilespmem:s19+$0x10];
	_ =	sdelay $0x4  }
0x1b2: {  	v51 =	vshrl.u32 v11, $0x18  }
0x1b3: {  	v52 =	vsel vm3, $0x1, v0;
	vm5 =	veq.s32 v51, v6  }
0x1b4: {  	(xrf0) =	vadd.scan.msk.s32 $0xffff, v52;
	v12 =	vsel vm5, $0x1, v0  }
0x1b5: {  	(xrf0) =	vadd.scan.msk.s32 $0xffff, v12;
	_ =	sdelay $0x3  }
0x1b6: {  	v53 =	vmpcnt.ones.xlane vm13  }
0x1b7: {  	v13, _, _ =	vpop (xrf0);
	v11 =	vxor.u32 v5, v11  }
0x1b8: {  	v10 =	vadd.s32 v10, v53;
	v54 =	vshrl.u32 v11, $0xC;
	v14, _, _ =	vpop (xrf0)  }
0x1b9: {  	v12 =	vand.u32 $0xFF0, v54;
	v14 =	vadd.s32 v10, v14  }
0x1ba: {  	v12 =	vor.u32 v1, v12;
	_ =	sdelay $0x3  }
0x1bb: {  	[tilespmem:v14+s14+$0x0] =	vst.idx.msk vm5, v11  }
0x1bc: {  	[tilespmem:v12+s13+$0x0] =	vst.idx.add.s32.msk vm5, v2  }
0x1bd: {  	v11 =	vld [tilespmem:s19+$0x20];
	_ =	sdelay $0x4  }
0x1be: {  	v55 =	vshrl.u32 v11, $0x18  }
0x1bf: {  	vm14 =	veq.s32 v55, v6  }
0x1c0: {  	v12 =	vsel vm14, $0x1, v0  }
0x1c1: {  	(xrf0) =	vadd.scan.msk.s32 $0xffff, v12;
	_ =	sdelay $0x3  }
0x1c2: {  	v56 =	vmpcnt.ones.xlane vm5  }
0x1c3: {  	v11 =	vxor.u32 v5, v11  }
0x1c4: {  	v10 =	vadd.s32 v10, v56;
	v57 =	vshrl.u32 v11, $0xC;
	v58, _, _ =	vpop (xrf0)  }
0x1c5: {  	v12 =	vand.u32 $0xFF0, v57;
	v14 =	vadd.s32 v10, v58  }
0x1c6: {  	v12 =	vor.u32 v1, v12;
	_ =	sdelay $0x3  }
0x1c7: {  	[tilespmem:v14+s14+$0x0] =	vst.idx.msk vm14, v11  }
0x1c8: {  	[tilespmem:v12+s13+$0x0] =	vst.idx.add.s32.msk vm14, v2  }
0x1c9: {  	v11 =	vld [tilespmem:s20+$0x30];
	_ =	sdelay $0x4  }
0x1ca: {  	v59 =	vshrl.u32 v11, $0x18  }
0x1cb: {  	vm15 =	veq.s32 v59, v6  }
0x1cc: {  	v6 =	vsel vm15, $0x1, v0  }
0x1cd: {  	(xrf0) =	vadd.scan.msk.s32 $0xffff, v6;
	_ =	sdelay $0x2  }
0x1ce: {  	v6 =	vxor.u32 v5, v9  }
0x1cf: {  	v9 =	vmpcnt.ones.xlane vm14;
	v60 =	vshrl.u32 v6, $0xC  }
0x1d0: {  	v8 =	vadd.s32 v8, v13;
	v5 =	vxor.u32 v5, v11;
	v12 =	vand.u32 $0xFF0, v60  }
0x1d1: {  	v10 =	vadd.s32 v10, v9;
	v9 =	vshrl.u32 v5, $0xC;
	v11 =	vor.u32 v1, v12;
	v61, _, _ =	vpop (xrf0)  }
0x1d2: {  	v9 =	vand.u32 $0xFF0, v9;
	v12 =	vadd.s32 v10, v61  }
0x1d3: {  	v9 =	vor.u32 v1, v9  }
0x1d4: {  	[tilespmem:v7+s13+$0x0] =	vst.idx.add.s32.msk vm2, v2  }
0x1d5: {  	[tilespmem:v8+s14+$0x0] =	vst.idx.msk vm3, v6  }
0x1d6: {  	[tilespmem:v11+s13+$0x0] =	vst.idx.add.s32.msk vm3, v2  }
0x1d7: {  	[tilespmem:v12+s14+$0x0] =	vst.idx.msk vm15, v5  }
0x1d8: {  	s21 =	simm.s32 $0x18040;
	[tilespmem:v9+s13+$0x0] =	vst.idx.add.s32.msk vm15, v2  }
0x1d9: {  	v5 =	vld [tilespmem:s21+$0xFFFFFFC0]  }
0x1da: {  	v9 =	vld [tilespmem:s21+$0xFFFFFFD0]  }
0x1db: {  	v11 =	vld [tilespmem:s21+$0xFFFFFFE0]  }
0x1dc: {  	v7 =	vld [tilespmem:s21+$0xFFFFFFF0]  }
0x1dd: {  	v8 =	vimm.s32 $0x0;
	v6 =	vld [tilespmem:s21+$0x0]  }
0x1de: {  	s19 =	simm.s32 $0x19040;
	v62 =	vmpcnt.ones.xlane vm15;
	v5 =	vadd.s32 v8, v5;
	v8 =	vld [tilespmem:s21+$0x10]  }
0x1df: {  	[tilespmem:s19+$0xFFFFFFC0] =	vst v5;
	v63 =	vadd.s32 v5, v9;
	v9 =	vld [tilespmem:s21+$0x20]  }
0x1e0: {  	s20 =	simm.s32 $0x0;
	v5 =	vadd.s32 v10, v62;
	v10 =	vld [tilespmem:s21+$0x30];
	s21 =	simm.s32 $0x180C0;
	[tilespmem:s19+$0xFFFFFFD0] =	vst v63;
	v11 =	vadd.s32 v63, v11  }
.LBB2_14:
0x1e1: {  	v12 =	vld [tilespmem:s21+$0xFFFFFFC0];
	s20 =	sadd.s32 $0x8, s20;
	[tilespmem:s19+$0xFFFFFFE0] =	vst v11;
	v7 =	vadd.s32 v11, v7  }
0x1e2: {  	v11 =	vld [tilespmem:s21+$0xFFFFFFD0];
	p0 =	slt.u32 s20, $0xF8;
	[tilespmem:s19+$0xFFFFFFF0] =	vst v7;
	v6 =	vadd.s32 v7, v6  }
0x1e3: {  	v13 =	vld [tilespmem:s21+$0xFFFFFFE0];
	[tilespmem:s19+$0x0] =	vst v6;
	v6 =	vadd.s32 v6, v8  }
.Ltmp6:
0x1e4: {  	v7 =	vld [tilespmem:s21+$0xFFFFFFF0];
	[tilespmem:s19+$0x10] =	vst v6;
	v8 =	vadd.s32 v6, v9;
	(pc) =	sbr.rel @p0 .LBB2_14-.Ltmp6, $4  }
0x1e5: {  	v6 =	vld [tilespmem:s21+$0x0];
	[tilespmem:s19+$0x20] =	vst v8;
	v9 =	vadd.s32 v8, v10  }
0x1e6: {  	v10 =	vadd.s32 v9, v12;
	v8 =	vld [tilespmem:s21+$0x10];
	[tilespmem:s19+$0x30] =	vst v9;
	s19 =	sadd.s32 $0x80, s19  }
0x1e7: {  	[tilespmem:s19+$0xFFFFFFC0] =	vst v10;
	v10 =	vadd.s32 v10, v11;
	v9 =	vld [tilespmem:s21+$0x20]  }
0x1e8: {  	[tilespmem:s19+$0xFFFFFFD0] =	vst v10;
	v11 =	vadd.s32 v10, v13;
	v10 =	vld [tilespmem:s21+$0x30];
	s21 =	sadd.s32 $0x80, s21  }
0x1e9: {  	[tilespmem:s19+$0xFFFFFFE0] =	vst v11;
	v7 =	vadd.s32 v11, v7  }
0x1ea: {  	[tilespmem:s19+$0xFFFFFFF0] =	vst v7;
	v6 =	vadd.s32 v7, v6  }
0x1eb: {  	[tilespmem:s19+$0x0] =	vst v6;
	v6 =	vadd.s32 v6, v8  }
0x1ec: {  	[tilespmem:s19+$0x10] =	vst v6;
	v6 =	vadd.s32 v6, v9  }
0x1ed: {  	[tilespmem:s19+$0x20] =	vst v6;
	v6 =	vadd.s32 v6, v10  }
0x1ee: {  	[tilespmem:s19+$0x30] =	vst v6  }
0x1ef: {  	v6 =	vld [tilespmem:$0x197F0];
	_ =	sdelay $0x2  }
0x1f0: {  	(xrf0) =	vadd.scan.msk.s32 $0xffff, v4;
	_ =	sdelay $0x1  }
0x1f1: {  	(xrf0) =	vadd.scan.msk.s32 $0xffff, v6;
	_ =	sdelay $0x3  }
0x1f2: {  	v4, _, _ =	vpop (xrf0)  }
0x1f3: {  	(v2sf) =	vpush v4, $0xF  }
0x1f4: {  	v4, _, _ =	vpop (xrf0)  }
0x1f5: {  	(v2sf) =	vpush v4, $0xF;
	_ =	sdelay $0xc  }
0x1f6: {  	p0 =	seq.s32 s17, $0x0;
	s19 =	spop (v2sf)  }
0x1f7: {  	s19 =	simm.s32 @p0 $0x0  }
0x1f8: {  	s19 =	ssub.s32 s18, s19;
	s23 =	spop (v2sf)  }
0x1f9: {  	s18 =	simm.s32 $0x0;
	p0 =	sgt.s32 s23, s19  }
0x1fa: {  	s18 =	simm.s32 @!p0 $0x80  }
0x1fb: {  	s20 =	sshll.u32 s18, $0x4  }
0x1fc: {  	v4 =	vld [tilespmem:s20+$0x193F0];
	_ =	sdelay $0x4  }
0x1fd: {  	(xrf0) =	vadd.scan.msk.s32 $0xffff, v4;
	_ =	sdelay $0x5  }
0x1fe: {  	v4, _, _ =	vpop (xrf0)  }
0x1ff: {  	(v2sf) =	vpush v4, $0xF;
	_ =	sdelay $0xe  }
0x200: {  	s24 =	spop (v2sf)  }
0x201: {  	s20 =	sor.u32 $0x40, s18;
	p0 =	sgt.s32 s24, s19  }
0x202: {  	s20 =	smov.u32 @p0 s18  }
0x203: {  	s18 =	sshll.u32 s20, $0x4  }
0x204: {  	v4 =	vld [tilespmem:s18+$0x191F0];
	_ =	sdelay $0x4  }
0x205: {  	(xrf0) =	vadd.scan.msk.s32 $0xffff, v4;
	_ =	sdelay $0x5  }
0x206: {  	v4, _, _ =	vpop (xrf0)  }
0x207: {  	(v2sf) =	vpush v4, $0xF;
	_ =	sdelay $0xe  }
0x208: {  	s25 =	spop (v2sf)  }
0x209: {  	s18 =	sor.u32 $0x20, s20;
	p0 =	sgt.s32 s25, s19  }
0x20a: {  	s18 =	smov.u32 @p0 s20  }
0x20b: {  	s20 =	sshll.u32 s18, $0x4  }
0x20c: {  	v4 =	vld [tilespmem:s20+$0x190F0];
	_ =	sdelay $0x4  }
0x20d: {  	(xrf0) =	vadd.scan.msk.s32 $0xffff, v4;
	_ =	sdelay $0x5  }
0x20e: {  	v4, _, _ =	vpop (xrf0)  }
0x20f: {  	(v2sf) =	vpush v4, $0xF;
	_ =	sdelay $0xe  }
0x210: {  	s26 =	spop (v2sf)  }
0x211: {  	s20 =	sor.u32 $0x10, s18;
	p0 =	sgt.s32 s26, s19  }
0x212: {  	s20 =	smov.u32 @p0 s18  }
0x213: {  	s18 =	sshll.u32 s20, $0x4  }
0x214: {  	s18 =	sand.u32 $0x3FFFFFF0, s18  }
0x215: {  	v4 =	vld [tilespmem:s18+$0x19070];
	_ =	sdelay $0x4  }
0x216: {  	(xrf0) =	vadd.scan.msk.s32 $0xffff, v4;
	_ =	sdelay $0x5  }
0x217: {  	v4, _, _ =	vpop (xrf0)  }
0x218: {  	(v2sf) =	vpush v4, $0xF;
	_ =	sdelay $0xe  }
0x219: {  	s28 =	spop (v2sf)  }
0x21a: {  	s18 =	sadd.s32 $0x8, s20;
	p0 =	sgt.s32 s28, s19  }
0x21b: {  	s18 =	smov.u32 @p0 s20  }
0x21c: {  	s20 =	sshll.u32 s18, $0x4  }
0x21d: {  	s20 =	sand.u32 $0x3FFFFFF0, s20  }
0x21e: {  	v4 =	vld [tilespmem:s20+$0x19030];
	_ =	sdelay $0x4  }
0x21f: {  	(xrf0) =	vadd.scan.msk.s32 $0xffff, v4;
	_ =	sdelay $0x5  }
0x220: {  	v4, _, _ =	vpop (xrf0)  }
0x221: {  	(v2sf) =	vpush v4, $0xF;
	_ =	sdelay $0xe  }
0x222: {  	s29 =	spop (v2sf)  }
0x223: {  	s20 =	sadd.s32 $0x4, s18;
	p0 =	sgt.s32 s29, s19  }
0x224: {  	s20 =	smov.u32 @p0 s18  }
0x225: {  	s18 =	sshll.u32 s20, $0x4  }
0x226: {  	s18 =	sand.u32 $0x3FFFFFF0, s18  }
0x227: {  	v4 =	vld [tilespmem:s18+$0x19010];
	_ =	sdelay $0x4  }
0x228: {  	(xrf0) =	vadd.scan.msk.s32 $0xffff, v4;
	_ =	sdelay $0x5  }
0x229: {  	v4, _, _ =	vpop (xrf0)  }
0x22a: {  	(v2sf) =	vpush v4, $0xF;
	_ =	sdelay $0xe  }
0x22b: {  	s30 =	spop (v2sf)  }
0x22c: {  	s18 =	sadd.s32 $0x2, s20;
	p0 =	sgt.s32 s30, s19  }
0x22d: {  	s18 =	smov.u32 @p0 s20  }
0x22e: {  	s20 =	sshll.u32 s18, $0x4  }
0x22f: {  	s20 =	sand.u32 $0x3FFFFFF0, s20  }
0x230: {  	v4 =	vld [tilespmem:s20+$0x19000];
	_ =	sdelay $0x4  }
0x231: {  	(xrf0) =	vadd.scan.msk.s32 $0xffff, v4;
	_ =	sdelay $0x5  }
0x232: {  	v4, _, _ =	vpop (xrf0)  }
0x233: {  	(v2sf) =	vpush v4, $0xF;
	_ =	sdelay $0xe  }
0x234: {  	s31 =	spop (v2sf)  }
0x235: {  	s20 =	simm.s32 $0x1;
	p0 =	sle.s32 s31, s19  }
0x236: {  	s20 =	simm.s32 @!p0 $0x0  }
0x237: {  	s18 =	sadd.s32 s20, s18  }
0x238: {  	s20 =	smax.u32 s18, $0x1  }
0x239: {  	s20 =	sshll.u32 s20, $0x4  }
0x23a: {  	s20 =	sand.u32 $0x3FFFFFF0, s20  }
0x23b: {  	v4 =	vld [tilespmem:s20+$0x18FF0];
	s20 =	simm.s32 $0x18040  }
0x23c: {  	[tilespmem:s20+$0xFFFFFFC0] =	vst v0  }
0x23d: {  	[tilespmem:s20+$0x30] =	vst v0  }
0x23e: {  	[tilespmem:s20+$0x20] =	vst v0  }
0x23f: {  	[tilespmem:s20+$0x10] =	vst v0  }
0x240: {  	[tilespmem:s20+$0x0] =	vst v0  }
0x241: {  	[tilespmem:s20+$0xFFFFFFF0] =	vst v0  }
0x242: {  	s21 =	simm.s32 $0x0;
	[tilespmem:s20+$0xFFFFFFE0] =	vst v0  }
.LBB2_16:
0x243: {  	s21 =	sadd.s32 $0x8, s21;
	[tilespmem:s20+$0xFFFFFFD0] =	vst v0;
	s20 =	sadd.s32 $0x80, s20  }
0x244: {  	[tilespmem:s20+$0xFFFFFFC0] =	vst v0;
	p0 =	slt.u32 s21, $0xF8  }
0x245: {  	[tilespmem:s20+$0x30] =	vst v0  }
.Ltmp7:
0x246: {  	[tilespmem:s20+$0x20] =	vst v0;
	(pc) =	sbr.rel @p0 .LBB2_16-.Ltmp7, $4  }
0x247: {  	[tilespmem:s20+$0x10] =	vst v0  }
0x248: {  	[tilespmem:s20+$0x0] =	vst v0  }
0x249: {  	[tilespmem:s20+$0xFFFFFFF0] =	vst v0  }
0x24a: {  	[tilespmem:s20+$0xFFFFFFE0] =	vst v0  }
0x24b: {  	v5 =	vnsel vm0, $0x0, v5  }
0x24c: {  	(xrf0) =	vadd.scan.msk.s32 $0xffff, v5;
	_ =	sdelay $0x5  }
0x24d: {  	v5, _, _ =	vpop (xrf0)  }
0x24e: {  	(v2sf) =	vpush v5, $0xF;
	_ =	sdelay $0x5  }
0x24f: {  	(xrf0) =	vadd.scan.msk.s32 $0xffff, v4;
	_ =	sdelay $0x5  }
0x250: {  	v4, _, _ =	vpop (xrf0)  }
0x251: {  	(v2sf) =	vpush v4, $0xF;
	_ =	sdelay $0x1  }
0x252: {  	s21 =	spop (v2sf)  }
0x253: {  	s22 =	sadd.s32 $0x10, s21  }
0x254: {  	s23 =	sshra.s32 s22, $0x1F  }
0x255: {  	s23 =	sshrl.u32 s23, $0x1C  }
0x256: {  	s23 =	sadd.s32 s23, s22  }
0x257: {  	s22 =	sshra.s32 s23, $0x4;
	s23 =	sshrl.u32 s23, $0x1F  }
0x258: {  	s23 =	sadd.s32 s23, s22  }
0x259: {  	s23 =	sand.u32 $0xFFFFFFFE, s23  }
0x25a: {  	p0 =	slt.s32 s23, $0x1  }
.Ltmp8:
0x25b: {  	_ = 	snop;
	(pc) =	sbr.rel @p0 .LBB2_18-.Ltmp8, $2  }
0x25c: {  	_ =	sdelay $0x2  }
0x25d: {  	[tilespmem:s20+$0xFFFFFFD0] =	vst v0;
	s21 =	sadd.s32 $0x1, s21;
	s20 =	spop (v2sf)  }
0x25e: {  	s25 =	simm.s32 $0x8010  }
0x25f: {  	v5 =	vld [tilespmem:s25+$0xFFFFFFF0];
	_ =	sdelay $0x1  }
0x260: {  	v8 =	vld [tilespmem:s25+$0x0]  }
0x261: {  	p2 =	sgt.s32 s23, $0x2  }
.Ltmp9:
0x262: {  	_ = 	snop;
	(pc) =	sbr.rel @!p2 .LBB2_27-.Ltmp9, $4  }
0x263: {  	v6 =	vmov s21;
	v7 =	vmov s18;
	s31 =	simm.s32 $0x0;
	v9 =	vshrl.u32 v5, $0x10  }
0x264: {  	v4 =	vimm.s32 $0xFFFFFFFF;
	v10 =	vor.u32 s31, v1;
	v9 =	vand.u32 $0xFF, v9  }
0x265: {  	s24 =	simm.s32 $0x10;
	p0 =	por $0x0, $0x0;
	vm2 =	vlt.s32 v10, v6;
	v10 =	vshrl.u32 v8, $0x10;
	vm3 =	veq.s32 v9, v7  }
0x266: {  	p1 =	por $0x0, $0x0;
	s25 =	simm.s32 $0x8030;
	v14 =	vand.u32 $0xFF, v10;
	v9 =	vor.u32 s24, v1;
	s24 =	simm.s32 $0x30;
	vm6 =	vmand vm2, vm3  }
0x267: {  	v17 =	vld [tilespmem:s25+$0xFFFFFFF0];
	_ =	sdelay $0x1  }
0x268: {  	v10 =	vshrl.u32 v5, $0x4;
	v11 =	vshrl.u32 v8, $0x4;
	v16 =	vld [tilespmem:s25+$0x0];
	vm2 =	vmmov vm6  }
0x269: {  	s26 =	simm.s32 $0x20;
	vm3 =	vlt.s32 v9, v6;
	v9 =	vor.u32 s24, v1;
	vm4 =	veq.s32 v14, v7;
	p2 =	sgt.s32 s23, $0x4  }
.Ltmp10:
0x26a: {  	v12 =	vor.u32 s26, v1;
	v24 =	vand.u32 $0xFF0, v11;
	v25 =	vand.u32 $0xFF0, v10;
	(pc) =	sbr.rel @!p2 .LBB2_29-.Ltmp10, $4  }
0x26b: {  	v13 =	vmpcnt.ones.xlane vm2;
	v11 =	vsel vm2, $0x1, v0;
	v10 =	vshrl.u32 v17, $0x10  }
0x26c: {  	vm5 =	vmand vm3, vm4;
	vm6 =	vlt.s32 v12, v6;
	v10 =	vand.u32 $0xFF, v10  }
0x26d: {  	v12 =	vsel vm5, $0x1, v0;
	(xrf0) =	vadd.scan.msk.s32 $0xffff, v11;
	vm3 =	veq.s32 v10, v7;
	v10 =	vshrl.u32 v16, $0x10  }
0x26e: {  	s25 =	simm.s32 $0x8050;
	s24 =	simm.s32 $0x50;
	p0 =	por $0x1, $0x1;
	v23 =	vmpcnt.ones.xlane vm5;
	(xrf0) =	vadd.scan.msk.s32 $0xffff, v12;
	vm6 =	vmand vm6, vm3;
	v14 =	vand.u32 $0xFF, v10  }
0x26f: {  	v11 =	vshrl.u32 v17, $0x4;
	v12 =	vshrl.u32 v16, $0x4  }
0x270: {  	v10 =	vld [tilespmem:s25+$0xFFFFFFF0];
	v21 =	vadd.s32 v4, v13;
	vm3 =	vmmov vm2;
	vm4 =	vmmov vm5  }
0x271: {  	vm2 =	vmmov vm6;
	vm5 =	vlt.s32 v9, v6;
	v19 =	vor.u32 v1, v24  }
0x272: {  	s26 =	simm.s32 $0x40;
	v9 =	vor.u32 s24, v1;
	vm6 =	veq.s32 v14, v7;
	v20 =	vand.u32 $0xFF0, v11;
	v11 =	vld [tilespmem:s25+$0x0]  }
0x273: {  	p2 =	sgt.s32 s23, $0x6;
	v26 =	vor.u32 s26, v1;
	v22 =	vand.u32 $0xFF0, v12;
	v15 =	vadd.s32 v21, v23;
	v18, _, _ =	vpop (xrf0)  }
.Ltmp11:
0x274: {  	v12 =	vor.u32 v1, v25;
	v13 =	vmpcnt.ones.xlane vm2;
	v18 =	vadd.s32 v4, v18;
	v14, _, _ =	vpop (xrf0);
	(pc) =	sbr.rel @!p2 .LBB2_31-.Ltmp11, $4  }
0x275: {  	v24 =	vsel vm2, $0x1, v0;
	v23 =	vshrl.u32 v10, $0x10;
	v21 =	vadd.s32 v21, v14  }
0x276: {  	vm5 =	vmand vm5, vm6;
	vm7 =	vlt.s32 v26, v6;
	v14 =	vand.u32 $0xFF, v23  }
0x277: {  	s24 =	simm.s32 $0x6;
	v25 =	vsel vm5, $0x1, v0;
	(xrf0) =	vadd.scan.msk.s32 $0xffff, v24;
	vm6 =	veq.s32 v14, v7;
	v14 =	vshrl.u32 v11, $0x10  }
0x278: {  	p1 =	por $0x1, $0x1;
	s25 =	simm.s32 $0x8070;
	s26 =	simm.s32 $0x70;
	v26 =	vmovc v15;
	(xrf0) =	vadd.scan.msk.s32 $0xffff, v25;
	v23 =	vmpcnt.ones.xlane vm5;
	vm6 =	vmand vm7, vm6;
	v14 =	vand.u32 $0xFF, v14  }
.LBB2_32:
0x279: {  	s28 =	sadd.s32 $0xFFFFFFF0, s26;
	v24 =	vld [tilespmem:s25+$0xFFFFFFF0];
	s24 =	sadd.s32 $0x2, s24;
	v25 =	vshrl.u32 v10, $0x4;
	v27 =	vshrl.u32 v11, $0x4;
	v28 =	vadd.s32 v15, v13;
	[tilespmem:v18+s15+$0x0] =	vst.idx.msk vm3, v5;
	v5 =	vmovc v17  }
0x27a: {  	v17 =	vmovc v10;
	v29 =	vor.u32 s28, v1;
	v30 =	vld [tilespmem:s25+$0x0];
	p2 =	slt.s32 s24, s23;
	v27 =	vand.u32 $0xFF0, v27;
	v15 =	vadd.s32 v28, v23;
	[tilespmem:v21+s15+$0x0] =	vst.idx.msk vm4, v8  }
0x27b: {  	v18 =	vand.u32 $0xFF0, v25;
	v8 =	vmovc v16;
	v16 =	vmov v11;
	[tilespmem:v19+s13+$0x0] =	vst.idx.add.s32.msk vm4, v2;
	vm4 =	vmmov vm5  }
0x27c: {  	[tilespmem:v12+s13+$0x0] =	vst.idx.add.s32.msk vm3, v2;
	v12 =	vor.u32 v1, v20;
	v20 =	vmovc v18;
	vm3 =	vmmov vm2;
	vm2 =	vmmov vm6  }
0x27d: {  	vm5 =	vlt.s32 v9, v6;
	v19 =	vor.u32 v1, v22;
	v13 =	vmpcnt.ones.xlane vm2;
	v10, _, _ =	vpop (xrf0)  }
.Ltmp12:
0x27e: {  	v9 =	vor.u32 s26, v1;
	vm6 =	veq.s32 v14, v7;
	v18 =	vadd.s32 v26, v10;
	v10, _, _ =	vpop (xrf0);
	(pc) =	sbr.rel @p2 .LBB2_32-.Ltmp12, $4  }
0x27f: {  	v23 =	vsel vm2, $0x1, v0;
	v14 =	vshrl.u32 v24, $0x10;
	v21 =	vadd.s32 v28, v10;
	v10 =	vmovc v24;
	v11 =	vmovc v30  }
0x280: {  	vm7 =	vlt.s32 v29, v6;
	v22 =	vmovc v27;
	vm5 =	vmand vm5, vm6;
	v26 =	vmovc v15;
	v14 =	vand.u32 $0xFF, v14  }
0x281: {  	v24 =	vsel vm5, $0x1, v0;
	vm6 =	veq.s32 v14, v7;
	v14 =	vshrl.u32 v11, $0x10;
	(xrf0) =	vadd.scan.msk.s32 $0xffff, v23  }
0x282: {  	s25 =	sadd.s32 $0x20, s25;
	s26 =	sadd.s32 $0x20, s26;
	vm6 =	vmand vm7, vm6;
	v14 =	vand.u32 $0xFF, v14;
	v23 =	vmpcnt.ones.xlane vm5;
	(xrf0) =	vadd.scan.msk.s32 $0xffff, v24  }
0x283: {  	v27 =	vmov v5  }
0x284: {  	v28 =	vmovc v8;
	v5 =	vmovc v17;
	v8 =	vmov v16;
	v25 =	vmov v20;
	v24 =	vmov v22  }
.LBB2_34:
0x285: {  	_ = 	snop  }
0x286: {  	vm7 =	vmmov vm6;
	vm14 =	vlt.s32 v9, v6;
	vm8 =	veq.s32 v14, v7  }
0x287: {  	vm6 =	vmand vm14, vm8;
	v6 =	vsel vm7, $0x1, v0  }
0x288: {  	v60 =	vsel vm6, $0x1, v0;
	(xrf0) =	vadd.scan.msk.s32 $0xffff, v6  }
0x289: {  	v9 =	vadd.s32 @p0 v15, v13;
	vm2 =	vmmov @p0 vm2;
	vm5 =	vmmov @p0 vm5;
	v15, _, _ =	vpop @p0 (xrf0);
	(xrf0) =	vadd.scan.msk.s32 $0xffff, v60  }
0x28a: {  	[tilespmem:v21+s15+$0x0] =	vst.idx.msk @p1 vm4, v28;
	v14 =	vadd.s32 @p0 v9, v23;
	vm2 =	vmmov @p0 vm2;
	v13, _, _ =	vpop @p0 (xrf0);
	v15 =	vadd.s32 @p0 v26, v15  }
0x28b: {  	[tilespmem:v19+s13+$0x0] =	vst.idx.add.s32.msk @p1 vm4, v2;
	vm4 =	vmmov @p0 vm5;
	v9 =	vadd.s32 @p0 v9, v13;
	v13 =	vpsel p0, v15, v0  }
0x28c: {  	v16 =	vor.u32 @p0 v1, v24;
	v15 =	vor.u32 @p0 v1, v25;
	v9 =	vpsel p0, v9, v0  }
0x28d: {  	[tilespmem:v18+s15+$0x0] =	vst.idx.msk @p1 vm3, v27;
	v5 =	vpsel p0, v5, v0;
	v17 =	vmpcnt.ones.xlane vm7;
	v15 =	vpsel p0, v15, v0  }
0x28e: {  	v8 =	vpsel p0, v8, v0;
	v4 =	vpsel p0, v14, v4;
	v14 =	vpsel p0, v16, v0;
	v61, _, _ =	vpop (xrf0)  }
0x28f: {  	v7 =	vshrl.u32 v10, $0x4;
	[tilespmem:v12+s13+$0x0] =	vst.idx.add.s32.msk @p1 vm3, v2;
	v62 =	vadd.s32 v4, v17;
	v4 =	vadd.s32 v4, v61;
	v63, _, _ =	vpop (xrf0)  }
0x290: {  	v7 =	vand.u32 $0xFF0, v7;
	v6 =	vshrl.u32 v11, $0x4;
	[tilespmem:v13+s15+$0x0] =	vst.idx.msk @p0 vm2, v5;
	v5 =	vadd.s32 v62, v63  }
0x291: {  	v7 =	vor.u32 v1, v7;
	v6 =	vand.u32 $0xFF0, v6;
	[tilespmem:v9+s15+$0x0] =	vst.idx.msk @p0 vm4, v8  }
0x292: {  	v6 =	vor.u32 v1, v6;
	[tilespmem:v15+s13+$0x0] =	vst.idx.add.s32.msk @p0 vm2, v2  }
.Ltmp13:
0x293: {  	[tilespmem:v14+s13+$0x0] =	vst.idx.add.s32.msk @p0 vm4, v2;
	(pc) =	sbr.rel .LBB2_19-.Ltmp13, $4  }
0x294: {  	[tilespmem:v4+s15+$0x0] =	vst.idx.msk vm7, v10  }
0x295: {  	v4 =	vmpcnt.ones.xlane vm6;
	[tilespmem:v5+s15+$0x0] =	vst.idx.msk vm6, v11  }
0x296: {  	[tilespmem:v7+s13+$0x0] =	vst.idx.add.s32.msk vm7, v2  }
0x297: {  	vm15 =	vmmov vm7;
	vm3 =	vmmov vm6;
	[tilespmem:v6+s13+$0x0] =	vst.idx.add.s32.msk vm6, v2;
	v4 =	vadd.s32 v62, v4  }
.LBB2_18:
0x298: {  	v4 =	vimm.s32 $0xFFFFFFFF  }
.LBB2_19:
0x299: {  	s22 =	ssub.s32 s22, s23  }
0x29a: {  	p0 =	slt.s32 s22, $0x1  }
0x29b: {  	s22 =	sshll.u32 @!p0 s23, $0x4  }
0x29c: {  	v5 =	vld @!p0 [tilespmem:s22+$0x8000];
	_ =	sdelay $0x4  }
0x29d: {  	v6 =	vlaneseq.u32 @!p0;
	v7 =	vshrl.u32 @!p0 v5, $0x10  }
0x29e: {  	v8 =	vor.u32 @!p0 s22, v6;
	v7 =	vand.u32 @!p0 $0xFF, v7  }
0x29f: {  	vm2 =	vlt.s32 @!p0 v8, s21;
	vm3 =	veq.s32 @!p0 v7, s18  }
0x2a0: {  	v7 =	vimm.s32 @!p0 $0x0;
	vm2 =	vmand @!p0 vm2, vm3  }
0x2a1: {  	v7 =	vsel @!p0 vm2, $0x1, v7  }
0x2a2: {  	(xrf0) =	vadd.scan.msk.s32 @!p0 $0xffff, v7;
	_ =	sdelay $0x5  }
0x2a3: {  	v8 =	vshrl.u32 @!p0 v5, $0x4;
	v7, _, _ =	vpop @!p0 (xrf0)  }
0x2a4: {  	v8 =	vand.u32 @!p0 $0xFF0, v8;
	v7 =	vadd.s32 @!p0 v4, v7  }
0x2a5: {  	v6 =	vor.u32 @!p0 v6, v8;
	_ =	sdelay $0x2  }
0x2a6: {  	s21 =	simm.s32 @!p0 $0x10000;
	v8 =	vmpcnt.ones.xlane @!p0 vm2  }
0x2a7: {  	[tilespmem:v7+s21+$0x0] =	vst.idx.msk @!p0 vm2, v5;
	v5 =	vimm.s32 @!p0 $0x1;
	s21 =	simm.s32 @!p0 $0x18000  }
0x2a8: {  	s31 =	simm.s32 $0x18040;
	v7 =	vadd.s32 @!p0 v4, v8;
	[tilespmem:v6+s21+$0x0] =	vst.idx.add.s32.msk @!p0 vm2, v5  }
0x2a9: {  	v4 =	vpsel p0, v4, v7;
	v7 =	vld [tilespmem:s31+$0xFFFFFFC0]  }
0x2aa: {  	v8 =	vld [tilespmem:s31+$0xFFFFFFD0]  }
0x2ab: {  	v9 =	vld [tilespmem:s31+$0xFFFFFFE0]  }
0x2ac: {  	p1 =	seq.s32 s18, $0x0;
	v6 =	vld [tilespmem:s31+$0xFFFFFFF0]  }
0x2ad: {  	v10 =	vimm.s32 $0x0;
	s20 =	simm.s32 @p1 $0x0;
	v5 =	vld [tilespmem:s31+$0x0]  }
0x2ae: {  	s20 =	ssub.s32 s19, s20;
	s19 =	simm.s32 $0x19040;
	v10 =	vadd.s32 v10, v7;
	v7 =	vld [tilespmem:s31+$0x10]  }
0x2af: {  	[tilespmem:s19+$0xFFFFFFC0] =	vst v10;
	v10 =	vadd.s32 v10, v8;
	v8 =	vld [tilespmem:s31+$0x20]  }
0x2b0: {  	s22 =	simm.s32 $0x180C0;
	s21 =	simm.s32 $0x0;
	[tilespmem:s19+$0xFFFFFFD0] =	vst v10;
	v10 =	vadd.s32 v10, v9;
	v9 =	vld [tilespmem:s31+$0x30]  }
.LBB2_20:
0x2b1: {  	v11 =	vld [tilespmem:s22+$0xFFFFFFC0];
	s21 =	sadd.s32 $0x8, s21;
	[tilespmem:s19+$0xFFFFFFE0] =	vst v10;
	v6 =	vadd.s32 v10, v6  }
0x2b2: {  	v10 =	vld [tilespmem:s22+$0xFFFFFFD0];
	p0 =	slt.u32 s21, $0xF8;
	[tilespmem:s19+$0xFFFFFFF0] =	vst v6;
	v5 =	vadd.s32 v6, v5  }
0x2b3: {  	v12 =	vld [tilespmem:s22+$0xFFFFFFE0];
	[tilespmem:s19+$0x0] =	vst v5;
	v5 =	vadd.s32 v5, v7  }
.Ltmp14:
0x2b4: {  	v6 =	vld [tilespmem:s22+$0xFFFFFFF0];
	[tilespmem:s19+$0x10] =	vst v5;
	v7 =	vadd.s32 v5, v8;
	(pc) =	sbr.rel @p0 .LBB2_20-.Ltmp14, $4  }
0x2b5: {  	v5 =	vld [tilespmem:s22+$0x0];
	[tilespmem:s19+$0x20] =	vst v7;
	v8 =	vadd.s32 v7, v9  }
0x2b6: {  	v9 =	vadd.s32 v8, v11;
	v7 =	vld [tilespmem:s22+$0x10];
	[tilespmem:s19+$0x30] =	vst v8;
	s19 =	sadd.s32 $0x80, s19  }
0x2b7: {  	[tilespmem:s19+$0xFFFFFFC0] =	vst v9;
	v9 =	vadd.s32 v9, v10;
	v8 =	vld [tilespmem:s22+$0x20]  }
0x2b8: {  	[tilespmem:s19+$0xFFFFFFD0] =	vst v9;
	v10 =	vadd.s32 v9, v12;
	v9 =	vld [tilespmem:s22+$0x30];
	s22 =	sadd.s32 $0x80, s22  }
0x2b9: {  	[tilespmem:s19+$0xFFFFFFE0] =	vst v10;
	v6 =	vadd.s32 v10, v6  }
0x2ba: {  	[tilespmem:s19+$0xFFFFFFF0] =	vst v6;
	v5 =	vadd.s32 v6, v5  }
0x2bb: {  	[tilespmem:s19+$0x0] =	vst v5;
	v5 =	vadd.s32 v5, v7  }
0x2bc: {  	[tilespmem:s19+$0x10] =	vst v5;
	v5 =	vadd.s32 v5, v8  }
0x2bd: {  	[tilespmem:s19+$0x20] =	vst v5;
	v5 =	vadd.s32 v5, v9  }
0x2be: {  	[tilespmem:s19+$0x30] =	vst v5  }
0x2bf: {  	v5 =	vld [tilespmem:$0x197F0];
	_ =	sdelay $0x4  }
0x2c0: {  	(xrf0) =	vadd.scan.msk.s32 $0xffff, v5;
	_ =	sdelay $0x5  }
0x2c1: {  	v5, _, _ =	vpop (xrf0)  }
0x2c2: {  	(v2sf) =	vpush v5, $0xF;
	_ =	sdelay $0xe  }
0x2c3: {  	s23 =	spop (v2sf)  }
0x2c4: {  	s19 =	simm.s32 $0x0;
	p0 =	sgt.s32 s23, s20  }
0x2c5: {  	s19 =	simm.s32 @!p0 $0x80  }
0x2c6: {  	s21 =	sshll.u32 s19, $0x4  }
0x2c7: {  	v5 =	vld [tilespmem:s21+$0x193F0];
	_ =	sdelay $0x4  }
0x2c8: {  	(xrf0) =	vadd.scan.msk.s32 $0xffff, v5;
	_ =	sdelay $0x5  }
0x2c9: {  	v5, _, _ =	vpop (xrf0)  }
0x2ca: {  	(v2sf) =	vpush v5, $0xF;
	_ =	sdelay $0xe  }
0x2cb: {  	s24 =	spop (v2sf)  }
0x2cc: {  	s21 =	sor.u32 $0x40, s19;
	p0 =	sgt.s32 s24, s20  }
0x2cd: {  	s21 =	smov.u32 @p0 s19  }
0x2ce: {  	s19 =	sshll.u32 s21, $0x4  }
0x2cf: {  	v5 =	vld [tilespmem:s19+$0x191F0];
	_ =	sdelay $0x4  }
0x2d0: {  	(xrf0) =	vadd.scan.msk.s32 $0xffff, v5;
	_ =	sdelay $0x5  }
0x2d1: {  	v5, _, _ =	vpop (xrf0)  }
0x2d2: {  	(v2sf) =	vpush v5, $0xF;
	_ =	sdelay $0xe  }
0x2d3: {  	s25 =	spop (v2sf)  }
0x2d4: {  	s19 =	sor.u32 $0x20, s21;
	p0 =	sgt.s32 s25, s20  }
0x2d5: {  	s19 =	smov.u32 @p0 s21  }
0x2d6: {  	s21 =	sshll.u32 s19, $0x4  }
0x2d7: {  	v5 =	vld [tilespmem:s21+$0x190F0];
	_ =	sdelay $0x4  }
0x2d8: {  	(xrf0) =	vadd.scan.msk.s32 $0xffff, v5;
	_ =	sdelay $0x5  }
0x2d9: {  	v5, _, _ =	vpop (xrf0)  }
0x2da: {  	(v2sf) =	vpush v5, $0xF;
	_ =	sdelay $0xe  }
0x2db: {  	s26 =	spop (v2sf)  }
0x2dc: {  	s21 =	sor.u32 $0x10, s19;
	p0 =	sgt.s32 s26, s20  }
0x2dd: {  	s21 =	smov.u32 @p0 s19  }
0x2de: {  	s19 =	sshll.u32 s21, $0x4  }
0x2df: {  	s19 =	sand.u32 $0x3FFFFFF0, s19  }
0x2e0: {  	v5 =	vld [tilespmem:s19+$0x19070];
	_ =	sdelay $0x4  }
0x2e1: {  	(xrf0) =	vadd.scan.msk.s32 $0xffff, v5;
	_ =	sdelay $0x5  }
0x2e2: {  	v5, _, _ =	vpop (xrf0)  }
0x2e3: {  	(v2sf) =	vpush v5, $0xF;
	_ =	sdelay $0xe  }
0x2e4: {  	s28 =	spop (v2sf)  }
0x2e5: {  	s19 =	sadd.s32 $0x8, s21;
	p0 =	sgt.s32 s28, s20  }
0x2e6: {  	s19 =	smov.u32 @p0 s21  }
0x2e7: {  	s21 =	sshll.u32 s19, $0x4  }
0x2e8: {  	s21 =	sand.u32 $0x3FFFFFF0, s21  }
0x2e9: {  	v5 =	vld [tilespmem:s21+$0x19030];
	_ =	sdelay $0x4  }
0x2ea: {  	(xrf0) =	vadd.scan.msk.s32 $0xffff, v5;
	_ =	sdelay $0x5  }
0x2eb: {  	v5, _, _ =	vpop (xrf0)  }
0x2ec: {  	(v2sf) =	vpush v5, $0xF;
	_ =	sdelay $0xe  }
0x2ed: {  	s29 =	spop (v2sf)  }
0x2ee: {  	s21 =	sadd.s32 $0x4, s19;
	p0 =	sgt.s32 s29, s20  }
0x2ef: {  	s21 =	smov.u32 @p0 s19  }
0x2f0: {  	s19 =	sshll.u32 s21, $0x4  }
0x2f1: {  	s19 =	sand.u32 $0x3FFFFFF0, s19  }
0x2f2: {  	v5 =	vld [tilespmem:s19+$0x19010];
	_ =	sdelay $0x4  }
0x2f3: {  	(xrf0) =	vadd.scan.msk.s32 $0xffff, v5;
	_ =	sdelay $0x5  }
0x2f4: {  	v5, _, _ =	vpop (xrf0)  }
0x2f5: {  	(v2sf) =	vpush v5, $0xF;
	_ =	sdelay $0xe  }
0x2f6: {  	s30 =	spop (v2sf)  }
0x2f7: {  	s19 =	sadd.s32 $0x2, s21;
	p0 =	sgt.s32 s30, s20  }
0x2f8: {  	s19 =	smov.u32 @p0 s21  }
0x2f9: {  	s21 =	sshll.u32 s19, $0x4  }
0x2fa: {  	s21 =	sand.u32 $0x3FFFFFF0, s21  }
0x2fb: {  	v5 =	vld [tilespmem:s21+$0x19000];
	_ =	sdelay $0x4  }
0x2fc: {  	(xrf0) =	vadd.scan.msk.s32 $0xffff, v5;
	_ =	sdelay $0x5  }
0x2fd: {  	v5, _, _ =	vpop (xrf0)  }
0x2fe: {  	(v2sf) =	vpush v5, $0xF;
	_ =	sdelay $0xe  }
0x2ff: {  	s31 =	spop (v2sf)  }
0x300: {  	s21 =	simm.s32 $0x1;
	p0 =	sle.s32 s31, s20  }
0x301: {  	s21 =	simm.s32 @!p0 $0x0  }
0x302: {  	s19 =	sadd.s32 s21, s19  }
0x303: {  	s21 =	smax.u32 s19, $0x1  }
0x304: {  	s21 =	sshll.u32 s21, $0x4  }
0x305: {  	s21 =	sand.u32 $0x3FFFFFF0, s21  }
0x306: {  	v5 =	vld [tilespmem:s21+$0x18FF0];
	s21 =	simm.s32 $0x18040  }
0x307: {  	[tilespmem:s21+$0xFFFFFFC0] =	vst v0  }
0x308: {  	[tilespmem:s21+$0x30] =	vst v0  }
0x309: {  	[tilespmem:s21+$0x20] =	vst v0  }
0x30a: {  	[tilespmem:s21+$0x10] =	vst v0  }
0x30b: {  	[tilespmem:s21+$0x0] =	vst v0  }
0x30c: {  	[tilespmem:s21+$0xFFFFFFF0] =	vst v0  }
0x30d: {  	s22 =	simm.s32 $0x0;
	[tilespmem:s21+$0xFFFFFFE0] =	vst v0  }
.LBB2_22:
0x30e: {  	s22 =	sadd.s32 $0x8, s22;
	[tilespmem:s21+$0xFFFFFFD0] =	vst v0;
	s21 =	sadd.s32 $0x80, s21  }
0x30f: {  	[tilespmem:s21+$0xFFFFFFC0] =	vst v0;
	p0 =	slt.u32 s22, $0xF8  }
0x310: {  	[tilespmem:s21+$0x30] =	vst v0  }
.Ltmp15:
0x311: {  	[tilespmem:s21+$0x20] =	vst v0;
	(pc) =	sbr.rel @p0 .LBB2_22-.Ltmp15, $4  }
0x312: {  	[tilespmem:s21+$0x10] =	vst v0  }
0x313: {  	[tilespmem:s21+$0x0] =	vst v0  }
0x314: {  	[tilespmem:s21+$0xFFFFFFF0] =	vst v0  }
0x315: {  	[tilespmem:s21+$0xFFFFFFE0] =	vst v0  }
0x316: {  	v4 =	vnsel vm0, $0x0, v4  }
0x317: {  	(xrf0) =	vadd.scan.msk.s32 $0xffff, v4;
	_ =	sdelay $0x5  }
0x318: {  	v4, _, _ =	vpop (xrf0)  }
0x319: {  	(v2sf) =	vpush v4, $0xF;
	_ =	sdelay $0x5  }
0x31a: {  	(xrf0) =	vadd.scan.msk.s32 $0xffff, v5;
	_ =	sdelay $0x5  }
0x31b: {  	v4, _, _ =	vpop (xrf0)  }
0x31c: {  	(v2sf) =	vpush v4, $0xF;
	_ =	sdelay $0x1  }
0x31d: {  	s22 =	spop (v2sf)  }
0x31e: {  	s23 =	sadd.s32 $0x10, s22  }
0x31f: {  	s24 =	sshra.s32 s23, $0x1F  }
0x320: {  	s24 =	sshrl.u32 s24, $0x1C  }
0x321: {  	s24 =	sadd.s32 s24, s23  }
0x322: {  	s23 =	sshra.s32 s24, $0x4;
	s24 =	sshrl.u32 s24, $0x1F  }
0x323: {  	s24 =	sadd.s32 s24, s23  }
0x324: {  	s24 =	sand.u32 $0xFFFFFFFE, s24  }
0x325: {  	p0 =	slt.s32 s24, $0x1  }
.Ltmp16:
0x326: {  	_ = 	snop;
	(pc) =	sbr.rel @p0 .LBB2_42-.Ltmp16, $2  }
0x327: {  	_ =	sdelay $0x2  }
0x328: {  	[tilespmem:s21+$0xFFFFFFD0] =	vst v0;
	s22 =	sadd.s32 $0x1, s22;
	s21 =	spop (v2sf)  }
0x329: {  	p2 =	sgt.s32 s24, $0x2  }
.Ltmp17:
0x32a: {  	_ = 	snop;
	(pc) =	sbr.rel @!p2 .LBB2_25-.Ltmp17, $4  }
0x32b: {  	_ = 	snop  }
0x32c: {  	s26 =	simm.s32 $0x10010  }
0x32d: {  	s25 =	simm.s32 $0x10;
	s28 =	simm.s32 $0x0;
	v6 =	vld [tilespmem:s26+$0x0]  }
0x32e: {  	v5 =	vmov s22;
	v4 =	vmov s19;
	p0 =	por $0x0, $0x0;
	p1 =	por $0x0, $0x0;
	v8 =	vld [tilespmem:s26+$0xFFFFFFF0];
	v7 =	vor.u32 s28, v1;
	s26 =	simm.s32 $0x10030  }
0x32f: {  	_ =	sdelay $0x2  }
0x330: {  	vm2 =	vlt.s32 v7, v5;
	p2 =	sgt.s32 s24, $0x4  }
.Ltmp18:
0x331: {  	v9 =	vor.u32 s25, v1;
	s31 =	simm.s32 $0x20;
	v10 =	vshrl.u32 v8, $0x8;
	v8 =	vshll.u32 v8, $0x4;
	(pc) =	sbr.rel @!p2 .LBB2_36-.Ltmp18, $4  }
0x332: {  	v7 =	vor.u32 s31, v1;
	v10 =	vand.u32 $0xFF, v10;
	v8 =	vor.u32 v1, v8  }
0x333: {  	vm3 =	veq.s32 v10, v4;
	v10 =	vand.u32 $0xFFF, v8;
	v8 =	vshrl.u32 v6, $0x8  }
0x334: {  	v13 =	vld [tilespmem:s26+$0x0];
	vm5 =	vlt.s32 v9, v5;
	v6 =	vshll.u32 v6, $0x4;
	v11 =	vand.u32 $0xFF, v8  }
0x335: {  	s25 =	simm.s32 $0x30;
	s28 =	simm.s32 $0x10050;
	p0 =	por $0x1, $0x1;
	vm3 =	vmand vm2, vm3;
	v8 =	vld [tilespmem:s26+$0xFFFFFFF0];
	v12 =	vor.u32 v1, v6;
	vm6 =	veq.s32 v11, v4  }
0x336: {  	_ =	sdelay $0x3  }
0x337: {  	vm2 =	vmand vm5, vm6;
	p2 =	sgt.s32 s24, $0x6;
	v6 =	vshrl.u32 v8, $0x8;
	v8 =	vshll.u32 v8, $0x4  }
.Ltmp19:
0x338: {  	v9 =	vand.u32 $0xFFF, v12;
	v11 =	vand.u32 $0xFF, v6;
	v8 =	vor.u32 v1, v8;
	(pc) =	sbr.rel @!p2 .LBB2_38-.Ltmp19, $4  }
0x339: {  	v6 =	vld [tilespmem:s28+$0x0];
	vm5 =	veq.s32 v11, v4;
	v11 =	vand.u32 $0xFFF, v8;
	v8 =	vshrl.u32 v13, $0x8  }
0x33a: {  	vm4 =	vlt.s32 v7, v5;
	v14 =	vor.u32 s25, v1;
	s31 =	simm.s32 $0x40;
	v12 =	vand.u32 $0xFF, v8;
	v8 =	vld [tilespmem:s28+$0xFFFFFFF0]  }
0x33b: {  	s26 =	simm.s32 $0x6;
	[tilespmem:v10+s13+$0x0] =	vst.idx.add.s32.msk vm3, v2;
	v7 =	vor.u32 s31, v1;
	v13 =	vshll.u32 v13, $0x4;
	vm4 =	vmand vm4, vm5  }
0x33c: {  	s25 =	simm.s32 $0x50;
	p1 =	por $0x1, $0x1;
	s28 =	simm.s32 $0x10070;
	vm5 =	vlt.s32 v14, v5;
	vm6 =	veq.s32 v12, v4;
	v12 =	vor.u32 v1, v13  }
.LBB2_39:
0x33d: {  	s26 =	sadd.s32 $0x2, s26  }
0x33e: {  	vm3 =	vlt.s32 v7, v5;
	v10 =	vor.u32 s25, v1;
	s25 =	sadd.s32 $0x20, s25;
	[tilespmem:v9+s13+$0x0] =	vst.idx.add.s32.msk vm2, v2;
	vm2 =	vmand vm5, vm6;
	v13 =	vmovc v6;
	p2 =	slt.s32 s26, s24  }
.Ltmp20:
0x33f: {  	v9 =	vand.u32 $0xFFF, v12;
	s29 =	sadd.s32 $0xFFFFFFF0, s25;
	v6 =	vld [tilespmem:s28+$0x0];
	v14 =	vshrl.u32 v8, $0x8;
	v15 =	vshll.u32 v8, $0x4;
	(pc) =	sbr.rel @p2 .LBB2_39-.Ltmp20, $4  }
0x340: {  	v8 =	vld [tilespmem:s28+$0xFFFFFFF0];
	v7 =	vor.u32 s29, v1;
	v12 =	vand.u32 $0xFF, v14;
	v14 =	vor.u32 v1, v15  }
0x341: {  	vm5 =	veq.s32 v12, v4;
	v12 =	vand.u32 $0xFFF, v14;
	v14 =	vshrl.u32 v13, $0x8  }
0x342: {  	v13 =	vshll.u32 v13, $0x4;
	v14 =	vand.u32 $0xFF, v14;
	[tilespmem:v11+s13+$0x0] =	vst.idx.add.s32.msk vm4, v2;
	vm4 =	vmand vm3, vm5;
	v11 =	vmovc v12  }
0x343: {  	s28 =	sadd.s32 $0x20, s28;
	vm5 =	vlt.s32 v10, v5;
	v12 =	vor.u32 v1, v13;
	vm6 =	veq.s32 v14, v4  }
0x344: {  	vm3 =	vmmov vm4;
	v10 =	vmov v11  }
.LBB2_41:
0x345: {  	v11 =	vshrl.u32 v8, $0x8;
	vm4 =	vlt.s32 v7, v5  }
0x346: {  	vm5 =	vmand @p0 vm5, vm6;
	v61 =	vor.u32 s25, v1;
	v62 =	vshll.u32 v8, $0x4  }
0x347: {  	v63 =	vshll.u32 v6, $0x4;
	v11 =	vand.u32 $0xFF, v11;
	v8 =	vor.u32 v1, v62  }
0x348: {  	vm7 =	vlt.s32 v61, v5;
	v5 =	vshrl.u32 v6, $0x8;
	vm5 =	vmmov @p0 vm5  }
0x349: {  	vm14 =	veq.s32 v11, v4;
	v11 =	vand.u32 @p0 $0xFFF, v12;
	v5 =	vand.u32 $0xFF, v5  }
0x34a: {  	vm4 =	vmand vm4, vm14;
	vm15 =	veq.s32 v5, v4;
	v4 =	vpsel p0, v11, v0  }
0x34b: {  	v6 =	vor.u32 v1, v63;
	v5 =	vand.u32 $0xFFF, v8;
	vm6 =	vmand vm7, vm15  }
0x34c: {  	v6 =	vand.u32 $0xFFF, v6  }
0x34d: {  	[tilespmem:v9+s13+$0x0] =	vst.idx.add.s32.msk @p1 vm2, v2  }
0x34e: {  	[tilespmem:v10+s13+$0x0] =	vst.idx.add.s32.msk @p0 vm3, v2  }
0x34f: {  	[tilespmem:v4+s13+$0x0] =	vst.idx.add.s32.msk @p0 vm5, v2  }
0x350: {  	[tilespmem:v5+s13+$0x0] =	vst.idx.add.s32.msk vm4, v2  }
0x351: {  	[tilespmem:v6+s13+$0x0] =	vst.idx.add.s32.msk vm6, v2  }
.LBB2_42:
0x352: {  	s23 =	ssub.s32 s23, s24  }
0x353: {  	p0 =	sgt.s32 s23, $0x0  }
0x354: {  	s23 =	sshll.u32 @p0 s24, $0x4  }
0x355: {  	v4 =	vld @p0 [tilespmem:s23+$0x10000];
	_ =	sdelay $0x4  }
0x356: {  	v5 =	vlaneseq.u32 @p0;
	v6 =	vshrl.u32 @p0 v4, $0x8  }
0x357: {  	v7 =	vor.u32 @p0 s23, v5;
	v6 =	vand.u32 @p0 $0xFF, v6  }
0x358: {  	vm2 =	vlt.s32 @p0 v7, s22;
	v4 =	vshll.u32 @p0 v4, $0x4;
	vm3 =	veq.s32 @p0 v6, s19  }
0x359: {  	v4 =	vor.u32 @p0 v5, v4;
	vm2 =	vmand @p0 vm2, vm3  }
0x35a: {  	v4 =	vand.u32 @p0 $0xFFF, v4;
	_ =	sdelay $0x3  }
0x35b: {  	s22 =	simm.s32 @p0 $0x18000;
	v5 =	vimm.s32 @p0 $0x1  }
0x35c: {  	s31 =	simm.s32 $0x18040;
	[tilespmem:v4+s22+$0x0] =	vst.idx.add.s32.msk @p0 vm2, v5  }
0x35d: {  	v7 =	vld [tilespmem:s31+$0xFFFFFFC0]  }
0x35e: {  	v8 =	vld [tilespmem:s31+$0xFFFFFFD0]  }
0x35f: {  	v9 =	vld [tilespmem:s31+$0xFFFFFFE0]  }
0x360: {  	p1 =	seq.s32 s19, $0x0;
	v6 =	vld [tilespmem:s31+$0xFFFFFFF0]  }
0x361: {  	s21 =	simm.s32 @p1 $0x0;
	v5 =	vimm.s32 $0x0;
	v4 =	vld [tilespmem:s31+$0x0]  }
0x362: {  	s20 =	ssub.s32 s20, s21;
	s21 =	simm.s32 $0x19040;
	v7 =	vadd.s32 v5, v7;
	v5 =	vld [tilespmem:s31+$0x10]  }
0x363: {  	[tilespmem:s21+$0xFFFFFFC0] =	vst v7;
	v8 =	vadd.s32 v7, v8;
	v7 =	vld [tilespmem:s31+$0x20]  }
0x364: {  	s23 =	simm.s32 $0x180C0;
	s22 =	simm.s32 $0x0;
	[tilespmem:s21+$0xFFFFFFD0] =	vst v8;
	v9 =	vadd.s32 v8, v9;
	v8 =	vld [tilespmem:s31+$0x30]  }
.LBB2_43:
0x365: {  	v10 =	vld [tilespmem:s23+$0xFFFFFFC0];
	s22 =	sadd.s32 $0x8, s22;
	[tilespmem:s21+$0xFFFFFFE0] =	vst v9;
	v6 =	vadd.s32 v9, v6  }
0x366: {  	v9 =	vld [tilespmem:s23+$0xFFFFFFD0];
	p0 =	slt.u32 s22, $0xF8;
	[tilespmem:s21+$0xFFFFFFF0] =	vst v6;
	v4 =	vadd.s32 v6, v4  }
0x367: {  	v11 =	vld [tilespmem:s23+$0xFFFFFFE0];
	[tilespmem:s21+$0x0] =	vst v4;
	v4 =	vadd.s32 v4, v5  }
.Ltmp21:
0x368: {  	v6 =	vld [tilespmem:s23+$0xFFFFFFF0];
	[tilespmem:s21+$0x10] =	vst v4;
	v5 =	vadd.s32 v4, v7;
	(pc) =	sbr.rel @p0 .LBB2_43-.Ltmp21, $4  }
0x369: {  	v4 =	vld [tilespmem:s23+$0x0];
	[tilespmem:s21+$0x20] =	vst v5;
	v7 =	vadd.s32 v5, v8  }
0x36a: {  	v8 =	vadd.s32 v7, v10;
	v5 =	vld [tilespmem:s23+$0x10];
	[tilespmem:s21+$0x30] =	vst v7;
	s21 =	sadd.s32 $0x80, s21  }
0x36b: {  	[tilespmem:s21+$0xFFFFFFC0] =	vst v8;
	v8 =	vadd.s32 v8, v9;
	v7 =	vld [tilespmem:s23+$0x20]  }
0x36c: {  	[tilespmem:s21+$0xFFFFFFD0] =	vst v8;
	v9 =	vadd.s32 v8, v11;
	v8 =	vld [tilespmem:s23+$0x30];
	s23 =	sadd.s32 $0x80, s23  }
0x36d: {  	[tilespmem:s21+$0xFFFFFFE0] =	vst v9;
	v6 =	vadd.s32 v9, v6  }
0x36e: {  	[tilespmem:s21+$0xFFFFFFF0] =	vst v6;
	v4 =	vadd.s32 v6, v4  }
0x36f: {  	[tilespmem:s21+$0x0] =	vst v4;
	v4 =	vadd.s32 v4, v5  }
0x370: {  	[tilespmem:s21+$0x10] =	vst v4;
	v4 =	vadd.s32 v4, v7  }
0x371: {  	[tilespmem:s21+$0x20] =	vst v4;
	v4 =	vadd.s32 v4, v8  }
0x372: {  	[tilespmem:s21+$0x30] =	vst v4  }
0x373: {  	v4 =	vld [tilespmem:$0x197F0];
	_ =	sdelay $0x4  }
0x374: {  	(xrf0) =	vadd.scan.msk.s32 $0xffff, v4;
	_ =	sdelay $0x5  }
0x375: {  	v4, _, _ =	vpop (xrf0)  }
0x376: {  	(v2sf) =	vpush v4, $0xF;
	_ =	sdelay $0xe  }
0x377: {  	s30 =	spop (v2sf)  }
0x378: {  	s21 =	simm.s32 $0x0;
	p0 =	sgt.s32 s30, s20  }
0x379: {  	s21 =	simm.s32 @!p0 $0x80  }
0x37a: {  	s22 =	sshll.u32 s21, $0x4  }
0x37b: {  	v4 =	vld [tilespmem:s22+$0x193F0];
	_ =	sdelay $0x4  }
0x37c: {  	(xrf0) =	vadd.scan.msk.s32 $0xffff, v4;
	_ =	sdelay $0x5  }
0x37d: {  	v4, _, _ =	vpop (xrf0)  }
0x37e: {  	(v2sf) =	vpush v4, $0xF;
	_ =	sdelay $0xe  }
0x37f: {  	s31 =	spop (v2sf)  }
0x380: {  	s22 =	sor.u32 $0x40, s21;
	p0 =	sgt.s32 s31, s20  }
0x381: {  	s22 =	smov.u32 @p0 s21  }
0x382: {  	s21 =	sshll.u32 s22, $0x4  }
0x383: {  	v4 =	vld [tilespmem:s21+$0x191F0];
	_ =	sdelay $0x4  }
0x384: {  	(xrf0) =	vadd.scan.msk.s32 $0xffff, v4;
	_ =	sdelay $0x5  }
0x385: {  	v4, _, _ =	vpop (xrf0)  }
0x386: {  	(v2sf) =	vpush v4, $0xF;
	_ =	sdelay $0xe  }
0x387: {  	s23 =	spop (v2sf)  }
0x388: {  	s21 =	sor.u32 $0x20, s22;
	p0 =	sgt.s32 s23, s20  }
0x389: {  	s21 =	smov.u32 @p0 s22  }
0x38a: {  	s22 =	sshll.u32 s21, $0x4  }
0x38b: {  	v4 =	vld [tilespmem:s22+$0x190F0];
	_ =	sdelay $0x4  }
0x38c: {  	(xrf0) =	vadd.scan.msk.s32 $0xffff, v4;
	_ =	sdelay $0x5  }
0x38d: {  	v4, _, _ =	vpop (xrf0)  }
0x38e: {  	(v2sf) =	vpush v4, $0xF;
	_ =	sdelay $0xe  }
0x38f: {  	s24 =	spop (v2sf)  }
0x390: {  	s22 =	sor.u32 $0x10, s21;
	p0 =	sgt.s32 s24, s20  }
0x391: {  	s22 =	smov.u32 @p0 s21  }
0x392: {  	s21 =	sshll.u32 s22, $0x4  }
0x393: {  	s21 =	sand.u32 $0x3FFFFFF0, s21  }
0x394: {  	v4 =	vld [tilespmem:s21+$0x19070];
	_ =	sdelay $0x4  }
0x395: {  	(xrf0) =	vadd.scan.msk.s32 $0xffff, v4;
	_ =	sdelay $0x5  }
0x396: {  	v4, _, _ =	vpop (xrf0)  }
0x397: {  	(v2sf) =	vpush v4, $0xF;
	_ =	sdelay $0xe  }
0x398: {  	s25 =	spop (v2sf)  }
0x399: {  	s21 =	sadd.s32 $0x8, s22;
	p0 =	sgt.s32 s25, s20  }
0x39a: {  	s21 =	smov.u32 @p0 s22  }
0x39b: {  	s22 =	sshll.u32 s21, $0x4  }
0x39c: {  	s22 =	sand.u32 $0x3FFFFFF0, s22  }
0x39d: {  	v4 =	vld [tilespmem:s22+$0x19030];
	_ =	sdelay $0x4  }
0x39e: {  	(xrf0) =	vadd.scan.msk.s32 $0xffff, v4;
	_ =	sdelay $0x5  }
0x39f: {  	v4, _, _ =	vpop (xrf0)  }
0x3a0: {  	(v2sf) =	vpush v4, $0xF;
	_ =	sdelay $0xe  }
0x3a1: {  	s26 =	spop (v2sf)  }
0x3a2: {  	s22 =	sadd.s32 $0x4, s21;
	p0 =	sgt.s32 s26, s20  }
0x3a3: {  	s22 =	smov.u32 @p0 s21  }
0x3a4: {  	s21 =	sshll.u32 s22, $0x4  }
0x3a5: {  	s21 =	sand.u32 $0x3FFFFFF0, s21  }
0x3a6: {  	v4 =	vld [tilespmem:s21+$0x19010];
	_ =	sdelay $0x4  }
0x3a7: {  	(xrf0) =	vadd.scan.msk.s32 $0xffff, v4;
	_ =	sdelay $0x5  }
0x3a8: {  	v4, _, _ =	vpop (xrf0)  }
0x3a9: {  	(v2sf) =	vpush v4, $0xF;
	_ =	sdelay $0xe  }
0x3aa: {  	s28 =	spop (v2sf)  }
0x3ab: {  	s21 =	sadd.s32 $0x2, s22;
	p0 =	sgt.s32 s28, s20  }
0x3ac: {  	s21 =	smov.u32 @p0 s22  }
0x3ad: {  	s22 =	sshll.u32 s21, $0x4  }
0x3ae: {  	s22 =	sand.u32 $0x3FFFFFF0, s22  }
0x3af: {  	v4 =	vld [tilespmem:s22+$0x19000];
	_ =	sdelay $0x4  }
0x3b0: {  	(xrf0) =	vadd.scan.msk.s32 $0xffff, v4;
	_ =	sdelay $0x5  }
0x3b1: {  	v4, _, _ =	vpop (xrf0)  }
0x3b2: {  	(v2sf) =	vpush v4, $0xF;
	_ =	sdelay $0xe  }
0x3b3: {  	s17 =	sshll.u32 s17, $0x18;
	s29 =	spop (v2sf)  }
0x3b4: {  	s18 =	sshll.u32 s18, $0x10;
	p0 =	sle.s32 s29, s20;
	s20 =	simm.s32 $0x1  }
0x3b5: {  	s17 =	sor.u32 s17, s18;
	s30 =	sshll.u32 s19, $0x8;
	s20 =	simm.s32 @!p0 $0x0  }
0x3b6: {  	s18 =	sor.u32 s30, s17;
	s17 =	simm.s32 $0x40;
	s31 =	sadd.s32 s20, s21  }
0x3b7: {  	v8 =	vld [tilespmem:s17+$0x30];
	s18 =	sor.u32 s31, s18  }
0x3b8: {  	v11 =	vld [tilespmem:s17+$0xFFFFFFD0];
	v4 =	vmov s18  }
0x3b9: {  	v10 =	vld [tilespmem:s17+$0xFFFFFFE0];
	vm2 =	vgt.s32 v4, $0xFFFFFFFF  }
0x3ba: {  	v9 =	vld [tilespmem:s17+$0xFFFFFFF0];
	v4 =	vsel vm2, $0xFFFFFFFF, v3  }
0x3bb: {  	v7 =	vld [tilespmem:s17+$0x0];
	v4 =	vxor.u32 s18, v4  }
0x3bc: {  	v6 =	vld [tilespmem:s17+$0x10];
	vm2 =	vlt.f32 v8, v4  }
0x3bd: {  	v5 =	vld [tilespmem:s17+$0x20];
	vm3 =	vlt.f32 v11, v4;
	v12 =	vsel vm2, $0x0, v8  }
0x3be: {  	s19 =	simm.s32 $0xC0;
	s18 =	simm.s32 $0x0;
	v8 =	vld [tilespmem:s17+$0xFFFFFFC0];
	v11 =	vsel vm3, $0x0, v11;
	vm2 =	vlt.f32 v10, v4;
	[tilespmem:s17+$0x30] =	vst v12  }
.LBB2_45:
0x3bf: {  	v12 =	vld [tilespmem:s19+$0x30];
	s18 =	sadd.s32 $0x8, s18;
	[tilespmem:s17+$0xFFFFFFD0] =	vst v11;
	v10 =	vsel vm2, $0x0, v10;
	vm2 =	vlt.f32 v9, v4  }
0x3c0: {  	v11 =	vld [tilespmem:s19+$0xFFFFFFD0];
	p0 =	slt.u32 s18, $0x7F8;
	[tilespmem:s17+$0xFFFFFFE0] =	vst v10;
	v9 =	vsel vm2, $0x0, v9;
	vm2 =	vlt.f32 v7, v4  }
0x3c1: {  	v10 =	vld [tilespmem:s19+$0xFFFFFFE0];
	[tilespmem:s17+$0xFFFFFFF0] =	vst v9;
	v7 =	vsel vm2, $0x0, v7;
	vm2 =	vlt.f32 v6, v4  }
.Ltmp22:
0x3c2: {  	v9 =	vld [tilespmem:s19+$0xFFFFFFF0];
	[tilespmem:s17+$0x0] =	vst v7;
	v6 =	vsel vm2, $0x0, v6;
	vm2 =	vlt.f32 v5, v4;
	(pc) =	sbr.rel @p0 .LBB2_45-.Ltmp22, $4  }
0x3c3: {  	v7 =	vld [tilespmem:s19+$0x0];
	vm3 =	vlt.f32 v8, v4;
	[tilespmem:s17+$0x10] =	vst v6;
	v5 =	vsel vm2, $0x0, v5  }
0x3c4: {  	v6 =	vld [tilespmem:s19+$0x10];
	vm2 =	vlt.f32 v12, v4;
	v8 =	vsel vm3, $0x0, v8;
	[tilespmem:s17+$0x20] =	vst v5  }
0x3c5: {  	vm3 =	vlt.f32 v11, v4;
	v5 =	vld [tilespmem:s19+$0x20];
	v12 =	vsel vm2, $0x0, v12;
	[tilespmem:s17+$0xFFFFFFC0] =	vst v8;
	s17 =	smov.u32 s19  }
0x3c6: {  	s19 =	sadd.s32 $0x80, s19;
	v8 =	vld [tilespmem:s17+$0xFFFFFFC0];
	v11 =	vsel vm3, $0x0, v11;
	vm2 =	vlt.f32 v10, v4;
	[tilespmem:s17+$0x30] =	vst v12  }
0x3c7: {  	[tilespmem:s17+$0xFFFFFFD0] =	vst v11;
	v10 =	vsel vm2, $0x0, v10;
	vm2 =	vlt.f32 v9, v4  }
0x3c8: {  	[tilespmem:s17+$0xFFFFFFE0] =	vst v10;
	v9 =	vsel vm2, $0x0, v9;
	vm2 =	vlt.f32 v7, v4  }
0x3c9: {  	[tilespmem:s17+$0xFFFFFFF0] =	vst v9;
	v7 =	vsel vm2, $0x0, v7;
	vm2 =	vlt.f32 v6, v4  }
0x3ca: {  	[tilespmem:s17+$0x0] =	vst v7;
	v6 =	vsel vm2, $0x0, v6;
	vm2 =	vlt.f32 v5, v4  }
0x3cb: {  	vm3 =	vlt.f32 v8, v4;
	[tilespmem:s17+$0x10] =	vst v6;
	v4 =	vsel vm2, $0x0, v5  }
0x3cc: {  	v5 =	vsel vm3, $0x0, v8;
	[tilespmem:s17+$0x20] =	vst v4  }
0x3cd: {  	[tilespmem:s17+$0xFFFFFFC0] =	vst v5  }
0x3ce: {  	[hbm4b:s5+s11] =	stream.strided.scatter [tilespmem:s2], [sflag:$0x1], $0x8000, s12, s11, $0x38;
	[tilespmem:$0x1A080] =	vst v63  }
0x3cf: {  	_ =	swait.ge [sflag:s10], $0x8000  }
0x3d0: {  	[sflag:s10] =	ssyncset.done $0x0  }
0x3d1: {  	[sflag:s10] =	ssyncadd.s32 $0xFFFF8000  }
0x3d2: {  	[tilespmem:s2], [sflag:$0x1] =	stream.strided.gather [hbm4b:s6+s11], $0x8000, s12, s11, $0x38;
	[tilespmem:$0x1A080] =	vst v63  }
0x3d3: {  	_ =	swait.ge [sflag:s10], $0x8000  }
0x3d4: {  	[sflag:s10] =	ssyncset.done $0x0  }
0x3d5: {  	s17 =	simm.s32 $0x18040;
	[sflag:s10] =	ssyncadd.s32 $0xFFFF8000  }
0x3d6: {  	v4 =	vld [tilespmem:$0x1A000];
	[tilespmem:s17+$0xFFFFFFC0] =	vst v0  }
0x3d7: {  	[tilespmem:s17+$0x30] =	vst v0  }
0x3d8: {  	[tilespmem:s17+$0x20] =	vst v0  }
0x3d9: {  	[tilespmem:s17+$0x10] =	vst v0  }
0x3da: {  	[tilespmem:s17+$0x0] =	vst v0  }
0x3db: {  	[tilespmem:s17+$0xFFFFFFF0] =	vst v0  }
0x3dc: {  	s18 =	simm.s32 $0x0;
	[tilespmem:s17+$0xFFFFFFE0] =	vst v0  }
.LBB2_47:
0x3dd: {  	s18 =	sadd.s32 $0x8, s18;
	[tilespmem:s17+$0xFFFFFFD0] =	vst v0;
	s17 =	sadd.s32 $0x80, s17  }
0x3de: {  	[tilespmem:s17+$0xFFFFFFC0] =	vst v0;
	p0 =	slt.u32 s18, $0xF8  }
0x3df: {  	[tilespmem:s17+$0x30] =	vst v0  }
.Ltmp23:
0x3e0: {  	[tilespmem:s17+$0x20] =	vst v0;
	(pc) =	sbr.rel @p0 .LBB2_47-.Ltmp23, $4  }
0x3e1: {  	[tilespmem:s17+$0x10] =	vst v0  }
0x3e2: {  	[tilespmem:s17+$0x0] =	vst v0  }
0x3e3: {  	[tilespmem:s17+$0xFFFFFFF0] =	vst v0  }
0x3e4: {  	[tilespmem:s17+$0xFFFFFFE0] =	vst v0  }
0x3e5: {  	[tilespmem:s17+$0xFFFFFFD0] =	vst v0;
	s31 =	simm.s32 $0x40  }
0x3e6: {  	v5 =	vld [tilespmem:s31+$0x30]  }
0x3e7: {  	v6 =	vld [tilespmem:s31+$0xFFFFFFD0]  }
0x3e8: {  	v7 =	vld [tilespmem:s31+$0xFFFFFFE0]  }
0x3e9: {  	v8 =	vld [tilespmem:s31+$0xFFFFFFF0];
	_ =	sdelay $0x1  }
0x3ea: {  	v9 =	vld [tilespmem:s31+$0x0];
	v5 =	vshrl.u32 v5, $0x14  }
0x3eb: {  	v10 =	vld [tilespmem:s31+$0x10];
	v6 =	vshrl.u32 v6, $0x14;
	v5 =	vand.u32 $0xFF0, v5  }
0x3ec: {  	v11 =	vld [tilespmem:s31+$0x20];
	v7 =	vshrl.u32 v7, $0x14;
	v6 =	vand.u32 $0xFF0, v6;
	v12 =	vor.u32 v1, v5  }
0x3ed: {  	v13 =	vld [tilespmem:s31+$0xFFFFFFC0];
	v6 =	vor.u32 v1, v6;
	v5 =	vand.u32 $0xFF0, v7;
	v7 =	vshrl.u32 v8, $0x14  }
0x3ee: {  	v8 =	vor.u32 v1, v5;
	v5 =	vand.u32 $0xFF0, v7  }
0x3ef: {  	v14 =	vor.u32 v1, v5  }
0x3f0: {  	v7 =	vshrl.u32 v9, $0x14  }
0x3f1: {  	v9 =	vshrl.u32 v11, $0x14;
	v5 =	vand.u32 $0xFF0, v7;
	v7 =	vshrl.u32 v10, $0x14;
	[tilespmem:v12+s13+$0x0] =	vst.idx.add.s32.msk $0xffff, v2  }
0x3f2: {  	v10 =	vshrl.u32 v13, $0x14;
	v5 =	vor.u32 v1, v5;
	v7 =	vand.u32 $0xFF0, v7;
	[tilespmem:v6+s13+$0x0] =	vst.idx.add.s32.msk $0xffff, v2  }
0x3f3: {  	v6 =	vor.u32 v1, v7;
	v7 =	vand.u32 $0xFF0, v9;
	v9 =	vand.u32 $0xFF0, v10;
	[tilespmem:v8+s13+$0x0] =	vst.idx.add.s32.msk $0xffff, v2  }
0x3f4: {  	s18 =	simm.s32 $0x0;
	s19 =	simm.s32 $0xC0;
	v7 =	vor.u32 v1, v7;
	v9 =	vor.u32 v1, v9;
	[tilespmem:v14+s13+$0x0] =	vst.idx.add.s32.msk $0xffff, v2  }
.LBB2_49:
0x3f5: {  	v8 =	vld [tilespmem:s19+$0x30];
	s18 =	sadd.s32 $0x8, s18  }
0x3f6: {  	v10 =	vld [tilespmem:s19+$0xFFFFFFD0];
	p0 =	slt.u32 s18, $0x7F8  }
0x3f7: {  	v11 =	vld [tilespmem:s19+$0xFFFFFFE0]  }
0x3f8: {  	v12 =	vld [tilespmem:s19+$0xFFFFFFF0]  }
0x3f9: {  	v13 =	vld [tilespmem:s19+$0x0]  }
0x3fa: {  	v14 =	vld [tilespmem:s19+$0x10];
	v8 =	vshrl.u32 v8, $0x14  }
0x3fb: {  	v10 =	vshrl.u32 v10, $0x14;
	v15 =	vld [tilespmem:s19+$0x20];
	v16 =	vand.u32 $0xFF0, v8;
	v8 =	vimm.s32 $0x0  }
0x3fc: {  	v17 =	vld [tilespmem:s19+$0xFFFFFFC0];
	v10 =	vand.u32 $0xFF0, v10;
	v11 =	vshrl.u32 v11, $0x14;
	v16 =	vor.u32 v1, v16  }
0x3fd: {  	v10 =	vor.u32 v1, v10;
	v11 =	vand.u32 $0xFF0, v11;
	v12 =	vshrl.u32 v12, $0x14;
	[tilespmem:v9+s13+$0x0] =	vst.idx.add.s32.msk $0xffff, v2  }
0x3fe: {  	v11 =	vor.u32 v1, v11;
	v9 =	vand.u32 $0xFF0, v12;
	v12 =	vshrl.u32 v13, $0x14;
	[tilespmem:v5+s13+$0x0] =	vst.idx.add.s32.msk $0xffff, v2  }
0x3ff: {  	v13 =	vor.u32 v1, v9;
	v5 =	vand.u32 $0xFF0, v12;
	v9 =	vshrl.u32 v14, $0x14;
	[tilespmem:v6+s13+$0x0] =	vst.idx.add.s32.msk $0xffff, v2  }
.Ltmp24:
0x400: {  	v5 =	vor.u32 v1, v5;
	v6 =	vand.u32 $0xFF0, v9;
	v9 =	vshrl.u32 v15, $0x14;
	[tilespmem:v7+s13+$0x0] =	vst.idx.add.s32.msk $0xffff, v2;
	(pc) =	sbr.rel @p0 .LBB2_49-.Ltmp24, $4  }
0x401: {  	s20 =	simm.s32 $0x18FF0;
	s17 =	simm.s32 $0x19040;
	v7 =	vshrl.u32 v17, $0x14;
	v6 =	vor.u32 v1, v6;
	v9 =	vand.u32 $0xFF0, v9;
	[tilespmem:v16+s13+$0x0] =	vst.idx.add.s32.msk $0xffff, v2  }
0x402: {  	v12 =	vand.u32 $0xFF0, v7;
	[tilespmem:v10+s13+$0x0] =	vst.idx.add.s32.msk $0xffff, v2;
	v7 =	vor.u32 v1, v9  }
0x403: {  	v9 =	vor.u32 v1, v12;
	[tilespmem:v11+s13+$0x0] =	vst.idx.add.s32.msk $0xffff, v2  }
0x404: {  	s19 =	sadd.s32 $0x80, s19;
	[tilespmem:v13+s13+$0x0] =	vst.idx.add.s32.msk $0xffff, v2  }
0x405: {  	_ =	sdelay $0x3  }
0x406: {  	[tilespmem:v9+s13+$0x0] =	vst.idx.add.s32.msk $0xffff, v2  }
0x407: {  	[tilespmem:v5+s13+$0x0] =	vst.idx.add.s32.msk $0xffff, v2  }
0x408: {  	[tilespmem:v6+s13+$0x0] =	vst.idx.add.s32.msk $0xffff, v2  }
0x409: {  	[tilespmem:v7+s13+$0x0] =	vst.idx.add.s32.msk $0xffff, v2  }
0x40a: {  	v6 =	vld [tilespmem:s20+$0x0]  }
0x40b: {  	v9 =	vld [tilespmem:s20+$0xFFFFFFF0]  }
0x40c: {  	v10 =	vld [tilespmem:s20+$0xFFFFFFE0]  }
0x40d: {  	v7 =	vld [tilespmem:s20+$0xFFFFFFD0]  }
0x40e: {  	v5 =	vld [tilespmem:s20+$0xFFFFFFC0]  }
0x40f: {  	v8 =	vadd.s32 v8, v6;
	v6 =	vld [tilespmem:s20+$0xFFFFFFB0]  }
0x410: {  	[tilespmem:s17+$0xFFFFFFC0] =	vst v8;
	v9 =	vadd.s32 v8, v9;
	v8 =	vld [tilespmem:s20+$0xFFFFFFA0]  }
0x411: {  	s18 =	simm.s32 $0x0;
	s19 =	simm.s32 $0x18F70;
	[tilespmem:s17+$0xFFFFFFD0] =	vst v9;
	v10 =	vadd.s32 v9, v10;
	v9 =	vld [tilespmem:s20+$0xFFFFFF90]  }
.LBB2_51:
0x412: {  	v11 =	vld [tilespmem:s19+$0x0];
	s18 =	sadd.s32 $0x8, s18;
	[tilespmem:s17+$0xFFFFFFE0] =	vst v10;
	v7 =	vadd.s32 v10, v7  }
0x413: {  	v10 =	vld [tilespmem:s19+$0xFFFFFFF0];
	p0 =	slt.u32 s18, $0x78;
	[tilespmem:s17+$0xFFFFFFF0] =	vst v7;
	v5 =	vadd.s32 v7, v5  }
0x414: {  	v12 =	vld [tilespmem:s19+$0xFFFFFFE0];
	[tilespmem:s17+$0x0] =	vst v5;
	v5 =	vadd.s32 v5, v6  }
.Ltmp25:
0x415: {  	v7 =	vld [tilespmem:s19+$0xFFFFFFD0];
	[tilespmem:s17+$0x10] =	vst v5;
	v6 =	vadd.s32 v5, v8;
	(pc) =	sbr.rel @p0 .LBB2_51-.Ltmp25, $4  }
0x416: {  	v5 =	vld [tilespmem:s19+$0xFFFFFFC0];
	[tilespmem:s17+$0x20] =	vst v6;
	v8 =	vadd.s32 v6, v9  }
0x417: {  	v9 =	vadd.s32 v8, v11;
	v6 =	vld [tilespmem:s19+$0xFFFFFFB0];
	[tilespmem:s17+$0x30] =	vst v8;
	s17 =	sadd.s32 $0x80, s17  }
0x418: {  	[tilespmem:s17+$0xFFFFFFC0] =	vst v9;
	v9 =	vadd.s32 v9, v10;
	v8 =	vld [tilespmem:s19+$0xFFFFFFA0]  }
0x419: {  	[tilespmem:s17+$0xFFFFFFD0] =	vst v9;
	v10 =	vadd.s32 v9, v12;
	v9 =	vld [tilespmem:s19+$0xFFFFFF90];
	s19 =	sadd.s32 $0xFFFFFF80, s19  }
0x41a: {  	[tilespmem:s17+$0xFFFFFFE0] =	vst v10;
	v7 =	vadd.s32 v10, v7  }
0x41b: {  	[tilespmem:s17+$0xFFFFFFF0] =	vst v7;
	v5 =	vadd.s32 v7, v5  }
0x41c: {  	[tilespmem:s17+$0x0] =	vst v5;
	v5 =	vadd.s32 v5, v6  }
0x41d: {  	[tilespmem:s17+$0x10] =	vst v5;
	v5 =	vadd.s32 v5, v8  }
0x41e: {  	[tilespmem:s17+$0x20] =	vst v5;
	v7 =	vadd.s32 v5, v9  }
0x41f: {  	s19 =	simm.s32 $0x18040;
	[tilespmem:s17+$0x30] =	vst v7  }
0x420: {  	v8 =	vld [tilespmem:s19+$0xFFFFFFC0]  }
0x421: {  	v9 =	vld [tilespmem:s19+$0xFFFFFFD0]  }
0x422: {  	v10 =	vld [tilespmem:s19+$0xFFFFFFE0]  }
0x423: {  	v6 =	vld [tilespmem:s19+$0xFFFFFFF0]  }
0x424: {  	v5 =	vld [tilespmem:s19+$0x0]  }
0x425: {  	s17 =	simm.s32 $0x19870;
	v8 =	vadd.s32 v7, v8;
	v7 =	vld [tilespmem:s19+$0x10]  }
0x426: {  	[tilespmem:s17+$0xFFFFFF90] =	vst v8;
	v9 =	vadd.s32 v8, v9;
	v8 =	vld [tilespmem:s19+$0x20]  }
0x427: {  	s18 =	simm.s32 $0x0;
	[tilespmem:s17+$0xFFFFFFA0] =	vst v9;
	v10 =	vadd.s32 v9, v10;
	v9 =	vld [tilespmem:s19+$0x30];
	s19 =	simm.s32 $0x180C0  }
.LBB2_53:
0x428: {  	v11 =	vld [tilespmem:s19+$0xFFFFFFC0];
	s18 =	sadd.s32 $0x8, s18;
	[tilespmem:s17+$0xFFFFFFB0] =	vst v10;
	v6 =	vadd.s32 v10, v6  }
0x429: {  	v10 =	vld [tilespmem:s19+$0xFFFFFFD0];
	p0 =	slt.u32 s18, $0x78;
	[tilespmem:s17+$0xFFFFFFC0] =	vst v6;
	v5 =	vadd.s32 v6, v5  }
0x42a: {  	v12 =	vld [tilespmem:s19+$0xFFFFFFE0];
	[tilespmem:s17+$0xFFFFFFD0] =	vst v5;
	v5 =	vadd.s32 v5, v7  }
.Ltmp26:
0x42b: {  	v6 =	vld [tilespmem:s19+$0xFFFFFFF0];
	[tilespmem:s17+$0xFFFFFFE0] =	vst v5;
	v7 =	vadd.s32 v5, v8;
	(pc) =	sbr.rel @p0 .LBB2_53-.Ltmp26, $4  }
0x42c: {  	v5 =	vld [tilespmem:s19+$0x0];
	[tilespmem:s17+$0xFFFFFFF0] =	vst v7;
	v8 =	vadd.s32 v7, v9  }
0x42d: {  	v9 =	vadd.s32 v8, v11;
	v7 =	vld [tilespmem:s19+$0x10];
	[tilespmem:s17+$0x0] =	vst v8;
	s17 =	sadd.s32 $0x80, s17  }
0x42e: {  	[tilespmem:s17+$0xFFFFFF90] =	vst v9;
	v9 =	vadd.s32 v9, v10;
	v8 =	vld [tilespmem:s19+$0x20]  }
0x42f: {  	[tilespmem:s17+$0xFFFFFFA0] =	vst v9;
	v10 =	vadd.s32 v9, v12;
	v9 =	vld [tilespmem:s19+$0x30];
	s19 =	sadd.s32 $0x80, s19  }
0x430: {  	[tilespmem:s17+$0xFFFFFFB0] =	vst v10;
	v6 =	vadd.s32 v10, v6  }
0x431: {  	[tilespmem:s17+$0xFFFFFFC0] =	vst v6;
	v5 =	vadd.s32 v6, v5  }
0x432: {  	[tilespmem:s17+$0xFFFFFFD0] =	vst v5;
	v5 =	vadd.s32 v5, v7  }
0x433: {  	[tilespmem:s17+$0xFFFFFFE0] =	vst v5;
	v5 =	vadd.s32 v5, v8  }
0x434: {  	[tilespmem:s17+$0xFFFFFFF0] =	vst v5;
	v5 =	vadd.s32 v5, v9  }
0x435: {  	[tilespmem:s17+$0x0] =	vst v5  }
0x436: {  	v5 =	vld [tilespmem:$0x197F0];
	_ =	sdelay $0x2  }
0x437: {  	v4 =	vsel vm1, $0x0, v4  }
0x438: {  	(xrf0) =	vadd.scan.msk.s32 $0xffff, v4  }
0x439: {  	(xrf0) =	vadd.scan.msk.s32 $0xffff, v5;
	_ =	sdelay $0x4  }
0x43a: {  	v4, _, _ =	vpop (xrf0)  }
0x43b: {  	(v2sf) =	vpush v4, $0xF;
	v4, _, _ =	vpop (xrf0)  }
0x43c: {  	(v2sf) =	vpush v4, $0xF;
	_ =	sdelay $0xd  }
0x43d: {  	s18 =	spop (v2sf)  }
0x43e: {  	s23 =	spop (v2sf)  }
0x43f: {  	s17 =	simm.s32 $0x0;
	p0 =	sgt.s32 s23, s18  }
0x440: {  	s17 =	simm.s32 @!p0 $0x80  }
0x441: {  	s19 =	sshll.u32 s17, $0x4  }
0x442: {  	v4 =	vld [tilespmem:s19+$0x193F0];
	_ =	sdelay $0x4  }
0x443: {  	(xrf0) =	vadd.scan.msk.s32 $0xffff, v4;
	_ =	sdelay $0x5  }
0x444: {  	v4, _, _ =	vpop (xrf0)  }
0x445: {  	(v2sf) =	vpush v4, $0xF;
	_ =	sdelay $0xe  }
0x446: {  	s24 =	spop (v2sf)  }
0x447: {  	s19 =	sor.u32 $0x40, s17;
	p0 =	sgt.s32 s24, s18  }
0x448: {  	s19 =	smov.u32 @p0 s17  }
0x449: {  	s17 =	sshll.u32 s19, $0x4  }
0x44a: {  	v4 =	vld [tilespmem:s17+$0x191F0];
	_ =	sdelay $0x4  }
0x44b: {  	(xrf0) =	vadd.scan.msk.s32 $0xffff, v4;
	_ =	sdelay $0x5  }
0x44c: {  	v4, _, _ =	vpop (xrf0)  }
0x44d: {  	(v2sf) =	vpush v4, $0xF;
	_ =	sdelay $0xe  }
0x44e: {  	s25 =	spop (v2sf)  }
0x44f: {  	s17 =	sor.u32 $0x20, s19;
	p0 =	sgt.s32 s25, s18  }
0x450: {  	s17 =	smov.u32 @p0 s19  }
0x451: {  	s19 =	sshll.u32 s17, $0x4  }
0x452: {  	v4 =	vld [tilespmem:s19+$0x190F0];
	_ =	sdelay $0x4  }
0x453: {  	(xrf0) =	vadd.scan.msk.s32 $0xffff, v4;
	_ =	sdelay $0x5  }
0x454: {  	v4, _, _ =	vpop (xrf0)  }
0x455: {  	(v2sf) =	vpush v4, $0xF;
	_ =	sdelay $0xe  }
0x456: {  	s26 =	spop (v2sf)  }
0x457: {  	s19 =	sor.u32 $0x10, s17;
	p0 =	sgt.s32 s26, s18  }
0x458: {  	s19 =	smov.u32 @p0 s17  }
0x459: {  	s17 =	sshll.u32 s19, $0x4  }
0x45a: {  	s17 =	sand.u32 $0x3FFFFFF0, s17  }
0x45b: {  	v4 =	vld [tilespmem:s17+$0x19070];
	_ =	sdelay $0x4  }
0x45c: {  	(xrf0) =	vadd.scan.msk.s32 $0xffff, v4;
	_ =	sdelay $0x5  }
0x45d: {  	v4, _, _ =	vpop (xrf0)  }
0x45e: {  	(v2sf) =	vpush v4, $0xF;
	_ =	sdelay $0xe  }
0x45f: {  	s28 =	spop (v2sf)  }
0x460: {  	s17 =	sadd.s32 $0x8, s19;
	p0 =	sgt.s32 s28, s18  }
0x461: {  	s17 =	smov.u32 @p0 s19  }
0x462: {  	s19 =	sshll.u32 s17, $0x4  }
0x463: {  	s19 =	sand.u32 $0x3FFFFFF0, s19  }
0x464: {  	v4 =	vld [tilespmem:s19+$0x19030];
	_ =	sdelay $0x4  }
0x465: {  	(xrf0) =	vadd.scan.msk.s32 $0xffff, v4;
	_ =	sdelay $0x5  }
0x466: {  	v4, _, _ =	vpop (xrf0)  }
0x467: {  	(v2sf) =	vpush v4, $0xF;
	_ =	sdelay $0xe  }
0x468: {  	s29 =	spop (v2sf)  }
0x469: {  	s19 =	sadd.s32 $0x4, s17;
	p0 =	sgt.s32 s29, s18  }
0x46a: {  	s19 =	smov.u32 @p0 s17  }
0x46b: {  	s17 =	sshll.u32 s19, $0x4  }
0x46c: {  	s17 =	sand.u32 $0x3FFFFFF0, s17  }
0x46d: {  	v4 =	vld [tilespmem:s17+$0x19010];
	_ =	sdelay $0x4  }
0x46e: {  	(xrf0) =	vadd.scan.msk.s32 $0xffff, v4;
	_ =	sdelay $0x5  }
0x46f: {  	v4, _, _ =	vpop (xrf0)  }
0x470: {  	(v2sf) =	vpush v4, $0xF;
	_ =	sdelay $0xe  }
0x471: {  	s30 =	spop (v2sf)  }
0x472: {  	s17 =	sadd.s32 $0x2, s19;
	p0 =	sgt.s32 s30, s18  }
0x473: {  	s17 =	smov.u32 @p0 s19  }
0x474: {  	s19 =	sshll.u32 s17, $0x4  }
0x475: {  	s19 =	sand.u32 $0x3FFFFFF0, s19  }
0x476: {  	v4 =	vld [tilespmem:s19+$0x19000];
	_ =	sdelay $0x4  }
0x477: {  	(xrf0) =	vadd.scan.msk.s32 $0xffff, v4;
	_ =	sdelay $0x5  }
0x478: {  	v4, _, _ =	vpop (xrf0)  }
0x479: {  	(v2sf) =	vpush v4, $0xF;
	_ =	sdelay $0xe  }
0x47a: {  	s31 =	spop (v2sf)  }
0x47b: {  	s19 =	simm.s32 $0x1;
	p0 =	sle.s32 s31, s18  }
0x47c: {  	s19 =	simm.s32 @!p0 $0x0  }
0x47d: {  	s17 =	sadd.s32 s19, s17  }
0x47e: {  	s19 =	smax.u32 s17, $0x1  }
0x47f: {  	s19 =	sshll.u32 s19, $0x4  }
0x480: {  	s19 =	sand.u32 $0x3FFFFFF0, s19  }
0x481: {  	v4 =	vld [tilespmem:s19+$0x18FF0];
	s19 =	simm.s32 $0x18040  }
0x482: {  	[tilespmem:s19+$0xFFFFFFC0] =	vst v0  }
0x483: {  	[tilespmem:s19+$0x30] =	vst v0  }
0x484: {  	[tilespmem:s19+$0x20] =	vst v0  }
0x485: {  	[tilespmem:s19+$0x10] =	vst v0  }
0x486: {  	[tilespmem:s19+$0x0] =	vst v0  }
0x487: {  	[tilespmem:s19+$0xFFFFFFF0] =	vst v0  }
0x488: {  	s20 =	simm.s32 $0x0;
	[tilespmem:s19+$0xFFFFFFE0] =	vst v0  }
.LBB2_55:
0x489: {  	s20 =	sadd.s32 $0x8, s20;
	[tilespmem:s19+$0xFFFFFFD0] =	vst v0;
	s19 =	sadd.s32 $0x80, s19  }
0x48a: {  	[tilespmem:s19+$0xFFFFFFC0] =	vst v0;
	p0 =	slt.u32 s20, $0xF8  }
0x48b: {  	[tilespmem:s19+$0x30] =	vst v0  }
.Ltmp27:
0x48c: {  	[tilespmem:s19+$0x20] =	vst v0;
	(pc) =	sbr.rel @p0 .LBB2_55-.Ltmp27, $4  }
0x48d: {  	[tilespmem:s19+$0x10] =	vst v0  }
0x48e: {  	[tilespmem:s19+$0x0] =	vst v0  }
0x48f: {  	[tilespmem:s19+$0xFFFFFFF0] =	vst v0  }
0x490: {  	[tilespmem:s19+$0xFFFFFFE0] =	vst v0  }
0x491: {  	[tilespmem:s19+$0xFFFFFFD0] =	vst v0;
	s31 =	simm.s32 $0x40  }
0x492: {  	v8 =	vld [tilespmem:s31+$0xFFFFFFC0];
	_ =	sdelay $0x2  }
0x493: {  	p0 =	slt.u32 s17, $0x80;
	s19 =	ssub.s32 $0xFF, s17;
	s20 =	sadd.s32 $0xFFFFFF80, s17  }
0x494: {  	s20 =	smov.u32 @p0 s19  }
0x495: {  	v6 =	vmov s20;
	v9 =	vshrl.u32 v8, $0x18  }
0x496: {  	vm2 =	veq.s32 v9, v6  }
0x497: {  	v9 =	vsel vm2, $0x1, v0  }
0x498: {  	(xrf0) =	vadd.scan.msk.s32 $0xffff, v9;
	_ =	sdelay $0x1  }
0x499: {  	s19 =	simm.s32 $0xFFFFFFFF;
	p0 =	sgt.s32 s20, $0x7F  }
0x49a: {  	s19 =	simm.s32 @!p0 $0x80000000  }
0x49b: {  	v5 =	vmov s19  }
0x49c: {  	v8 =	vxor.u32 v5, v8  }
0x49d: {  	v7 =	vimm.s32 $0xFFFFFFFF;
	v9 =	vshrl.u32 v8, $0xC;
	v10, _, _ =	vpop (xrf0)  }
0x49e: {  	v9 =	vand.u32 $0xFF0, v9;
	v10 =	vadd.s32 v7, v10  }
0x49f: {  	v9 =	vor.u32 v1, v9;
	_ =	sdelay $0x3  }
0x4a0: {  	[tilespmem:v10+s14+$0x0] =	vst.idx.msk vm2, v8  }
0x4a1: {  	[tilespmem:v9+s13+$0x0] =	vst.idx.add.s32.msk vm2, v2  }
0x4a2: {  	v8 =	vld [tilespmem:s31+$0xFFFFFFD0];
	_ =	sdelay $0x4  }
0x4a3: {  	v9 =	vshrl.u32 v8, $0x18  }
0x4a4: {  	vm3 =	veq.s32 v9, v6  }
0x4a5: {  	v9 =	vsel vm3, $0x1, v0  }
0x4a6: {  	(xrf0) =	vadd.scan.msk.s32 $0xffff, v9;
	_ =	sdelay $0x3  }
0x4a7: {  	v9 =	vmpcnt.ones.xlane vm2  }
0x4a8: {  	v8 =	vxor.u32 v5, v8  }
0x4a9: {  	v7 =	vadd.s32 v7, v9;
	v9 =	vshrl.u32 v8, $0xC;
	v10, _, _ =	vpop (xrf0)  }
0x4aa: {  	v9 =	vand.u32 $0xFF0, v9;
	v10 =	vadd.s32 v7, v10  }
0x4ab: {  	v9 =	vor.u32 v1, v9;
	_ =	sdelay $0x3  }
0x4ac: {  	[tilespmem:v10+s14+$0x0] =	vst.idx.msk vm3, v8  }
0x4ad: {  	[tilespmem:v9+s13+$0x0] =	vst.idx.add.s32.msk vm3, v2  }
0x4ae: {  	v8 =	vld [tilespmem:s31+$0xFFFFFFE0];
	_ =	sdelay $0x4  }
0x4af: {  	v9 =	vshrl.u32 v8, $0x18  }
0x4b0: {  	vm2 =	veq.s32 v9, v6  }
0x4b1: {  	v9 =	vsel vm2, $0x1, v0  }
0x4b2: {  	(xrf0) =	vadd.scan.msk.s32 $0xffff, v9;
	_ =	sdelay $0x3  }
0x4b3: {  	v9 =	vmpcnt.ones.xlane vm3  }
0x4b4: {  	v8 =	vxor.u32 v5, v8  }
0x4b5: {  	v7 =	vadd.s32 v7, v9;
	v9 =	vshrl.u32 v8, $0xC;
	v10, _, _ =	vpop (xrf0)  }
0x4b6: {  	v9 =	vand.u32 $0xFF0, v9;
	v10 =	vadd.s32 v7, v10  }
0x4b7: {  	v9 =	vor.u32 v1, v9  }
0x4b8: {  	v11 =	vld [tilespmem:s31+$0x0];
	_ =	sdelay $0x2  }
0x4b9: {  	[tilespmem:v10+s14+$0x0] =	vst.idx.msk vm2, v8  }
0x4ba: {  	[tilespmem:v9+s13+$0x0] =	vst.idx.add.s32.msk vm2, v2  }
0x4bb: {  	v9 =	vshrl.u32 v11, $0x18;
	v8 =	vld [tilespmem:s31+$0xFFFFFFF0]  }
0x4bc: {  	vm3 =	veq.s32 v9, v6  }
0x4bd: {  	v9 =	vsel vm3, $0x1, v0  }
0x4be: {  	(xrf0) =	vadd.scan.msk.s32 $0xffff, v9;
	_ =	sdelay $0x1  }
0x4bf: {  	v9 =	vshrl.u32 v8, $0x18  }
0x4c0: {  	v10 =	vmpcnt.ones.xlane vm2;
	vm4 =	veq.s32 v9, v6  }
0x4c1: {  	v9 =	vmpcnt.ones.xlane vm4  }
0x4c2: {  	v7 =	vadd.s32 v7, v10;
	v10 =	vxor.u32 v5, v11  }
0x4c3: {  	v11 =	vshrl.u32 v10, $0xC;
	v12, _, _ =	vpop (xrf0);
	v9 =	vadd.s32 v7, v9  }
0x4c4: {  	v11 =	vand.u32 $0xFF0, v11;
	v12 =	vadd.s32 v9, v12  }
0x4c5: {  	v11 =	vor.u32 v1, v11;
	_ =	sdelay $0x3  }
0x4c6: {  	[tilespmem:v12+s14+$0x0] =	vst.idx.msk vm3, v10  }
0x4c7: {  	[tilespmem:v11+s13+$0x0] =	vst.idx.add.s32.msk vm3, v2  }
0x4c8: {  	v10 =	vld [tilespmem:s31+$0x10];
	_ =	sdelay $0x4  }
0x4c9: {  	v11 =	vshrl.u32 v10, $0x18  }
0x4ca: {  	v58 =	vsel vm4, $0x1, v0;
	vm2 =	veq.s32 v11, v6  }
0x4cb: {  	(xrf0) =	vadd.scan.msk.s32 $0xffff, v58;
	v11 =	vsel vm2, $0x1, v0  }
0x4cc: {  	(xrf0) =	vadd.scan.msk.s32 $0xffff, v11;
	_ =	sdelay $0x3  }
0x4cd: {  	v11 =	vmpcnt.ones.xlane vm3  }
0x4ce: {  	v12, _, _ =	vpop (xrf0);
	v10 =	vxor.u32 v5, v10  }
0x4cf: {  	v9 =	vadd.s32 v9, v11;
	v11 =	vshrl.u32 v10, $0xC;
	v13, _, _ =	vpop (xrf0)  }
0x4d0: {  	v11 =	vand.u32 $0xFF0, v11;
	v13 =	vadd.s32 v9, v13  }
0x4d1: {  	v11 =	vor.u32 v1, v11;
	_ =	sdelay $0x3  }
0x4d2: {  	[tilespmem:v13+s14+$0x0] =	vst.idx.msk vm2, v10  }
0x4d3: {  	[tilespmem:v11+s13+$0x0] =	vst.idx.add.s32.msk vm2, v2  }
0x4d4: {  	v10 =	vld [tilespmem:s31+$0x20];
	_ =	sdelay $0x4  }
0x4d5: {  	v11 =	vshrl.u32 v10, $0x18  }
0x4d6: {  	vm5 =	veq.s32 v11, v6  }
0x4d7: {  	v11 =	vsel vm5, $0x1, v0  }
0x4d8: {  	(xrf0) =	vadd.scan.msk.s32 $0xffff, v11;
	_ =	sdelay $0x3  }
0x4d9: {  	v11 =	vmpcnt.ones.xlane vm2  }
0x4da: {  	v10 =	vxor.u32 v5, v10  }
0x4db: {  	v9 =	vadd.s32 v9, v11;
	v11 =	vshrl.u32 v10, $0xC;
	v59, _, _ =	vpop (xrf0)  }
0x4dc: {  	v11 =	vand.u32 $0xFF0, v11;
	v13 =	vadd.s32 v9, v59  }
0x4dd: {  	v11 =	vor.u32 v1, v11;
	_ =	sdelay $0x1  }
0x4de: {  	s19 =	simm.s32 $0xC0  }
0x4df: {  	v14 =	vld [tilespmem:s19+$0xFFFFFFC0]  }
0x4e0: {  	[tilespmem:v13+s14+$0x0] =	vst.idx.msk vm5, v10  }
0x4e1: {  	[tilespmem:v11+s13+$0x0] =	vst.idx.add.s32.msk vm5, v2  }
0x4e2: {  	v10 =	vld [tilespmem:s31+$0x30];
	_ =	sdelay $0x1  }
0x4e3: {  	v11 =	vshrl.u32 v14, $0x18  }
0x4e4: {  	vm3 =	veq.s32 v11, v6  }
0x4e5: {  	v11 =	vsel vm3, $0x1, v0  }
0x4e6: {  	(xrf0) =	vadd.scan.msk.s32 $0xffff, v11;
	v60 =	vshrl.u32 v10, $0x18  }
0x4e7: {  	vm2 =	veq.s32 v60, v6  }
0x4e8: {  	v61 =	vxor.u32 v5, v8;
	v11 =	vsel vm2, $0x1, v0  }
0x4e9: {  	v8 =	vshrl.u32 v61, $0xC;
	(xrf0) =	vadd.scan.msk.s32 $0xffff, v11;
	v11 =	vmpcnt.ones.xlane vm5  }
0x4ea: {  	v8 =	vand.u32 $0xFF0, v8;
	v62 =	vmpcnt.ones.xlane vm2  }
0x4eb: {  	v7 =	vadd.s32 v7, v12;
	v14 =	vxor.u32 v5, v14;
	v9 =	vadd.s32 v9, v11  }
0x4ec: {  	v15 =	vshrl.u32 v14, $0xC;
	v16, _, _ =	vpop (xrf0);
	v11 =	vor.u32 v1, v8;
	v8 =	vadd.s32 v9, v62  }
0x4ed: {  	v15 =	vand.u32 $0xFF0, v15;
	v12 =	vadd.s32 v8, v16  }
0x4ee: {  	v15 =	vor.u32 v1, v15;
	_ =	sdelay $0x1  }
0x4ef: {  	v10 =	vxor.u32 v5, v10  }
0x4f0: {  	[tilespmem:v7+s14+$0x0] =	vst.idx.msk vm4, v61;
	v7 =	vshrl.u32 v10, $0xC;
	v63, _, _ =	vpop (xrf0)  }
0x4f1: {  	v7 =	vand.u32 $0xFF0, v7;
	v16 =	vadd.s32 v9, v63;
	[tilespmem:v12+s14+$0x0] =	vst.idx.msk vm3, v14  }
0x4f2: {  	v7 =	vor.u32 v1, v7;
	[tilespmem:v15+s13+$0x0] =	vst.idx.add.s32.msk vm3, v2  }
0x4f3: {  	v9 =	vld [tilespmem:s19+$0xFFFFFFD0];
	_ =	sdelay $0x1  }
0x4f4: {  	[tilespmem:v11+s13+$0x0] =	vst.idx.add.s32.msk vm4, v2  }
0x4f5: {  	s21 =	simm.s32 $0x2;
	s20 =	simm.s32 $0xC0;
	[tilespmem:v16+s14+$0x0] =	vst.idx.msk vm2, v10  }
.LBB2_57:
0x4f6: {  	s21 =	sadd.s32 $0x2, s21;
	[tilespmem:v7+s13+$0x0] =	vst.idx.add.s32.msk vm2, v2  }
0x4f7: {  	p0 =	slt.u32 s21, $0x1FE;
	v7 =	vshrl.u32 v9, $0x18  }
0x4f8: {  	vm2 =	veq.s32 v7, v6  }
0x4f9: {  	v7 =	vsel vm2, $0x1, v0  }
0x4fa: {  	(xrf0) =	vadd.scan.msk.s32 $0xffff, v7;
	_ =	sdelay $0x3  }
0x4fb: {  	v7 =	vmpcnt.ones.xlane vm3  }
0x4fc: {  	v9 =	vxor.u32 v5, v9  }
0x4fd: {  	v7 =	vadd.s32 v8, v7;
	v8 =	vshrl.u32 v9, $0xC;
	v10, _, _ =	vpop (xrf0)  }
0x4fe: {  	v8 =	vand.u32 $0xFF0, v8;
	v10 =	vadd.s32 v7, v10  }
0x4ff: {  	v8 =	vor.u32 v1, v8;
	_ =	sdelay $0x3  }
0x500: {  	[tilespmem:v10+s14+$0x0] =	vst.idx.msk vm2, v9  }
0x501: {  	[tilespmem:v8+s13+$0x0] =	vst.idx.add.s32.msk vm2, v2  }
0x502: {  	v8 =	vld [tilespmem:s19+$0xFFFFFFE0];
	_ =	sdelay $0x4  }
0x503: {  	v9 =	vshrl.u32 v8, $0x18  }
0x504: {  	vm3 =	veq.s32 v9, v6  }
0x505: {  	v9 =	vsel vm3, $0x1, v0;
	v10 =	vmpcnt.ones.xlane vm3  }
0x506: {  	(xrf0) =	vadd.scan.msk.s32 $0xffff, v9;
	_ =	sdelay $0x3  }
0x507: {  	v9 =	vmpcnt.ones.xlane vm2  }
0x508: {  	v8 =	vxor.u32 v5, v8  }
0x509: {  	v7 =	vadd.s32 v7, v9;
	v9 =	vshrl.u32 v8, $0xC;
	v11, _, _ =	vpop (xrf0)  }
0x50a: {  	v9 =	vand.u32 $0xFF0, v9;
	v11 =	vadd.s32 v7, v11  }
0x50b: {  	v9 =	vor.u32 v1, v9  }
0x50c: {  	v12 =	vld [tilespmem:s19+$0x0];
	_ =	sdelay $0x2  }
0x50d: {  	[tilespmem:v11+s14+$0x0] =	vst.idx.msk vm3, v8  }
0x50e: {  	[tilespmem:v9+s13+$0x0] =	vst.idx.add.s32.msk vm3, v2  }
0x50f: {  	v8 =	vld [tilespmem:s19+$0xFFFFFFF0];
	v9 =	vshrl.u32 v12, $0x18  }
0x510: {  	vm2 =	veq.s32 v9, v6  }
0x511: {  	v9 =	vsel vm2, $0x1, v0  }
0x512: {  	(xrf0) =	vadd.scan.msk.s32 $0xffff, v9;
	_ =	sdelay $0x1  }
0x513: {  	v9 =	vshrl.u32 v8, $0x18  }
0x514: {  	vm3 =	veq.s32 v9, v6  }
0x515: {  	v9 =	vsel vm3, $0x1, v0;
	v11 =	vmpcnt.ones.xlane vm3  }
0x516: {  	v7 =	vadd.s32 v7, v10;
	v10 =	vxor.u32 v5, v12;
	(xrf0) =	vadd.scan.msk.s32 $0xffff, v9  }
0x517: {  	v9 =	vadd.s32 v7, v11;
	v11 =	vshrl.u32 v10, $0xC;
	v12, _, _ =	vpop (xrf0)  }
0x518: {  	v12 =	vadd.s32 v9, v12;
	v11 =	vand.u32 $0xFF0, v11  }
0x519: {  	v11 =	vor.u32 v1, v11;
	_ =	sdelay $0x2  }
0x51a: {  	v13, _, _ =	vpop (xrf0)  }
0x51b: {  	v7 =	vadd.s32 v7, v13;
	[tilespmem:v12+s14+$0x0] =	vst.idx.msk vm2, v10  }
0x51c: {  	[tilespmem:v11+s13+$0x0] =	vst.idx.add.s32.msk vm2, v2  }
0x51d: {  	v10 =	vld [tilespmem:s19+$0x10];
	_ =	sdelay $0x1  }
0x51e: {  	v8 =	vxor.u32 v5, v8  }
0x51f: {  	[tilespmem:v7+s14+$0x0] =	vst.idx.msk vm3, v8;
	v7 =	vshrl.u32 v8, $0xC  }
0x520: {  	v7 =	vand.u32 $0xFF0, v7  }
0x521: {  	v7 =	vor.u32 v1, v7;
	v8 =	vshrl.u32 v10, $0x18  }
0x522: {  	vm4 =	veq.s32 v8, v6  }
0x523: {  	v8 =	vsel vm4, $0x1, v0;
	v11 =	vmpcnt.ones.xlane vm4  }
0x524: {  	(xrf0) =	vadd.scan.msk.s32 $0xffff, v8;
	_ =	sdelay $0x1  }
0x525: {  	[tilespmem:v7+s13+$0x0] =	vst.idx.add.s32.msk vm3, v2;
	_ =	sdelay $0x1  }
0x526: {  	v7 =	vmpcnt.ones.xlane vm2  }
0x527: {  	v8 =	vxor.u32 v5, v10  }
0x528: {  	v7 =	vadd.s32 v9, v7;
	v9 =	vshrl.u32 v8, $0xC;
	v10, _, _ =	vpop (xrf0)  }
0x529: {  	v9 =	vand.u32 $0xFF0, v9;
	v10 =	vadd.s32 v7, v10  }
0x52a: {  	v9 =	vor.u32 v1, v9;
	_ =	sdelay $0x3  }
0x52b: {  	[tilespmem:v10+s14+$0x0] =	vst.idx.msk vm4, v8  }
0x52c: {  	[tilespmem:v9+s13+$0x0] =	vst.idx.add.s32.msk vm4, v2  }
0x52d: {  	v8 =	vld [tilespmem:s19+$0x20];
	_ =	sdelay $0x4  }
0x52e: {  	v9 =	vshrl.u32 v8, $0x18  }
0x52f: {  	vm2 =	veq.s32 v9, v6  }
0x530: {  	v9 =	vsel vm2, $0x1, v0;
	v10 =	vmpcnt.ones.xlane vm2  }
0x531: {  	(xrf0) =	vadd.scan.msk.s32 $0xffff, v9;
	_ =	sdelay $0x4  }
0x532: {  	v8 =	vxor.u32 v5, v8  }
0x533: {  	v7 =	vadd.s32 v7, v11;
	v9 =	vshrl.u32 v8, $0xC;
	v11, _, _ =	vpop (xrf0)  }
0x534: {  	v9 =	vand.u32 $0xFF0, v9;
	v11 =	vadd.s32 v7, v11  }
0x535: {  	s19 =	sadd.s32 $0x80, s19;
	v9 =	vor.u32 v1, v9  }
0x536: {  	v12 =	vld [tilespmem:s19+$0xFFFFFFC0];
	_ =	sdelay $0x2  }
0x537: {  	[tilespmem:v11+s14+$0x0] =	vst.idx.msk vm2, v8  }
0x538: {  	[tilespmem:v9+s13+$0x0] =	vst.idx.add.s32.msk vm2, v2  }
0x539: {  	v8 =	vshrl.u32 v12, $0x18;
	v9 =	vld [tilespmem:s20+$0x30];
	s20 =	smov.u32 s19  }
0x53a: {  	vm3 =	veq.s32 v8, v6  }
0x53b: {  	v8 =	vsel vm3, $0x1, v0  }
0x53c: {  	(xrf0) =	vadd.scan.msk.s32 $0xffff, v8;
	_ =	sdelay $0x1  }
0x53d: {  	v8 =	vshrl.u32 v9, $0x18  }
0x53e: {  	vm2 =	veq.s32 v8, v6  }
0x53f: {  	v8 =	vsel vm2, $0x1, v0;
	v11 =	vmpcnt.ones.xlane vm2  }
0x540: {  	v7 =	vadd.s32 v7, v10;
	v12 =	vxor.u32 v5, v12;
	(xrf0) =	vadd.scan.msk.s32 $0xffff, v8  }
0x541: {  	v10 =	vshrl.u32 v12, $0xC;
	v13, _, _ =	vpop (xrf0);
	v8 =	vadd.s32 v7, v11  }
0x542: {  	v10 =	vand.u32 $0xFF0, v10;
	v11 =	vadd.s32 v8, v13  }
0x543: {  	v10 =	vor.u32 v1, v10;
	_ =	sdelay $0x1  }
0x544: {  	v13 =	vxor.u32 v5, v9  }
0x545: {  	v9 =	vshrl.u32 v13, $0xC;
	v14, _, _ =	vpop (xrf0)  }
0x546: {  	[tilespmem:v11+s14+$0x0] =	vst.idx.msk vm3, v12;
	v11 =	vadd.s32 v7, v14;
	v7 =	vand.u32 $0xFF0, v9  }
.Ltmp28:
0x547: {  	[tilespmem:v10+s13+$0x0] =	vst.idx.add.s32.msk vm3, v2;
	v7 =	vor.u32 v1, v7;
	(pc) =	sbr.rel @p0 .LBB2_57-.Ltmp28, $2  }
0x548: {  	v9 =	vld [tilespmem:s19+$0xFFFFFFD0];
	_ =	sdelay $0x2  }
0x549: {  	[tilespmem:v11+s14+$0x0] =	vst.idx.msk vm2, v13  }
0x54a: {  	_ = 	snop  }
0x54b: {  	v10 =	vshrl.u32 v9, $0x18  }
0x54c: {  	vm4 =	veq.s32 v10, v6  }
0x54d: {  	v10 =	vsel vm4, $0x1, v0  }
0x54e: {  	(xrf0) =	vadd.scan.msk.s32 $0xffff, v10;
	_ =	sdelay $0x3  }
0x54f: {  	v10 =	vmpcnt.ones.xlane vm3  }
0x550: {  	v9 =	vxor.u32 v5, v9  }
0x551: {  	v8 =	vadd.s32 v8, v10;
	v10 =	vshrl.u32 v9, $0xC;
	v11, _, _ =	vpop (xrf0)  }
0x552: {  	v10 =	vand.u32 $0xFF0, v10;
	v11 =	vadd.s32 v8, v11  }
0x553: {  	v10 =	vor.u32 v1, v10;
	_ =	sdelay $0x3  }
0x554: {  	[tilespmem:v11+s14+$0x0] =	vst.idx.msk vm4, v9  }
0x555: {  	[tilespmem:v10+s13+$0x0] =	vst.idx.add.s32.msk vm4, v2  }
0x556: {  	v9 =	vld [tilespmem:s19+$0xFFFFFFE0];
	_ =	sdelay $0x4  }
0x557: {  	v10 =	vshrl.u32 v9, $0x18  }
0x558: {  	vm3 =	veq.s32 v10, v6  }
0x559: {  	v10 =	vsel vm3, $0x1, v0  }
0x55a: {  	(xrf0) =	vadd.scan.msk.s32 $0xffff, v10;
	_ =	sdelay $0x3  }
0x55b: {  	v10 =	vmpcnt.ones.xlane vm4  }
0x55c: {  	v9 =	vxor.u32 v5, v9  }
0x55d: {  	v8 =	vadd.s32 v8, v10;
	v10 =	vshrl.u32 v9, $0xC;
	v11, _, _ =	vpop (xrf0)  }
0x55e: {  	v10 =	vand.u32 $0xFF0, v10;
	v11 =	vadd.s32 v8, v11  }
0x55f: {  	v10 =	vor.u32 v1, v10  }
0x560: {  	v12 =	vld [tilespmem:s19+$0x0];
	_ =	sdelay $0x2  }
0x561: {  	[tilespmem:v11+s14+$0x0] =	vst.idx.msk vm3, v9  }
0x562: {  	[tilespmem:v10+s13+$0x0] =	vst.idx.add.s32.msk vm3, v2  }
0x563: {  	v10 =	vshrl.u32 v12, $0x18;
	v9 =	vld [tilespmem:s19+$0xFFFFFFF0]  }
0x564: {  	vm13 =	veq.s32 v10, v6  }
0x565: {  	v10 =	vsel vm13, $0x1, v0  }
0x566: {  	(xrf0) =	vadd.scan.msk.s32 $0xffff, v10;
	_ =	sdelay $0x1  }
0x567: {  	v10 =	vshrl.u32 v9, $0x18  }
0x568: {  	v11 =	vmpcnt.ones.xlane vm3;
	vm3 =	veq.s32 v10, v6  }
0x569: {  	v10 =	vmpcnt.ones.xlane vm3  }
0x56a: {  	v8 =	vadd.s32 v8, v11;
	v11 =	vxor.u32 v5, v12  }
0x56b: {  	v12 =	vshrl.u32 v11, $0xC;
	v13, _, _ =	vpop (xrf0);
	v10 =	vadd.s32 v8, v10  }
0x56c: {  	v12 =	vand.u32 $0xFF0, v12;
	v13 =	vadd.s32 v10, v13  }
0x56d: {  	v12 =	vor.u32 v1, v12;
	_ =	sdelay $0x3  }
0x56e: {  	[tilespmem:v13+s14+$0x0] =	vst.idx.msk vm13, v11  }
0x56f: {  	[tilespmem:v12+s13+$0x0] =	vst.idx.add.s32.msk vm13, v2  }
0x570: {  	v11 =	vld [tilespmem:s19+$0x10];
	_ =	sdelay $0x4  }
0x571: {  	v51 =	vshrl.u32 v11, $0x18  }
0x572: {  	v52 =	vsel vm3, $0x1, v0;
	vm5 =	veq.s32 v51, v6  }
0x573: {  	(xrf0) =	vadd.scan.msk.s32 $0xffff, v52;
	v12 =	vsel vm5, $0x1, v0  }
0x574: {  	(xrf0) =	vadd.scan.msk.s32 $0xffff, v12;
	_ =	sdelay $0x3  }
0x575: {  	v53 =	vmpcnt.ones.xlane vm13  }
0x576: {  	v13, _, _ =	vpop (xrf0);
	v11 =	vxor.u32 v5, v11  }
0x577: {  	v10 =	vadd.s32 v10, v53;
	v54 =	vshrl.u32 v11, $0xC;
	v14, _, _ =	vpop (xrf0)  }
0x578: {  	v12 =	vand.u32 $0xFF0, v54;
	v14 =	vadd.s32 v10, v14  }
0x579: {  	v12 =	vor.u32 v1, v12;
	_ =	sdelay $0x3  }
0x57a: {  	[tilespmem:v14+s14+$0x0] =	vst.idx.msk vm5, v11  }
0x57b: {  	[tilespmem:v12+s13+$0x0] =	vst.idx.add.s32.msk vm5, v2  }
0x57c: {  	v11 =	vld [tilespmem:s19+$0x20];
	_ =	sdelay $0x4  }
0x57d: {  	v55 =	vshrl.u32 v11, $0x18  }
0x57e: {  	vm14 =	veq.s32 v55, v6  }
0x57f: {  	v12 =	vsel vm14, $0x1, v0  }
0x580: {  	(xrf0) =	vadd.scan.msk.s32 $0xffff, v12;
	_ =	sdelay $0x3  }
0x581: {  	v56 =	vmpcnt.ones.xlane vm5  }
0x582: {  	v11 =	vxor.u32 v5, v11  }
0x583: {  	v10 =	vadd.s32 v10, v56;
	v57 =	vshrl.u32 v11, $0xC;
	v58, _, _ =	vpop (xrf0)  }
0x584: {  	v12 =	vand.u32 $0xFF0, v57;
	v14 =	vadd.s32 v10, v58  }
0x585: {  	v12 =	vor.u32 v1, v12;
	_ =	sdelay $0x3  }
0x586: {  	[tilespmem:v14+s14+$0x0] =	vst.idx.msk vm14, v11  }
0x587: {  	[tilespmem:v12+s13+$0x0] =	vst.idx.add.s32.msk vm14, v2  }
0x588: {  	v11 =	vld [tilespmem:s20+$0x30];
	_ =	sdelay $0x4  }
0x589: {  	v59 =	vshrl.u32 v11, $0x18  }
0x58a: {  	vm15 =	veq.s32 v59, v6  }
0x58b: {  	v6 =	vsel vm15, $0x1, v0  }
0x58c: {  	(xrf0) =	vadd.scan.msk.s32 $0xffff, v6;
	_ =	sdelay $0x2  }
0x58d: {  	v6 =	vxor.u32 v5, v9  }
0x58e: {  	v9 =	vmpcnt.ones.xlane vm14;
	v60 =	vshrl.u32 v6, $0xC  }
0x58f: {  	v8 =	vadd.s32 v8, v13;
	v5 =	vxor.u32 v5, v11;
	v12 =	vand.u32 $0xFF0, v60  }
0x590: {  	v10 =	vadd.s32 v10, v9;
	v9 =	vshrl.u32 v5, $0xC;
	v11 =	vor.u32 v1, v12;
	v61, _, _ =	vpop (xrf0)  }
0x591: {  	v9 =	vand.u32 $0xFF0, v9;
	v12 =	vadd.s32 v10, v61  }
0x592: {  	v9 =	vor.u32 v1, v9  }
0x593: {  	[tilespmem:v7+s13+$0x0] =	vst.idx.add.s32.msk vm2, v2  }
0x594: {  	[tilespmem:v8+s14+$0x0] =	vst.idx.msk vm3, v6  }
0x595: {  	[tilespmem:v11+s13+$0x0] =	vst.idx.add.s32.msk vm3, v2  }
0x596: {  	[tilespmem:v12+s14+$0x0] =	vst.idx.msk vm15, v5  }
0x597: {  	s21 =	simm.s32 $0x18040;
	[tilespmem:v9+s13+$0x0] =	vst.idx.add.s32.msk vm15, v2  }
0x598: {  	v5 =	vld [tilespmem:s21+$0xFFFFFFC0]  }
0x599: {  	v9 =	vld [tilespmem:s21+$0xFFFFFFD0]  }
0x59a: {  	v11 =	vld [tilespmem:s21+$0xFFFFFFE0]  }
0x59b: {  	v7 =	vld [tilespmem:s21+$0xFFFFFFF0]  }
0x59c: {  	v8 =	vimm.s32 $0x0;
	v6 =	vld [tilespmem:s21+$0x0]  }
0x59d: {  	s19 =	simm.s32 $0x19040;
	v62 =	vmpcnt.ones.xlane vm15;
	v5 =	vadd.s32 v8, v5;
	v8 =	vld [tilespmem:s21+$0x10]  }
0x59e: {  	[tilespmem:s19+$0xFFFFFFC0] =	vst v5;
	v63 =	vadd.s32 v5, v9;
	v9 =	vld [tilespmem:s21+$0x20]  }
0x59f: {  	s20 =	simm.s32 $0x0;
	v5 =	vadd.s32 v10, v62;
	v10 =	vld [tilespmem:s21+$0x30];
	s21 =	simm.s32 $0x180C0;
	[tilespmem:s19+$0xFFFFFFD0] =	vst v63;
	v11 =	vadd.s32 v63, v11  }
.LBB2_59:
0x5a0: {  	v12 =	vld [tilespmem:s21+$0xFFFFFFC0];
	s20 =	sadd.s32 $0x8, s20;
	[tilespmem:s19+$0xFFFFFFE0] =	vst v11;
	v7 =	vadd.s32 v11, v7  }
0x5a1: {  	v11 =	vld [tilespmem:s21+$0xFFFFFFD0];
	p0 =	slt.u32 s20, $0xF8;
	[tilespmem:s19+$0xFFFFFFF0] =	vst v7;
	v6 =	vadd.s32 v7, v6  }
0x5a2: {  	v13 =	vld [tilespmem:s21+$0xFFFFFFE0];
	[tilespmem:s19+$0x0] =	vst v6;
	v6 =	vadd.s32 v6, v8  }
.Ltmp29:
0x5a3: {  	v7 =	vld [tilespmem:s21+$0xFFFFFFF0];
	[tilespmem:s19+$0x10] =	vst v6;
	v8 =	vadd.s32 v6, v9;
	(pc) =	sbr.rel @p0 .LBB2_59-.Ltmp29, $4  }
0x5a4: {  	v6 =	vld [tilespmem:s21+$0x0];
	[tilespmem:s19+$0x20] =	vst v8;
	v9 =	vadd.s32 v8, v10  }
0x5a5: {  	v10 =	vadd.s32 v9, v12;
	v8 =	vld [tilespmem:s21+$0x10];
	[tilespmem:s19+$0x30] =	vst v9;
	s19 =	sadd.s32 $0x80, s19  }
0x5a6: {  	[tilespmem:s19+$0xFFFFFFC0] =	vst v10;
	v10 =	vadd.s32 v10, v11;
	v9 =	vld [tilespmem:s21+$0x20]  }
0x5a7: {  	[tilespmem:s19+$0xFFFFFFD0] =	vst v10;
	v11 =	vadd.s32 v10, v13;
	v10 =	vld [tilespmem:s21+$0x30];
	s21 =	sadd.s32 $0x80, s21  }
0x5a8: {  	[tilespmem:s19+$0xFFFFFFE0] =	vst v11;
	v7 =	vadd.s32 v11, v7  }
0x5a9: {  	[tilespmem:s19+$0xFFFFFFF0] =	vst v7;
	v6 =	vadd.s32 v7, v6  }
0x5aa: {  	[tilespmem:s19+$0x0] =	vst v6;
	v6 =	vadd.s32 v6, v8  }
0x5ab: {  	[tilespmem:s19+$0x10] =	vst v6;
	v6 =	vadd.s32 v6, v9  }
0x5ac: {  	[tilespmem:s19+$0x20] =	vst v6;
	v6 =	vadd.s32 v6, v10  }
0x5ad: {  	[tilespmem:s19+$0x30] =	vst v6  }
0x5ae: {  	v6 =	vld [tilespmem:$0x197F0];
	_ =	sdelay $0x2  }
0x5af: {  	(xrf0) =	vadd.scan.msk.s32 $0xffff, v4;
	_ =	sdelay $0x1  }
0x5b0: {  	(xrf0) =	vadd.scan.msk.s32 $0xffff, v6;
	_ =	sdelay $0x3  }
0x5b1: {  	v4, _, _ =	vpop (xrf0)  }
0x5b2: {  	(v2sf) =	vpush v4, $0xF  }
0x5b3: {  	v4, _, _ =	vpop (xrf0)  }
0x5b4: {  	(v2sf) =	vpush v4, $0xF;
	_ =	sdelay $0xc  }
0x5b5: {  	p0 =	seq.s32 s17, $0x0;
	s19 =	spop (v2sf)  }
0x5b6: {  	s19 =	simm.s32 @p0 $0x0  }
0x5b7: {  	s19 =	ssub.s32 s18, s19;
	s23 =	spop (v2sf)  }
0x5b8: {  	s18 =	simm.s32 $0x0;
	p0 =	sgt.s32 s23, s19  }
0x5b9: {  	s18 =	simm.s32 @!p0 $0x80  }
0x5ba: {  	s20 =	sshll.u32 s18, $0x4  }
0x5bb: {  	v4 =	vld [tilespmem:s20+$0x193F0];
	_ =	sdelay $0x4  }
0x5bc: {  	(xrf0) =	vadd.scan.msk.s32 $0xffff, v4;
	_ =	sdelay $0x5  }
0x5bd: {  	v4, _, _ =	vpop (xrf0)  }
0x5be: {  	(v2sf) =	vpush v4, $0xF;
	_ =	sdelay $0xe  }
0x5bf: {  	s24 =	spop (v2sf)  }
0x5c0: {  	s20 =	sor.u32 $0x40, s18;
	p0 =	sgt.s32 s24, s19  }
0x5c1: {  	s20 =	smov.u32 @p0 s18  }
0x5c2: {  	s18 =	sshll.u32 s20, $0x4  }
0x5c3: {  	v4 =	vld [tilespmem:s18+$0x191F0];
	_ =	sdelay $0x4  }
0x5c4: {  	(xrf0) =	vadd.scan.msk.s32 $0xffff, v4;
	_ =	sdelay $0x5  }
0x5c5: {  	v4, _, _ =	vpop (xrf0)  }
0x5c6: {  	(v2sf) =	vpush v4, $0xF;
	_ =	sdelay $0xe  }
0x5c7: {  	s25 =	spop (v2sf)  }
0x5c8: {  	s18 =	sor.u32 $0x20, s20;
	p0 =	sgt.s32 s25, s19  }
0x5c9: {  	s18 =	smov.u32 @p0 s20  }
0x5ca: {  	s20 =	sshll.u32 s18, $0x4  }
0x5cb: {  	v4 =	vld [tilespmem:s20+$0x190F0];
	_ =	sdelay $0x4  }
0x5cc: {  	(xrf0) =	vadd.scan.msk.s32 $0xffff, v4;
	_ =	sdelay $0x5  }
0x5cd: {  	v4, _, _ =	vpop (xrf0)  }
0x5ce: {  	(v2sf) =	vpush v4, $0xF;
	_ =	sdelay $0xe  }
0x5cf: {  	s26 =	spop (v2sf)  }
0x5d0: {  	s20 =	sor.u32 $0x10, s18;
	p0 =	sgt.s32 s26, s19  }
0x5d1: {  	s20 =	smov.u32 @p0 s18  }
0x5d2: {  	s18 =	sshll.u32 s20, $0x4  }
0x5d3: {  	s18 =	sand.u32 $0x3FFFFFF0, s18  }
0x5d4: {  	v4 =	vld [tilespmem:s18+$0x19070];
	_ =	sdelay $0x4  }
0x5d5: {  	(xrf0) =	vadd.scan.msk.s32 $0xffff, v4;
	_ =	sdelay $0x5  }
0x5d6: {  	v4, _, _ =	vpop (xrf0)  }
0x5d7: {  	(v2sf) =	vpush v4, $0xF;
	_ =	sdelay $0xe  }
0x5d8: {  	s28 =	spop (v2sf)  }
0x5d9: {  	s18 =	sadd.s32 $0x8, s20;
	p0 =	sgt.s32 s28, s19  }
0x5da: {  	s18 =	smov.u32 @p0 s20  }
0x5db: {  	s20 =	sshll.u32 s18, $0x4  }
0x5dc: {  	s20 =	sand.u32 $0x3FFFFFF0, s20  }
0x5dd: {  	v4 =	vld [tilespmem:s20+$0x19030];
	_ =	sdelay $0x4  }
0x5de: {  	(xrf0) =	vadd.scan.msk.s32 $0xffff, v4;
	_ =	sdelay $0x5  }
0x5df: {  	v4, _, _ =	vpop (xrf0)  }
0x5e0: {  	(v2sf) =	vpush v4, $0xF;
	_ =	sdelay $0xe  }
0x5e1: {  	s29 =	spop (v2sf)  }
0x5e2: {  	s20 =	sadd.s32 $0x4, s18;
	p0 =	sgt.s32 s29, s19  }
0x5e3: {  	s20 =	smov.u32 @p0 s18  }
0x5e4: {  	s18 =	sshll.u32 s20, $0x4  }
0x5e5: {  	s18 =	sand.u32 $0x3FFFFFF0, s18  }
0x5e6: {  	v4 =	vld [tilespmem:s18+$0x19010];
	_ =	sdelay $0x4  }
0x5e7: {  	(xrf0) =	vadd.scan.msk.s32 $0xffff, v4;
	_ =	sdelay $0x5  }
0x5e8: {  	v4, _, _ =	vpop (xrf0)  }
0x5e9: {  	(v2sf) =	vpush v4, $0xF;
	_ =	sdelay $0xe  }
0x5ea: {  	s30 =	spop (v2sf)  }
0x5eb: {  	s18 =	sadd.s32 $0x2, s20;
	p0 =	sgt.s32 s30, s19  }
0x5ec: {  	s18 =	smov.u32 @p0 s20  }
0x5ed: {  	s20 =	sshll.u32 s18, $0x4  }
0x5ee: {  	s20 =	sand.u32 $0x3FFFFFF0, s20  }
0x5ef: {  	v4 =	vld [tilespmem:s20+$0x19000];
	_ =	sdelay $0x4  }
0x5f0: {  	(xrf0) =	vadd.scan.msk.s32 $0xffff, v4;
	_ =	sdelay $0x5  }
0x5f1: {  	v4, _, _ =	vpop (xrf0)  }
0x5f2: {  	(v2sf) =	vpush v4, $0xF;
	_ =	sdelay $0xe  }
0x5f3: {  	s31 =	spop (v2sf)  }
0x5f4: {  	s20 =	simm.s32 $0x1;
	p0 =	sle.s32 s31, s19  }
0x5f5: {  	s20 =	simm.s32 @!p0 $0x0  }
0x5f6: {  	s18 =	sadd.s32 s20, s18  }
0x5f7: {  	s20 =	smax.u32 s18, $0x1  }
0x5f8: {  	s20 =	sshll.u32 s20, $0x4  }
0x5f9: {  	s20 =	sand.u32 $0x3FFFFFF0, s20  }
0x5fa: {  	v4 =	vld [tilespmem:s20+$0x18FF0];
	s20 =	simm.s32 $0x18040  }
0x5fb: {  	[tilespmem:s20+$0xFFFFFFC0] =	vst v0  }
0x5fc: {  	[tilespmem:s20+$0x30] =	vst v0  }
0x5fd: {  	[tilespmem:s20+$0x20] =	vst v0  }
0x5fe: {  	[tilespmem:s20+$0x10] =	vst v0  }
0x5ff: {  	[tilespmem:s20+$0x0] =	vst v0  }
0x600: {  	[tilespmem:s20+$0xFFFFFFF0] =	vst v0  }
0x601: {  	s21 =	simm.s32 $0x0;
	[tilespmem:s20+$0xFFFFFFE0] =	vst v0  }
.LBB2_61:
0x602: {  	s21 =	sadd.s32 $0x8, s21;
	[tilespmem:s20+$0xFFFFFFD0] =	vst v0;
	s20 =	sadd.s32 $0x80, s20  }
0x603: {  	[tilespmem:s20+$0xFFFFFFC0] =	vst v0;
	p0 =	slt.u32 s21, $0xF8  }
0x604: {  	[tilespmem:s20+$0x30] =	vst v0  }
.Ltmp30:
0x605: {  	[tilespmem:s20+$0x20] =	vst v0;
	(pc) =	sbr.rel @p0 .LBB2_61-.Ltmp30, $4  }
0x606: {  	[tilespmem:s20+$0x10] =	vst v0  }
0x607: {  	[tilespmem:s20+$0x0] =	vst v0  }
0x608: {  	[tilespmem:s20+$0xFFFFFFF0] =	vst v0  }
0x609: {  	[tilespmem:s20+$0xFFFFFFE0] =	vst v0  }
0x60a: {  	v5 =	vnsel vm0, $0x0, v5  }
0x60b: {  	(xrf0) =	vadd.scan.msk.s32 $0xffff, v5;
	_ =	sdelay $0x5  }
0x60c: {  	v5, _, _ =	vpop (xrf0)  }
0x60d: {  	(v2sf) =	vpush v5, $0xF;
	_ =	sdelay $0x5  }
0x60e: {  	(xrf0) =	vadd.scan.msk.s32 $0xffff, v4;
	_ =	sdelay $0x5  }
0x60f: {  	v4, _, _ =	vpop (xrf0)  }
0x610: {  	(v2sf) =	vpush v4, $0xF;
	_ =	sdelay $0x1  }
0x611: {  	s21 =	spop (v2sf)  }
0x612: {  	s22 =	sadd.s32 $0x10, s21  }
0x613: {  	s23 =	sshra.s32 s22, $0x1F  }
0x614: {  	s23 =	sshrl.u32 s23, $0x1C  }
0x615: {  	s23 =	sadd.s32 s23, s22  }
0x616: {  	s22 =	sshra.s32 s23, $0x4;
	s23 =	sshrl.u32 s23, $0x1F  }
0x617: {  	s23 =	sadd.s32 s23, s22  }
0x618: {  	s23 =	sand.u32 $0xFFFFFFFE, s23  }
0x619: {  	p0 =	slt.s32 s23, $0x1  }
.Ltmp31:
0x61a: {  	_ = 	snop;
	(pc) =	sbr.rel @p0 .LBB2_63-.Ltmp31, $2  }
0x61b: {  	_ =	sdelay $0x2  }
0x61c: {  	[tilespmem:s20+$0xFFFFFFD0] =	vst v0;
	s21 =	sadd.s32 $0x1, s21;
	s20 =	spop (v2sf)  }
0x61d: {  	s25 =	simm.s32 $0x8010  }
0x61e: {  	v5 =	vld [tilespmem:s25+$0xFFFFFFF0];
	_ =	sdelay $0x1  }
0x61f: {  	v8 =	vld [tilespmem:s25+$0x0]  }
0x620: {  	p2 =	sgt.s32 s23, $0x2  }
.Ltmp32:
0x621: {  	_ = 	snop;
	(pc) =	sbr.rel @!p2 .LBB2_72-.Ltmp32, $4  }
0x622: {  	v6 =	vmov s21;
	v7 =	vmov s18;
	s31 =	simm.s32 $0x0;
	v9 =	vshrl.u32 v5, $0x10  }
0x623: {  	v4 =	vimm.s32 $0xFFFFFFFF;
	v10 =	vor.u32 s31, v1;
	v9 =	vand.u32 $0xFF, v9  }
0x624: {  	s24 =	simm.s32 $0x10;
	p0 =	por $0x0, $0x0;
	vm2 =	vlt.s32 v10, v6;
	v10 =	vshrl.u32 v8, $0x10;
	vm3 =	veq.s32 v9, v7  }
0x625: {  	p1 =	por $0x0, $0x0;
	s25 =	simm.s32 $0x8030;
	v14 =	vand.u32 $0xFF, v10;
	v9 =	vor.u32 s24, v1;
	s24 =	simm.s32 $0x30;
	vm6 =	vmand vm2, vm3  }
0x626: {  	v17 =	vld [tilespmem:s25+$0xFFFFFFF0];
	_ =	sdelay $0x1  }
0x627: {  	v10 =	vshrl.u32 v5, $0x4;
	v11 =	vshrl.u32 v8, $0x4;
	v16 =	vld [tilespmem:s25+$0x0];
	vm2 =	vmmov vm6  }
0x628: {  	s26 =	simm.s32 $0x20;
	vm3 =	vlt.s32 v9, v6;
	v9 =	vor.u32 s24, v1;
	vm4 =	veq.s32 v14, v7;
	p2 =	sgt.s32 s23, $0x4  }
.Ltmp33:
0x629: {  	v12 =	vor.u32 s26, v1;
	v24 =	vand.u32 $0xFF0, v11;
	v25 =	vand.u32 $0xFF0, v10;
	(pc) =	sbr.rel @!p2 .LBB2_74-.Ltmp33, $4  }
0x62a: {  	v13 =	vmpcnt.ones.xlane vm2;
	v11 =	vsel vm2, $0x1, v0;
	v10 =	vshrl.u32 v17, $0x10  }
0x62b: {  	vm5 =	vmand vm3, vm4;
	vm6 =	vlt.s32 v12, v6;
	v10 =	vand.u32 $0xFF, v10  }
0x62c: {  	v12 =	vsel vm5, $0x1, v0;
	(xrf0) =	vadd.scan.msk.s32 $0xffff, v11;
	vm3 =	veq.s32 v10, v7;
	v10 =	vshrl.u32 v16, $0x10  }
0x62d: {  	s25 =	simm.s32 $0x8050;
	s24 =	simm.s32 $0x50;
	p0 =	por $0x1, $0x1;
	v23 =	vmpcnt.ones.xlane vm5;
	(xrf0) =	vadd.scan.msk.s32 $0xffff, v12;
	vm6 =	vmand vm6, vm3;
	v14 =	vand.u32 $0xFF, v10  }
0x62e: {  	v11 =	vshrl.u32 v17, $0x4;
	v12 =	vshrl.u32 v16, $0x4  }
0x62f: {  	v10 =	vld [tilespmem:s25+$0xFFFFFFF0];
	v21 =	vadd.s32 v4, v13;
	vm3 =	vmmov vm2;
	vm4 =	vmmov vm5  }
0x630: {  	vm2 =	vmmov vm6;
	vm5 =	vlt.s32 v9, v6;
	v19 =	vor.u32 v1, v24  }
0x631: {  	s26 =	simm.s32 $0x40;
	v9 =	vor.u32 s24, v1;
	vm6 =	veq.s32 v14, v7;
	v20 =	vand.u32 $0xFF0, v11;
	v11 =	vld [tilespmem:s25+$0x0]  }
0x632: {  	p2 =	sgt.s32 s23, $0x6;
	v26 =	vor.u32 s26, v1;
	v22 =	vand.u32 $0xFF0, v12;
	v15 =	vadd.s32 v21, v23;
	v18, _, _ =	vpop (xrf0)  }
.Ltmp34:
0x633: {  	v12 =	vor.u32 v1, v25;
	v13 =	vmpcnt.ones.xlane vm2;
	v18 =	vadd.s32 v4, v18;
	v14, _, _ =	vpop (xrf0);
	(pc) =	sbr.rel @!p2 .LBB2_76-.Ltmp34, $4  }
0x634: {  	v24 =	vsel vm2, $0x1, v0;
	v23 =	vshrl.u32 v10, $0x10;
	v21 =	vadd.s32 v21, v14  }
0x635: {  	vm5 =	vmand vm5, vm6;
	vm7 =	vlt.s32 v26, v6;
	v14 =	vand.u32 $0xFF, v23  }
0x636: {  	s24 =	simm.s32 $0x6;
	v25 =	vsel vm5, $0x1, v0;
	(xrf0) =	vadd.scan.msk.s32 $0xffff, v24;
	vm6 =	veq.s32 v14, v7;
	v14 =	vshrl.u32 v11, $0x10  }
0x637: {  	p1 =	por $0x1, $0x1;
	s25 =	simm.s32 $0x8070;
	s26 =	simm.s32 $0x70;
	v26 =	vmovc v15;
	(xrf0) =	vadd.scan.msk.s32 $0xffff, v25;
	v23 =	vmpcnt.ones.xlane vm5;
	vm6 =	vmand vm7, vm6;
	v14 =	vand.u32 $0xFF, v14  }
.LBB2_77:
0x638: {  	s28 =	sadd.s32 $0xFFFFFFF0, s26;
	v24 =	vld [tilespmem:s25+$0xFFFFFFF0];
	s24 =	sadd.s32 $0x2, s24;
	v25 =	vshrl.u32 v10, $0x4;
	v27 =	vshrl.u32 v11, $0x4;
	v28 =	vadd.s32 v15, v13;
	[tilespmem:v18+s15+$0x0] =	vst.idx.msk vm3, v5;
	v5 =	vmovc v17  }
0x639: {  	v17 =	vmovc v10;
	v29 =	vor.u32 s28, v1;
	v30 =	vld [tilespmem:s25+$0x0];
	p2 =	slt.s32 s24, s23;
	v27 =	vand.u32 $0xFF0, v27;
	v15 =	vadd.s32 v28, v23;
	[tilespmem:v21+s15+$0x0] =	vst.idx.msk vm4, v8  }
0x63a: {  	v18 =	vand.u32 $0xFF0, v25;
	v8 =	vmovc v16;
	v16 =	vmov v11;
	[tilespmem:v19+s13+$0x0] =	vst.idx.add.s32.msk vm4, v2;
	vm4 =	vmmov vm5  }
0x63b: {  	[tilespmem:v12+s13+$0x0] =	vst.idx.add.s32.msk vm3, v2;
	v12 =	vor.u32 v1, v20;
	v20 =	vmovc v18;
	vm3 =	vmmov vm2;
	vm2 =	vmmov vm6  }
0x63c: {  	vm5 =	vlt.s32 v9, v6;
	v19 =	vor.u32 v1, v22;
	v13 =	vmpcnt.ones.xlane vm2;
	v10, _, _ =	vpop (xrf0)  }
.Ltmp35:
0x63d: {  	v9 =	vor.u32 s26, v1;
	vm6 =	veq.s32 v14, v7;
	v18 =	vadd.s32 v26, v10;
	v10, _, _ =	vpop (xrf0);
	(pc) =	sbr.rel @p2 .LBB2_77-.Ltmp35, $4  }
0x63e: {  	v23 =	vsel vm2, $0x1, v0;
	v14 =	vshrl.u32 v24, $0x10;
	v21 =	vadd.s32 v28, v10;
	v10 =	vmovc v24;
	v11 =	vmovc v30  }
0x63f: {  	vm7 =	vlt.s32 v29, v6;
	v22 =	vmovc v27;
	vm5 =	vmand vm5, vm6;
	v26 =	vmovc v15;
	v14 =	vand.u32 $0xFF, v14  }
0x640: {  	v24 =	vsel vm5, $0x1, v0;
	vm6 =	veq.s32 v14, v7;
	v14 =	vshrl.u32 v11, $0x10;
	(xrf0) =	vadd.scan.msk.s32 $0xffff, v23  }
0x641: {  	s25 =	sadd.s32 $0x20, s25;
	s26 =	sadd.s32 $0x20, s26;
	vm6 =	vmand vm7, vm6;
	v14 =	vand.u32 $0xFF, v14;
	v23 =	vmpcnt.ones.xlane vm5;
	(xrf0) =	vadd.scan.msk.s32 $0xffff, v24  }
0x642: {  	v27 =	vmov v5  }
0x643: {  	v28 =	vmovc v8;
	v5 =	vmovc v17;
	v8 =	vmov v16;
	v25 =	vmov v20;
	v24 =	vmov v22  }
.LBB2_79:
0x644: {  	_ = 	snop  }
0x645: {  	vm7 =	vmmov vm6;
	vm14 =	vlt.s32 v9, v6;
	vm8 =	veq.s32 v14, v7  }
0x646: {  	vm6 =	vmand vm14, vm8;
	v6 =	vsel vm7, $0x1, v0  }
0x647: {  	v60 =	vsel vm6, $0x1, v0;
	(xrf0) =	vadd.scan.msk.s32 $0xffff, v6  }
0x648: {  	v9 =	vadd.s32 @p0 v15, v13;
	vm2 =	vmmov @p0 vm2;
	vm5 =	vmmov @p0 vm5;
	v15, _, _ =	vpop @p0 (xrf0);
	(xrf0) =	vadd.scan.msk.s32 $0xffff, v60  }
0x649: {  	[tilespmem:v21+s15+$0x0] =	vst.idx.msk @p1 vm4, v28;
	v14 =	vadd.s32 @p0 v9, v23;
	vm2 =	vmmov @p0 vm2;
	v13, _, _ =	vpop @p0 (xrf0);
	v15 =	vadd.s32 @p0 v26, v15  }
0x64a: {  	[tilespmem:v19+s13+$0x0] =	vst.idx.add.s32.msk @p1 vm4, v2;
	vm4 =	vmmov @p0 vm5;
	v9 =	vadd.s32 @p0 v9, v13;
	v13 =	vpsel p0, v15, v0  }
0x64b: {  	v16 =	vor.u32 @p0 v1, v24;
	v15 =	vor.u32 @p0 v1, v25;
	v9 =	vpsel p0, v9, v0  }
0x64c: {  	[tilespmem:v18+s15+$0x0] =	vst.idx.msk @p1 vm3, v27;
	v5 =	vpsel p0, v5, v0;
	v17 =	vmpcnt.ones.xlane vm7;
	v15 =	vpsel p0, v15, v0  }
0x64d: {  	v8 =	vpsel p0, v8, v0;
	v4 =	vpsel p0, v14, v4;
	v14 =	vpsel p0, v16, v0;
	v61, _, _ =	vpop (xrf0)  }
0x64e: {  	v7 =	vshrl.u32 v10, $0x4;
	[tilespmem:v12+s13+$0x0] =	vst.idx.add.s32.msk @p1 vm3, v2;
	v62 =	vadd.s32 v4, v17;
	v4 =	vadd.s32 v4, v61;
	v63, _, _ =	vpop (xrf0)  }
0x64f: {  	v7 =	vand.u32 $0xFF0, v7;
	v6 =	vshrl.u32 v11, $0x4;
	[tilespmem:v13+s15+$0x0] =	vst.idx.msk @p0 vm2, v5;
	v5 =	vadd.s32 v62, v63  }
0x650: {  	v7 =	vor.u32 v1, v7;
	v6 =	vand.u32 $0xFF0, v6;
	[tilespmem:v9+s15+$0x0] =	vst.idx.msk @p0 vm4, v8  }
0x651: {  	v6 =	vor.u32 v1, v6;
	[tilespmem:v15+s13+$0x0] =	vst.idx.add.s32.msk @p0 vm2, v2  }
.Ltmp36:
0x652: {  	[tilespmem:v14+s13+$0x0] =	vst.idx.add.s32.msk @p0 vm4, v2;
	(pc) =	sbr.rel .LBB2_64-.Ltmp36, $4  }
0x653: {  	[tilespmem:v4+s15+$0x0] =	vst.idx.msk vm7, v10  }
0x654: {  	v4 =	vmpcnt.ones.xlane vm6;
	[tilespmem:v5+s15+$0x0] =	vst.idx.msk vm6, v11  }
0x655: {  	[tilespmem:v7+s13+$0x0] =	vst.idx.add.s32.msk vm7, v2  }
0x656: {  	vm15 =	vmmov vm7;
	vm3 =	vmmov vm6;
	[tilespmem:v6+s13+$0x0] =	vst.idx.add.s32.msk vm6, v2;
	v4 =	vadd.s32 v62, v4  }
.LBB2_63:
0x657: {  	v4 =	vimm.s32 $0xFFFFFFFF  }
.LBB2_64:
0x658: {  	s22 =	ssub.s32 s22, s23  }
0x659: {  	p0 =	slt.s32 s22, $0x1  }
0x65a: {  	s22 =	sshll.u32 @!p0 s23, $0x4  }
0x65b: {  	v5 =	vld @!p0 [tilespmem:s22+$0x8000];
	_ =	sdelay $0x4  }
0x65c: {  	v6 =	vlaneseq.u32 @!p0;
	v7 =	vshrl.u32 @!p0 v5, $0x10  }
0x65d: {  	v8 =	vor.u32 @!p0 s22, v6;
	v7 =	vand.u32 @!p0 $0xFF, v7  }
0x65e: {  	vm2 =	vlt.s32 @!p0 v8, s21;
	vm3 =	veq.s32 @!p0 v7, s18  }
0x65f: {  	v7 =	vimm.s32 @!p0 $0x0;
	vm2 =	vmand @!p0 vm2, vm3  }
0x660: {  	v7 =	vsel @!p0 vm2, $0x1, v7  }
0x661: {  	(xrf0) =	vadd.scan.msk.s32 @!p0 $0xffff, v7;
	_ =	sdelay $0x5  }
0x662: {  	v8 =	vshrl.u32 @!p0 v5, $0x4;
	v7, _, _ =	vpop @!p0 (xrf0)  }
0x663: {  	v8 =	vand.u32 @!p0 $0xFF0, v8;
	v7 =	vadd.s32 @!p0 v4, v7  }
0x664: {  	v6 =	vor.u32 @!p0 v6, v8;
	_ =	sdelay $0x2  }
0x665: {  	s21 =	simm.s32 @!p0 $0x10000;
	v8 =	vmpcnt.ones.xlane @!p0 vm2  }
0x666: {  	[tilespmem:v7+s21+$0x0] =	vst.idx.msk @!p0 vm2, v5;
	v5 =	vimm.s32 @!p0 $0x1;
	s21 =	simm.s32 @!p0 $0x18000  }
0x667: {  	s31 =	simm.s32 $0x18040;
	v7 =	vadd.s32 @!p0 v4, v8;
	[tilespmem:v6+s21+$0x0] =	vst.idx.add.s32.msk @!p0 vm2, v5  }
0x668: {  	v4 =	vpsel p0, v4, v7;
	v7 =	vld [tilespmem:s31+$0xFFFFFFC0]  }
0x669: {  	v8 =	vld [tilespmem:s31+$0xFFFFFFD0]  }
0x66a: {  	v9 =	vld [tilespmem:s31+$0xFFFFFFE0]  }
0x66b: {  	p1 =	seq.s32 s18, $0x0;
	v6 =	vld [tilespmem:s31+$0xFFFFFFF0]  }
0x66c: {  	v10 =	vimm.s32 $0x0;
	s20 =	simm.s32 @p1 $0x0;
	v5 =	vld [tilespmem:s31+$0x0]  }
0x66d: {  	s20 =	ssub.s32 s19, s20;
	s19 =	simm.s32 $0x19040;
	v10 =	vadd.s32 v10, v7;
	v7 =	vld [tilespmem:s31+$0x10]  }
0x66e: {  	[tilespmem:s19+$0xFFFFFFC0] =	vst v10;
	v10 =	vadd.s32 v10, v8;
	v8 =	vld [tilespmem:s31+$0x20]  }
0x66f: {  	s22 =	simm.s32 $0x180C0;
	s21 =	simm.s32 $0x0;
	[tilespmem:s19+$0xFFFFFFD0] =	vst v10;
	v10 =	vadd.s32 v10, v9;
	v9 =	vld [tilespmem:s31+$0x30]  }
.LBB2_65:
0x670: {  	v11 =	vld [tilespmem:s22+$0xFFFFFFC0];
	s21 =	sadd.s32 $0x8, s21;
	[tilespmem:s19+$0xFFFFFFE0] =	vst v10;
	v6 =	vadd.s32 v10, v6  }
0x671: {  	v10 =	vld [tilespmem:s22+$0xFFFFFFD0];
	p0 =	slt.u32 s21, $0xF8;
	[tilespmem:s19+$0xFFFFFFF0] =	vst v6;
	v5 =	vadd.s32 v6, v5  }
0x672: {  	v12 =	vld [tilespmem:s22+$0xFFFFFFE0];
	[tilespmem:s19+$0x0] =	vst v5;
	v5 =	vadd.s32 v5, v7  }
.Ltmp37:
0x673: {  	v6 =	vld [tilespmem:s22+$0xFFFFFFF0];
	[tilespmem:s19+$0x10] =	vst v5;
	v7 =	vadd.s32 v5, v8;
	(pc) =	sbr.rel @p0 .LBB2_65-.Ltmp37, $4  }
0x674: {  	v5 =	vld [tilespmem:s22+$0x0];
	[tilespmem:s19+$0x20] =	vst v7;
	v8 =	vadd.s32 v7, v9  }
0x675: {  	v9 =	vadd.s32 v8, v11;
	v7 =	vld [tilespmem:s22+$0x10];
	[tilespmem:s19+$0x30] =	vst v8;
	s19 =	sadd.s32 $0x80, s19  }
0x676: {  	[tilespmem:s19+$0xFFFFFFC0] =	vst v9;
	v9 =	vadd.s32 v9, v10;
	v8 =	vld [tilespmem:s22+$0x20]  }
0x677: {  	[tilespmem:s19+$0xFFFFFFD0] =	vst v9;
	v10 =	vadd.s32 v9, v12;
	v9 =	vld [tilespmem:s22+$0x30];
	s22 =	sadd.s32 $0x80, s22  }
0x678: {  	[tilespmem:s19+$0xFFFFFFE0] =	vst v10;
	v6 =	vadd.s32 v10, v6  }
0x679: {  	[tilespmem:s19+$0xFFFFFFF0] =	vst v6;
	v5 =	vadd.s32 v6, v5  }
0x67a: {  	[tilespmem:s19+$0x0] =	vst v5;
	v5 =	vadd.s32 v5, v7  }
0x67b: {  	[tilespmem:s19+$0x10] =	vst v5;
	v5 =	vadd.s32 v5, v8  }
0x67c: {  	[tilespmem:s19+$0x20] =	vst v5;
	v5 =	vadd.s32 v5, v9  }
0x67d: {  	[tilespmem:s19+$0x30] =	vst v5  }
0x67e: {  	v5 =	vld [tilespmem:$0x197F0];
	_ =	sdelay $0x4  }
0x67f: {  	(xrf0) =	vadd.scan.msk.s32 $0xffff, v5;
	_ =	sdelay $0x5  }
0x680: {  	v5, _, _ =	vpop (xrf0)  }
0x681: {  	(v2sf) =	vpush v5, $0xF;
	_ =	sdelay $0xe  }
0x682: {  	s23 =	spop (v2sf)  }
0x683: {  	s19 =	simm.s32 $0x0;
	p0 =	sgt.s32 s23, s20  }
0x684: {  	s19 =	simm.s32 @!p0 $0x80  }
0x685: {  	s21 =	sshll.u32 s19, $0x4  }
0x686: {  	v5 =	vld [tilespmem:s21+$0x193F0];
	_ =	sdelay $0x4  }
0x687: {  	(xrf0) =	vadd.scan.msk.s32 $0xffff, v5;
	_ =	sdelay $0x5  }
0x688: {  	v5, _, _ =	vpop (xrf0)  }
0x689: {  	(v2sf) =	vpush v5, $0xF;
	_ =	sdelay $0xe  }
0x68a: {  	s24 =	spop (v2sf)  }
0x68b: {  	s21 =	sor.u32 $0x40, s19;
	p0 =	sgt.s32 s24, s20  }
0x68c: {  	s21 =	smov.u32 @p0 s19  }
0x68d: {  	s19 =	sshll.u32 s21, $0x4  }
0x68e: {  	v5 =	vld [tilespmem:s19+$0x191F0];
	_ =	sdelay $0x4  }
0x68f: {  	(xrf0) =	vadd.scan.msk.s32 $0xffff, v5;
	_ =	sdelay $0x5  }
0x690: {  	v5, _, _ =	vpop (xrf0)  }
0x691: {  	(v2sf) =	vpush v5, $0xF;
	_ =	sdelay $0xe  }
0x692: {  	s25 =	spop (v2sf)  }
0x693: {  	s19 =	sor.u32 $0x20, s21;
	p0 =	sgt.s32 s25, s20  }
0x694: {  	s19 =	smov.u32 @p0 s21  }
0x695: {  	s21 =	sshll.u32 s19, $0x4  }
0x696: {  	v5 =	vld [tilespmem:s21+$0x190F0];
	_ =	sdelay $0x4  }
0x697: {  	(xrf0) =	vadd.scan.msk.s32 $0xffff, v5;
	_ =	sdelay $0x5  }
0x698: {  	v5, _, _ =	vpop (xrf0)  }
0x699: {  	(v2sf) =	vpush v5, $0xF;
	_ =	sdelay $0xe  }
0x69a: {  	s26 =	spop (v2sf)  }
0x69b: {  	s21 =	sor.u32 $0x10, s19;
	p0 =	sgt.s32 s26, s20  }
0x69c: {  	s21 =	smov.u32 @p0 s19  }
0x69d: {  	s19 =	sshll.u32 s21, $0x4  }
0x69e: {  	s19 =	sand.u32 $0x3FFFFFF0, s19  }
0x69f: {  	v5 =	vld [tilespmem:s19+$0x19070];
	_ =	sdelay $0x4  }
0x6a0: {  	(xrf0) =	vadd.scan.msk.s32 $0xffff, v5;
	_ =	sdelay $0x5  }
0x6a1: {  	v5, _, _ =	vpop (xrf0)  }
0x6a2: {  	(v2sf) =	vpush v5, $0xF;
	_ =	sdelay $0xe  }
0x6a3: {  	s28 =	spop (v2sf)  }
0x6a4: {  	s19 =	sadd.s32 $0x8, s21;
	p0 =	sgt.s32 s28, s20  }
0x6a5: {  	s19 =	smov.u32 @p0 s21  }
0x6a6: {  	s21 =	sshll.u32 s19, $0x4  }
0x6a7: {  	s21 =	sand.u32 $0x3FFFFFF0, s21  }
0x6a8: {  	v5 =	vld [tilespmem:s21+$0x19030];
	_ =	sdelay $0x4  }
0x6a9: {  	(xrf0) =	vadd.scan.msk.s32 $0xffff, v5;
	_ =	sdelay $0x5  }
0x6aa: {  	v5, _, _ =	vpop (xrf0)  }
0x6ab: {  	(v2sf) =	vpush v5, $0xF;
	_ =	sdelay $0xe  }
0x6ac: {  	s29 =	spop (v2sf)  }
0x6ad: {  	s21 =	sadd.s32 $0x4, s19;
	p0 =	sgt.s32 s29, s20  }
0x6ae: {  	s21 =	smov.u32 @p0 s19  }
0x6af: {  	s19 =	sshll.u32 s21, $0x4  }
0x6b0: {  	s19 =	sand.u32 $0x3FFFFFF0, s19  }
0x6b1: {  	v5 =	vld [tilespmem:s19+$0x19010];
	_ =	sdelay $0x4  }
0x6b2: {  	(xrf0) =	vadd.scan.msk.s32 $0xffff, v5;
	_ =	sdelay $0x5  }
0x6b3: {  	v5, _, _ =	vpop (xrf0)  }
0x6b4: {  	(v2sf) =	vpush v5, $0xF;
	_ =	sdelay $0xe  }
0x6b5: {  	s30 =	spop (v2sf)  }
0x6b6: {  	s19 =	sadd.s32 $0x2, s21;
	p0 =	sgt.s32 s30, s20  }
0x6b7: {  	s19 =	smov.u32 @p0 s21  }
0x6b8: {  	s21 =	sshll.u32 s19, $0x4  }
0x6b9: {  	s21 =	sand.u32 $0x3FFFFFF0, s21  }
0x6ba: {  	v5 =	vld [tilespmem:s21+$0x19000];
	_ =	sdelay $0x4  }
0x6bb: {  	(xrf0) =	vadd.scan.msk.s32 $0xffff, v5;
	_ =	sdelay $0x5  }
0x6bc: {  	v5, _, _ =	vpop (xrf0)  }
0x6bd: {  	(v2sf) =	vpush v5, $0xF;
	_ =	sdelay $0xe  }
0x6be: {  	s31 =	spop (v2sf)  }
0x6bf: {  	s21 =	simm.s32 $0x1;
	p0 =	sle.s32 s31, s20  }
0x6c0: {  	s21 =	simm.s32 @!p0 $0x0  }
0x6c1: {  	s19 =	sadd.s32 s21, s19  }
0x6c2: {  	s21 =	smax.u32 s19, $0x1  }
0x6c3: {  	s21 =	sshll.u32 s21, $0x4  }
0x6c4: {  	s21 =	sand.u32 $0x3FFFFFF0, s21  }
0x6c5: {  	v5 =	vld [tilespmem:s21+$0x18FF0];
	s21 =	simm.s32 $0x18040  }
0x6c6: {  	[tilespmem:s21+$0xFFFFFFC0] =	vst v0  }
0x6c7: {  	[tilespmem:s21+$0x30] =	vst v0  }
0x6c8: {  	[tilespmem:s21+$0x20] =	vst v0  }
0x6c9: {  	[tilespmem:s21+$0x10] =	vst v0  }
0x6ca: {  	[tilespmem:s21+$0x0] =	vst v0  }
0x6cb: {  	[tilespmem:s21+$0xFFFFFFF0] =	vst v0  }
0x6cc: {  	s22 =	simm.s32 $0x0;
	[tilespmem:s21+$0xFFFFFFE0] =	vst v0  }
.LBB2_67:
0x6cd: {  	s22 =	sadd.s32 $0x8, s22;
	[tilespmem:s21+$0xFFFFFFD0] =	vst v0;
	s21 =	sadd.s32 $0x80, s21  }
0x6ce: {  	[tilespmem:s21+$0xFFFFFFC0] =	vst v0;
	p0 =	slt.u32 s22, $0xF8  }
0x6cf: {  	[tilespmem:s21+$0x30] =	vst v0  }
.Ltmp38:
0x6d0: {  	[tilespmem:s21+$0x20] =	vst v0;
	(pc) =	sbr.rel @p0 .LBB2_67-.Ltmp38, $4  }
0x6d1: {  	[tilespmem:s21+$0x10] =	vst v0  }
0x6d2: {  	[tilespmem:s21+$0x0] =	vst v0  }
0x6d3: {  	[tilespmem:s21+$0xFFFFFFF0] =	vst v0  }
0x6d4: {  	[tilespmem:s21+$0xFFFFFFE0] =	vst v0  }
0x6d5: {  	v4 =	vnsel vm0, $0x0, v4  }
0x6d6: {  	(xrf0) =	vadd.scan.msk.s32 $0xffff, v4;
	_ =	sdelay $0x5  }
0x6d7: {  	v4, _, _ =	vpop (xrf0)  }
0x6d8: {  	(v2sf) =	vpush v4, $0xF;
	_ =	sdelay $0x5  }
0x6d9: {  	(xrf0) =	vadd.scan.msk.s32 $0xffff, v5;
	_ =	sdelay $0x5  }
0x6da: {  	v4, _, _ =	vpop (xrf0)  }
0x6db: {  	(v2sf) =	vpush v4, $0xF;
	_ =	sdelay $0x1  }
0x6dc: {  	s22 =	spop (v2sf)  }
0x6dd: {  	s23 =	sadd.s32 $0x10, s22  }
0x6de: {  	s24 =	sshra.s32 s23, $0x1F  }
0x6df: {  	s24 =	sshrl.u32 s24, $0x1C  }
0x6e0: {  	s24 =	sadd.s32 s24, s23  }
0x6e1: {  	s23 =	sshra.s32 s24, $0x4;
	s24 =	sshrl.u32 s24, $0x1F  }
0x6e2: {  	s24 =	sadd.s32 s24, s23  }
0x6e3: {  	s24 =	sand.u32 $0xFFFFFFFE, s24  }
0x6e4: {  	p0 =	slt.s32 s24, $0x1  }
.Ltmp39:
0x6e5: {  	_ = 	snop;
	(pc) =	sbr.rel @p0 .LBB2_87-.Ltmp39, $2  }
0x6e6: {  	_ =	sdelay $0x2  }
0x6e7: {  	[tilespmem:s21+$0xFFFFFFD0] =	vst v0;
	s22 =	sadd.s32 $0x1, s22;
	s21 =	spop (v2sf)  }
0x6e8: {  	p2 =	sgt.s32 s24, $0x2  }
.Ltmp40:
0x6e9: {  	_ = 	snop;
	(pc) =	sbr.rel @!p2 .LBB2_70-.Ltmp40, $4  }
0x6ea: {  	_ = 	snop  }
0x6eb: {  	s26 =	simm.s32 $0x10010  }
0x6ec: {  	s25 =	simm.s32 $0x10;
	s28 =	simm.s32 $0x0;
	v6 =	vld [tilespmem:s26+$0x0]  }
0x6ed: {  	v5 =	vmov s22;
	v4 =	vmov s19;
	p0 =	por $0x0, $0x0;
	p1 =	por $0x0, $0x0;
	v8 =	vld [tilespmem:s26+$0xFFFFFFF0];
	v7 =	vor.u32 s28, v1;
	s26 =	simm.s32 $0x10030  }
0x6ee: {  	_ =	sdelay $0x2  }
0x6ef: {  	vm2 =	vlt.s32 v7, v5;
	p2 =	sgt.s32 s24, $0x4  }
.Ltmp41:
0x6f0: {  	v9 =	vor.u32 s25, v1;
	s31 =	simm.s32 $0x20;
	v10 =	vshrl.u32 v8, $0x8;
	v8 =	vshll.u32 v8, $0x4;
	(pc) =	sbr.rel @!p2 .LBB2_81-.Ltmp41, $4  }
0x6f1: {  	v7 =	vor.u32 s31, v1;
	v10 =	vand.u32 $0xFF, v10;
	v8 =	vor.u32 v1, v8  }
0x6f2: {  	vm3 =	veq.s32 v10, v4;
	v10 =	vand.u32 $0xFFF, v8;
	v8 =	vshrl.u32 v6, $0x8  }
0x6f3: {  	v13 =	vld [tilespmem:s26+$0x0];
	vm5 =	vlt.s32 v9, v5;
	v6 =	vshll.u32 v6, $0x4;
	v11 =	vand.u32 $0xFF, v8  }
0x6f4: {  	s25 =	simm.s32 $0x30;
	s28 =	simm.s32 $0x10050;
	p0 =	por $0x1, $0x1;
	vm3 =	vmand vm2, vm3;
	v8 =	vld [tilespmem:s26+$0xFFFFFFF0];
	v12 =	vor.u32 v1, v6;
	vm6 =	veq.s32 v11, v4  }
0x6f5: {  	_ =	sdelay $0x3  }
0x6f6: {  	vm2 =	vmand vm5, vm6;
	p2 =	sgt.s32 s24, $0x6;
	v6 =	vshrl.u32 v8, $0x8;
	v8 =	vshll.u32 v8, $0x4  }
.Ltmp42:
0x6f7: {  	v9 =	vand.u32 $0xFFF, v12;
	v11 =	vand.u32 $0xFF, v6;
	v8 =	vor.u32 v1, v8;
	(pc) =	sbr.rel @!p2 .LBB2_83-.Ltmp42, $4  }
0x6f8: {  	v6 =	vld [tilespmem:s28+$0x0];
	vm5 =	veq.s32 v11, v4;
	v11 =	vand.u32 $0xFFF, v8;
	v8 =	vshrl.u32 v13, $0x8  }
0x6f9: {  	vm4 =	vlt.s32 v7, v5;
	v14 =	vor.u32 s25, v1;
	s31 =	simm.s32 $0x40;
	v12 =	vand.u32 $0xFF, v8;
	v8 =	vld [tilespmem:s28+$0xFFFFFFF0]  }
0x6fa: {  	s26 =	simm.s32 $0x6;
	[tilespmem:v10+s13+$0x0] =	vst.idx.add.s32.msk vm3, v2;
	v7 =	vor.u32 s31, v1;
	v13 =	vshll.u32 v13, $0x4;
	vm4 =	vmand vm4, vm5  }
0x6fb: {  	s25 =	simm.s32 $0x50;
	p1 =	por $0x1, $0x1;
	s28 =	simm.s32 $0x10070;
	vm5 =	vlt.s32 v14, v5;
	vm6 =	veq.s32 v12, v4;
	v12 =	vor.u32 v1, v13  }
.LBB2_84:
0x6fc: {  	s26 =	sadd.s32 $0x2, s26  }
0x6fd: {  	vm3 =	vlt.s32 v7, v5;
	v10 =	vor.u32 s25, v1;
	s25 =	sadd.s32 $0x20, s25;
	[tilespmem:v9+s13+$0x0] =	vst.idx.add.s32.msk vm2, v2;
	vm2 =	vmand vm5, vm6;
	v13 =	vmovc v6;
	p2 =	slt.s32 s26, s24  }
.Ltmp43:
0x6fe: {  	v9 =	vand.u32 $0xFFF, v12;
	s29 =	sadd.s32 $0xFFFFFFF0, s25;
	v6 =	vld [tilespmem:s28+$0x0];
	v14 =	vshrl.u32 v8, $0x8;
	v15 =	vshll.u32 v8, $0x4;
	(pc) =	sbr.rel @p2 .LBB2_84-.Ltmp43, $4  }
0x6ff: {  	v8 =	vld [tilespmem:s28+$0xFFFFFFF0];
	v7 =	vor.u32 s29, v1;
	v12 =	vand.u32 $0xFF, v14;
	v14 =	vor.u32 v1, v15  }
0x700: {  	vm5 =	veq.s32 v12, v4;
	v12 =	vand.u32 $0xFFF, v14;
	v14 =	vshrl.u32 v13, $0x8  }
0x701: {  	v13 =	vshll.u32 v13, $0x4;
	v14 =	vand.u32 $0xFF, v14;
	[tilespmem:v11+s13+$0x0] =	vst.idx.add.s32.msk vm4, v2;
	vm4 =	vmand vm3, vm5;
	v11 =	vmovc v12  }
0x702: {  	s28 =	sadd.s32 $0x20, s28;
	vm5 =	vlt.s32 v10, v5;
	v12 =	vor.u32 v1, v13;
	vm6 =	veq.s32 v14, v4  }
0x703: {  	vm3 =	vmmov vm4;
	v10 =	vmov v11  }
.LBB2_86:
0x704: {  	v11 =	vshrl.u32 v8, $0x8;
	vm4 =	vlt.s32 v7, v5  }
0x705: {  	vm5 =	vmand @p0 vm5, vm6;
	v61 =	vor.u32 s25, v1;
	v62 =	vshll.u32 v8, $0x4  }
0x706: {  	v63 =	vshll.u32 v6, $0x4;
	v11 =	vand.u32 $0xFF, v11;
	v8 =	vor.u32 v1, v62  }
0x707: {  	vm7 =	vlt.s32 v61, v5;
	v5 =	vshrl.u32 v6, $0x8;
	vm5 =	vmmov @p0 vm5  }
0x708: {  	vm14 =	veq.s32 v11, v4;
	v11 =	vand.u32 @p0 $0xFFF, v12;
	v5 =	vand.u32 $0xFF, v5  }
0x709: {  	vm4 =	vmand vm4, vm14;
	vm15 =	veq.s32 v5, v4;
	v4 =	vpsel p0, v11, v0  }
0x70a: {  	v6 =	vor.u32 v1, v63;
	v5 =	vand.u32 $0xFFF, v8;
	vm6 =	vmand vm7, vm15  }
0x70b: {  	v6 =	vand.u32 $0xFFF, v6  }
0x70c: {  	[tilespmem:v9+s13+$0x0] =	vst.idx.add.s32.msk @p1 vm2, v2  }
0x70d: {  	[tilespmem:v10+s13+$0x0] =	vst.idx.add.s32.msk @p0 vm3, v2  }
0x70e: {  	[tilespmem:v4+s13+$0x0] =	vst.idx.add.s32.msk @p0 vm5, v2  }
0x70f: {  	[tilespmem:v5+s13+$0x0] =	vst.idx.add.s32.msk vm4, v2  }
0x710: {  	[tilespmem:v6+s13+$0x0] =	vst.idx.add.s32.msk vm6, v2  }
.LBB2_87:
0x711: {  	s23 =	ssub.s32 s23, s24  }
0x712: {  	p0 =	sgt.s32 s23, $0x0  }
0x713: {  	s23 =	sshll.u32 @p0 s24, $0x4  }
0x714: {  	v4 =	vld @p0 [tilespmem:s23+$0x10000];
	_ =	sdelay $0x4  }
0x715: {  	v5 =	vlaneseq.u32 @p0;
	v6 =	vshrl.u32 @p0 v4, $0x8  }
0x716: {  	v7 =	vor.u32 @p0 s23, v5;
	v6 =	vand.u32 @p0 $0xFF, v6  }
0x717: {  	vm2 =	vlt.s32 @p0 v7, s22;
	v4 =	vshll.u32 @p0 v4, $0x4;
	vm3 =	veq.s32 @p0 v6, s19  }
0x718: {  	v4 =	vor.u32 @p0 v5, v4;
	vm2 =	vmand @p0 vm2, vm3  }
0x719: {  	v4 =	vand.u32 @p0 $0xFFF, v4;
	_ =	sdelay $0x3  }
0x71a: {  	s22 =	simm.s32 @p0 $0x18000;
	v5 =	vimm.s32 @p0 $0x1  }
0x71b: {  	s31 =	simm.s32 $0x18040;
	[tilespmem:v4+s22+$0x0] =	vst.idx.add.s32.msk @p0 vm2, v5  }
0x71c: {  	v7 =	vld [tilespmem:s31+$0xFFFFFFC0]  }
0x71d: {  	v8 =	vld [tilespmem:s31+$0xFFFFFFD0]  }
0x71e: {  	v9 =	vld [tilespmem:s31+$0xFFFFFFE0]  }
0x71f: {  	p1 =	seq.s32 s19, $0x0;
	v6 =	vld [tilespmem:s31+$0xFFFFFFF0]  }
0x720: {  	s21 =	simm.s32 @p1 $0x0;
	v5 =	vimm.s32 $0x0;
	v4 =	vld [tilespmem:s31+$0x0]  }
0x721: {  	s20 =	ssub.s32 s20, s21;
	s21 =	simm.s32 $0x19040;
	v7 =	vadd.s32 v5, v7;
	v5 =	vld [tilespmem:s31+$0x10]  }
0x722: {  	[tilespmem:s21+$0xFFFFFFC0] =	vst v7;
	v8 =	vadd.s32 v7, v8;
	v7 =	vld [tilespmem:s31+$0x20]  }
0x723: {  	s23 =	simm.s32 $0x180C0;
	s22 =	simm.s32 $0x0;
	[tilespmem:s21+$0xFFFFFFD0] =	vst v8;
	v9 =	vadd.s32 v8, v9;
	v8 =	vld [tilespmem:s31+$0x30]  }
.LBB2_88:
0x724: {  	v10 =	vld [tilespmem:s23+$0xFFFFFFC0];
	s22 =	sadd.s32 $0x8, s22;
	[tilespmem:s21+$0xFFFFFFE0] =	vst v9;
	v6 =	vadd.s32 v9, v6  }
0x725: {  	v9 =	vld [tilespmem:s23+$0xFFFFFFD0];
	p0 =	slt.u32 s22, $0xF8;
	[tilespmem:s21+$0xFFFFFFF0] =	vst v6;
	v4 =	vadd.s32 v6, v4  }
0x726: {  	v11 =	vld [tilespmem:s23+$0xFFFFFFE0];
	[tilespmem:s21+$0x0] =	vst v4;
	v4 =	vadd.s32 v4, v5  }
.Ltmp44:
0x727: {  	v6 =	vld [tilespmem:s23+$0xFFFFFFF0];
	[tilespmem:s21+$0x10] =	vst v4;
	v5 =	vadd.s32 v4, v7;
	(pc) =	sbr.rel @p0 .LBB2_88-.Ltmp44, $4  }
0x728: {  	v4 =	vld [tilespmem:s23+$0x0];
	[tilespmem:s21+$0x20] =	vst v5;
	v7 =	vadd.s32 v5, v8  }
0x729: {  	v8 =	vadd.s32 v7, v10;
	v5 =	vld [tilespmem:s23+$0x10];
	[tilespmem:s21+$0x30] =	vst v7;
	s21 =	sadd.s32 $0x80, s21  }
0x72a: {  	[tilespmem:s21+$0xFFFFFFC0] =	vst v8;
	v8 =	vadd.s32 v8, v9;
	v7 =	vld [tilespmem:s23+$0x20]  }
0x72b: {  	[tilespmem:s21+$0xFFFFFFD0] =	vst v8;
	v9 =	vadd.s32 v8, v11;
	v8 =	vld [tilespmem:s23+$0x30];
	s23 =	sadd.s32 $0x80, s23  }
0x72c: {  	[tilespmem:s21+$0xFFFFFFE0] =	vst v9;
	v6 =	vadd.s32 v9, v6  }
0x72d: {  	[tilespmem:s21+$0xFFFFFFF0] =	vst v6;
	v4 =	vadd.s32 v6, v4  }
0x72e: {  	[tilespmem:s21+$0x0] =	vst v4;
	v4 =	vadd.s32 v4, v5  }
0x72f: {  	[tilespmem:s21+$0x10] =	vst v4;
	v4 =	vadd.s32 v4, v7  }
0x730: {  	[tilespmem:s21+$0x20] =	vst v4;
	v4 =	vadd.s32 v4, v8  }
0x731: {  	[tilespmem:s21+$0x30] =	vst v4  }
0x732: {  	v4 =	vld [tilespmem:$0x197F0];
	_ =	sdelay $0x4  }
0x733: {  	(xrf0) =	vadd.scan.msk.s32 $0xffff, v4;
	_ =	sdelay $0x5  }
0x734: {  	v4, _, _ =	vpop (xrf0)  }
0x735: {  	(v2sf) =	vpush v4, $0xF;
	_ =	sdelay $0xe  }
0x736: {  	s30 =	spop (v2sf)  }
0x737: {  	s21 =	simm.s32 $0x0;
	p0 =	sgt.s32 s30, s20  }
0x738: {  	s21 =	simm.s32 @!p0 $0x80  }
0x739: {  	s22 =	sshll.u32 s21, $0x4  }
0x73a: {  	v4 =	vld [tilespmem:s22+$0x193F0];
	_ =	sdelay $0x4  }
0x73b: {  	(xrf0) =	vadd.scan.msk.s32 $0xffff, v4;
	_ =	sdelay $0x5  }
0x73c: {  	v4, _, _ =	vpop (xrf0)  }
0x73d: {  	(v2sf) =	vpush v4, $0xF;
	_ =	sdelay $0xe  }
0x73e: {  	s31 =	spop (v2sf)  }
0x73f: {  	s22 =	sor.u32 $0x40, s21;
	p0 =	sgt.s32 s31, s20  }
0x740: {  	s22 =	smov.u32 @p0 s21  }
0x741: {  	s21 =	sshll.u32 s22, $0x4  }
0x742: {  	v4 =	vld [tilespmem:s21+$0x191F0];
	_ =	sdelay $0x4  }
0x743: {  	(xrf0) =	vadd.scan.msk.s32 $0xffff, v4;
	_ =	sdelay $0x5  }
0x744: {  	v4, _, _ =	vpop (xrf0)  }
0x745: {  	(v2sf) =	vpush v4, $0xF;
	_ =	sdelay $0xe  }
0x746: {  	s23 =	spop (v2sf)  }
0x747: {  	s21 =	sor.u32 $0x20, s22;
	p0 =	sgt.s32 s23, s20  }
0x748: {  	s21 =	smov.u32 @p0 s22  }
0x749: {  	s22 =	sshll.u32 s21, $0x4  }
0x74a: {  	v4 =	vld [tilespmem:s22+$0x190F0];
	_ =	sdelay $0x4  }
0x74b: {  	(xrf0) =	vadd.scan.msk.s32 $0xffff, v4;
	_ =	sdelay $0x5  }
0x74c: {  	v4, _, _ =	vpop (xrf0)  }
0x74d: {  	(v2sf) =	vpush v4, $0xF;
	_ =	sdelay $0xe  }
0x74e: {  	s24 =	spop (v2sf)  }
0x74f: {  	s22 =	sor.u32 $0x10, s21;
	p0 =	sgt.s32 s24, s20  }
0x750: {  	s22 =	smov.u32 @p0 s21  }
0x751: {  	s21 =	sshll.u32 s22, $0x4  }
0x752: {  	s21 =	sand.u32 $0x3FFFFFF0, s21  }
0x753: {  	v4 =	vld [tilespmem:s21+$0x19070];
	_ =	sdelay $0x4  }
0x754: {  	(xrf0) =	vadd.scan.msk.s32 $0xffff, v4;
	_ =	sdelay $0x5  }
0x755: {  	v4, _, _ =	vpop (xrf0)  }
0x756: {  	(v2sf) =	vpush v4, $0xF;
	_ =	sdelay $0xe  }
0x757: {  	s25 =	spop (v2sf)  }
0x758: {  	s21 =	sadd.s32 $0x8, s22;
	p0 =	sgt.s32 s25, s20  }
0x759: {  	s21 =	smov.u32 @p0 s22  }
0x75a: {  	s22 =	sshll.u32 s21, $0x4  }
0x75b: {  	s22 =	sand.u32 $0x3FFFFFF0, s22  }
0x75c: {  	v4 =	vld [tilespmem:s22+$0x19030];
	_ =	sdelay $0x4  }
0x75d: {  	(xrf0) =	vadd.scan.msk.s32 $0xffff, v4;
	_ =	sdelay $0x5  }
0x75e: {  	v4, _, _ =	vpop (xrf0)  }
0x75f: {  	(v2sf) =	vpush v4, $0xF;
	_ =	sdelay $0xe  }
0x760: {  	s26 =	spop (v2sf)  }
0x761: {  	s22 =	sadd.s32 $0x4, s21;
	p0 =	sgt.s32 s26, s20  }
0x762: {  	s22 =	smov.u32 @p0 s21  }
0x763: {  	s21 =	sshll.u32 s22, $0x4  }
0x764: {  	s21 =	sand.u32 $0x3FFFFFF0, s21  }
0x765: {  	v4 =	vld [tilespmem:s21+$0x19010];
	_ =	sdelay $0x4  }
0x766: {  	(xrf0) =	vadd.scan.msk.s32 $0xffff, v4;
	_ =	sdelay $0x5  }
0x767: {  	v4, _, _ =	vpop (xrf0)  }
0x768: {  	(v2sf) =	vpush v4, $0xF;
	_ =	sdelay $0xe  }
0x769: {  	s28 =	spop (v2sf)  }
0x76a: {  	s21 =	sadd.s32 $0x2, s22;
	p0 =	sgt.s32 s28, s20  }
0x76b: {  	s21 =	smov.u32 @p0 s22  }
0x76c: {  	s22 =	sshll.u32 s21, $0x4  }
0x76d: {  	s22 =	sand.u32 $0x3FFFFFF0, s22  }
0x76e: {  	v4 =	vld [tilespmem:s22+$0x19000];
	_ =	sdelay $0x4  }
0x76f: {  	(xrf0) =	vadd.scan.msk.s32 $0xffff, v4;
	_ =	sdelay $0x5  }
0x770: {  	v4, _, _ =	vpop (xrf0)  }
0x771: {  	(v2sf) =	vpush v4, $0xF;
	_ =	sdelay $0xe  }
0x772: {  	s17 =	sshll.u32 s17, $0x18;
	s29 =	spop (v2sf)  }
0x773: {  	s18 =	sshll.u32 s18, $0x10;
	p0 =	sle.s32 s29, s20;
	s20 =	simm.s32 $0x1  }
0x774: {  	s17 =	sor.u32 s17, s18;
	s30 =	sshll.u32 s19, $0x8;
	s20 =	simm.s32 @!p0 $0x0  }
0x775: {  	s18 =	sor.u32 s30, s17;
	s17 =	simm.s32 $0x40;
	s31 =	sadd.s32 s20, s21  }
0x776: {  	v8 =	vld [tilespmem:s17+$0x30];
	s18 =	sor.u32 s31, s18  }
0x777: {  	v11 =	vld [tilespmem:s17+$0xFFFFFFD0];
	v4 =	vmov s18  }
0x778: {  	v10 =	vld [tilespmem:s17+$0xFFFFFFE0];
	vm2 =	vgt.s32 v4, $0xFFFFFFFF  }
0x779: {  	v9 =	vld [tilespmem:s17+$0xFFFFFFF0];
	v4 =	vsel vm2, $0xFFFFFFFF, v3  }
0x77a: {  	v7 =	vld [tilespmem:s17+$0x0];
	v4 =	vxor.u32 s18, v4  }
0x77b: {  	v6 =	vld [tilespmem:s17+$0x10];
	vm2 =	vlt.f32 v8, v4  }
0x77c: {  	v5 =	vld [tilespmem:s17+$0x20];
	vm3 =	vlt.f32 v11, v4;
	v12 =	vsel vm2, $0x0, v8  }
0x77d: {  	s19 =	simm.s32 $0xC0;
	s18 =	simm.s32 $0x0;
	v8 =	vld [tilespmem:s17+$0xFFFFFFC0];
	v11 =	vsel vm3, $0x0, v11;
	vm2 =	vlt.f32 v10, v4;
	[tilespmem:s17+$0x30] =	vst v12  }
.LBB2_90:
0x77e: {  	v12 =	vld [tilespmem:s19+$0x30];
	s18 =	sadd.s32 $0x8, s18;
	[tilespmem:s17+$0xFFFFFFD0] =	vst v11;
	v10 =	vsel vm2, $0x0, v10;
	vm2 =	vlt.f32 v9, v4  }
0x77f: {  	v11 =	vld [tilespmem:s19+$0xFFFFFFD0];
	p0 =	slt.u32 s18, $0x7F8;
	[tilespmem:s17+$0xFFFFFFE0] =	vst v10;
	v9 =	vsel vm2, $0x0, v9;
	vm2 =	vlt.f32 v7, v4  }
0x780: {  	v10 =	vld [tilespmem:s19+$0xFFFFFFE0];
	[tilespmem:s17+$0xFFFFFFF0] =	vst v9;
	v7 =	vsel vm2, $0x0, v7;
	vm2 =	vlt.f32 v6, v4  }
.Ltmp45:
0x781: {  	v9 =	vld [tilespmem:s19+$0xFFFFFFF0];
	[tilespmem:s17+$0x0] =	vst v7;
	v6 =	vsel vm2, $0x0, v6;
	vm2 =	vlt.f32 v5, v4;
	(pc) =	sbr.rel @p0 .LBB2_90-.Ltmp45, $4  }
0x782: {  	v7 =	vld [tilespmem:s19+$0x0];
	vm3 =	vlt.f32 v8, v4;
	[tilespmem:s17+$0x10] =	vst v6;
	v5 =	vsel vm2, $0x0, v5  }
0x783: {  	v6 =	vld [tilespmem:s19+$0x10];
	vm2 =	vlt.f32 v12, v4;
	v8 =	vsel vm3, $0x0, v8;
	[tilespmem:s17+$0x20] =	vst v5  }
0x784: {  	vm3 =	vlt.f32 v11, v4;
	v5 =	vld [tilespmem:s19+$0x20];
	v12 =	vsel vm2, $0x0, v12;
	[tilespmem:s17+$0xFFFFFFC0] =	vst v8;
	s17 =	smov.u32 s19  }
0x785: {  	s19 =	sadd.s32 $0x80, s19;
	v8 =	vld [tilespmem:s17+$0xFFFFFFC0];
	v11 =	vsel vm3, $0x0, v11;
	vm2 =	vlt.f32 v10, v4;
	[tilespmem:s17+$0x30] =	vst v12  }
0x786: {  	[tilespmem:s17+$0xFFFFFFD0] =	vst v11;
	v10 =	vsel vm2, $0x0, v10;
	vm2 =	vlt.f32 v9, v4  }
0x787: {  	[tilespmem:s17+$0xFFFFFFE0] =	vst v10;
	v9 =	vsel vm2, $0x0, v9;
	vm2 =	vlt.f32 v7, v4  }
0x788: {  	[tilespmem:s17+$0xFFFFFFF0] =	vst v9;
	v7 =	vsel vm2, $0x0, v7;
	vm2 =	vlt.f32 v6, v4  }
0x789: {  	[tilespmem:s17+$0x0] =	vst v7;
	v6 =	vsel vm2, $0x0, v6;
	vm2 =	vlt.f32 v5, v4  }
0x78a: {  	vm3 =	vlt.f32 v8, v4;
	[tilespmem:s17+$0x10] =	vst v6;
	v4 =	vsel vm2, $0x0, v5  }
0x78b: {  	s16 =	sadd.s32 $0x1, s16;
	v5 =	vsel vm3, $0x0, v8;
	[tilespmem:s17+$0x20] =	vst v4  }
0x78c: {  	p0 =	sne.s32 s16, s8;
	[tilespmem:s17+$0xFFFFFFC0] =	vst v5  }
0x78d: {  	[hbm4b:s7+s11] =	stream.strided.scatter [tilespmem:s2], [sflag:$0x1], $0x8000, s12, s11, $0x38;
	[tilespmem:$0x1A080] =	vst v63  }
.Ltmp46:
0x78e: {  	_ = 	snop;
	(pc) =	sbr.rel @p0 .LBB2_1-.Ltmp46, $4  }
.Ltmp47:
0x78f: {  	_ = 	snop;
	(pc) =	sbr.rel @!p0 .LBB2_92-.Ltmp47, $4  }
0x790: {  	_ =	swait.ge [sflag:s10], $0x8000  }
0x791: {  	[sflag:s10] =	ssyncset.done $0x0  }
0x792: {  	[sflag:s10] =	ssyncadd.s32 $0xFFFF8000  }
0x793: {  	_ = 	snop  }
.LBB2_27:
.Ltmp48:
0x794: {  	(pc) =	sbr.rel .LBB2_34-.Ltmp48, $2  }
0x795: {  	_ =	sdelay $0x2  }
0x796: {  	v10 =	vmov v5;
	v11 =	vmov v8;
	v15 =	vimm.s32 $0xFFFFFFFF  }
.LBB2_25:
.Ltmp49:
0x797: {  	(pc) =	sbr.rel .LBB2_41-.Ltmp49, $2  }
0x798: {  	_ =	sdelay $0x2  }
0x799: {  	_ = 	snop  }
.LBB2_72:
.Ltmp50:
0x79a: {  	(pc) =	sbr.rel .LBB2_79-.Ltmp50, $2  }
0x79b: {  	_ =	sdelay $0x2  }
0x79c: {  	v10 =	vmov v5;
	v11 =	vmov v8;
	v15 =	vimm.s32 $0xFFFFFFFF  }
.LBB2_70:
.Ltmp51:
0x79d: {  	(pc) =	sbr.rel .LBB2_86-.Ltmp51, $2  }
0x79e: {  	_ =	sdelay $0x2  }
0x79f: {  	_ = 	snop  }
.LBB2_29:
.Ltmp52:
0x7a0: {  	(pc) =	sbr.rel .LBB2_34-.Ltmp52, $2  }
0x7a1: {  	_ =	sdelay $0x2  }
0x7a2: {  	v10 =	vmovc v17;
	v11 =	vmov v16;
	v15 =	vimm.s32 $0xFFFFFFFF;
	v26 =	vimm.s32 $0xFFFFFFFF  }
.LBB2_36:
.Ltmp53:
0x7a3: {  	(pc) =	sbr.rel .LBB2_41-.Ltmp53, $2  }
0x7a4: {  	_ =	sdelay $0x2  }
0x7a5: {  	v6 =	vmov v13  }
.LBB2_74:
.Ltmp54:
0x7a6: {  	(pc) =	sbr.rel .LBB2_79-.Ltmp54, $2  }
0x7a7: {  	_ =	sdelay $0x2  }
0x7a8: {  	v10 =	vmovc v17;
	v11 =	vmov v16;
	v15 =	vimm.s32 $0xFFFFFFFF;
	v26 =	vimm.s32 $0xFFFFFFFF  }
.LBB2_81:
.Ltmp55:
0x7a9: {  	(pc) =	sbr.rel .LBB2_86-.Ltmp55, $2  }
0x7aa: {  	_ =	sdelay $0x2  }
0x7ab: {  	v6 =	vmov v13  }
.LBB2_31:
.Ltmp56:
0x7ac: {  	(pc) =	sbr.rel .LBB2_34-.Ltmp56, $3  }
0x7ad: {  	_ =	sdelay $0x1  }
0x7ae: {  	v27 =	vmov v5;
	v28 =	vmov v8  }
0x7af: {  	v5 =	vmovc v17;
	v8 =	vmovc v16;
	v25 =	vmov v20;
	v24 =	vmov v22;
	v26 =	vmov v15  }
.LBB2_38:
.Ltmp57:
0x7b0: {  	(pc) =	sbr.rel .LBB2_41-.Ltmp57, $2  }
0x7b1: {  	_ =	sdelay $0x2  }
0x7b2: {  	vm3 =	vmmov vm4;
	v10 =	vmov v11  }
.LBB2_76:
.Ltmp58:
0x7b3: {  	(pc) =	sbr.rel .LBB2_79-.Ltmp58, $3  }
0x7b4: {  	_ =	sdelay $0x1  }
0x7b5: {  	v27 =	vmov v5;
	v28 =	vmov v8  }
0x7b6: {  	v5 =	vmovc v17;
	v8 =	vmovc v16;
	v25 =	vmov v20;
	v24 =	vmov v22;
	v26 =	vmov v15  }
.LBB2_83:
.Ltmp59:
0x7b7: {  	(pc) =	sbr.rel .LBB2_86-.Ltmp59, $2  }
0x7b8: {  	_ =	sdelay $0x2  }
0x7b9: {  	vm3 =	vmmov vm4;
	v10 =	vmov v11  }
.LBB2_92:
0x7ba: {  	_ =	sfence.sel $0x180000  }
0x7bb: {  	[bflag:$0x0] =	sbarrier.arrive $0xFFFF  }
0x7bc: {  	p0 =	sne.s32 s1, $0x0;
	_ =	strace $0x90000047  }
0x7bd: {  	s0 =	sadd.s32 @!p0 $0x100000, s0;
	[bflag:$0x2] =	sbarrier.arrive $0xFFFF  }
0x7be: {  	[sflag:s0] =	ssyncadd.tile.s32 @!p0 $0x1;
	_ =	shalt  }
.Lfunc_end2:
_tile_overlayer_lowered:
.L_overlay_start_2:
0x7bf: {  	(tag) =	ssettag $0x2  }
0x7c0: {  	s0 =	rddreg [dreg:$0x0];
	s2 =	stileid.u32  }
0x7c1: {  	s1 =	rddreg [dreg:$0x1];
	p0 =	sne.s32 s2, $0x0  }
0x7c2: {  	s3 =	rddreg [dreg:$0x2];
	[bflag:$0x3] =	sbarrier.arrive $0xFFFF;
	s2 =	simm.s32 @!p0 $0x1C01  }
0x7c3: {  	[timem:s3], [sflag:s2] =	dma.local @!p0 [hbm:s0], s1  }
0x7c4: {  	s0 =	simm.s32 @!p0 $0x1  }
0x7c5: {  	_ =	swait.ge @!p0 [sflag:s0], s1  }
0x7c6: {  	s1 =	ssub.s32 @!p0 $0x0, s1;
	[sflag:s0] =	ssyncset.done @!p0 $0x0  }
0x7c7: {  	[sflag:s0] =	ssyncadd.s32 @!p0 s1  }
0x7c8: {  	[bflag:$0x3] =	sbarrier.arrive $0xFFFF  }
0x7c9: {  	_ =	shalt  }

</sc_bundles>
